<compile_context>
chip_gen: v7x
topology: tpu7x:2x2x1
jax: 0.10.2.dev20260603
libtpu: 0.0.44.dev20260713+nightly
codegen_flags: <defaults>
</compile_context>

<pallas_src>
import jax
import jax.numpy as jnp
from jax import lax
from jax.experimental import pallas as pl
from jax.experimental.pallas import tpu as pltpu
from jax.experimental.pallas import tpu_sc as plsc

N = 20000
NPAD = 160 * 128
ROWS = 160
LANES = 128
PRE_NMS_TOPK = 1000
MAX_DET = 300
IOU_THRESH = 0.5
SCORE_THRESH = 0.05

NSUB = 16
SLICE = NPAD // NSUB
VPT = SLICE // 16
CAP = 1024
OUTN = CAP + SLICE
CROWS = CAP // LANES


def _thresh_kernel(s_ref, t_ref):
    s = s_ref[...]
    sb = lax.bitcast_convert_type(s, jnp.int32)

    def bs_step(_, carry):
        lo, hi = carry
        mid = lo + ((hi - lo) >> 1)
        cnt = jnp.sum((sb >= mid).astype(jnp.int32))
        ge = cnt >= PRE_NMS_TOPK
        lo = jnp.where(ge, mid, lo)
        hi = jnp.where(ge, hi, mid)
        return lo, hi

    lo, _ = lax.fori_loop(0, 31, bs_step, (jnp.int32(0), jnp.int32(0x7F800000)))
    t_ref[...] = jnp.full((8, LANES), lo, jnp.int32)


def _sc_compact(s_hbm, x1_hbm, y1_hbm, x2_hbm, y2_hbm, t_hbm,
                s_out, x1_out, y1_out, x2_out, y2_out,
                sv, x1v, y1v, x2v, y2v,
                tv, rankv, idxv, cloc, cnt_all, zv,
                s_sh, x1_sh, y1_sh, x2_sh, y2_sh, cnt_sh, sem):
    wid = lax.axis_index("s")
    base = wid * SLICE
    pltpu.sync_copy(s_hbm.at[pl.ds(base, SLICE)], sv)
    pltpu.sync_copy(x1_hbm.at[pl.ds(base, SLICE)], x1v)
    pltpu.sync_copy(y1_hbm.at[pl.ds(base, SLICE)], y1v)
    pltpu.sync_copy(x2_hbm.at[pl.ds(base, SLICE)], x2v)
    pltpu.sync_copy(y2_hbm.at[pl.ds(base, SLICE)], y2v)
    pltpu.sync_copy(t_hbm, tv)
    t = tv[...]
    thr = jnp.full((16,), SCORE_THRESH, jnp.float32)
    lane16 = lax.iota(jnp.int32, 16)
    ones = jnp.ones((16,), jnp.int32)
    zeros = jnp.zeros((16,), jnp.int32)

    @pl.when(wid < 5)
    def _zero_fill():
        def zstep(i, _):
            zv[pl.ds(i * 16, 16)] = jnp.zeros((16,), jnp.float32)
            return 0

        lax.fori_loop(0, CAP // 16, zstep, 0)

    for k, sh in enumerate((s_sh, x1_sh, y1_sh, x2_sh, y2_sh)):
        @pl.when(wid == k)
        def _zcp(sh=sh):
            pltpu.sync_copy(zv, sh.at[pl.ds(0, CAP)])

    BIG = jnp.int32(1 << 20)
    bigv = jnp.full((16,), BIG, jnp.int32)

    def comp_step(i, cnt):
        sl = pl.ds(i * 16, 16)
        s16 = sv[sl]
        m = (s16 >= t) & (s16 > thr)
        mi = jnp.where(m, ones, zeros)
        rankv[sl] = jnp.where(m, cnt, bigv)
        return cnt + mi

    cnt = lax.fori_loop(0, VPT, comp_step, zeros)

    n_local = jnp.int32(0)
    pvec = zeros
    for j in range(16):
        ej = cnt[j]
        n_local = n_local + ej
        pvec = pvec + jnp.where(lane16 > j, jnp.broadcast_to(ej, (16,)), zeros)

    cloc[...] = jnp.broadcast_to(n_local, (16,))
    for k in range(NSUB):
        @pl.when(wid == k)
        def _wcnt(k=k):
            pltpu.sync_copy(cloc, cnt_sh.at[pl.ds(k * 16, 16)])
    plsc.subcore_barrier()
    pltpu.sync_copy(cnt_sh, cnt_all)
    widv = jnp.broadcast_to(wid, (16,))
    gv = zeros
    for j in range(NSUB):
        cj = cnt_all[pl.ds(j * 16, 16)]
        gv = gv + cj * jnp.where(widv > j, ones, zeros)
    gp = gv + pvec

    for i in range(VPT):
        sl = pl.ds(i * 16, 16)
        r16 = rankv[sl]
        dump = jnp.full((16,), CAP + i * 16, jnp.int32) + lane16
        dst = jnp.where(r16 < bigv, gp + r16, dump)
        idxv[i // 8, pl.ds((i % 8) * 16, 16)] = dst

    copies = []
    for src, dst in ((sv, s_sh), (x1v, x1_sh), (y1v, y1_sh),
                     (x2v, x2_sh), (y2v, y2_sh)):
        for c in range(SLICE // 128):
            copies.append(
                pltpu.async_copy(src.at[pl.ds(c * 128, 128)],
                                 dst.at[idxv.at[c]], sem))
    for cp in copies:
        cp.wait()

    plsc.subcore_barrier()

    for k, (sh, out) in enumerate(((s_sh, s_out), (x1_sh, x1_out),
                                   (y1_sh, y1_out), (x2_sh, x2_out),
                                   (y2_sh, y2_out))):
        @pl.when(wid == k)
        def _flush(sh=sh, out=out):
            pltpu.sync_copy(sh.at[pl.ds(0, CAP)], out.at[pl.ds(0, CAP)])


def _nms_kernel(x1_ref, y1_ref, x2_ref, y2_ref, s_ref,
                x1s_ref, y1s_ref, x2s_ref, y2s_ref, ss_ref, out_ref):
    x1 = x1_ref[...]
    y1 = y1_ref[...]
    x2 = x2_ref[...]
    y2 = y2_ref[...]
    s = s_ref[...]
    sm0 = jnp.where(s > SCORE_THRESH, s, -1.0)

    areas = (x2 - x1) * (y2 - y1)
    ii = lax.broadcasted_iota(jnp.int32, (CROWS, LANES), 0)
    jj = lax.broadcasted_iota(jnp.int32, (CROWS, LANES), 1)
    keyf = (ii * LANES + jj).astype(jnp.float32)
    BIGF = jnp.float32(CAP - 1)
    lane8 = lax.broadcasted_iota(jnp.int32, (1, 8), 1)

    def nms_step(k, sm):
        m_b = jnp.max(jnp.max(sm, axis=1, keepdims=True), axis=0,
                      keepdims=True)
        eqv = (sm == m_b) & (m_b > 0.0)
        keym = jnp.where(eqv, keyf, BIGF)
        kmin = jnp.min(jnp.min(keym, axis=1, keepdims=True), axis=0,
                       keepdims=True)
        p = kmin[0, 0].astype(jnp.int32)
        bx1 = x1s_ref[p]
        by1 = y1s_ref[p]
        bx2 = x2s_ref[p]
        by2 = y2s_ref[p]
        bsc = ss_ref[p]

        xx1 = jnp.maximum(bx1, x1)
        yy1 = jnp.maximum(by1, y1)
        xx2 = jnp.minimum(bx2, x2)
        yy2 = jnp.minimum(by2, y2)
        inter = jnp.maximum(xx2 - xx1, 0.0) * jnp.maximum(yy2 - yy1, 0.0)
        barea = (bx2 - bx1) * (by2 - by1)
        denom = barea + areas - inter + 1e-9
        sm = jnp.where(2.0 * inter < denom, sm, -1.0)

        row = jnp.where(lane8 == 0, bx1, 0.0)
        row = jnp.where(lane8 == 1, by1, row)
        row = jnp.where(lane8 == 2, bx2, row)
        row = jnp.where(lane8 == 3, by2, row)
        row = jnp.where(lane8 == 4, bsc, row)
        out_ref[pl.ds(k, 1), :] = row
        return sm

    lax.fori_loop(0, MAX_DET, nms_step, sm0)


def _tile_transpose(a):
    return a.reshape(NSUB, 16, VPT).transpose(0, 2, 1).reshape(NPAD)


def kernel(boxes, scores):
    pad = NPAD - N
    s_flat = jnp.concatenate([scores, jnp.full((pad,), -1.0, jnp.float32)])
    b = jnp.concatenate([boxes, jnp.zeros((pad, 4), jnp.float32)], axis=0)

    tq = pl.pallas_call(
        _thresh_kernel,
        out_shape=jax.ShapeDtypeStruct((8, LANES), jnp.int32),
    )(s_flat.reshape(ROWS, LANES))
    t16 = jnp.broadcast_to(lax.bitcast_convert_type(tq[0, 0], jnp.float32), (16,))

    mesh = plsc.VectorSubcoreMesh(
        core_axis_name="c", subcore_axis_name="s", num_cores=1)
    f32 = jnp.float32
    sc_outs = pl.kernel(
        _sc_compact,
        out_type=[jax.ShapeDtypeStruct((OUTN,), f32)] * 5,
        mesh=mesh,
        scratch_types=[pltpu.VMEM((SLICE,), f32)] * 5 + [
            pltpu.VMEM((16,), jnp.float32),
            pltpu.VMEM((SLICE,), jnp.int32),
            pltpu.VMEM((SLICE // 128, 128), jnp.int32),
            pltpu.VMEM((16,), jnp.int32),
            pltpu.VMEM((NSUB * 16,), jnp.int32),
            pltpu.VMEM((CAP,), f32),
        ] + [pltpu.VMEM_SHARED((OUTN,), f32)] * 5 + [
            pltpu.VMEM_SHARED((NSUB * 16,), jnp.int32),
            pltpu.SemaphoreType.DMA,
        ],
    )(_tile_transpose(s_flat), _tile_transpose(b[:, 0]),
      _tile_transpose(b[:, 1]), _tile_transpose(b[:, 2]),
      _tile_transpose(b[:, 3]), t16)
    s_c, x1_c, y1_c, x2_c, y2_c = [a[:CAP].reshape(CROWS, LANES)
                                   for a in sc_outs]

    vmem = pl.BlockSpec(memory_space=pltpu.MemorySpace.VMEM)
    smem = pl.BlockSpec(memory_space=pltpu.MemorySpace.SMEM)
    out = pl.pallas_call(
        _nms_kernel,
        out_shape=jax.ShapeDtypeStruct((304, 8), jnp.float32),
        in_specs=[vmem] * 5 + [smem] * 5,
    )(x1_c, y1_c, x2_c, y2_c, s_c,
      sc_outs[1][:CAP], sc_outs[2][:CAP], sc_outs[3][:CAP], sc_outs[4][:CAP],
      sc_outs[0][:CAP])
    return out[:MAX_DET, :5]

# --- scband reference (transcript-rebuilt; emitter-appended) ---
"""Pipeline reference for scband-retina-net-detector-12240656794133 (READ-ONLY COPY).

The authoritative reference and input builder live on the scoring server;
editing this copy changes nothing except your own understanding.
"""

import jax, jax.numpy as jnp
import numpy as np

N = 20000
PRE_NMS_TOPK = 1000
MAX_DET = 300
IOU_THRESH = 0.5
SCORE_THRESH = 0.05


def setup_inputs(seed: int = 0) -> dict:
    key = jax.random.key(seed)
    k1, k2 = jax.random.split(key)
    raw = jax.random.uniform(k1, (N, 4), dtype=jnp.float32)
    # build valid xyxy boxes inside a 512x512 image from the raw uniform fill
    cx = raw[:, 0] * 512.0
    cy = raw[:, 1] * 512.0
    w = raw[:, 2] * 64.0 + 1.0
    h = raw[:, 3] * 64.0 + 1.0
    boxes = jnp.stack([cx - w / 2, cy - h / 2, cx + w / 2, cy + h / 2], axis=1)
    scores = jax.random.uniform(k2, (N,), dtype=jnp.float32)
    return {"boxes": boxes, "scores": scores}


def reference(boxes, scores):
    # RetinaNet-style postprocess: score threshold -> pre-NMS top-k -> greedy NMS -> top detections
    top_scores, top_idx = jax.lax.top_k(scores, PRE_NMS_TOPK)
    top_boxes = jnp.take(boxes, top_idx, axis=0)
    valid0 = top_scores > SCORE_THRESH
    areas = (top_boxes[:, 2] - top_boxes[:, 0]) * (top_boxes[:, 3] - top_boxes[:, 1])

    def step(valid, _):
        any_valid = jnp.any(valid)
        idx = jnp.argmax(jnp.where(valid, top_scores, -jnp.inf))
        box = top_boxes[idx]
        xx1 = jnp.maximum(box[0], top_boxes[:, 0])
        yy1 = jnp.maximum(box[1], top_boxes[:, 1])
        xx2 = jnp.minimum(box[2], top_boxes[:, 2])
        yy2 = jnp.minimum(box[3], top_boxes[:, 3])
        inter = jnp.clip(xx2 - xx1, 0.0) * jnp.clip(yy2 - yy1, 0.0)
        iou = inter / (areas[idx] + areas - inter + 1e-9)
        suppress = iou >= IOU_THRESH
        new_valid = valid & (~suppress)
        row = jnp.concatenate([box, top_scores[idx][None]])
        row = jnp.where(any_valid, row, jnp.zeros((5,), dtype=row.dtype))
        return new_valid, row

    _, rows = jax.lax.scan(step, valid0, jnp.arange(MAX_DET))
    return rows  # [MAX_DET, 5] = (x1, y1, x2, y2, score), zero-padded

if __name__ == "__main__":
    import jax
    _d = setup_inputs()
    print(jax.jit(kernel)(*tuple(_d.values())))

</pallas_src>

<mosaic_0001>
#map = affine_map<(d0, d1) -> (0)>
module attributes {stable_mosaic.version = 14 : i64} {
  func.func @_sc_compact(%arg0: i32, %arg1: i32, %arg2: memref<20480xf32, #tpu.memory_space<hbm>>, %arg3: memref<20480xf32, #tpu.memory_space<hbm>>, %arg4: memref<20480xf32, #tpu.memory_space<hbm>>, %arg5: memref<20480xf32, #tpu.memory_space<hbm>>, %arg6: memref<20480xf32, #tpu.memory_space<hbm>>, %arg7: memref<16xf32, #tpu.memory_space<hbm>>, %arg8: memref<2304xf32, #tpu.memory_space<hbm>>, %arg9: memref<2304xf32, #tpu.memory_space<hbm>>, %arg10: memref<2304xf32, #tpu.memory_space<hbm>>, %arg11: memref<2304xf32, #tpu.memory_space<hbm>>, %arg12: memref<2304xf32, #tpu.memory_space<hbm>>, %arg13: memref<1280xf32, #tpu.memory_space<vmem>>, %arg14: memref<1280xf32, #tpu.memory_space<vmem>>, %arg15: memref<1280xf32, #tpu.memory_space<vmem>>, %arg16: memref<1280xf32, #tpu.memory_space<vmem>>, %arg17: memref<1280xf32, #tpu.memory_space<vmem>>, %arg18: memref<16xf32, #tpu.memory_space<vmem>>, %arg19: memref<1280xi32, #tpu.memory_space<vmem>>, %arg20: memref<10x128xi32, #tpu.memory_space<vmem>>, %arg21: memref<16xi32, #tpu.memory_space<vmem>>, %arg22: memref<256xi32, #tpu.memory_space<vmem>>, %arg23: memref<1024xf32, #tpu.memory_space<vmem>>, %arg24: memref<2304xf32, #tpu.memory_space<vmem_shared>>, %arg25: memref<2304xf32, #tpu.memory_space<vmem_shared>>, %arg26: memref<2304xf32, #tpu.memory_space<vmem_shared>>, %arg27: memref<2304xf32, #tpu.memory_space<vmem_shared>>, %arg28: memref<2304xf32, #tpu.memory_space<vmem_shared>>, %arg29: memref<256xi32, #tpu.memory_space<vmem_shared>>, %arg30: memref<!tpu.dma_semaphore, #tpu.memory_space<semaphore_mem>>) attributes {dimension_semantics = [#tpu.dimension_semantics<core_parallel>, #tpu.dimension_semantics<subcore_parallel>], iteration_bounds = array<i64: 1, 16>, scalar_prefetch = 0 : i64, scratch_operands = 18 : i64, tpu.core_type = #tpu.core_type<sc_vector_subcore>, window_params = [{transform_indices = #map}, {transform_indices = #map}, {transform_indices = #map}, {transform_indices = #map}, {transform_indices = #map}, {transform_indices = #map}, {transform_indices = #map}, {transform_indices = #map}, {transform_indices = #map}, {transform_indices = #map}, {transform_indices = #map}]} {
    %mul3A = arith.constant 1280 : i32
    %mul3A_0 = arith.muli %arg1, %mul3A : i32
    "tpu.region"() ({
      %run_scoped3A = tpu.sem_alloc : memref<!tpu.dma_semaphore, #tpu.memory_space<semaphore_mem>>
      %dma_start3A_2435 = tpu.memref_slice %arg2[%mul3A_0] : memref<20480xf32, #tpu.memory_space<hbm>> -> memref<1280xf32, #tpu.memory_space<hbm>>
      %dma_start3A_2436 = tpu.memref_slice %arg2[%mul3A_0] : memref<20480xf32, #tpu.memory_space<hbm>> -> memref<1280xf32, #tpu.memory_space<hbm>>
      tpu.enqueue_dma source(%dma_start3A_2436 : memref<1280xf32, #tpu.memory_space<hbm>>) target(%arg13 : memref<1280xf32, #tpu.memory_space<vmem>>) target_semaphore(%run_scoped3A : memref<!tpu.dma_semaphore, #tpu.memory_space<semaphore_mem>>)
      %dma_wait3A_2437 = tpu.memref_slice %arg2[%mul3A_0] : memref<20480xf32, #tpu.memory_space<hbm>> -> memref<1280xf32, #tpu.memory_space<hbm>>
      %dma_wait3A_2438 = tpu.memref_slice %arg2[%mul3A_0] : memref<20480xf32, #tpu.memory_space<hbm>> -> memref<1280xf32, #tpu.memory_space<hbm>>
      tpu.wait_dma2 semaphore(%run_scoped3A : memref<!tpu.dma_semaphore, #tpu.memory_space<semaphore_mem>>) src(%dma_wait3A_2438 : memref<1280xf32, #tpu.memory_space<hbm>>) dst(%arg13 : memref<1280xf32, #tpu.memory_space<vmem>>)
      tpu.yield
    }) : () -> ()
    "tpu.region"() ({
      %run_scoped3A = tpu.sem_alloc : memref<!tpu.dma_semaphore, #tpu.memory_space<semaphore_mem>>
      %dma_start3A_2435 = tpu.memref_slice %arg3[%mul3A_0] : memref<20480xf32, #tpu.memory_space<hbm>> -> memref<1280xf32, #tpu.memory_space<hbm>>
      %dma_start3A_2436 = tpu.memref_slice %arg3[%mul3A_0] : memref<20480xf32, #tpu.memory_space<hbm>> -> memref<1280xf32, #tpu.memory_space<hbm>>
      tpu.enqueue_dma source(%dma_start3A_2436 : memref<1280xf32, #tpu.memory_space<hbm>>) target(%arg14 : memref<1280xf32, #tpu.memory_space<vmem>>) target_semaphore(%run_scoped3A : memref<!tpu.dma_semaphore, #tpu.memory_space<semaphore_mem>>)
      %dma_wait3A_2437 = tpu.memref_slice %arg3[%mul3A_0] : memref<20480xf32, #tpu.memory_space<hbm>> -> memref<1280xf32, #tpu.memory_space<hbm>>
      %dma_wait3A_2438 = tpu.memref_slice %arg3[%mul3A_0] : memref<20480xf32, #tpu.memory_space<hbm>> -> memref<1280xf32, #tpu.memory_space<hbm>>
      tpu.wait_dma2 semaphore(%run_scoped3A : memref<!tpu.dma_semaphore, #tpu.memory_space<semaphore_mem>>) src(%dma_wait3A_2438 : memref<1280xf32, #tpu.memory_space<hbm>>) dst(%arg14 : memref<1280xf32, #tpu.memory_space<vmem>>)
      tpu.yield
    }) : () -> ()
    "tpu.region"() ({
      %run_scoped3A = tpu.sem_alloc : memref<!tpu.dma_semaphore, #tpu.memory_space<semaphore_mem>>
      %dma_start3A_2435 = tpu.memref_slice %arg4[%mul3A_0] : memref<20480xf32, #tpu.memory_space<hbm>> -> memref<1280xf32, #tpu.memory_space<hbm>>
      %dma_start3A_2436 = tpu.memref_slice %arg4[%mul3A_0] : memref<20480xf32, #tpu.memory_space<hbm>> -> memref<1280xf32, #tpu.memory_space<hbm>>
      tpu.enqueue_dma source(%dma_start3A_2436 : memref<1280xf32, #tpu.memory_space<hbm>>) target(%arg15 : memref<1280xf32, #tpu.memory_space<vmem>>) target_semaphore(%run_scoped3A : memref<!tpu.dma_semaphore, #tpu.memory_space<semaphore_mem>>)
      %dma_wait3A_2437 = tpu.memref_slice %arg4[%mul3A_0] : memref<20480xf32, #tpu.memory_space<hbm>> -> memref<1280xf32, #tpu.memory_space<hbm>>
      %dma_wait3A_2438 = tpu.memref_slice %arg4[%mul3A_0] : memref<20480xf32, #tpu.memory_space<hbm>> -> memref<1280xf32, #tpu.memory_space<hbm>>
      tpu.wait_dma2 semaphore(%run_scoped3A : memref<!tpu.dma_semaphore, #tpu.memory_space<semaphore_mem>>) src(%dma_wait3A_2438 : memref<1280xf32, #tpu.memory_space<hbm>>) dst(%arg15 : memref<1280xf32, #tpu.memory_space<vmem>>)
      tpu.yield
    }) : () -> ()
    "tpu.region"() ({
      %run_scoped3A = tpu.sem_alloc : memref<!tpu.dma_semaphore, #tpu.memory_space<semaphore_mem>>
      %dma_start3A_2435 = tpu.memref_slice %arg5[%mul3A_0] : memref<20480xf32, #tpu.memory_space<hbm>> -> memref<1280xf32, #tpu.memory_space<hbm>>
      %dma_start3A_2436 = tpu.memref_slice %arg5[%mul3A_0] : memref<20480xf32, #tpu.memory_space<hbm>> -> memref<1280xf32, #tpu.memory_space<hbm>>
      tpu.enqueue_dma source(%dma_start3A_2436 : memref<1280xf32, #tpu.memory_space<hbm>>) target(%arg16 : memref<1280xf32, #tpu.memory_space<vmem>>) target_semaphore(%run_scoped3A : memref<!tpu.dma_semaphore, #tpu.memory_space<semaphore_mem>>)
      %dma_wait3A_2437 = tpu.memref_slice %arg5[%mul3A_0] : memref<20480xf32, #tpu.memory_space<hbm>> -> memref<1280xf32, #tpu.memory_space<hbm>>
      %dma_wait3A_2438 = tpu.memref_slice %arg5[%mul3A_0] : memref<20480xf32, #tpu.memory_space<hbm>> -> memref<1280xf32, #tpu.memory_space<hbm>>
      tpu.wait_dma2 semaphore(%run_scoped3A : memref<!tpu.dma_semaphore, #tpu.memory_space<semaphore_mem>>) src(%dma_wait3A_2438 : memref<1280xf32, #tpu.memory_space<hbm>>) dst(%arg16 : memref<1280xf32, #tpu.memory_space<vmem>>)
      tpu.yield
    }) : () -> ()
    "tpu.region"() ({
      %run_scoped3A = tpu.sem_alloc : memref<!tpu.dma_semaphore, #tpu.memory_space<semaphore_mem>>
      %dma_start3A_2435 = tpu.memref_slice %arg6[%mul3A_0] : memref<20480xf32, #tpu.memory_space<hbm>> -> memref<1280xf32, #tpu.memory_space<hbm>>
      %dma_start3A_2436 = tpu.memref_slice %arg6[%mul3A_0] : memref<20480xf32, #tpu.memory_space<hbm>> -> memref<1280xf32, #tpu.memory_space<hbm>>
      tpu.enqueue_dma source(%dma_start3A_2436 : memref<1280xf32, #tpu.memory_space<hbm>>) target(%arg17 : memref<1280xf32, #tpu.memory_space<vmem>>) target_semaphore(%run_scoped3A : memref<!tpu.dma_semaphore, #tpu.memory_space<semaphore_mem>>)
      %dma_wait3A_2437 = tpu.memref_slice %arg6[%mul3A_0] : memref<20480xf32, #tpu.memory_space<hbm>> -> memref<1280xf32, #tpu.memory_space<hbm>>
      %dma_wait3A_2438 = tpu.memref_slice %arg6[%mul3A_0] : memref<20480xf32, #tpu.memory_space<hbm>> -> memref<1280xf32, #tpu.memory_space<hbm>>
      tpu.wait_dma2 semaphore(%run_scoped3A : memref<!tpu.dma_semaphore, #tpu.memory_space<semaphore_mem>>) src(%dma_wait3A_2438 : memref<1280xf32, #tpu.memory_space<hbm>>) dst(%arg17 : memref<1280xf32, #tpu.memory_space<vmem>>)
      tpu.yield
    }) : () -> ()
    "tpu.region"() ({
      %run_scoped3A = tpu.sem_alloc : memref<!tpu.dma_semaphore, #tpu.memory_space<semaphore_mem>>
      tpu.enqueue_dma source(%arg7 : memref<16xf32, #tpu.memory_space<hbm>>) target(%arg18 : memref<16xf32, #tpu.memory_space<vmem>>) target_semaphore(%run_scoped3A : memref<!tpu.dma_semaphore, #tpu.memory_space<semaphore_mem>>)
      tpu.wait_dma2 semaphore(%run_scoped3A : memref<!tpu.dma_semaphore, #tpu.memory_space<semaphore_mem>>) src(%arg7 : memref<16xf32, #tpu.memory_space<hbm>>) dst(%arg18 : memref<16xf32, #tpu.memory_space<vmem>>)
      tpu.yield
    }) : () -> ()
    %get3A = arith.constant 0 : index
    %get3A_1 = tpu.vector_load %arg18[%get3A] {strides = array<i32>} : memref<16xf32, #tpu.memory_space<vmem>>, vector<16xf32>,
    %get3A_2 = vector.shape_cast %get3A_1 : vector<16xf32> to vector<16xf32>
    %broadcast_in_dim3A = arith.constant 5.000000e-02 : f32
    %broadcast_in_dim3A_3 = vector.broadcast %broadcast_in_dim3A : f32 to vector<16xf32>
    %iota3A = tpu.iota {dimensions = array<i32: 0>} : vector<16xi32>
    %broadcast_in_dim3A_4 = arith.constant 1 : i32
    %broadcast_in_dim3A_5 = vector.broadcast %broadcast_in_dim3A_4 : i32 to vector<16xi32>
    %broadcast_in_dim3A_6 = arith.constant 0 : i32
    %broadcast_in_dim3A_7 = vector.broadcast %broadcast_in_dim3A_6 : i32 to vector<16xi32>
    %lt3A = arith.constant 5 : i32
    %lt3A_8 = arith.cmpi slt, %arg1, %lt3A : i32
    %convert_element_type3A = arith.extui %lt3A_8 : i1 to i32
    %cond3A = arith.constant 0 : i32
    %cond3A_9 = arith.cmpi ne, %convert_element_type3A, %cond3A : i32
    scf.if %cond3A_9 {
      %scan3A_2435 = arith.constant 0 : i32
      %scan3A_2436 = arith.constant 0 : i32
      %scan3A_2437 = arith.constant 64 : i32
      %scan3A_2438 = arith.addi %scan3A_2436, %scan3A_2437 : i32
      %scan3A_2439 = arith.constant 1 : i32
      %scan3A_2440 = scf.for %scan3A_2442 = %scan3A_2436 to %scan3A_2438 step %scan3A_2439 iter_args(%scan3A_2443 = %scan3A_2435) -> (i32)  : i32 {
        %broadcast_in_dim3A_2444 = arith.constant 0.000000e+00 : f32
        %broadcast_in_dim3A_2445 = vector.broadcast %broadcast_in_dim3A_2444 : f32 to vector<16xf32>
        %mul3A_2446 = arith.constant 16 : i32
        %mul3A_2447 = arith.muli %scan3A_2442, %mul3A_2446 : i32
        %swap3A_2448 = arith.index_cast %mul3A_2447 : i32 to index
        %swap3A_2449 = tpu.vector_load %arg23[%swap3A_2448] {strides = array<i32>} : memref<1024xf32, #tpu.memory_space<vmem>>, vector<16xf32>,
        %swap3A_2450 = vector.shape_cast %swap3A_2449 : vector<16xf32> to vector<16xf32>
        %swap3A_2451 = vector.shape_cast %broadcast_in_dim3A_2445 : vector<16xf32> to vector<16xf32>
        tpu.vector_store %arg23[%swap3A_2448], %swap3A_2451 {strides = array<i32>} : memref<1024xf32, #tpu.memory_space<vmem>>, vector<16xf32>,
        %scan3A_2452 = arith.constant 0 : i32
        scf.yield %scan3A_2452 : i32
      }
      %scan3A_2441 = arith.constant 64 : i32
    } else {
    }
    %eq3A = arith.constant 0 : i32
    %eq3A_10 = arith.cmpi eq, %arg1, %eq3A : i32
    %convert_element_type3A_11 = arith.extui %eq3A_10 : i1 to i32
    %cond3A_12 = arith.constant 0 : i32
    %cond3A_13 = arith.cmpi ne, %convert_element_type3A_11, %cond3A_12 : i32
    scf.if %cond3A_13 {
      "tpu.region"() ({
        %run_scoped3A = tpu.sem_alloc : memref<!tpu.dma_semaphore, #tpu.memory_space<semaphore_mem>>
        %dma_start3A_2435 = arith.constant 0 : i32
        %dma_start3A_2436 = tpu.memref_slice %arg24[%dma_start3A_2435] : memref<2304xf32, #tpu.memory_space<vmem_shared>> -> memref<1024xf32, #tpu.memory_space<vmem_shared>>
        %dma_start3A_2437 = arith.constant 0 : i32
        %dma_start3A_2438 = tpu.memref_slice %arg24[%dma_start3A_2437] : memref<2304xf32, #tpu.memory_space<vmem_shared>> -> memref<1024xf32, #tpu.memory_space<vmem_shared>>
        tpu.enqueue_dma source(%arg23 : memref<1024xf32, #tpu.memory_space<vmem>>) target(%dma_start3A_2438 : memref<1024xf32, #tpu.memory_space<vmem_shared>>) target_semaphore(%run_scoped3A : memref<!tpu.dma_semaphore, #tpu.memory_space<semaphore_mem>>)
        %dma_wait3A_2439 = arith.constant 0 : i32
        %dma_wait3A_2440 = tpu.memref_slice %arg24[%dma_wait3A_2439] : memref<2304xf32, #tpu.memory_space<vmem_shared>> -> memref<1024xf32, #tpu.memory_space<vmem_shared>>
        %dma_wait3A_2441 = arith.constant 0 : i32
        %dma_wait3A_2442 = tpu.memref_slice %arg24[%dma_wait3A_2441] : memref<2304xf32, #tpu.memory_space<vmem_shared>> -> memref<1024xf32, #tpu.memory_space<vmem_shared>>
        tpu.wait_dma2 semaphore(%run_scoped3A : memref<!tpu.dma_semaphore, #tpu.memory_space<semaphore_mem>>) src(%arg23 : memref<1024xf32, #tpu.memory_space<vmem>>) dst(%dma_wait3A_2442 : memref<1024xf32, #tpu.memory_space<vmem_shared>>)
        tpu.yield
      }) : () -> ()
    } else {
    }
    %eq3A_14 = arith.constant 1 : i32
    %eq3A_15 = arith.cmpi eq, %arg1, %eq3A_14 : i32
    %convert_element_type3A_16 = arith.extui %eq3A_15 : i1 to i32
    %cond3A_17 = arith.constant 0 : i32
    %cond3A_18 = arith.cmpi ne, %convert_element_type3A_16, %cond3A_17 : i32
    scf.if %cond3A_18 {
      "tpu.region"() ({
        %run_scoped3A = tpu.sem_alloc : memref<!tpu.dma_semaphore, #tpu.memory_space<semaphore_mem>>
        %dma_start3A_2435 = arith.constant 0 : i32
        %dma_start3A_2436 = tpu.memref_slice %arg25[%dma_start3A_2435] : memref<2304xf32, #tpu.memory_space<vmem_shared>> -> memref<1024xf32, #tpu.memory_space<vmem_shared>>
        %dma_start3A_2437 = arith.constant 0 : i32
        %dma_start3A_2438 = tpu.memref_slice %arg25[%dma_start3A_2437] : memref<2304xf32, #tpu.memory_space<vmem_shared>> -> memref<1024xf32, #tpu.memory_space<vmem_shared>>
        tpu.enqueue_dma source(%arg23 : memref<1024xf32, #tpu.memory_space<vmem>>) target(%dma_start3A_2438 : memref<1024xf32, #tpu.memory_space<vmem_shared>>) target_semaphore(%run_scoped3A : memref<!tpu.dma_semaphore, #tpu.memory_space<semaphore_mem>>)
        %dma_wait3A_2439 = arith.constant 0 : i32
        %dma_wait3A_2440 = tpu.memref_slice %arg25[%dma_wait3A_2439] : memref<2304xf32, #tpu.memory_space<vmem_shared>> -> memref<1024xf32, #tpu.memory_space<vmem_shared>>
        %dma_wait3A_2441 = arith.constant 0 : i32
        %dma_wait3A_2442 = tpu.memref_slice %arg25[%dma_wait3A_2441] : memref<2304xf32, #tpu.memory_space<vmem_shared>> -> memref<1024xf32, #tpu.memory_space<vmem_shared>>
        tpu.wait_dma2 semaphore(%run_scoped3A : memref<!tpu.dma_semaphore, #tpu.memory_space<semaphore_mem>>) src(%arg23 : memref<1024xf32, #tpu.memory_space<vmem>>) dst(%dma_wait3A_2442 : memref<1024xf32, #tpu.memory_space<vmem_shared>>)
        tpu.yield
      }) : () -> ()
    } else {
    }
    %eq3A_19 = arith.constant 2 : i32
    %eq3A_20 = arith.cmpi eq, %arg1, %eq3A_19 : i32
    %convert_element_type3A_21 = arith.extui %eq3A_20 : i1 to i32
    %cond3A_22 = arith.constant 0 : i32
    %cond3A_23 = arith.cmpi ne, %convert_element_type3A_21, %cond3A_22 : i32
    scf.if %cond3A_23 {
      "tpu.region"() ({
        %run_scoped3A = tpu.sem_alloc : memref<!tpu.dma_semaphore, #tpu.memory_space<semaphore_mem>>
        %dma_start3A_2435 = arith.constant 0 : i32
        %dma_start3A_2436 = tpu.memref_slice %arg26[%dma_start3A_2435] : memref<2304xf32, #tpu.memory_space<vmem_shared>> -> memref<1024xf32, #tpu.memory_space<vmem_shared>>
        %dma_start3A_2437 = arith.constant 0 : i32
        %dma_start3A_2438 = tpu.memref_slice %arg26[%dma_start3A_2437] : memref<2304xf32, #tpu.memory_space<vmem_shared>> -> memref<1024xf32, #tpu.memory_space<vmem_shared>>
        tpu.enqueue_dma source(%arg23 : memref<1024xf32, #tpu.memory_space<vmem>>) target(%dma_start3A_2438 : memref<1024xf32, #tpu.memory_space<vmem_shared>>) target_semaphore(%run_scoped3A : memref<!tpu.dma_semaphore, #tpu.memory_space<semaphore_mem>>)
        %dma_wait3A_2439 = arith.constant 0 : i32
        %dma_wait3A_2440 = tpu.memref_slice %arg26[%dma_wait3A_2439] : memref<2304xf32, #tpu.memory_space<vmem_shared>> -> memref<1024xf32, #tpu.memory_space<vmem_shared>>
        %dma_wait3A_2441 = arith.constant 0 : i32
        %dma_wait3A_2442 = tpu.memref_slice %arg26[%dma_wait3A_2441] : memref<2304xf32, #tpu.memory_space<vmem_shared>> -> memref<1024xf32, #tpu.memory_space<vmem_shared>>
        tpu.wait_dma2 semaphore(%run_scoped3A : memref<!tpu.dma_semaphore, #tpu.memory_space<semaphore_mem>>) src(%arg23 : memref<1024xf32, #tpu.memory_space<vmem>>) dst(%dma_wait3A_2442 : memref<1024xf32, #tpu.memory_space<vmem_shared>>)
        tpu.yield
      }) : () -> ()
    } else {
    }
    %eq3A_24 = arith.constant 3 : i32
    %eq3A_25 = arith.cmpi eq, %arg1, %eq3A_24 : i32
    %convert_element_type3A_26 = arith.extui %eq3A_25 : i1 to i32
    %cond3A_27 = arith.constant 0 : i32
    %cond3A_28 = arith.cmpi ne, %convert_element_type3A_26, %cond3A_27 : i32
    scf.if %cond3A_28 {
      "tpu.region"() ({
        %run_scoped3A = tpu.sem_alloc : memref<!tpu.dma_semaphore, #tpu.memory_space<semaphore_mem>>
        %dma_start3A_2435 = arith.constant 0 : i32
        %dma_start3A_2436 = tpu.memref_slice %arg27[%dma_start3A_2435] : memref<2304xf32, #tpu.memory_space<vmem_shared>> -> memref<1024xf32, #tpu.memory_space<vmem_shared>>
        %dma_start3A_2437 = arith.constant 0 : i32
        %dma_start3A_2438 = tpu.memref_slice %arg27[%dma_start3A_2437] : memref<2304xf32, #tpu.memory_space<vmem_shared>> -> memref<1024xf32, #tpu.memory_space<vmem_shared>>
        tpu.enqueue_dma source(%arg23 : memref<1024xf32, #tpu.memory_space<vmem>>) target(%dma_start3A_2438 : memref<1024xf32, #tpu.memory_space<vmem_shared>>) target_semaphore(%run_scoped3A : memref<!tpu.dma_semaphore, #tpu.memory_space<semaphore_mem>>)
        %dma_wait3A_2439 = arith.constant 0 : i32
        %dma_wait3A_2440 = tpu.memref_slice %arg27[%dma_wait3A_2439] : memref<2304xf32, #tpu.memory_space<vmem_shared>> -> memref<1024xf32, #tpu.memory_space<vmem_shared>>
        %dma_wait3A_2441 = arith.constant 0 : i32
        %dma_wait3A_2442 = tpu.memref_slice %arg27[%dma_wait3A_2441] : memref<2304xf32, #tpu.memory_space<vmem_shared>> -> memref<1024xf32, #tpu.memory_space<vmem_shared>>
        tpu.wait_dma2 semaphore(%run_scoped3A : memref<!tpu.dma_semaphore, #tpu.memory_space<semaphore_mem>>) src(%arg23 : memref<1024xf32, #tpu.memory_space<vmem>>) dst(%dma_wait3A_2442 : memref<1024xf32, #tpu.memory_space<vmem_shared>>)
        tpu.yield
      }) : () -> ()
    } else {
    }
    %eq3A_29 = arith.constant 4 : i32
    %eq3A_30 = arith.cmpi eq, %arg1, %eq3A_29 : i32
    %convert_element_type3A_31 = arith.extui %eq3A_30 : i1 to i32
    %cond3A_32 = arith.constant 0 : i32
    %cond3A_33 = arith.cmpi ne, %convert_element_type3A_31, %cond3A_32 : i32
    scf.if %cond3A_33 {
      "tpu.region"() ({
        %run_scoped3A = tpu.sem_alloc : memref<!tpu.dma_semaphore, #tpu.memory_space<semaphore_mem>>
        %dma_start3A_2435 = arith.constant 0 : i32
        %dma_start3A_2436 = tpu.memref_slice %arg28[%dma_start3A_2435] : memref<2304xf32, #tpu.memory_space<vmem_shared>> -> memref<1024xf32, #tpu.memory_space<vmem_shared>>
        %dma_start3A_2437 = arith.constant 0 : i32
        %dma_start3A_2438 = tpu.memref_slice %arg28[%dma_start3A_2437] : memref<2304xf32, #tpu.memory_space<vmem_shared>> -> memref<1024xf32, #tpu.memory_space<vmem_shared>>
        tpu.enqueue_dma source(%arg23 : memref<1024xf32, #tpu.memory_space<vmem>>) target(%dma_start3A_2438 : memref<1024xf32, #tpu.memory_space<vmem_shared>>) target_semaphore(%run_scoped3A : memref<!tpu.dma_semaphore, #tpu.memory_space<semaphore_mem>>)
        %dma_wait3A_2439 = arith.constant 0 : i32
        %dma_wait3A_2440 = tpu.memref_slice %arg28[%dma_wait3A_2439] : memref<2304xf32, #tpu.memory_space<vmem_shared>> -> memref<1024xf32, #tpu.memory_space<vmem_shared>>
        %dma_wait3A_2441 = arith.constant 0 : i32
        %dma_wait3A_2442 = tpu.memref_slice %arg28[%dma_wait3A_2441] : memref<2304xf32, #tpu.memory_space<vmem_shared>> -> memref<1024xf32, #tpu.memory_space<vmem_shared>>
        tpu.wait_dma2 semaphore(%run_scoped3A : memref<!tpu.dma_semaphore, #tpu.memory_space<semaphore_mem>>) src(%arg23 : memref<1024xf32, #tpu.memory_space<vmem>>) dst(%dma_wait3A_2442 : memref<1024xf32, #tpu.memory_space<vmem_shared>>)
        tpu.yield
      }) : () -> ()
    } else {
    }
    %broadcast_in_dim3A_34 = arith.constant 1048576 : i32
    %broadcast_in_dim3A_35 = vector.broadcast %broadcast_in_dim3A_34 : i32 to vector<16xi32>
    %scan3A = arith.constant 0 : i32
    %scan3A_36 = arith.constant 80 : i32
    %scan3A_37 = arith.addi %scan3A, %scan3A_36 : i32
    %scan3A_38 = arith.constant 1 : i32
    %scan3A_39 = scf.for %scan3A_2435 = %scan3A to %scan3A_37 step %scan3A_38 iter_args(%scan3A_2436 = %broadcast_in_dim3A_7) -> (vector<16xi32>)  : i32 {
      %mul3A_2437 = arith.constant 16 : i32
      %mul3A_2438 = arith.muli %scan3A_2435, %mul3A_2437 : i32
      %get3A_2439 = arith.index_cast %mul3A_2438 : i32 to index
      %get3A_2440 = tpu.vector_load %arg13[%get3A_2439] {strides = array<i32>} : memref<1280xf32, #tpu.memory_space<vmem>>, vector<16xf32>,
      %get3A_2441 = vector.shape_cast %get3A_2440 : vector<16xf32> to vector<16xf32>
      %ge3A = arith.cmpf oge, %get3A_2441, %get3A_2 : vector<16xf32>
      %gt3A_2442 = arith.cmpf ogt, %get3A_2441, %broadcast_in_dim3A_3 : vector<16xf32>
      %and3A = arith.andi %ge3A, %gt3A_2442 : vector<16xi1>
      %select_n3A_2443 = arith.select %and3A, %broadcast_in_dim3A_5, %broadcast_in_dim3A_7 : vector<16xi1>, vector<16xi32>
      %select_n3A_2444 = arith.select %and3A, %scan3A_2436, %broadcast_in_dim3A_35 : vector<16xi1>, vector<16xi32>
      %swap3A_2445 = arith.index_cast %mul3A_2438 : i32 to index
      %swap3A_2446 = tpu.vector_load %arg19[%swap3A_2445] {strides = array<i32>} : memref<1280xi32, #tpu.memory_space<vmem>>, vector<16xi32>,
      %swap3A_2447 = vector.shape_cast %swap3A_2446 : vector<16xi32> to vector<16xi32>
      %swap3A_2448 = vector.shape_cast %select_n3A_2444 : vector<16xi32> to vector<16xi32>
      tpu.vector_store %arg19[%swap3A_2445], %swap3A_2448 {strides = array<i32>} : memref<1280xi32, #tpu.memory_space<vmem>>, vector<16xi32>,
      %add3A_2449 = arith.addi %scan3A_2436, %select_n3A_2443 : vector<16xi32>
      scf.yield %add3A_2449 : vector<16xi32>
    }
    %scan3A_40 = arith.constant 80 : i32
    %slice3A = vector.extract_strided_slice %scan3A_39 {offsets = [0], sizes = [1], strides = [1]} : vector<16xi32> to vector<1xi32>
    %squeeze3A = vector.extract %slice3A[0] : i32 from vector<1xi32>
    %add3A = arith.constant 0 : i32
    %add3A_41 = arith.addi %add3A, %squeeze3A : i32
    %gt3A = arith.constant 0 : i32
    %gt3A_42 = vector.broadcast %gt3A : i32 to vector<16xi32>
    %gt3A_43 = arith.cmpi sgt, %iota3A, %gt3A_42 : vector<16xi32>
    %broadcast_in_dim3A_44 = vector.broadcast %squeeze3A : i32 to vector<16xi32>
    %select_n3A = arith.select %gt3A_43, %broadcast_in_dim3A_44, %broadcast_in_dim3A_7 : vector<16xi1>, vector<16xi32>
    %add3A_45 = arith.addi %broadcast_in_dim3A_7, %select_n3A : vector<16xi32>
    %slice3A_46 = vector.extract_strided_slice %scan3A_39 {offsets = [1], sizes = [1], strides = [1]} : vector<16xi32> to vector<1xi32>
    %squeeze3A_47 = vector.extract %slice3A_46[0] : i32 from vector<1xi32>
    %add3A_48 = arith.addi %add3A_41, %squeeze3A_47 : i32
    %gt3A_49 = arith.constant 1 : i32
    %gt3A_50 = vector.broadcast %gt3A_49 : i32 to vector<16xi32>
    %gt3A_51 = arith.cmpi sgt, %iota3A, %gt3A_50 : vector<16xi32>
    %broadcast_in_dim3A_52 = vector.broadcast %squeeze3A_47 : i32 to vector<16xi32>
    %select_n3A_53 = arith.select %gt3A_51, %broadcast_in_dim3A_52, %broadcast_in_dim3A_7 : vector<16xi1>, vector<16xi32>
    %add3A_54 = arith.addi %add3A_45, %select_n3A_53 : vector<16xi32>
    %slice3A_55 = vector.extract_strided_slice %scan3A_39 {offsets = [2], sizes = [1], strides = [1]} : vector<16xi32> to vector<1xi32>
    %squeeze3A_56 = vector.extract %slice3A_55[0] : i32 from vector<1xi32>
    %add3A_57 = arith.addi %add3A_48, %squeeze3A_56 : i32
    %gt3A_58 = arith.constant 2 : i32
    %gt3A_59 = vector.broadcast %gt3A_58 : i32 to vector<16xi32>
    %gt3A_60 = arith.cmpi sgt, %iota3A, %gt3A_59 : vector<16xi32>
    %broadcast_in_dim3A_61 = vector.broadcast %squeeze3A_56 : i32 to vector<16xi32>
    %select_n3A_62 = arith.select %gt3A_60, %broadcast_in_dim3A_61, %broadcast_in_dim3A_7 : vector<16xi1>, vector<16xi32>
    %add3A_63 = arith.addi %add3A_54, %select_n3A_62 : vector<16xi32>
    %slice3A_64 = vector.extract_strided_slice %scan3A_39 {offsets = [3], sizes = [1], strides = [1]} : vector<16xi32> to vector<1xi32>
    %squeeze3A_65 = vector.extract %slice3A_64[0] : i32 from vector<1xi32>
    %add3A_66 = arith.addi %add3A_57, %squeeze3A_65 : i32
    %gt3A_67 = arith.constant 3 : i32
    %gt3A_68 = vector.broadcast %gt3A_67 : i32 to vector<16xi32>
    %gt3A_69 = arith.cmpi sgt, %iota3A, %gt3A_68 : vector<16xi32>
    %broadcast_in_dim3A_70 = vector.broadcast %squeeze3A_65 : i32 to vector<16xi32>
    %select_n3A_71 = arith.select %gt3A_69, %broadcast_in_dim3A_70, %broadcast_in_dim3A_7 : vector<16xi1>, vector<16xi32>
    %add3A_72 = arith.addi %add3A_63, %select_n3A_71 : vector<16xi32>
    %slice3A_73 = vector.extract_strided_slice %scan3A_39 {offsets = [4], sizes = [1], strides = [1]} : vector<16xi32> to vector<1xi32>
    %squeeze3A_74 = vector.extract %slice3A_73[0] : i32 from vector<1xi32>
    %add3A_75 = arith.addi %add3A_66, %squeeze3A_74 : i32
    %gt3A_76 = arith.constant 4 : i32
    %gt3A_77 = vector.broadcast %gt3A_76 : i32 to vector<16xi32>
    %gt3A_78 = arith.cmpi sgt, %iota3A, %gt3A_77 : vector<16xi32>
    %broadcast_in_dim3A_79 = vector.broadcast %squeeze3A_74 : i32 to vector<16xi32>
    %select_n3A_80 = arith.select %gt3A_78, %broadcast_in_dim3A_79, %broadcast_in_dim3A_7 : vector<16xi1>, vector<16xi32>
    %add3A_81 = arith.addi %add3A_72, %select_n3A_80 : vector<16xi32>
    %slice3A_82 = vector.extract_strided_slice %scan3A_39 {offsets = [5], sizes = [1], strides = [1]} : vector<16xi32> to vector<1xi32>
    %squeeze3A_83 = vector.extract %slice3A_82[0] : i32 from vector<1xi32>
    %add3A_84 = arith.addi %add3A_75, %squeeze3A_83 : i32
    %gt3A_85 = arith.constant 5 : i32
    %gt3A_86 = vector.broadcast %gt3A_85 : i32 to vector<16xi32>
    %gt3A_87 = arith.cmpi sgt, %iota3A, %gt3A_86 : vector<16xi32>
    %broadcast_in_dim3A_88 = vector.broadcast %squeeze3A_83 : i32 to vector<16xi32>
    %select_n3A_89 = arith.select %gt3A_87, %broadcast_in_dim3A_88, %broadcast_in_dim3A_7 : vector<16xi1>, vector<16xi32>
    %add3A_90 = arith.addi %add3A_81, %select_n3A_89 : vector<16xi32>
    %slice3A_91 = vector.extract_strided_slice %scan3A_39 {offsets = [6], sizes = [1], strides = [1]} : vector<16xi32> to vector<1xi32>
    %squeeze3A_92 = vector.extract %slice3A_91[0] : i32 from vector<1xi32>
    %add3A_93 = arith.addi %add3A_84, %squeeze3A_92 : i32
    %gt3A_94 = arith.constant 6 : i32
    %gt3A_95 = vector.broadcast %gt3A_94 : i32 to vector<16xi32>
    %gt3A_96 = arith.cmpi sgt, %iota3A, %gt3A_95 : vector<16xi32>
    %broadcast_in_dim3A_97 = vector.broadcast %squeeze3A_92 : i32 to vector<16xi32>
    %select_n3A_98 = arith.select %gt3A_96, %broadcast_in_dim3A_97, %broadcast_in_dim3A_7 : vector<16xi1>, vector<16xi32>
    %add3A_99 = arith.addi %add3A_90, %select_n3A_98 : vector<16xi32>
    %slice3A_100 = vector.extract_strided_slice %scan3A_39 {offsets = [7], sizes = [1], strides = [1]} : vector<16xi32> to vector<1xi32>
    %squeeze3A_101 = vector.extract %slice3A_100[0] : i32 from vector<1xi32>
    %add3A_102 = arith.addi %add3A_93, %squeeze3A_101 : i32
    %gt3A_103 = arith.constant 7 : i32
    %gt3A_104 = vector.broadcast %gt3A_103 : i32 to vector<16xi32>
    %gt3A_105 = arith.cmpi sgt, %iota3A, %gt3A_104 : vector<16xi32>
    %broadcast_in_dim3A_106 = vector.broadcast %squeeze3A_101 : i32 to vector<16xi32>
    %select_n3A_107 = arith.select %gt3A_105, %broadcast_in_dim3A_106, %broadcast_in_dim3A_7 : vector<16xi1>, vector<16xi32>
    %add3A_108 = arith.addi %add3A_99, %select_n3A_107 : vector<16xi32>
    %slice3A_109 = vector.extract_strided_slice %scan3A_39 {offsets = [8], sizes = [1], strides = [1]} : vector<16xi32> to vector<1xi32>
    %squeeze3A_110 = vector.extract %slice3A_109[0] : i32 from vector<1xi32>
    %add3A_111 = arith.addi %add3A_102, %squeeze3A_110 : i32
    %gt3A_112 = arith.constant 8 : i32
    %gt3A_113 = vector.broadcast %gt3A_112 : i32 to vector<16xi32>
    %gt3A_114 = arith.cmpi sgt, %iota3A, %gt3A_113 : vector<16xi32>
    %broadcast_in_dim3A_115 = vector.broadcast %squeeze3A_110 : i32 to vector<16xi32>
    %select_n3A_116 = arith.select %gt3A_114, %broadcast_in_dim3A_115, %broadcast_in_dim3A_7 : vector<16xi1>, vector<16xi32>
    %add3A_117 = arith.addi %add3A_108, %select_n3A_116 : vector<16xi32>
    %slice3A_118 = vector.extract_strided_slice %scan3A_39 {offsets = [9], sizes = [1], strides = [1]} : vector<16xi32> to vector<1xi32>
    %squeeze3A_119 = vector.extract %slice3A_118[0] : i32 from vector<1xi32>
    %add3A_120 = arith.addi %add3A_111, %squeeze3A_119 : i32
    %gt3A_121 = arith.constant 9 : i32
    %gt3A_122 = vector.broadcast %gt3A_121 : i32 to vector<16xi32>
    %gt3A_123 = arith.cmpi sgt, %iota3A, %gt3A_122 : vector<16xi32>
    %broadcast_in_dim3A_124 = vector.broadcast %squeeze3A_119 : i32 to vector<16xi32>
    %select_n3A_125 = arith.select %gt3A_123, %broadcast_in_dim3A_124, %broadcast_in_dim3A_7 : vector<16xi1>, vector<16xi32>
    %add3A_126 = arith.addi %add3A_117, %select_n3A_125 : vector<16xi32>
    %slice3A_127 = vector.extract_strided_slice %scan3A_39 {offsets = [10], sizes = [1], strides = [1]} : vector<16xi32> to vector<1xi32>
    %squeeze3A_128 = vector.extract %slice3A_127[0] : i32 from vector<1xi32>
    %add3A_129 = arith.addi %add3A_120, %squeeze3A_128 : i32
    %gt3A_130 = arith.constant 10 : i32
    %gt3A_131 = vector.broadcast %gt3A_130 : i32 to vector<16xi32>
    %gt3A_132 = arith.cmpi sgt, %iota3A, %gt3A_131 : vector<16xi32>
    %broadcast_in_dim3A_133 = vector.broadcast %squeeze3A_128 : i32 to vector<16xi32>
    %select_n3A_134 = arith.select %gt3A_132, %broadcast_in_dim3A_133, %broadcast_in_dim3A_7 : vector<16xi1>, vector<16xi32>
    %add3A_135 = arith.addi %add3A_126, %select_n3A_134 : vector<16xi32>
    %slice3A_136 = vector.extract_strided_slice %scan3A_39 {offsets = [11], sizes = [1], strides = [1]} : vector<16xi32> to vector<1xi32>
    %squeeze3A_137 = vector.extract %slice3A_136[0] : i32 from vector<1xi32>
    %add3A_138 = arith.addi %add3A_129, %squeeze3A_137 : i32
    %gt3A_139 = arith.constant 11 : i32
    %gt3A_140 = vector.broadcast %gt3A_139 : i32 to vector<16xi32>
    %gt3A_141 = arith.cmpi sgt, %iota3A, %gt3A_140 : vector<16xi32>
    %broadcast_in_dim3A_142 = vector.broadcast %squeeze3A_137 : i32 to vector<16xi32>
    %select_n3A_143 = arith.select %gt3A_141, %broadcast_in_dim3A_142, %broadcast_in_dim3A_7 : vector<16xi1>, vector<16xi32>
    %add3A_144 = arith.addi %add3A_135, %select_n3A_143 : vector<16xi32>
    %slice3A_145 = vector.extract_strided_slice %scan3A_39 {offsets = [12], sizes = [1], strides = [1]} : vector<16xi32> to vector<1xi32>
    %squeeze3A_146 = vector.extract %slice3A_145[0] : i32 from vector<1xi32>
    %add3A_147 = arith.addi %add3A_138, %squeeze3A_146 : i32
    %gt3A_148 = arith.constant 12 : i32
    %gt3A_149 = vector.broadcast %gt3A_148 : i32 to vector<16xi32>
    %gt3A_150 = arith.cmpi sgt, %iota3A, %gt3A_149 : vector<16xi32>
    %broadcast_in_dim3A_151 = vector.broadcast %squeeze3A_146 : i32 to vector<16xi32>
    %select_n3A_152 = arith.select %gt3A_150, %broadcast_in_dim3A_151, %broadcast_in_dim3A_7 : vector<16xi1>, vector<16xi32>
    %add3A_153 = arith.addi %add3A_144, %select_n3A_152 : vector<16xi32>
    %slice3A_154 = vector.extract_strided_slice %scan3A_39 {offsets = [13], sizes = [1], strides = [1]} : vector<16xi32> to vector<1xi32>
    %squeeze3A_155 = vector.extract %slice3A_154[0] : i32 from vector<1xi32>
    %add3A_156 = arith.addi %add3A_147, %squeeze3A_155 : i32
    %gt3A_157 = arith.constant 13 : i32
    %gt3A_158 = vector.broadcast %gt3A_157 : i32 to vector<16xi32>
    %gt3A_159 = arith.cmpi sgt, %iota3A, %gt3A_158 : vector<16xi32>
    %broadcast_in_dim3A_160 = vector.broadcast %squeeze3A_155 : i32 to vector<16xi32>
    %select_n3A_161 = arith.select %gt3A_159, %broadcast_in_dim3A_160, %broadcast_in_dim3A_7 : vector<16xi1>, vector<16xi32>
    %add3A_162 = arith.addi %add3A_153, %select_n3A_161 : vector<16xi32>
    %slice3A_163 = vector.extract_strided_slice %scan3A_39 {offsets = [14], sizes = [1], strides = [1]} : vector<16xi32> to vector<1xi32>
    %squeeze3A_164 = vector.extract %slice3A_163[0] : i32 from vector<1xi32>
    %add3A_165 = arith.addi %add3A_156, %squeeze3A_164 : i32
    %gt3A_166 = arith.constant 14 : i32
    %gt3A_167 = vector.broadcast %gt3A_166 : i32 to vector<16xi32>
    %gt3A_168 = arith.cmpi sgt, %iota3A, %gt3A_167 : vector<16xi32>
    %broadcast_in_dim3A_169 = vector.broadcast %squeeze3A_164 : i32 to vector<16xi32>
    %select_n3A_170 = arith.select %gt3A_168, %broadcast_in_dim3A_169, %broadcast_in_dim3A_7 : vector<16xi1>, vector<16xi32>
    %add3A_171 = arith.addi %add3A_162, %select_n3A_170 : vector<16xi32>
    %slice3A_172 = vector.extract_strided_slice %scan3A_39 {offsets = [15], sizes = [1], strides = [1]} : vector<16xi32> to vector<1xi32>
    %squeeze3A_173 = vector.extract %slice3A_172[0] : i32 from vector<1xi32>
    %add3A_174 = arith.addi %add3A_165, %squeeze3A_173 : i32
    %gt3A_175 = arith.constant 15 : i32
    %gt3A_176 = vector.broadcast %gt3A_175 : i32 to vector<16xi32>
    %gt3A_177 = arith.cmpi sgt, %iota3A, %gt3A_176 : vector<16xi32>
    %broadcast_in_dim3A_178 = vector.broadcast %squeeze3A_173 : i32 to vector<16xi32>
    %select_n3A_179 = arith.select %gt3A_177, %broadcast_in_dim3A_178, %broadcast_in_dim3A_7 : vector<16xi1>, vector<16xi32>
    %add3A_180 = arith.addi %add3A_171, %select_n3A_179 : vector<16xi32>
    %broadcast_in_dim3A_181 = vector.broadcast %add3A_174 : i32 to vector<16xi32>
    %swap3A = arith.constant 0 : index
    %swap3A_182 = tpu.vector_load %arg21[%swap3A] {strides = array<i32>} : memref<16xi32, #tpu.memory_space<vmem>>, vector<16xi32>,
    %swap3A_183 = vector.shape_cast %swap3A_182 : vector<16xi32> to vector<16xi32>
    %swap3A_184 = vector.shape_cast %broadcast_in_dim3A_181 : vector<16xi32> to vector<16xi32>
    tpu.vector_store %arg21[%swap3A], %swap3A_184 {strides = array<i32>} : memref<16xi32, #tpu.memory_space<vmem>>, vector<16xi32>,
    %eq3A_185 = arith.constant 0 : i32
    %eq3A_186 = arith.cmpi eq, %arg1, %eq3A_185 : i32
    %convert_element_type3A_187 = arith.extui %eq3A_186 : i1 to i32
    %cond3A_188 = arith.constant 0 : i32
    %cond3A_189 = arith.cmpi ne, %convert_element_type3A_187, %cond3A_188 : i32
    scf.if %cond3A_189 {
      "tpu.region"() ({
        %run_scoped3A = tpu.sem_alloc : memref<!tpu.dma_semaphore, #tpu.memory_space<semaphore_mem>>
        %dma_start3A_2435 = arith.constant 0 : i32
        %dma_start3A_2436 = tpu.memref_slice %arg29[%dma_start3A_2435] : memref<256xi32, #tpu.memory_space<vmem_shared>> -> memref<16xi32, #tpu.memory_space<vmem_shared>>
        %dma_start3A_2437 = arith.constant 0 : i32
        %dma_start3A_2438 = tpu.memref_slice %arg29[%dma_start3A_2437] : memref<256xi32, #tpu.memory_space<vmem_shared>> -> memref<16xi32, #tpu.memory_space<vmem_shared>>
        tpu.enqueue_dma source(%arg21 : memref<16xi32, #tpu.memory_space<vmem>>) target(%dma_start3A_2438 : memref<16xi32, #tpu.memory_space<vmem_shared>>) target_semaphore(%run_scoped3A : memref<!tpu.dma_semaphore, #tpu.memory_space<semaphore_mem>>)
        %dma_wait3A_2439 = arith.constant 0 : i32
        %dma_wait3A_2440 = tpu.memref_slice %arg29[%dma_wait3A_2439] : memref<256xi32, #tpu.memory_space<vmem_shared>> -> memref<16xi32, #tpu.memory_space<vmem_shared>>
        %dma_wait3A_2441 = arith.constant 0 : i32
        %dma_wait3A_2442 = tpu.memref_slice %arg29[%dma_wait3A_2441] : memref<256xi32, #tpu.memory_space<vmem_shared>> -> memref<16xi32, #tpu.memory_space<vmem_shared>>
        tpu.wait_dma2 semaphore(%run_scoped3A : memref<!tpu.dma_semaphore, #tpu.memory_space<semaphore_mem>>) src(%arg21 : memref<16xi32, #tpu.memory_space<vmem>>) dst(%dma_wait3A_2442 : memref<16xi32, #tpu.memory_space<vmem_shared>>)
        tpu.yield
      }) : () -> ()
    } else {
    }
    %eq3A_190 = arith.constant 1 : i32
    %eq3A_191 = arith.cmpi eq, %arg1, %eq3A_190 : i32
    %convert_element_type3A_192 = arith.extui %eq3A_191 : i1 to i32
    %cond3A_193 = arith.constant 0 : i32
    %cond3A_194 = arith.cmpi ne, %convert_element_type3A_192, %cond3A_193 : i32
    scf.if %cond3A_194 {
      "tpu.region"() ({
        %run_scoped3A = tpu.sem_alloc : memref<!tpu.dma_semaphore, #tpu.memory_space<semaphore_mem>>
        %dma_start3A_2435 = arith.constant 16 : i32
        %dma_start3A_2436 = tpu.memref_slice %arg29[%dma_start3A_2435] : memref<256xi32, #tpu.memory_space<vmem_shared>> -> memref<16xi32, #tpu.memory_space<vmem_shared>>
        %dma_start3A_2437 = arith.constant 16 : i32
        %dma_start3A_2438 = tpu.memref_slice %arg29[%dma_start3A_2437] : memref<256xi32, #tpu.memory_space<vmem_shared>> -> memref<16xi32, #tpu.memory_space<vmem_shared>>
        tpu.enqueue_dma source(%arg21 : memref<16xi32, #tpu.memory_space<vmem>>) target(%dma_start3A_2438 : memref<16xi32, #tpu.memory_space<vmem_shared>>) target_semaphore(%run_scoped3A : memref<!tpu.dma_semaphore, #tpu.memory_space<semaphore_mem>>)
        %dma_wait3A_2439 = arith.constant 16 : i32
        %dma_wait3A_2440 = tpu.memref_slice %arg29[%dma_wait3A_2439] : memref<256xi32, #tpu.memory_space<vmem_shared>> -> memref<16xi32, #tpu.memory_space<vmem_shared>>
        %dma_wait3A_2441 = arith.constant 16 : i32
        %dma_wait3A_2442 = tpu.memref_slice %arg29[%dma_wait3A_2441] : memref<256xi32, #tpu.memory_space<vmem_shared>> -> memref<16xi32, #tpu.memory_space<vmem_shared>>
        tpu.wait_dma2 semaphore(%run_scoped3A : memref<!tpu.dma_semaphore, #tpu.memory_space<semaphore_mem>>) src(%arg21 : memref<16xi32, #tpu.memory_space<vmem>>) dst(%dma_wait3A_2442 : memref<16xi32, #tpu.memory_space<vmem_shared>>)
        tpu.yield
      }) : () -> ()
    } else {
    }
    %eq3A_195 = arith.constant 2 : i32
    %eq3A_196 = arith.cmpi eq, %arg1, %eq3A_195 : i32
    %convert_element_type3A_197 = arith.extui %eq3A_196 : i1 to i32
    %cond3A_198 = arith.constant 0 : i32
    %cond3A_199 = arith.cmpi ne, %convert_element_type3A_197, %cond3A_198 : i32
    scf.if %cond3A_199 {
      "tpu.region"() ({
        %run_scoped3A = tpu.sem_alloc : memref<!tpu.dma_semaphore, #tpu.memory_space<semaphore_mem>>
        %dma_start3A_2435 = arith.constant 32 : i32
        %dma_start3A_2436 = tpu.memref_slice %arg29[%dma_start3A_2435] : memref<256xi32, #tpu.memory_space<vmem_shared>> -> memref<16xi32, #tpu.memory_space<vmem_shared>>
        %dma_start3A_2437 = arith.constant 32 : i32
        %dma_start3A_2438 = tpu.memref_slice %arg29[%dma_start3A_2437] : memref<256xi32, #tpu.memory_space<vmem_shared>> -> memref<16xi32, #tpu.memory_space<vmem_shared>>
        tpu.enqueue_dma source(%arg21 : memref<16xi32, #tpu.memory_space<vmem>>) target(%dma_start3A_2438 : memref<16xi32, #tpu.memory_space<vmem_shared>>) target_semaphore(%run_scoped3A : memref<!tpu.dma_semaphore, #tpu.memory_space<semaphore_mem>>)
        %dma_wait3A_2439 = arith.constant 32 : i32
        %dma_wait3A_2440 = tpu.memref_slice %arg29[%dma_wait3A_2439] : memref<256xi32, #tpu.memory_space<vmem_shared>> -> memref<16xi32, #tpu.memory_space<vmem_shared>>
        %dma_wait3A_2441 = arith.constant 32 : i32
        %dma_wait3A_2442 = tpu.memref_slice %arg29[%dma_wait3A_2441] : memref<256xi32, #tpu.memory_space<vmem_shared>> -> memref<16xi32, #tpu.memory_space<vmem_shared>>
        tpu.wait_dma2 semaphore(%run_scoped3A : memref<!tpu.dma_semaphore, #tpu.memory_space<semaphore_mem>>) src(%arg21 : memref<16xi32, #tpu.memory_space<vmem>>) dst(%dma_wait3A_2442 : memref<16xi32, #tpu.memory_space<vmem_shared>>)
        tpu.yield
      }) : () -> ()
    } else {
    }
    %eq3A_200 = arith.constant 3 : i32
    %eq3A_201 = arith.cmpi eq, %arg1, %eq3A_200 : i32
    %convert_element_type3A_202 = arith.extui %eq3A_201 : i1 to i32
    %cond3A_203 = arith.constant 0 : i32
    %cond3A_204 = arith.cmpi ne, %convert_element_type3A_202, %cond3A_203 : i32
    scf.if %cond3A_204 {
      "tpu.region"() ({
        %run_scoped3A = tpu.sem_alloc : memref<!tpu.dma_semaphore, #tpu.memory_space<semaphore_mem>>
        %dma_start3A_2435 = arith.constant 48 : i32
        %dma_start3A_2436 = tpu.memref_slice %arg29[%dma_start3A_2435] : memref<256xi32, #tpu.memory_space<vmem_shared>> -> memref<16xi32, #tpu.memory_space<vmem_shared>>
        %dma_start3A_2437 = arith.constant 48 : i32
        %dma_start3A_2438 = tpu.memref_slice %arg29[%dma_start3A_2437] : memref<256xi32, #tpu.memory_space<vmem_shared>> -> memref<16xi32, #tpu.memory_space<vmem_shared>>
        tpu.enqueue_dma source(%arg21 : memref<16xi32, #tpu.memory_space<vmem>>) target(%dma_start3A_2438 : memref<16xi32, #tpu.memory_space<vmem_shared>>) target_semaphore(%run_scoped3A : memref<!tpu.dma_semaphore, #tpu.memory_space<semaphore_mem>>)
        %dma_wait3A_2439 = arith.constant 48 : i32
        %dma_wait3A_2440 = tpu.memref_slice %arg29[%dma_wait3A_2439] : memref<256xi32, #tpu.memory_space<vmem_shared>> -> memref<16xi32, #tpu.memory_space<vmem_shared>>
        %dma_wait3A_2441 = arith.constant 48 : i32
        %dma_wait3A_2442 = tpu.memref_slice %arg29[%dma_wait3A_2441] : memref<256xi32, #tpu.memory_space<vmem_shared>> -> memref<16xi32, #tpu.memory_space<vmem_shared>>
        tpu.wait_dma2 semaphore(%run_scoped3A : memref<!tpu.dma_semaphore, #tpu.memory_space<semaphore_mem>>) src(%arg21 : memref<16xi32, #tpu.memory_space<vmem>>) dst(%dma_wait3A_2442 : memref<16xi32, #tpu.memory_space<vmem_shared>>)
        tpu.yield
      }) : () -> ()
    } else {
    }
    %eq3A_205 = arith.constant 4 : i32
    %eq3A_206 = arith.cmpi eq, %arg1, %eq3A_205 : i32
    %convert_element_type3A_207 = arith.extui %eq3A_206 : i1 to i32
    %cond3A_208 = arith.constant 0 : i32
    %cond3A_209 = arith.cmpi ne, %convert_element_type3A_207, %cond3A_208 : i32
    scf.if %cond3A_209 {
      "tpu.region"() ({
        %run_scoped3A = tpu.sem_alloc : memref<!tpu.dma_semaphore, #tpu.memory_space<semaphore_mem>>
        %dma_start3A_2435 = arith.constant 64 : i32
        %dma_start3A_2436 = tpu.memref_slice %arg29[%dma_start3A_2435] : memref<256xi32, #tpu.memory_space<vmem_shared>> -> memref<16xi32, #tpu.memory_space<vmem_shared>>
        %dma_start3A_2437 = arith.constant 64 : i32
        %dma_start3A_2438 = tpu.memref_slice %arg29[%dma_start3A_2437] : memref<256xi32, #tpu.memory_space<vmem_shared>> -> memref<16xi32, #tpu.memory_space<vmem_shared>>
        tpu.enqueue_dma source(%arg21 : memref<16xi32, #tpu.memory_space<vmem>>) target(%dma_start3A_2438 : memref<16xi32, #tpu.memory_space<vmem_shared>>) target_semaphore(%run_scoped3A : memref<!tpu.dma_semaphore, #tpu.memory_space<semaphore_mem>>)
        %dma_wait3A_2439 = arith.constant 64 : i32
        %dma_wait3A_2440 = tpu.memref_slice %arg29[%dma_wait3A_2439] : memref<256xi32, #tpu.memory_space<vmem_shared>> -> memref<16xi32, #tpu.memory_space<vmem_shared>>
        %dma_wait3A_2441 = arith.constant 64 : i32
        %dma_wait3A_2442 = tpu.memref_slice %arg29[%dma_wait3A_2441] : memref<256xi32, #tpu.memory_space<vmem_shared>> -> memref<16xi32, #tpu.memory_space<vmem_shared>>
        tpu.wait_dma2 semaphore(%run_scoped3A : memref<!tpu.dma_semaphore, #tpu.memory_space<semaphore_mem>>) src(%arg21 : memref<16xi32, #tpu.memory_space<vmem>>) dst(%dma_wait3A_2442 : memref<16xi32, #tpu.memory_space<vmem_shared>>)
        tpu.yield
      }) : () -> ()
    } else {
    }
    %eq3A_210 = arith.constant 5 : i32
    %eq3A_211 = arith.cmpi eq, %arg1, %eq3A_210 : i32
    %convert_element_type3A_212 = arith.extui %eq3A_211 : i1 to i32
    %cond3A_213 = arith.constant 0 : i32
    %cond3A_214 = arith.cmpi ne, %convert_element_type3A_212, %cond3A_213 : i32
    scf.if %cond3A_214 {
      "tpu.region"() ({
        %run_scoped3A = tpu.sem_alloc : memref<!tpu.dma_semaphore, #tpu.memory_space<semaphore_mem>>
        %dma_start3A_2435 = arith.constant 80 : i32
        %dma_start3A_2436 = tpu.memref_slice %arg29[%dma_start3A_2435] : memref<256xi32, #tpu.memory_space<vmem_shared>> -> memref<16xi32, #tpu.memory_space<vmem_shared>>
        %dma_start3A_2437 = arith.constant 80 : i32
        %dma_start3A_2438 = tpu.memref_slice %arg29[%dma_start3A_2437] : memref<256xi32, #tpu.memory_space<vmem_shared>> -> memref<16xi32, #tpu.memory_space<vmem_shared>>
        tpu.enqueue_dma source(%arg21 : memref<16xi32, #tpu.memory_space<vmem>>) target(%dma_start3A_2438 : memref<16xi32, #tpu.memory_space<vmem_shared>>) target_semaphore(%run_scoped3A : memref<!tpu.dma_semaphore, #tpu.memory_space<semaphore_mem>>)
        %dma_wait3A_2439 = arith.constant 80 : i32
        %dma_wait3A_2440 = tpu.memref_slice %arg29[%dma_wait3A_2439] : memref<256xi32, #tpu.memory_space<vmem_shared>> -> memref<16xi32, #tpu.memory_space<vmem_shared>>
        %dma_wait3A_2441 = arith.constant 80 : i32
        %dma_wait3A_2442 = tpu.memref_slice %arg29[%dma_wait3A_2441] : memref<256xi32, #tpu.memory_space<vmem_shared>> -> memref<16xi32, #tpu.memory_space<vmem_shared>>
        tpu.wait_dma2 semaphore(%run_scoped3A : memref<!tpu.dma_semaphore, #tpu.memory_space<semaphore_mem>>) src(%arg21 : memref<16xi32, #tpu.memory_space<vmem>>) dst(%dma_wait3A_2442 : memref<16xi32, #tpu.memory_space<vmem_shared>>)
        tpu.yield
      }) : () -> ()
    } else {
    }
    %eq3A_215 = arith.constant 6 : i32
    %eq3A_216 = arith.cmpi eq, %arg1, %eq3A_215 : i32
    %convert_element_type3A_217 = arith.extui %eq3A_216 : i1 to i32
    %cond3A_218 = arith.constant 0 : i32
    %cond3A_219 = arith.cmpi ne, %convert_element_type3A_217, %cond3A_218 : i32
    scf.if %cond3A_219 {
      "tpu.region"() ({
        %run_scoped3A = tpu.sem_alloc : memref<!tpu.dma_semaphore, #tpu.memory_space<semaphore_mem>>
        %dma_start3A_2435 = arith.constant 96 : i32
        %dma_start3A_2436 = tpu.memref_slice %arg29[%dma_start3A_2435] : memref<256xi32, #tpu.memory_space<vmem_shared>> -> memref<16xi32, #tpu.memory_space<vmem_shared>>
        %dma_start3A_2437 = arith.constant 96 : i32
        %dma_start3A_2438 = tpu.memref_slice %arg29[%dma_start3A_2437] : memref<256xi32, #tpu.memory_space<vmem_shared>> -> memref<16xi32, #tpu.memory_space<vmem_shared>>
        tpu.enqueue_dma source(%arg21 : memref<16xi32, #tpu.memory_space<vmem>>) target(%dma_start3A_2438 : memref<16xi32, #tpu.memory_space<vmem_shared>>) target_semaphore(%run_scoped3A : memref<!tpu.dma_semaphore, #tpu.memory_space<semaphore_mem>>)
        %dma_wait3A_2439 = arith.constant 96 : i32
        %dma_wait3A_2440 = tpu.memref_slice %arg29[%dma_wait3A_2439] : memref<256xi32, #tpu.memory_space<vmem_shared>> -> memref<16xi32, #tpu.memory_space<vmem_shared>>
        %dma_wait3A_2441 = arith.constant 96 : i32
        %dma_wait3A_2442 = tpu.memref_slice %arg29[%dma_wait3A_2441] : memref<256xi32, #tpu.memory_space<vmem_shared>> -> memref<16xi32, #tpu.memory_space<vmem_shared>>
        tpu.wait_dma2 semaphore(%run_scoped3A : memref<!tpu.dma_semaphore, #tpu.memory_space<semaphore_mem>>) src(%arg21 : memref<16xi32, #tpu.memory_space<vmem>>) dst(%dma_wait3A_2442 : memref<16xi32, #tpu.memory_space<vmem_shared>>)
        tpu.yield
      }) : () -> ()
    } else {
    }
    %eq3A_220 = arith.constant 7 : i32
    %eq3A_221 = arith.cmpi eq, %arg1, %eq3A_220 : i32
    %convert_element_type3A_222 = arith.extui %eq3A_221 : i1 to i32
    %cond3A_223 = arith.constant 0 : i32
    %cond3A_224 = arith.cmpi ne, %convert_element_type3A_222, %cond3A_223 : i32
    scf.if %cond3A_224 {
      "tpu.region"() ({
        %run_scoped3A = tpu.sem_alloc : memref<!tpu.dma_semaphore, #tpu.memory_space<semaphore_mem>>
        %dma_start3A_2435 = arith.constant 112 : i32
        %dma_start3A_2436 = tpu.memref_slice %arg29[%dma_start3A_2435] : memref<256xi32, #tpu.memory_space<vmem_shared>> -> memref<16xi32, #tpu.memory_space<vmem_shared>>
        %dma_start3A_2437 = arith.constant 112 : i32
        %dma_start3A_2438 = tpu.memref_slice %arg29[%dma_start3A_2437] : memref<256xi32, #tpu.memory_space<vmem_shared>> -> memref<16xi32, #tpu.memory_space<vmem_shared>>
        tpu.enqueue_dma source(%arg21 : memref<16xi32, #tpu.memory_space<vmem>>) target(%dma_start3A_2438 : memref<16xi32, #tpu.memory_space<vmem_shared>>) target_semaphore(%run_scoped3A : memref<!tpu.dma_semaphore, #tpu.memory_space<semaphore_mem>>)
        %dma_wait3A_2439 = arith.constant 112 : i32
        %dma_wait3A_2440 = tpu.memref_slice %arg29[%dma_wait3A_2439] : memref<256xi32, #tpu.memory_space<vmem_shared>> -> memref<16xi32, #tpu.memory_space<vmem_shared>>
        %dma_wait3A_2441 = arith.constant 112 : i32
        %dma_wait3A_2442 = tpu.memref_slice %arg29[%dma_wait3A_2441] : memref<256xi32, #tpu.memory_space<vmem_shared>> -> memref<16xi32, #tpu.memory_space<vmem_shared>>
        tpu.wait_dma2 semaphore(%run_scoped3A : memref<!tpu.dma_semaphore, #tpu.memory_space<semaphore_mem>>) src(%arg21 : memref<16xi32, #tpu.memory_space<vmem>>) dst(%dma_wait3A_2442 : memref<16xi32, #tpu.memory_space<vmem_shared>>)
        tpu.yield
      }) : () -> ()
    } else {
    }
    %eq3A_225 = arith.constant 8 : i32
    %eq3A_226 = arith.cmpi eq, %arg1, %eq3A_225 : i32
    %convert_element_type3A_227 = arith.extui %eq3A_226 : i1 to i32
    %cond3A_228 = arith.constant 0 : i32
    %cond3A_229 = arith.cmpi ne, %convert_element_type3A_227, %cond3A_228 : i32
    scf.if %cond3A_229 {
      "tpu.region"() ({
        %run_scoped3A = tpu.sem_alloc : memref<!tpu.dma_semaphore, #tpu.memory_space<semaphore_mem>>
        %dma_start3A_2435 = arith.constant 128 : i32
        %dma_start3A_2436 = tpu.memref_slice %arg29[%dma_start3A_2435] : memref<256xi32, #tpu.memory_space<vmem_shared>> -> memref<16xi32, #tpu.memory_space<vmem_shared>>
        %dma_start3A_2437 = arith.constant 128 : i32
        %dma_start3A_2438 = tpu.memref_slice %arg29[%dma_start3A_2437] : memref<256xi32, #tpu.memory_space<vmem_shared>> -> memref<16xi32, #tpu.memory_space<vmem_shared>>
        tpu.enqueue_dma source(%arg21 : memref<16xi32, #tpu.memory_space<vmem>>) target(%dma_start3A_2438 : memref<16xi32, #tpu.memory_space<vmem_shared>>) target_semaphore(%run_scoped3A : memref<!tpu.dma_semaphore, #tpu.memory_space<semaphore_mem>>)
        %dma_wait3A_2439 = arith.constant 128 : i32
        %dma_wait3A_2440 = tpu.memref_slice %arg29[%dma_wait3A_2439] : memref<256xi32, #tpu.memory_space<vmem_shared>> -> memref<16xi32, #tpu.memory_space<vmem_shared>>
        %dma_wait3A_2441 = arith.constant 128 : i32
        %dma_wait3A_2442 = tpu.memref_slice %arg29[%dma_wait3A_2441] : memref<256xi32, #tpu.memory_space<vmem_shared>> -> memref<16xi32, #tpu.memory_space<vmem_shared>>
        tpu.wait_dma2 semaphore(%run_scoped3A : memref<!tpu.dma_semaphore, #tpu.memory_space<semaphore_mem>>) src(%arg21 : memref<16xi32, #tpu.memory_space<vmem>>) dst(%dma_wait3A_2442 : memref<16xi32, #tpu.memory_space<vmem_shared>>)
        tpu.yield
      }) : () -> ()
    } else {
    }
    %eq3A_230 = arith.constant 9 : i32
    %eq3A_231 = arith.cmpi eq, %arg1, %eq3A_230 : i32
    %convert_element_type3A_232 = arith.extui %eq3A_231 : i1 to i32
    %cond3A_233 = arith.constant 0 : i32
    %cond3A_234 = arith.cmpi ne, %convert_element_type3A_232, %cond3A_233 : i32
    scf.if %cond3A_234 {
      "tpu.region"() ({
        %run_scoped3A = tpu.sem_alloc : memref<!tpu.dma_semaphore, #tpu.memory_space<semaphore_mem>>
        %dma_start3A_2435 = arith.constant 144 : i32
        %dma_start3A_2436 = tpu.memref_slice %arg29[%dma_start3A_2435] : memref<256xi32, #tpu.memory_space<vmem_shared>> -> memref<16xi32, #tpu.memory_space<vmem_shared>>
        %dma_start3A_2437 = arith.constant 144 : i32
        %dma_start3A_2438 = tpu.memref_slice %arg29[%dma_start3A_2437] : memref<256xi32, #tpu.memory_space<vmem_shared>> -> memref<16xi32, #tpu.memory_space<vmem_shared>>
        tpu.enqueue_dma source(%arg21 : memref<16xi32, #tpu.memory_space<vmem>>) target(%dma_start3A_2438 : memref<16xi32, #tpu.memory_space<vmem_shared>>) target_semaphore(%run_scoped3A : memref<!tpu.dma_semaphore, #tpu.memory_space<semaphore_mem>>)
        %dma_wait3A_2439 = arith.constant 144 : i32
        %dma_wait3A_2440 = tpu.memref_slice %arg29[%dma_wait3A_2439] : memref<256xi32, #tpu.memory_space<vmem_shared>> -> memref<16xi32, #tpu.memory_space<vmem_shared>>
        %dma_wait3A_2441 = arith.constant 144 : i32
        %dma_wait3A_2442 = tpu.memref_slice %arg29[%dma_wait3A_2441] : memref<256xi32, #tpu.memory_space<vmem_shared>> -> memref<16xi32, #tpu.memory_space<vmem_shared>>
        tpu.wait_dma2 semaphore(%run_scoped3A : memref<!tpu.dma_semaphore, #tpu.memory_space<semaphore_mem>>) src(%arg21 : memref<16xi32, #tpu.memory_space<vmem>>) dst(%dma_wait3A_2442 : memref<16xi32, #tpu.memory_space<vmem_shared>>)
        tpu.yield
      }) : () -> ()
    } else {
    }
    %eq3A_235 = arith.constant 10 : i32
    %eq3A_236 = arith.cmpi eq, %arg1, %eq3A_235 : i32
    %convert_element_type3A_237 = arith.extui %eq3A_236 : i1 to i32
    %cond3A_238 = arith.constant 0 : i32
    %cond3A_239 = arith.cmpi ne, %convert_element_type3A_237, %cond3A_238 : i32
    scf.if %cond3A_239 {
      "tpu.region"() ({
        %run_scoped3A = tpu.sem_alloc : memref<!tpu.dma_semaphore, #tpu.memory_space<semaphore_mem>>
        %dma_start3A_2435 = arith.constant 160 : i32
        %dma_start3A_2436 = tpu.memref_slice %arg29[%dma_start3A_2435] : memref<256xi32, #tpu.memory_space<vmem_shared>> -> memref<16xi32, #tpu.memory_space<vmem_shared>>
        %dma_start3A_2437 = arith.constant 160 : i32
        %dma_start3A_2438 = tpu.memref_slice %arg29[%dma_start3A_2437] : memref<256xi32, #tpu.memory_space<vmem_shared>> -> memref<16xi32, #tpu.memory_space<vmem_shared>>
        tpu.enqueue_dma source(%arg21 : memref<16xi32, #tpu.memory_space<vmem>>) target(%dma_start3A_2438 : memref<16xi32, #tpu.memory_space<vmem_shared>>) target_semaphore(%run_scoped3A : memref<!tpu.dma_semaphore, #tpu.memory_space<semaphore_mem>>)
        %dma_wait3A_2439 = arith.constant 160 : i32
        %dma_wait3A_2440 = tpu.memref_slice %arg29[%dma_wait3A_2439] : memref<256xi32, #tpu.memory_space<vmem_shared>> -> memref<16xi32, #tpu.memory_space<vmem_shared>>
        %dma_wait3A_2441 = arith.constant 160 : i32
        %dma_wait3A_2442 = tpu.memref_slice %arg29[%dma_wait3A_2441] : memref<256xi32, #tpu.memory_space<vmem_shared>> -> memref<16xi32, #tpu.memory_space<vmem_shared>>
        tpu.wait_dma2 semaphore(%run_scoped3A : memref<!tpu.dma_semaphore, #tpu.memory_space<semaphore_mem>>) src(%arg21 : memref<16xi32, #tpu.memory_space<vmem>>) dst(%dma_wait3A_2442 : memref<16xi32, #tpu.memory_space<vmem_shared>>)
        tpu.yield
      }) : () -> ()
    } else {
    }
    %eq3A_240 = arith.constant 11 : i32
    %eq3A_241 = arith.cmpi eq, %arg1, %eq3A_240 : i32
    %convert_element_type3A_242 = arith.extui %eq3A_241 : i1 to i32
    %cond3A_243 = arith.constant 0 : i32
    %cond3A_244 = arith.cmpi ne, %convert_element_type3A_242, %cond3A_243 : i32
    scf.if %cond3A_244 {
      "tpu.region"() ({
        %run_scoped3A = tpu.sem_alloc : memref<!tpu.dma_semaphore, #tpu.memory_space<semaphore_mem>>
        %dma_start3A_2435 = arith.constant 176 : i32
        %dma_start3A_2436 = tpu.memref_slice %arg29[%dma_start3A_2435] : memref<256xi32, #tpu.memory_space<vmem_shared>> -> memref<16xi32, #tpu.memory_space<vmem_shared>>
        %dma_start3A_2437 = arith.constant 176 : i32
        %dma_start3A_2438 = tpu.memref_slice %arg29[%dma_start3A_2437] : memref<256xi32, #tpu.memory_space<vmem_shared>> -> memref<16xi32, #tpu.memory_space<vmem_shared>>
        tpu.enqueue_dma source(%arg21 : memref<16xi32, #tpu.memory_space<vmem>>) target(%dma_start3A_2438 : memref<16xi32, #tpu.memory_space<vmem_shared>>) target_semaphore(%run_scoped3A : memref<!tpu.dma_semaphore, #tpu.memory_space<semaphore_mem>>)
        %dma_wait3A_2439 = arith.constant 176 : i32
        %dma_wait3A_2440 = tpu.memref_slice %arg29[%dma_wait3A_2439] : memref<256xi32, #tpu.memory_space<vmem_shared>> -> memref<16xi32, #tpu.memory_space<vmem_shared>>
        %dma_wait3A_2441 = arith.constant 176 : i32
        %dma_wait3A_2442 = tpu.memref_slice %arg29[%dma_wait3A_2441] : memref<256xi32, #tpu.memory_space<vmem_shared>> -> memref<16xi32, #tpu.memory_space<vmem_shared>>
        tpu.wait_dma2 semaphore(%run_scoped3A : memref<!tpu.dma_semaphore, #tpu.memory_space<semaphore_mem>>) src(%arg21 : memref<16xi32, #tpu.memory_space<vmem>>) dst(%dma_wait3A_2442 : memref<16xi32, #tpu.memory_space<vmem_shared>>)
        tpu.yield
      }) : () -> ()
    } else {
    }
    %eq3A_245 = arith.constant 12 : i32
    %eq3A_246 = arith.cmpi eq, %arg1, %eq3A_245 : i32
    %convert_element_type3A_247 = arith.extui %eq3A_246 : i1 to i32
    %cond3A_248 = arith.constant 0 : i32
    %cond3A_249 = arith.cmpi ne, %convert_element_type3A_247, %cond3A_248 : i32
    scf.if %cond3A_249 {
      "tpu.region"() ({
        %run_scoped3A = tpu.sem_alloc : memref<!tpu.dma_semaphore, #tpu.memory_space<semaphore_mem>>
        %dma_start3A_2435 = arith.constant 192 : i32
        %dma_start3A_2436 = tpu.memref_slice %arg29[%dma_start3A_2435] : memref<256xi32, #tpu.memory_space<vmem_shared>> -> memref<16xi32, #tpu.memory_space<vmem_shared>>
        %dma_start3A_2437 = arith.constant 192 : i32
        %dma_start3A_2438 = tpu.memref_slice %arg29[%dma_start3A_2437] : memref<256xi32, #tpu.memory_space<vmem_shared>> -> memref<16xi32, #tpu.memory_space<vmem_shared>>
        tpu.enqueue_dma source(%arg21 : memref<16xi32, #tpu.memory_space<vmem>>) target(%dma_start3A_2438 : memref<16xi32, #tpu.memory_space<vmem_shared>>) target_semaphore(%run_scoped3A : memref<!tpu.dma_semaphore, #tpu.memory_space<semaphore_mem>>)
        %dma_wait3A_2439 = arith.constant 192 : i32
        %dma_wait3A_2440 = tpu.memref_slice %arg29[%dma_wait3A_2439] : memref<256xi32, #tpu.memory_space<vmem_shared>> -> memref<16xi32, #tpu.memory_space<vmem_shared>>
        %dma_wait3A_2441 = arith.constant 192 : i32
        %dma_wait3A_2442 = tpu.memref_slice %arg29[%dma_wait3A_2441] : memref<256xi32, #tpu.memory_space<vmem_shared>> -> memref<16xi32, #tpu.memory_space<vmem_shared>>
        tpu.wait_dma2 semaphore(%run_scoped3A : memref<!tpu.dma_semaphore, #tpu.memory_space<semaphore_mem>>) src(%arg21 : memref<16xi32, #tpu.memory_space<vmem>>) dst(%dma_wait3A_2442 : memref<16xi32, #tpu.memory_space<vmem_shared>>)
        tpu.yield
      }) : () -> ()
    } else {
    }
    %eq3A_250 = arith.constant 13 : i32
    %eq3A_251 = arith.cmpi eq, %arg1, %eq3A_250 : i32
    %convert_element_type3A_252 = arith.extui %eq3A_251 : i1 to i32
    %cond3A_253 = arith.constant 0 : i32
    %cond3A_254 = arith.cmpi ne, %convert_element_type3A_252, %cond3A_253 : i32
    scf.if %cond3A_254 {
      "tpu.region"() ({
        %run_scoped3A = tpu.sem_alloc : memref<!tpu.dma_semaphore, #tpu.memory_space<semaphore_mem>>
        %dma_start3A_2435 = arith.constant 208 : i32
        %dma_start3A_2436 = tpu.memref_slice %arg29[%dma_start3A_2435] : memref<256xi32, #tpu.memory_space<vmem_shared>> -> memref<16xi32, #tpu.memory_space<vmem_shared>>
        %dma_start3A_2437 = arith.constant 208 : i32
        %dma_start3A_2438 = tpu.memref_slice %arg29[%dma_start3A_2437] : memref<256xi32, #tpu.memory_space<vmem_shared>> -> memref<16xi32, #tpu.memory_space<vmem_shared>>
        tpu.enqueue_dma source(%arg21 : memref<16xi32, #tpu.memory_space<vmem>>) target(%dma_start3A_2438 : memref<16xi32, #tpu.memory_space<vmem_shared>>) target_semaphore(%run_scoped3A : memref<!tpu.dma_semaphore, #tpu.memory_space<semaphore_mem>>)
        %dma_wait3A_2439 = arith.constant 208 : i32
        %dma_wait3A_2440 = tpu.memref_slice %arg29[%dma_wait3A_2439] : memref<256xi32, #tpu.memory_space<vmem_shared>> -> memref<16xi32, #tpu.memory_space<vmem_shared>>
        %dma_wait3A_2441 = arith.constant 208 : i32
        %dma_wait3A_2442 = tpu.memref_slice %arg29[%dma_wait3A_2441] : memref<256xi32, #tpu.memory_space<vmem_shared>> -> memref<16xi32, #tpu.memory_space<vmem_shared>>
        tpu.wait_dma2 semaphore(%run_scoped3A : memref<!tpu.dma_semaphore, #tpu.memory_space<semaphore_mem>>) src(%arg21 : memref<16xi32, #tpu.memory_space<vmem>>) dst(%dma_wait3A_2442 : memref<16xi32, #tpu.memory_space<vmem_shared>>)
        tpu.yield
      }) : () -> ()
    } else {
    }
    %eq3A_255 = arith.constant 14 : i32
    %eq3A_256 = arith.cmpi eq, %arg1, %eq3A_255 : i32
    %convert_element_type3A_257 = arith.extui %eq3A_256 : i1 to i32
    %cond3A_258 = arith.constant 0 : i32
    %cond3A_259 = arith.cmpi ne, %convert_element_type3A_257, %cond3A_258 : i32
    scf.if %cond3A_259 {
      "tpu.region"() ({
        %run_scoped3A = tpu.sem_alloc : memref<!tpu.dma_semaphore, #tpu.memory_space<semaphore_mem>>
        %dma_start3A_2435 = arith.constant 224 : i32
        %dma_start3A_2436 = tpu.memref_slice %arg29[%dma_start3A_2435] : memref<256xi32, #tpu.memory_space<vmem_shared>> -> memref<16xi32, #tpu.memory_space<vmem_shared>>
        %dma_start3A_2437 = arith.constant 224 : i32
        %dma_start3A_2438 = tpu.memref_slice %arg29[%dma_start3A_2437] : memref<256xi32, #tpu.memory_space<vmem_shared>> -> memref<16xi32, #tpu.memory_space<vmem_shared>>
        tpu.enqueue_dma source(%arg21 : memref<16xi32, #tpu.memory_space<vmem>>) target(%dma_start3A_2438 : memref<16xi32, #tpu.memory_space<vmem_shared>>) target_semaphore(%run_scoped3A : memref<!tpu.dma_semaphore, #tpu.memory_space<semaphore_mem>>)
        %dma_wait3A_2439 = arith.constant 224 : i32
        %dma_wait3A_2440 = tpu.memref_slice %arg29[%dma_wait3A_2439] : memref<256xi32, #tpu.memory_space<vmem_shared>> -> memref<16xi32, #tpu.memory_space<vmem_shared>>
        %dma_wait3A_2441 = arith.constant 224 : i32
        %dma_wait3A_2442 = tpu.memref_slice %arg29[%dma_wait3A_2441] : memref<256xi32, #tpu.memory_space<vmem_shared>> -> memref<16xi32, #tpu.memory_space<vmem_shared>>
        tpu.wait_dma2 semaphore(%run_scoped3A : memref<!tpu.dma_semaphore, #tpu.memory_space<semaphore_mem>>) src(%arg21 : memref<16xi32, #tpu.memory_space<vmem>>) dst(%dma_wait3A_2442 : memref<16xi32, #tpu.memory_space<vmem_shared>>)
        tpu.yield
      }) : () -> ()
    } else {
    }
    %eq3A_260 = arith.constant 15 : i32
    %eq3A_261 = arith.cmpi eq, %arg1, %eq3A_260 : i32
    %convert_element_type3A_262 = arith.extui %eq3A_261 : i1 to i32
    %cond3A_263 = arith.constant 0 : i32
    %cond3A_264 = arith.cmpi ne, %convert_element_type3A_262, %cond3A_263 : i32
    scf.if %cond3A_264 {
      "tpu.region"() ({
        %run_scoped3A = tpu.sem_alloc : memref<!tpu.dma_semaphore, #tpu.memory_space<semaphore_mem>>
        %dma_start3A_2435 = arith.constant 240 : i32
        %dma_start3A_2436 = tpu.memref_slice %arg29[%dma_start3A_2435] : memref<256xi32, #tpu.memory_space<vmem_shared>> -> memref<16xi32, #tpu.memory_space<vmem_shared>>
        %dma_start3A_2437 = arith.constant 240 : i32
        %dma_start3A_2438 = tpu.memref_slice %arg29[%dma_start3A_2437] : memref<256xi32, #tpu.memory_space<vmem_shared>> -> memref<16xi32, #tpu.memory_space<vmem_shared>>
        tpu.enqueue_dma source(%arg21 : memref<16xi32, #tpu.memory_space<vmem>>) target(%dma_start3A_2438 : memref<16xi32, #tpu.memory_space<vmem_shared>>) target_semaphore(%run_scoped3A : memref<!tpu.dma_semaphore, #tpu.memory_space<semaphore_mem>>)
        %dma_wait3A_2439 = arith.constant 240 : i32
        %dma_wait3A_2440 = tpu.memref_slice %arg29[%dma_wait3A_2439] : memref<256xi32, #tpu.memory_space<vmem_shared>> -> memref<16xi32, #tpu.memory_space<vmem_shared>>
        %dma_wait3A_2441 = arith.constant 240 : i32
        %dma_wait3A_2442 = tpu.memref_slice %arg29[%dma_wait3A_2441] : memref<256xi32, #tpu.memory_space<vmem_shared>> -> memref<16xi32, #tpu.memory_space<vmem_shared>>
        tpu.wait_dma2 semaphore(%run_scoped3A : memref<!tpu.dma_semaphore, #tpu.memory_space<semaphore_mem>>) src(%arg21 : memref<16xi32, #tpu.memory_space<vmem>>) dst(%dma_wait3A_2442 : memref<16xi32, #tpu.memory_space<vmem_shared>>)
        tpu.yield
      }) : () -> ()
    } else {
    }
    %barrier3A = arith.constant 0 : index
    tpu.barrier barrier_id(%barrier3A)
    "tpu.region"() ({
      %run_scoped3A = tpu.sem_alloc : memref<!tpu.dma_semaphore, #tpu.memory_space<semaphore_mem>>
      tpu.enqueue_dma source(%arg29 : memref<256xi32, #tpu.memory_space<vmem_shared>>) target(%arg22 : memref<256xi32, #tpu.memory_space<vmem>>) target_semaphore(%run_scoped3A : memref<!tpu.dma_semaphore, #tpu.memory_space<semaphore_mem>>)
      tpu.wait_dma2 semaphore(%run_scoped3A : memref<!tpu.dma_semaphore, #tpu.memory_space<semaphore_mem>>) src(%arg29 : memref<256xi32, #tpu.memory_space<vmem_shared>>) dst(%arg22 : memref<256xi32, #tpu.memory_space<vmem>>)
      tpu.yield
    }) : () -> ()
    %broadcast_in_dim3A_265 = vector.broadcast %arg1 : i32 to vector<16xi32>
    %get3A_266 = arith.constant 0 : index
    %get3A_267 = tpu.vector_load %arg22[%get3A_266] {strides = array<i32>} : memref<256xi32, #tpu.memory_space<vmem>>, vector<16xi32>,
    %get3A_268 = vector.shape_cast %get3A_267 : vector<16xi32> to vector<16xi32>
    %gt3A_269 = arith.constant 0 : i32
    %gt3A_270 = vector.broadcast %gt3A_269 : i32 to vector<16xi32>
    %gt3A_271 = arith.cmpi sgt, %broadcast_in_dim3A_265, %gt3A_270 : vector<16xi32>
    %select_n3A_272 = arith.select %gt3A_271, %broadcast_in_dim3A_5, %broadcast_in_dim3A_7 : vector<16xi1>, vector<16xi32>
    %mul3A_273 = arith.muli %get3A_268, %select_n3A_272 : vector<16xi32>
    %add3A_274 = arith.addi %broadcast_in_dim3A_7, %mul3A_273 : vector<16xi32>
    %get3A_275 = arith.constant 16 : index
    %get3A_276 = tpu.vector_load %arg22[%get3A_275] {strides = array<i32>} : memref<256xi32, #tpu.memory_space<vmem>>, vector<16xi32>,
    %get3A_277 = vector.shape_cast %get3A_276 : vector<16xi32> to vector<16xi32>
    %gt3A_278 = arith.constant 1 : i32
    %gt3A_279 = vector.broadcast %gt3A_278 : i32 to vector<16xi32>
    %gt3A_280 = arith.cmpi sgt, %broadcast_in_dim3A_265, %gt3A_279 : vector<16xi32>
    %select_n3A_281 = arith.select %gt3A_280, %broadcast_in_dim3A_5, %broadcast_in_dim3A_7 : vector<16xi1>, vector<16xi32>
    %mul3A_282 = arith.muli %get3A_277, %select_n3A_281 : vector<16xi32>
    %add3A_283 = arith.addi %add3A_274, %mul3A_282 : vector<16xi32>
    %get3A_284 = arith.constant 32 : index
    %get3A_285 = tpu.vector_load %arg22[%get3A_284] {strides = array<i32>} : memref<256xi32, #tpu.memory_space<vmem>>, vector<16xi32>,
    %get3A_286 = vector.shape_cast %get3A_285 : vector<16xi32> to vector<16xi32>
    %gt3A_287 = arith.constant 2 : i32
    %gt3A_288 = vector.broadcast %gt3A_287 : i32 to vector<16xi32>
    %gt3A_289 = arith.cmpi sgt, %broadcast_in_dim3A_265, %gt3A_288 : vector<16xi32>
    %select_n3A_290 = arith.select %gt3A_289, %broadcast_in_dim3A_5, %broadcast_in_dim3A_7 : vector<16xi1>, vector<16xi32>
    %mul3A_291 = arith.muli %get3A_286, %select_n3A_290 : vector<16xi32>
    %add3A_292 = arith.addi %add3A_283, %mul3A_291 : vector<16xi32>
    %get3A_293 = arith.constant 48 : index
    %get3A_294 = tpu.vector_load %arg22[%get3A_293] {strides = array<i32>} : memref<256xi32, #tpu.memory_space<vmem>>, vector<16xi32>,
    %get3A_295 = vector.shape_cast %get3A_294 : vector<16xi32> to vector<16xi32>
    %gt3A_296 = arith.constant 3 : i32
    %gt3A_297 = vector.broadcast %gt3A_296 : i32 to vector<16xi32>
    %gt3A_298 = arith.cmpi sgt, %broadcast_in_dim3A_265, %gt3A_297 : vector<16xi32>
    %select_n3A_299 = arith.select %gt3A_298, %broadcast_in_dim3A_5, %broadcast_in_dim3A_7 : vector<16xi1>, vector<16xi32>
    %mul3A_300 = arith.muli %get3A_295, %select_n3A_299 : vector<16xi32>
    %add3A_301 = arith.addi %add3A_292, %mul3A_300 : vector<16xi32>
    %get3A_302 = arith.constant 64 : index
    %get3A_303 = tpu.vector_load %arg22[%get3A_302] {strides = array<i32>} : memref<256xi32, #tpu.memory_space<vmem>>, vector<16xi32>,
    %get3A_304 = vector.shape_cast %get3A_303 : vector<16xi32> to vector<16xi32>
    %gt3A_305 = arith.constant 4 : i32
    %gt3A_306 = vector.broadcast %gt3A_305 : i32 to vector<16xi32>
    %gt3A_307 = arith.cmpi sgt, %broadcast_in_dim3A_265, %gt3A_306 : vector<16xi32>
    %select_n3A_308 = arith.select %gt3A_307, %broadcast_in_dim3A_5, %broadcast_in_dim3A_7 : vector<16xi1>, vector<16xi32>
    %mul3A_309 = arith.muli %get3A_304, %select_n3A_308 : vector<16xi32>
    %add3A_310 = arith.addi %add3A_301, %mul3A_309 : vector<16xi32>
    %get3A_311 = arith.constant 80 : index
    %get3A_312 = tpu.vector_load %arg22[%get3A_311] {strides = array<i32>} : memref<256xi32, #tpu.memory_space<vmem>>, vector<16xi32>,
    %get3A_313 = vector.shape_cast %get3A_312 : vector<16xi32> to vector<16xi32>
    %gt3A_314 = arith.constant 5 : i32
    %gt3A_315 = vector.broadcast %gt3A_314 : i32 to vector<16xi32>
    %gt3A_316 = arith.cmpi sgt, %broadcast_in_dim3A_265, %gt3A_315 : vector<16xi32>
    %select_n3A_317 = arith.select %gt3A_316, %broadcast_in_dim3A_5, %broadcast_in_dim3A_7 : vector<16xi1>, vector<16xi32>
    %mul3A_318 = arith.muli %get3A_313, %select_n3A_317 : vector<16xi32>
    %add3A_319 = arith.addi %add3A_310, %mul3A_318 : vector<16xi32>
    %get3A_320 = arith.constant 96 : index
    %get3A_321 = tpu.vector_load %arg22[%get3A_320] {strides = array<i32>} : memref<256xi32, #tpu.memory_space<vmem>>, vector<16xi32>,
    %get3A_322 = vector.shape_cast %get3A_321 : vector<16xi32> to vector<16xi32>
    %gt3A_323 = arith.constant 6 : i32
    %gt3A_324 = vector.broadcast %gt3A_323 : i32 to vector<16xi32>
    %gt3A_325 = arith.cmpi sgt, %broadcast_in_dim3A_265, %gt3A_324 : vector<16xi32>
    %select_n3A_326 = arith.select %gt3A_325, %broadcast_in_dim3A_5, %broadcast_in_dim3A_7 : vector<16xi1>, vector<16xi32>
    %mul3A_327 = arith.muli %get3A_322, %select_n3A_326 : vector<16xi32>
    %add3A_328 = arith.addi %add3A_319, %mul3A_327 : vector<16xi32>
    %get3A_329 = arith.constant 112 : index
    %get3A_330 = tpu.vector_load %arg22[%get3A_329] {strides = array<i32>} : memref<256xi32, #tpu.memory_space<vmem>>, vector<16xi32>,
    %get3A_331 = vector.shape_cast %get3A_330 : vector<16xi32> to vector<16xi32>
    %gt3A_332 = arith.constant 7 : i32
    %gt3A_333 = vector.broadcast %gt3A_332 : i32 to vector<16xi32>
    %gt3A_334 = arith.cmpi sgt, %broadcast_in_dim3A_265, %gt3A_333 : vector<16xi32>
    %select_n3A_335 = arith.select %gt3A_334, %broadcast_in_dim3A_5, %broadcast_in_dim3A_7 : vector<16xi1>, vector<16xi32>
    %mul3A_336 = arith.muli %get3A_331, %select_n3A_335 : vector<16xi32>
    %add3A_337 = arith.addi %add3A_328, %mul3A_336 : vector<16xi32>
    %get3A_338 = arith.constant 128 : index
    %get3A_339 = tpu.vector_load %arg22[%get3A_338] {strides = array<i32>} : memref<256xi32, #tpu.memory_space<vmem>>, vector<16xi32>,
    %get3A_340 = vector.shape_cast %get3A_339 : vector<16xi32> to vector<16xi32>
    %gt3A_341 = arith.constant 8 : i32
    %gt3A_342 = vector.broadcast %gt3A_341 : i32 to vector<16xi32>
    %gt3A_343 = arith.cmpi sgt, %broadcast_in_dim3A_265, %gt3A_342 : vector<16xi32>
    %select_n3A_344 = arith.select %gt3A_343, %broadcast_in_dim3A_5, %broadcast_in_dim3A_7 : vector<16xi1>, vector<16xi32>
    %mul3A_345 = arith.muli %get3A_340, %select_n3A_344 : vector<16xi32>
    %add3A_346 = arith.addi %add3A_337, %mul3A_345 : vector<16xi32>
    %get3A_347 = arith.constant 144 : index
    %get3A_348 = tpu.vector_load %arg22[%get3A_347] {strides = array<i32>} : memref<256xi32, #tpu.memory_space<vmem>>, vector<16xi32>,
    %get3A_349 = vector.shape_cast %get3A_348 : vector<16xi32> to vector<16xi32>
    %gt3A_350 = arith.constant 9 : i32
    %gt3A_351 = vector.broadcast %gt3A_350 : i32 to vector<16xi32>
    %gt3A_352 = arith.cmpi sgt, %broadcast_in_dim3A_265, %gt3A_351 : vector<16xi32>
    %select_n3A_353 = arith.select %gt3A_352, %broadcast_in_dim3A_5, %broadcast_in_dim3A_7 : vector<16xi1>, vector<16xi32>
    %mul3A_354 = arith.muli %get3A_349, %select_n3A_353 : vector<16xi32>
    %add3A_355 = arith.addi %add3A_346, %mul3A_354 : vector<16xi32>
    %get3A_356 = arith.constant 160 : index
    %get3A_357 = tpu.vector_load %arg22[%get3A_356] {strides = array<i32>} : memref<256xi32, #tpu.memory_space<vmem>>, vector<16xi32>,
    %get3A_358 = vector.shape_cast %get3A_357 : vector<16xi32> to vector<16xi32>
    %gt3A_359 = arith.constant 10 : i32
    %gt3A_360 = vector.broadcast %gt3A_359 : i32 to vector<16xi32>
    %gt3A_361 = arith.cmpi sgt, %broadcast_in_dim3A_265, %gt3A_360 : vector<16xi32>
    %select_n3A_362 = arith.select %gt3A_361, %broadcast_in_dim3A_5, %broadcast_in_dim3A_7 : vector<16xi1>, vector<16xi32>
    %mul3A_363 = arith.muli %get3A_358, %select_n3A_362 : vector<16xi32>
    %add3A_364 = arith.addi %add3A_355, %mul3A_363 : vector<16xi32>
    %get3A_365 = arith.constant 176 : index
    %get3A_366 = tpu.vector_load %arg22[%get3A_365] {strides = array<i32>} : memref<256xi32, #tpu.memory_space<vmem>>, vector<16xi32>,
    %get3A_367 = vector.shape_cast %get3A_366 : vector<16xi32> to vector<16xi32>
    %gt3A_368 = arith.constant 11 : i32
    %gt3A_369 = vector.broadcast %gt3A_368 : i32 to vector<16xi32>
    %gt3A_370 = arith.cmpi sgt, %broadcast_in_dim3A_265, %gt3A_369 : vector<16xi32>
    %select_n3A_371 = arith.select %gt3A_370, %broadcast_in_dim3A_5, %broadcast_in_dim3A_7 : vector<16xi1>, vector<16xi32>
    %mul3A_372 = arith.muli %get3A_367, %select_n3A_371 : vector<16xi32>
    %add3A_373 = arith.addi %add3A_364, %mul3A_372 : vector<16xi32>
    %get3A_374 = arith.constant 192 : index
    %get3A_375 = tpu.vector_load %arg22[%get3A_374] {strides = array<i32>} : memref<256xi32, #tpu.memory_space<vmem>>, vector<16xi32>,
    %get3A_376 = vector.shape_cast %get3A_375 : vector<16xi32> to vector<16xi32>
    %gt3A_377 = arith.constant 12 : i32
    %gt3A_378 = vector.broadcast %gt3A_377 : i32 to vector<16xi32>
    %gt3A_379 = arith.cmpi sgt, %broadcast_in_dim3A_265, %gt3A_378 : vector<16xi32>
    %select_n3A_380 = arith.select %gt3A_379, %broadcast_in_dim3A_5, %broadcast_in_dim3A_7 : vector<16xi1>, vector<16xi32>
    %mul3A_381 = arith.muli %get3A_376, %select_n3A_380 : vector<16xi32>
    %add3A_382 = arith.addi %add3A_373, %mul3A_381 : vector<16xi32>
    %get3A_383 = arith.constant 208 : index
    %get3A_384 = tpu.vector_load %arg22[%get3A_383] {strides = array<i32>} : memref<256xi32, #tpu.memory_space<vmem>>, vector<16xi32>,
    %get3A_385 = vector.shape_cast %get3A_384 : vector<16xi32> to vector<16xi32>
    %gt3A_386 = arith.constant 13 : i32
    %gt3A_387 = vector.broadcast %gt3A_386 : i32 to vector<16xi32>
    %gt3A_388 = arith.cmpi sgt, %broadcast_in_dim3A_265, %gt3A_387 : vector<16xi32>
    %select_n3A_389 = arith.select %gt3A_388, %broadcast_in_dim3A_5, %broadcast_in_dim3A_7 : vector<16xi1>, vector<16xi32>
    %mul3A_390 = arith.muli %get3A_385, %select_n3A_389 : vector<16xi32>
    %add3A_391 = arith.addi %add3A_382, %mul3A_390 : vector<16xi32>
    %get3A_392 = arith.constant 224 : index
    %get3A_393 = tpu.vector_load %arg22[%get3A_392] {strides = array<i32>} : memref<256xi32, #tpu.memory_space<vmem>>, vector<16xi32>,
    %get3A_394 = vector.shape_cast %get3A_393 : vector<16xi32> to vector<16xi32>
    %gt3A_395 = arith.constant 14 : i32
    %gt3A_396 = vector.broadcast %gt3A_395 : i32 to vector<16xi32>
    %gt3A_397 = arith.cmpi sgt, %broadcast_in_dim3A_265, %gt3A_396 : vector<16xi32>
    %select_n3A_398 = arith.select %gt3A_397, %broadcast_in_dim3A_5, %broadcast_in_dim3A_7 : vector<16xi1>, vector<16xi32>
    %mul3A_399 = arith.muli %get3A_394, %select_n3A_398 : vector<16xi32>
    %add3A_400 = arith.addi %add3A_391, %mul3A_399 : vector<16xi32>
    %get3A_401 = arith.constant 240 : index
    %get3A_402 = tpu.vector_load %arg22[%get3A_401] {strides = array<i32>} : memref<256xi32, #tpu.memory_space<vmem>>, vector<16xi32>,
    %get3A_403 = vector.shape_cast %get3A_402 : vector<16xi32> to vector<16xi32>
    %gt3A_404 = arith.constant 15 : i32
    %gt3A_405 = vector.broadcast %gt3A_404 : i32 to vector<16xi32>
    %gt3A_406 = arith.cmpi sgt, %broadcast_in_dim3A_265, %gt3A_405 : vector<16xi32>
    %select_n3A_407 = arith.select %gt3A_406, %broadcast_in_dim3A_5, %broadcast_in_dim3A_7 : vector<16xi1>, vector<16xi32>
    %mul3A_408 = arith.muli %get3A_403, %select_n3A_407 : vector<16xi32>
    %add3A_409 = arith.addi %add3A_400, %mul3A_408 : vector<16xi32>
    %add3A_410 = arith.addi %add3A_409, %add3A_180 : vector<16xi32>
    %get3A_411 = arith.constant 0 : index
    %get3A_412 = tpu.vector_load %arg19[%get3A_411] {strides = array<i32>} : memref<1280xi32, #tpu.memory_space<vmem>>, vector<16xi32>,
    %get3A_413 = vector.shape_cast %get3A_412 : vector<16xi32> to vector<16xi32>
    %broadcast_in_dim3A_414 = arith.constant 1024 : i32
    %broadcast_in_dim3A_415 = vector.broadcast %broadcast_in_dim3A_414 : i32 to vector<16xi32>
    %add3A_416 = arith.addi %broadcast_in_dim3A_415, %iota3A : vector<16xi32>
    %lt3A_417 = arith.cmpi slt, %get3A_413, %broadcast_in_dim3A_35 : vector<16xi32>
    %add3A_418 = arith.addi %add3A_410, %get3A_413 : vector<16xi32>
    %select_n3A_419 = arith.select %lt3A_417, %add3A_418, %add3A_416 : vector<16xi1>, vector<16xi32>
    %swap3A_420 = arith.constant 0 : i32
    %swap3A_421 = arith.index_cast %swap3A_420 : i32 to index
    %swap3A_422 = arith.constant 0 : index
    %swap3A_423 = tpu.vector_load %arg20[%swap3A_421, %swap3A_422] {strides = array<i32>} : memref<10x128xi32, #tpu.memory_space<vmem>>, vector<1x16xi32>,
    %swap3A_424 = vector.shape_cast %swap3A_423 : vector<1x16xi32> to vector<16xi32>
    %swap3A_425 = vector.shape_cast %select_n3A_419 : vector<16xi32> to vector<1x16xi32>
    tpu.vector_store %arg20[%swap3A_421, %swap3A_422], %swap3A_425 {strides = array<i32>} : memref<10x128xi32, #tpu.memory_space<vmem>>, vector<1x16xi32>,
    %get3A_426 = arith.constant 16 : index
    %get3A_427 = tpu.vector_load %arg19[%get3A_426] {strides = array<i32>} : memref<1280xi32, #tpu.memory_space<vmem>>, vector<16xi32>,
    %get3A_428 = vector.shape_cast %get3A_427 : vector<16xi32> to vector<16xi32>
    %broadcast_in_dim3A_429 = arith.constant 1040 : i32
    %broadcast_in_dim3A_430 = vector.broadcast %broadcast_in_dim3A_429 : i32 to vector<16xi32>
    %add3A_431 = arith.addi %broadcast_in_dim3A_430, %iota3A : vector<16xi32>
    %lt3A_432 = arith.cmpi slt, %get3A_428, %broadcast_in_dim3A_35 : vector<16xi32>
    %add3A_433 = arith.addi %add3A_410, %get3A_428 : vector<16xi32>
    %select_n3A_434 = arith.select %lt3A_432, %add3A_433, %add3A_431 : vector<16xi1>, vector<16xi32>
    %swap3A_435 = arith.constant 0 : i32
    %swap3A_436 = arith.index_cast %swap3A_435 : i32 to index
    %swap3A_437 = arith.constant 16 : index
    %swap3A_438 = tpu.vector_load %arg20[%swap3A_436, %swap3A_437] {strides = array<i32>} : memref<10x128xi32, #tpu.memory_space<vmem>>, vector<1x16xi32>,
    %swap3A_439 = vector.shape_cast %swap3A_438 : vector<1x16xi32> to vector<16xi32>
    %swap3A_440 = vector.shape_cast %select_n3A_434 : vector<16xi32> to vector<1x16xi32>
    tpu.vector_store %arg20[%swap3A_436, %swap3A_437], %swap3A_440 {strides = array<i32>} : memref<10x128xi32, #tpu.memory_space<vmem>>, vector<1x16xi32>,
    %get3A_441 = arith.constant 32 : index
    %get3A_442 = tpu.vector_load %arg19[%get3A_441] {strides = array<i32>} : memref<1280xi32, #tpu.memory_space<vmem>>, vector<16xi32>,
    %get3A_443 = vector.shape_cast %get3A_442 : vector<16xi32> to vector<16xi32>
    %broadcast_in_dim3A_444 = arith.constant 1056 : i32
    %broadcast_in_dim3A_445 = vector.broadcast %broadcast_in_dim3A_444 : i32 to vector<16xi32>
    %add3A_446 = arith.addi %broadcast_in_dim3A_445, %iota3A : vector<16xi32>
    %lt3A_447 = arith.cmpi slt, %get3A_443, %broadcast_in_dim3A_35 : vector<16xi32>
    %add3A_448 = arith.addi %add3A_410, %get3A_443 : vector<16xi32>
    %select_n3A_449 = arith.select %lt3A_447, %add3A_448, %add3A_446 : vector<16xi1>, vector<16xi32>
    %swap3A_450 = arith.constant 0 : i32
    %swap3A_451 = arith.index_cast %swap3A_450 : i32 to index
    %swap3A_452 = arith.constant 32 : index
    %swap3A_453 = tpu.vector_load %arg20[%swap3A_451, %swap3A_452] {strides = array<i32>} : memref<10x128xi32, #tpu.memory_space<vmem>>, vector<1x16xi32>,
    %swap3A_454 = vector.shape_cast %swap3A_453 : vector<1x16xi32> to vector<16xi32>
    %swap3A_455 = vector.shape_cast %select_n3A_449 : vector<16xi32> to vector<1x16xi32>
    tpu.vector_store %arg20[%swap3A_451, %swap3A_452], %swap3A_455 {strides = array<i32>} : memref<10x128xi32, #tpu.memory_space<vmem>>, vector<1x16xi32>,
    %get3A_456 = arith.constant 48 : index
    %get3A_457 = tpu.vector_load %arg19[%get3A_456] {strides = array<i32>} : memref<1280xi32, #tpu.memory_space<vmem>>, vector<16xi32>,
    %get3A_458 = vector.shape_cast %get3A_457 : vector<16xi32> to vector<16xi32>
    %broadcast_in_dim3A_459 = arith.constant 1072 : i32
    %broadcast_in_dim3A_460 = vector.broadcast %broadcast_in_dim3A_459 : i32 to vector<16xi32>
    %add3A_461 = arith.addi %broadcast_in_dim3A_460, %iota3A : vector<16xi32>
    %lt3A_462 = arith.cmpi slt, %get3A_458, %broadcast_in_dim3A_35 : vector<16xi32>
    %add3A_463 = arith.addi %add3A_410, %get3A_458 : vector<16xi32>
    %select_n3A_464 = arith.select %lt3A_462, %add3A_463, %add3A_461 : vector<16xi1>, vector<16xi32>
    %swap3A_465 = arith.constant 0 : i32
    %swap3A_466 = arith.index_cast %swap3A_465 : i32 to index
    %swap3A_467 = arith.constant 48 : index
    %swap3A_468 = tpu.vector_load %arg20[%swap3A_466, %swap3A_467] {strides = array<i32>} : memref<10x128xi32, #tpu.memory_space<vmem>>, vector<1x16xi32>,
    %swap3A_469 = vector.shape_cast %swap3A_468 : vector<1x16xi32> to vector<16xi32>
    %swap3A_470 = vector.shape_cast %select_n3A_464 : vector<16xi32> to vector<1x16xi32>
    tpu.vector_store %arg20[%swap3A_466, %swap3A_467], %swap3A_470 {strides = array<i32>} : memref<10x128xi32, #tpu.memory_space<vmem>>, vector<1x16xi32>,
    %get3A_471 = arith.constant 64 : index
    %get3A_472 = tpu.vector_load %arg19[%get3A_471] {strides = array<i32>} : memref<1280xi32, #tpu.memory_space<vmem>>, vector<16xi32>,
    %get3A_473 = vector.shape_cast %get3A_472 : vector<16xi32> to vector<16xi32>
    %broadcast_in_dim3A_474 = arith.constant 1088 : i32
    %broadcast_in_dim3A_475 = vector.broadcast %broadcast_in_dim3A_474 : i32 to vector<16xi32>
    %add3A_476 = arith.addi %broadcast_in_dim3A_475, %iota3A : vector<16xi32>
    %lt3A_477 = arith.cmpi slt, %get3A_473, %broadcast_in_dim3A_35 : vector<16xi32>
    %add3A_478 = arith.addi %add3A_410, %get3A_473 : vector<16xi32>
    %select_n3A_479 = arith.select %lt3A_477, %add3A_478, %add3A_476 : vector<16xi1>, vector<16xi32>
    %swap3A_480 = arith.constant 0 : i32
    %swap3A_481 = arith.index_cast %swap3A_480 : i32 to index
    %swap3A_482 = arith.constant 64 : index
    %swap3A_483 = tpu.vector_load %arg20[%swap3A_481, %swap3A_482] {strides = array<i32>} : memref<10x128xi32, #tpu.memory_space<vmem>>, vector<1x16xi32>,
    %swap3A_484 = vector.shape_cast %swap3A_483 : vector<1x16xi32> to vector<16xi32>
    %swap3A_485 = vector.shape_cast %select_n3A_479 : vector<16xi32> to vector<1x16xi32>
    tpu.vector_store %arg20[%swap3A_481, %swap3A_482], %swap3A_485 {strides = array<i32>} : memref<10x128xi32, #tpu.memory_space<vmem>>, vector<1x16xi32>,
    %get3A_486 = arith.constant 80 : index
    %get3A_487 = tpu.vector_load %arg19[%get3A_486] {strides = array<i32>} : memref<1280xi32, #tpu.memory_space<vmem>>, vector<16xi32>,
    %get3A_488 = vector.shape_cast %get3A_487 : vector<16xi32> to vector<16xi32>
    %broadcast_in_dim3A_489 = arith.constant 1104 : i32
    %broadcast_in_dim3A_490 = vector.broadcast %broadcast_in_dim3A_489 : i32 to vector<16xi32>
    %add3A_491 = arith.addi %broadcast_in_dim3A_490, %iota3A : vector<16xi32>
    %lt3A_492 = arith.cmpi slt, %get3A_488, %broadcast_in_dim3A_35 : vector<16xi32>
    %add3A_493 = arith.addi %add3A_410, %get3A_488 : vector<16xi32>
    %select_n3A_494 = arith.select %lt3A_492, %add3A_493, %add3A_491 : vector<16xi1>, vector<16xi32>
    %swap3A_495 = arith.constant 0 : i32
    %swap3A_496 = arith.index_cast %swap3A_495 : i32 to index
    %swap3A_497 = arith.constant 80 : index
    %swap3A_498 = tpu.vector_load %arg20[%swap3A_496, %swap3A_497] {strides = array<i32>} : memref<10x128xi32, #tpu.memory_space<vmem>>, vector<1x16xi32>,
    %swap3A_499 = vector.shape_cast %swap3A_498 : vector<1x16xi32> to vector<16xi32>
    %swap3A_500 = vector.shape_cast %select_n3A_494 : vector<16xi32> to vector<1x16xi32>
    tpu.vector_store %arg20[%swap3A_496, %swap3A_497], %swap3A_500 {strides = array<i32>} : memref<10x128xi32, #tpu.memory_space<vmem>>, vector<1x16xi32>,
    %get3A_501 = arith.constant 96 : index
    %get3A_502 = tpu.vector_load %arg19[%get3A_501] {strides = array<i32>} : memref<1280xi32, #tpu.memory_space<vmem>>, vector<16xi32>,
    %get3A_503 = vector.shape_cast %get3A_502 : vector<16xi32> to vector<16xi32>
    %broadcast_in_dim3A_504 = arith.constant 1120 : i32
    %broadcast_in_dim3A_505 = vector.broadcast %broadcast_in_dim3A_504 : i32 to vector<16xi32>
    %add3A_506 = arith.addi %broadcast_in_dim3A_505, %iota3A : vector<16xi32>
    %lt3A_507 = arith.cmpi slt, %get3A_503, %broadcast_in_dim3A_35 : vector<16xi32>
    %add3A_508 = arith.addi %add3A_410, %get3A_503 : vector<16xi32>
    %select_n3A_509 = arith.select %lt3A_507, %add3A_508, %add3A_506 : vector<16xi1>, vector<16xi32>
    %swap3A_510 = arith.constant 0 : i32
    %swap3A_511 = arith.index_cast %swap3A_510 : i32 to index
    %swap3A_512 = arith.constant 96 : index
    %swap3A_513 = tpu.vector_load %arg20[%swap3A_511, %swap3A_512] {strides = array<i32>} : memref<10x128xi32, #tpu.memory_space<vmem>>, vector<1x16xi32>,
    %swap3A_514 = vector.shape_cast %swap3A_513 : vector<1x16xi32> to vector<16xi32>
    %swap3A_515 = vector.shape_cast %select_n3A_509 : vector<16xi32> to vector<1x16xi32>
    tpu.vector_store %arg20[%swap3A_511, %swap3A_512], %swap3A_515 {strides = array<i32>} : memref<10x128xi32, #tpu.memory_space<vmem>>, vector<1x16xi32>,
    %get3A_516 = arith.constant 112 : index
    %get3A_517 = tpu.vector_load %arg19[%get3A_516] {strides = array<i32>} : memref<1280xi32, #tpu.memory_space<vmem>>, vector<16xi32>,
    %get3A_518 = vector.shape_cast %get3A_517 : vector<16xi32> to vector<16xi32>
    %broadcast_in_dim3A_519 = arith.constant 1136 : i32
    %broadcast_in_dim3A_520 = vector.broadcast %broadcast_in_dim3A_519 : i32 to vector<16xi32>
    %add3A_521 = arith.addi %broadcast_in_dim3A_520, %iota3A : vector<16xi32>
    %lt3A_522 = arith.cmpi slt, %get3A_518, %broadcast_in_dim3A_35 : vector<16xi32>
    %add3A_523 = arith.addi %add3A_410, %get3A_518 : vector<16xi32>
    %select_n3A_524 = arith.select %lt3A_522, %add3A_523, %add3A_521 : vector<16xi1>, vector<16xi32>
    %swap3A_525 = arith.constant 0 : i32
    %swap3A_526 = arith.index_cast %swap3A_525 : i32 to index
    %swap3A_527 = arith.constant 112 : index
    %swap3A_528 = tpu.vector_load %arg20[%swap3A_526, %swap3A_527] {strides = array<i32>} : memref<10x128xi32, #tpu.memory_space<vmem>>, vector<1x16xi32>,
    %swap3A_529 = vector.shape_cast %swap3A_528 : vector<1x16xi32> to vector<16xi32>
    %swap3A_530 = vector.shape_cast %select_n3A_524 : vector<16xi32> to vector<1x16xi32>
    tpu.vector_store %arg20[%swap3A_526, %swap3A_527], %swap3A_530 {strides = array<i32>} : memref<10x128xi32, #tpu.memory_space<vmem>>, vector<1x16xi32>,
    %get3A_531 = arith.constant 128 : index
    %get3A_532 = tpu.vector_load %arg19[%get3A_531] {strides = array<i32>} : memref<1280xi32, #tpu.memory_space<vmem>>, vector<16xi32>,
    %get3A_533 = vector.shape_cast %get3A_532 : vector<16xi32> to vector<16xi32>
    %broadcast_in_dim3A_534 = arith.constant 1152 : i32
    %broadcast_in_dim3A_535 = vector.broadcast %broadcast_in_dim3A_534 : i32 to vector<16xi32>
    %add3A_536 = arith.addi %broadcast_in_dim3A_535, %iota3A : vector<16xi32>
    %lt3A_537 = arith.cmpi slt, %get3A_533, %broadcast_in_dim3A_35 : vector<16xi32>
    %add3A_538 = arith.addi %add3A_410, %get3A_533 : vector<16xi32>
    %select_n3A_539 = arith.select %lt3A_537, %add3A_538, %add3A_536 : vector<16xi1>, vector<16xi32>
    %swap3A_540 = arith.constant 1 : i32
    %swap3A_541 = arith.index_cast %swap3A_540 : i32 to index
    %swap3A_542 = arith.constant 0 : index
    %swap3A_543 = tpu.vector_load %arg20[%swap3A_541, %swap3A_542] {strides = array<i32>} : memref<10x128xi32, #tpu.memory_space<vmem>>, vector<1x16xi32>,
    %swap3A_544 = vector.shape_cast %swap3A_543 : vector<1x16xi32> to vector<16xi32>
    %swap3A_545 = vector.shape_cast %select_n3A_539 : vector<16xi32> to vector<1x16xi32>
    tpu.vector_store %arg20[%swap3A_541, %swap3A_542], %swap3A_545 {strides = array<i32>} : memref<10x128xi32, #tpu.memory_space<vmem>>, vector<1x16xi32>,
    %get3A_546 = arith.constant 144 : index
    %get3A_547 = tpu.vector_load %arg19[%get3A_546] {strides = array<i32>} : memref<1280xi32, #tpu.memory_space<vmem>>, vector<16xi32>,
    %get3A_548 = vector.shape_cast %get3A_547 : vector<16xi32> to vector<16xi32>
    %broadcast_in_dim3A_549 = arith.constant 1168 : i32
    %broadcast_in_dim3A_550 = vector.broadcast %broadcast_in_dim3A_549 : i32 to vector<16xi32>
    %add3A_551 = arith.addi %broadcast_in_dim3A_550, %iota3A : vector<16xi32>
    %lt3A_552 = arith.cmpi slt, %get3A_548, %broadcast_in_dim3A_35 : vector<16xi32>
    %add3A_553 = arith.addi %add3A_410, %get3A_548 : vector<16xi32>
    %select_n3A_554 = arith.select %lt3A_552, %add3A_553, %add3A_551 : vector<16xi1>, vector<16xi32>
    %swap3A_555 = arith.constant 1 : i32
    %swap3A_556 = arith.index_cast %swap3A_555 : i32 to index
    %swap3A_557 = arith.constant 16 : index
    %swap3A_558 = tpu.vector_load %arg20[%swap3A_556, %swap3A_557] {strides = array<i32>} : memref<10x128xi32, #tpu.memory_space<vmem>>, vector<1x16xi32>,
    %swap3A_559 = vector.shape_cast %swap3A_558 : vector<1x16xi32> to vector<16xi32>
    %swap3A_560 = vector.shape_cast %select_n3A_554 : vector<16xi32> to vector<1x16xi32>
    tpu.vector_store %arg20[%swap3A_556, %swap3A_557], %swap3A_560 {strides = array<i32>} : memref<10x128xi32, #tpu.memory_space<vmem>>, vector<1x16xi32>,
    %get3A_561 = arith.constant 160 : index
    %get3A_562 = tpu.vector_load %arg19[%get3A_561] {strides = array<i32>} : memref<1280xi32, #tpu.memory_space<vmem>>, vector<16xi32>,
    %get3A_563 = vector.shape_cast %get3A_562 : vector<16xi32> to vector<16xi32>
    %broadcast_in_dim3A_564 = arith.constant 1184 : i32
    %broadcast_in_dim3A_565 = vector.broadcast %broadcast_in_dim3A_564 : i32 to vector<16xi32>
    %add3A_566 = arith.addi %broadcast_in_dim3A_565, %iota3A : vector<16xi32>
    %lt3A_567 = arith.cmpi slt, %get3A_563, %broadcast_in_dim3A_35 : vector<16xi32>
    %add3A_568 = arith.addi %add3A_410, %get3A_563 : vector<16xi32>
    %select_n3A_569 = arith.select %lt3A_567, %add3A_568, %add3A_566 : vector<16xi1>, vector<16xi32>
    %swap3A_570 = arith.constant 1 : i32
    %swap3A_571 = arith.index_cast %swap3A_570 : i32 to index
    %swap3A_572 = arith.constant 32 : index
    %swap3A_573 = tpu.vector_load %arg20[%swap3A_571, %swap3A_572] {strides = array<i32>} : memref<10x128xi32, #tpu.memory_space<vmem>>, vector<1x16xi32>,
    %swap3A_574 = vector.shape_cast %swap3A_573 : vector<1x16xi32> to vector<16xi32>
    %swap3A_575 = vector.shape_cast %select_n3A_569 : vector<16xi32> to vector<1x16xi32>
    tpu.vector_store %arg20[%swap3A_571, %swap3A_572], %swap3A_575 {strides = array<i32>} : memref<10x128xi32, #tpu.memory_space<vmem>>, vector<1x16xi32>,
    %get3A_576 = arith.constant 176 : index
    %get3A_577 = tpu.vector_load %arg19[%get3A_576] {strides = array<i32>} : memref<1280xi32, #tpu.memory_space<vmem>>, vector<16xi32>,
    %get3A_578 = vector.shape_cast %get3A_577 : vector<16xi32> to vector<16xi32>
    %broadcast_in_dim3A_579 = arith.constant 1200 : i32
    %broadcast_in_dim3A_580 = vector.broadcast %broadcast_in_dim3A_579 : i32 to vector<16xi32>
    %add3A_581 = arith.addi %broadcast_in_dim3A_580, %iota3A : vector<16xi32>
    %lt3A_582 = arith.cmpi slt, %get3A_578, %broadcast_in_dim3A_35 : vector<16xi32>
    %add3A_583 = arith.addi %add3A_410, %get3A_578 : vector<16xi32>
    %select_n3A_584 = arith.select %lt3A_582, %add3A_583, %add3A_581 : vector<16xi1>, vector<16xi32>
    %swap3A_585 = arith.constant 1 : i32
    %swap3A_586 = arith.index_cast %swap3A_585 : i32 to index
    %swap3A_587 = arith.constant 48 : index
    %swap3A_588 = tpu.vector_load %arg20[%swap3A_586, %swap3A_587] {strides = array<i32>} : memref<10x128xi32, #tpu.memory_space<vmem>>, vector<1x16xi32>,
    %swap3A_589 = vector.shape_cast %swap3A_588 : vector<1x16xi32> to vector<16xi32>
    %swap3A_590 = vector.shape_cast %select_n3A_584 : vector<16xi32> to vector<1x16xi32>
    tpu.vector_store %arg20[%swap3A_586, %swap3A_587], %swap3A_590 {strides = array<i32>} : memref<10x128xi32, #tpu.memory_space<vmem>>, vector<1x16xi32>,
    %get3A_591 = arith.constant 192 : index
    %get3A_592 = tpu.vector_load %arg19[%get3A_591] {strides = array<i32>} : memref<1280xi32, #tpu.memory_space<vmem>>, vector<16xi32>,
    %get3A_593 = vector.shape_cast %get3A_592 : vector<16xi32> to vector<16xi32>
    %broadcast_in_dim3A_594 = arith.constant 1216 : i32
    %broadcast_in_dim3A_595 = vector.broadcast %broadcast_in_dim3A_594 : i32 to vector<16xi32>
    %add3A_596 = arith.addi %broadcast_in_dim3A_595, %iota3A : vector<16xi32>
    %lt3A_597 = arith.cmpi slt, %get3A_593, %broadcast_in_dim3A_35 : vector<16xi32>
    %add3A_598 = arith.addi %add3A_410, %get3A_593 : vector<16xi32>
    %select_n3A_599 = arith.select %lt3A_597, %add3A_598, %add3A_596 : vector<16xi1>, vector<16xi32>
    %swap3A_600 = arith.constant 1 : i32
    %swap3A_601 = arith.index_cast %swap3A_600 : i32 to index
    %swap3A_602 = arith.constant 64 : index
    %swap3A_603 = tpu.vector_load %arg20[%swap3A_601, %swap3A_602] {strides = array<i32>} : memref<10x128xi32, #tpu.memory_space<vmem>>, vector<1x16xi32>,
    %swap3A_604 = vector.shape_cast %swap3A_603 : vector<1x16xi32> to vector<16xi32>
    %swap3A_605 = vector.shape_cast %select_n3A_599 : vector<16xi32> to vector<1x16xi32>
    tpu.vector_store %arg20[%swap3A_601, %swap3A_602], %swap3A_605 {strides = array<i32>} : memref<10x128xi32, #tpu.memory_space<vmem>>, vector<1x16xi32>,
    %get3A_606 = arith.constant 208 : index
    %get3A_607 = tpu.vector_load %arg19[%get3A_606] {strides = array<i32>} : memref<1280xi32, #tpu.memory_space<vmem>>, vector<16xi32>,
    %get3A_608 = vector.shape_cast %get3A_607 : vector<16xi32> to vector<16xi32>
    %broadcast_in_dim3A_609 = arith.constant 1232 : i32
    %broadcast_in_dim3A_610 = vector.broadcast %broadcast_in_dim3A_609 : i32 to vector<16xi32>
    %add3A_611 = arith.addi %broadcast_in_dim3A_610, %iota3A : vector<16xi32>
    %lt3A_612 = arith.cmpi slt, %get3A_608, %broadcast_in_dim3A_35 : vector<16xi32>
    %add3A_613 = arith.addi %add3A_410, %get3A_608 : vector<16xi32>
    %select_n3A_614 = arith.select %lt3A_612, %add3A_613, %add3A_611 : vector<16xi1>, vector<16xi32>
    %swap3A_615 = arith.constant 1 : i32
    %swap3A_616 = arith.index_cast %swap3A_615 : i32 to index
    %swap3A_617 = arith.constant 80 : index
    %swap3A_618 = tpu.vector_load %arg20[%swap3A_616, %swap3A_617] {strides = array<i32>} : memref<10x128xi32, #tpu.memory_space<vmem>>, vector<1x16xi32>,
    %swap3A_619 = vector.shape_cast %swap3A_618 : vector<1x16xi32> to vector<16xi32>
    %swap3A_620 = vector.shape_cast %select_n3A_614 : vector<16xi32> to vector<1x16xi32>
    tpu.vector_store %arg20[%swap3A_616, %swap3A_617], %swap3A_620 {strides = array<i32>} : memref<10x128xi32, #tpu.memory_space<vmem>>, vector<1x16xi32>,
    %get3A_621 = arith.constant 224 : index
    %get3A_622 = tpu.vector_load %arg19[%get3A_621] {strides = array<i32>} : memref<1280xi32, #tpu.memory_space<vmem>>, vector<16xi32>,
    %get3A_623 = vector.shape_cast %get3A_622 : vector<16xi32> to vector<16xi32>
    %broadcast_in_dim3A_624 = arith.constant 1248 : i32
    %broadcast_in_dim3A_625 = vector.broadcast %broadcast_in_dim3A_624 : i32 to vector<16xi32>
    %add3A_626 = arith.addi %broadcast_in_dim3A_625, %iota3A : vector<16xi32>
    %lt3A_627 = arith.cmpi slt, %get3A_623, %broadcast_in_dim3A_35 : vector<16xi32>
    %add3A_628 = arith.addi %add3A_410, %get3A_623 : vector<16xi32>
    %select_n3A_629 = arith.select %lt3A_627, %add3A_628, %add3A_626 : vector<16xi1>, vector<16xi32>
    %swap3A_630 = arith.constant 1 : i32
    %swap3A_631 = arith.index_cast %swap3A_630 : i32 to index
    %swap3A_632 = arith.constant 96 : index
    %swap3A_633 = tpu.vector_load %arg20[%swap3A_631, %swap3A_632] {strides = array<i32>} : memref<10x128xi32, #tpu.memory_space<vmem>>, vector<1x16xi32>,
    %swap3A_634 = vector.shape_cast %swap3A_633 : vector<1x16xi32> to vector<16xi32>
    %swap3A_635 = vector.shape_cast %select_n3A_629 : vector<16xi32> to vector<1x16xi32>
    tpu.vector_store %arg20[%swap3A_631, %swap3A_632], %swap3A_635 {strides = array<i32>} : memref<10x128xi32, #tpu.memory_space<vmem>>, vector<1x16xi32>,
    %get3A_636 = arith.constant 240 : index
    %get3A_637 = tpu.vector_load %arg19[%get3A_636] {strides = array<i32>} : memref<1280xi32, #tpu.memory_space<vmem>>, vector<16xi32>,
    %get3A_638 = vector.shape_cast %get3A_637 : vector<16xi32> to vector<16xi32>
    %broadcast_in_dim3A_639 = arith.constant 1264 : i32
    %broadcast_in_dim3A_640 = vector.broadcast %broadcast_in_dim3A_639 : i32 to vector<16xi32>
    %add3A_641 = arith.addi %broadcast_in_dim3A_640, %iota3A : vector<16xi32>
    %lt3A_642 = arith.cmpi slt, %get3A_638, %broadcast_in_dim3A_35 : vector<16xi32>
    %add3A_643 = arith.addi %add3A_410, %get3A_638 : vector<16xi32>
    %select_n3A_644 = arith.select %lt3A_642, %add3A_643, %add3A_641 : vector<16xi1>, vector<16xi32>
    %swap3A_645 = arith.constant 1 : i32
    %swap3A_646 = arith.index_cast %swap3A_645 : i32 to index
    %swap3A_647 = arith.constant 112 : index
    %swap3A_648 = tpu.vector_load %arg20[%swap3A_646, %swap3A_647] {strides = array<i32>} : memref<10x128xi32, #tpu.memory_space<vmem>>, vector<1x16xi32>,
    %swap3A_649 = vector.shape_cast %swap3A_648 : vector<1x16xi32> to vector<16xi32>
    %swap3A_650 = vector.shape_cast %select_n3A_644 : vector<16xi32> to vector<1x16xi32>
    tpu.vector_store %arg20[%swap3A_646, %swap3A_647], %swap3A_650 {strides = array<i32>} : memref<10x128xi32, #tpu.memory_space<vmem>>, vector<1x16xi32>,
    %get3A_651 = arith.constant 256 : index
    %get3A_652 = tpu.vector_load %arg19[%get3A_651] {strides = array<i32>} : memref<1280xi32, #tpu.memory_space<vmem>>, vector<16xi32>,
    %get3A_653 = vector.shape_cast %get3A_652 : vector<16xi32> to vector<16xi32>
    %broadcast_in_dim3A_654 = arith.constant 1280 : i32
    %broadcast_in_dim3A_655 = vector.broadcast %broadcast_in_dim3A_654 : i32 to vector<16xi32>
    %add3A_656 = arith.addi %broadcast_in_dim3A_655, %iota3A : vector<16xi32>
    %lt3A_657 = arith.cmpi slt, %get3A_653, %broadcast_in_dim3A_35 : vector<16xi32>
    %add3A_658 = arith.addi %add3A_410, %get3A_653 : vector<16xi32>
    %select_n3A_659 = arith.select %lt3A_657, %add3A_658, %add3A_656 : vector<16xi1>, vector<16xi32>
    %swap3A_660 = arith.constant 2 : i32
    %swap3A_661 = arith.index_cast %swap3A_660 : i32 to index
    %swap3A_662 = arith.constant 0 : index
    %swap3A_663 = tpu.vector_load %arg20[%swap3A_661, %swap3A_662] {strides = array<i32>} : memref<10x128xi32, #tpu.memory_space<vmem>>, vector<1x16xi32>,
    %swap3A_664 = vector.shape_cast %swap3A_663 : vector<1x16xi32> to vector<16xi32>
    %swap3A_665 = vector.shape_cast %select_n3A_659 : vector<16xi32> to vector<1x16xi32>
    tpu.vector_store %arg20[%swap3A_661, %swap3A_662], %swap3A_665 {strides = array<i32>} : memref<10x128xi32, #tpu.memory_space<vmem>>, vector<1x16xi32>,
    %get3A_666 = arith.constant 272 : index
    %get3A_667 = tpu.vector_load %arg19[%get3A_666] {strides = array<i32>} : memref<1280xi32, #tpu.memory_space<vmem>>, vector<16xi32>,
    %get3A_668 = vector.shape_cast %get3A_667 : vector<16xi32> to vector<16xi32>
    %broadcast_in_dim3A_669 = arith.constant 1296 : i32
    %broadcast_in_dim3A_670 = vector.broadcast %broadcast_in_dim3A_669 : i32 to vector<16xi32>
    %add3A_671 = arith.addi %broadcast_in_dim3A_670, %iota3A : vector<16xi32>
    %lt3A_672 = arith.cmpi slt, %get3A_668, %broadcast_in_dim3A_35 : vector<16xi32>
    %add3A_673 = arith.addi %add3A_410, %get3A_668 : vector<16xi32>
    %select_n3A_674 = arith.select %lt3A_672, %add3A_673, %add3A_671 : vector<16xi1>, vector<16xi32>
    %swap3A_675 = arith.constant 2 : i32
    %swap3A_676 = arith.index_cast %swap3A_675 : i32 to index
    %swap3A_677 = arith.constant 16 : index
    %swap3A_678 = tpu.vector_load %arg20[%swap3A_676, %swap3A_677] {strides = array<i32>} : memref<10x128xi32, #tpu.memory_space<vmem>>, vector<1x16xi32>,
    %swap3A_679 = vector.shape_cast %swap3A_678 : vector<1x16xi32> to vector<16xi32>
    %swap3A_680 = vector.shape_cast %select_n3A_674 : vector<16xi32> to vector<1x16xi32>
    tpu.vector_store %arg20[%swap3A_676, %swap3A_677], %swap3A_680 {strides = array<i32>} : memref<10x128xi32, #tpu.memory_space<vmem>>, vector<1x16xi32>,
    %get3A_681 = arith.constant 288 : index
    %get3A_682 = tpu.vector_load %arg19[%get3A_681] {strides = array<i32>} : memref<1280xi32, #tpu.memory_space<vmem>>, vector<16xi32>,
    %get3A_683 = vector.shape_cast %get3A_682 : vector<16xi32> to vector<16xi32>
    %broadcast_in_dim3A_684 = arith.constant 1312 : i32
    %broadcast_in_dim3A_685 = vector.broadcast %broadcast_in_dim3A_684 : i32 to vector<16xi32>
    %add3A_686 = arith.addi %broadcast_in_dim3A_685, %iota3A : vector<16xi32>
    %lt3A_687 = arith.cmpi slt, %get3A_683, %broadcast_in_dim3A_35 : vector<16xi32>
    %add3A_688 = arith.addi %add3A_410, %get3A_683 : vector<16xi32>
    %select_n3A_689 = arith.select %lt3A_687, %add3A_688, %add3A_686 : vector<16xi1>, vector<16xi32>
    %swap3A_690 = arith.constant 2 : i32
    %swap3A_691 = arith.index_cast %swap3A_690 : i32 to index
    %swap3A_692 = arith.constant 32 : index
    %swap3A_693 = tpu.vector_load %arg20[%swap3A_691, %swap3A_692] {strides = array<i32>} : memref<10x128xi32, #tpu.memory_space<vmem>>, vector<1x16xi32>,
    %swap3A_694 = vector.shape_cast %swap3A_693 : vector<1x16xi32> to vector<16xi32>
    %swap3A_695 = vector.shape_cast %select_n3A_689 : vector<16xi32> to vector<1x16xi32>
    tpu.vector_store %arg20[%swap3A_691, %swap3A_692], %swap3A_695 {strides = array<i32>} : memref<10x128xi32, #tpu.memory_space<vmem>>, vector<1x16xi32>,
    %get3A_696 = arith.constant 304 : index
    %get3A_697 = tpu.vector_load %arg19[%get3A_696] {strides = array<i32>} : memref<1280xi32, #tpu.memory_space<vmem>>, vector<16xi32>,
    %get3A_698 = vector.shape_cast %get3A_697 : vector<16xi32> to vector<16xi32>
    %broadcast_in_dim3A_699 = arith.constant 1328 : i32
    %broadcast_in_dim3A_700 = vector.broadcast %broadcast_in_dim3A_699 : i32 to vector<16xi32>
    %add3A_701 = arith.addi %broadcast_in_dim3A_700, %iota3A : vector<16xi32>
    %lt3A_702 = arith.cmpi slt, %get3A_698, %broadcast_in_dim3A_35 : vector<16xi32>
    %add3A_703 = arith.addi %add3A_410, %get3A_698 : vector<16xi32>
    %select_n3A_704 = arith.select %lt3A_702, %add3A_703, %add3A_701 : vector<16xi1>, vector<16xi32>
    %swap3A_705 = arith.constant 2 : i32
    %swap3A_706 = arith.index_cast %swap3A_705 : i32 to index
    %swap3A_707 = arith.constant 48 : index
    %swap3A_708 = tpu.vector_load %arg20[%swap3A_706, %swap3A_707] {strides = array<i32>} : memref<10x128xi32, #tpu.memory_space<vmem>>, vector<1x16xi32>,
    %swap3A_709 = vector.shape_cast %swap3A_708 : vector<1x16xi32> to vector<16xi32>
    %swap3A_710 = vector.shape_cast %select_n3A_704 : vector<16xi32> to vector<1x16xi32>
    tpu.vector_store %arg20[%swap3A_706, %swap3A_707], %swap3A_710 {strides = array<i32>} : memref<10x128xi32, #tpu.memory_space<vmem>>, vector<1x16xi32>,
    %get3A_711 = arith.constant 320 : index
    %get3A_712 = tpu.vector_load %arg19[%get3A_711] {strides = array<i32>} : memref<1280xi32, #tpu.memory_space<vmem>>, vector<16xi32>,
    %get3A_713 = vector.shape_cast %get3A_712 : vector<16xi32> to vector<16xi32>
    %broadcast_in_dim3A_714 = arith.constant 1344 : i32
    %broadcast_in_dim3A_715 = vector.broadcast %broadcast_in_dim3A_714 : i32 to vector<16xi32>
    %add3A_716 = arith.addi %broadcast_in_dim3A_715, %iota3A : vector<16xi32>
    %lt3A_717 = arith.cmpi slt, %get3A_713, %broadcast_in_dim3A_35 : vector<16xi32>
    %add3A_718 = arith.addi %add3A_410, %get3A_713 : vector<16xi32>
    %select_n3A_719 = arith.select %lt3A_717, %add3A_718, %add3A_716 : vector<16xi1>, vector<16xi32>
    %swap3A_720 = arith.constant 2 : i32
    %swap3A_721 = arith.index_cast %swap3A_720 : i32 to index
    %swap3A_722 = arith.constant 64 : index
    %swap3A_723 = tpu.vector_load %arg20[%swap3A_721, %swap3A_722] {strides = array<i32>} : memref<10x128xi32, #tpu.memory_space<vmem>>, vector<1x16xi32>,
    %swap3A_724 = vector.shape_cast %swap3A_723 : vector<1x16xi32> to vector<16xi32>
    %swap3A_725 = vector.shape_cast %select_n3A_719 : vector<16xi32> to vector<1x16xi32>
    tpu.vector_store %arg20[%swap3A_721, %swap3A_722], %swap3A_725 {strides = array<i32>} : memref<10x128xi32, #tpu.memory_space<vmem>>, vector<1x16xi32>,
    %get3A_726 = arith.constant 336 : index
    %get3A_727 = tpu.vector_load %arg19[%get3A_726] {strides = array<i32>} : memref<1280xi32, #tpu.memory_space<vmem>>, vector<16xi32>,
    %get3A_728 = vector.shape_cast %get3A_727 : vector<16xi32> to vector<16xi32>
    %broadcast_in_dim3A_729 = arith.constant 1360 : i32
    %broadcast_in_dim3A_730 = vector.broadcast %broadcast_in_dim3A_729 : i32 to vector<16xi32>
    %add3A_731 = arith.addi %broadcast_in_dim3A_730, %iota3A : vector<16xi32>
    %lt3A_732 = arith.cmpi slt, %get3A_728, %broadcast_in_dim3A_35 : vector<16xi32>
    %add3A_733 = arith.addi %add3A_410, %get3A_728 : vector<16xi32>
    %select_n3A_734 = arith.select %lt3A_732, %add3A_733, %add3A_731 : vector<16xi1>, vector<16xi32>
    %swap3A_735 = arith.constant 2 : i32
    %swap3A_736 = arith.index_cast %swap3A_735 : i32 to index
    %swap3A_737 = arith.constant 80 : index
    %swap3A_738 = tpu.vector_load %arg20[%swap3A_736, %swap3A_737] {strides = array<i32>} : memref<10x128xi32, #tpu.memory_space<vmem>>, vector<1x16xi32>,
    %swap3A_739 = vector.shape_cast %swap3A_738 : vector<1x16xi32> to vector<16xi32>
    %swap3A_740 = vector.shape_cast %select_n3A_734 : vector<16xi32> to vector<1x16xi32>
    tpu.vector_store %arg20[%swap3A_736, %swap3A_737], %swap3A_740 {strides = array<i32>} : memref<10x128xi32, #tpu.memory_space<vmem>>, vector<1x16xi32>,
    %get3A_741 = arith.constant 352 : index
    %get3A_742 = tpu.vector_load %arg19[%get3A_741] {strides = array<i32>} : memref<1280xi32, #tpu.memory_space<vmem>>, vector<16xi32>,
    %get3A_743 = vector.shape_cast %get3A_742 : vector<16xi32> to vector<16xi32>
    %broadcast_in_dim3A_744 = arith.constant 1376 : i32
    %broadcast_in_dim3A_745 = vector.broadcast %broadcast_in_dim3A_744 : i32 to vector<16xi32>
    %add3A_746 = arith.addi %broadcast_in_dim3A_745, %iota3A : vector<16xi32>
    %lt3A_747 = arith.cmpi slt, %get3A_743, %broadcast_in_dim3A_35 : vector<16xi32>
    %add3A_748 = arith.addi %add3A_410, %get3A_743 : vector<16xi32>
    %select_n3A_749 = arith.select %lt3A_747, %add3A_748, %add3A_746 : vector<16xi1>, vector<16xi32>
    %swap3A_750 = arith.constant 2 : i32
    %swap3A_751 = arith.index_cast %swap3A_750 : i32 to index
    %swap3A_752 = arith.constant 96 : index
    %swap3A_753 = tpu.vector_load %arg20[%swap3A_751, %swap3A_752] {strides = array<i32>} : memref<10x128xi32, #tpu.memory_space<vmem>>, vector<1x16xi32>,
    %swap3A_754 = vector.shape_cast %swap3A_753 : vector<1x16xi32> to vector<16xi32>
    %swap3A_755 = vector.shape_cast %select_n3A_749 : vector<16xi32> to vector<1x16xi32>
    tpu.vector_store %arg20[%swap3A_751, %swap3A_752], %swap3A_755 {strides = array<i32>} : memref<10x128xi32, #tpu.memory_space<vmem>>, vector<1x16xi32>,
    %get3A_756 = arith.constant 368 : index
    %get3A_757 = tpu.vector_load %arg19[%get3A_756] {strides = array<i32>} : memref<1280xi32, #tpu.memory_space<vmem>>, vector<16xi32>,
    %get3A_758 = vector.shape_cast %get3A_757 : vector<16xi32> to vector<16xi32>
    %broadcast_in_dim3A_759 = arith.constant 1392 : i32
    %broadcast_in_dim3A_760 = vector.broadcast %broadcast_in_dim3A_759 : i32 to vector<16xi32>
    %add3A_761 = arith.addi %broadcast_in_dim3A_760, %iota3A : vector<16xi32>
    %lt3A_762 = arith.cmpi slt, %get3A_758, %broadcast_in_dim3A_35 : vector<16xi32>
    %add3A_763 = arith.addi %add3A_410, %get3A_758 : vector<16xi32>
    %select_n3A_764 = arith.select %lt3A_762, %add3A_763, %add3A_761 : vector<16xi1>, vector<16xi32>
    %swap3A_765 = arith.constant 2 : i32
    %swap3A_766 = arith.index_cast %swap3A_765 : i32 to index
    %swap3A_767 = arith.constant 112 : index
    %swap3A_768 = tpu.vector_load %arg20[%swap3A_766, %swap3A_767] {strides = array<i32>} : memref<10x128xi32, #tpu.memory_space<vmem>>, vector<1x16xi32>,
    %swap3A_769 = vector.shape_cast %swap3A_768 : vector<1x16xi32> to vector<16xi32>
    %swap3A_770 = vector.shape_cast %select_n3A_764 : vector<16xi32> to vector<1x16xi32>
    tpu.vector_store %arg20[%swap3A_766, %swap3A_767], %swap3A_770 {strides = array<i32>} : memref<10x128xi32, #tpu.memory_space<vmem>>, vector<1x16xi32>,
    %get3A_771 = arith.constant 384 : index
    %get3A_772 = tpu.vector_load %arg19[%get3A_771] {strides = array<i32>} : memref<1280xi32, #tpu.memory_space<vmem>>, vector<16xi32>,
    %get3A_773 = vector.shape_cast %get3A_772 : vector<16xi32> to vector<16xi32>
    %broadcast_in_dim3A_774 = arith.constant 1408 : i32
    %broadcast_in_dim3A_775 = vector.broadcast %broadcast_in_dim3A_774 : i32 to vector<16xi32>
    %add3A_776 = arith.addi %broadcast_in_dim3A_775, %iota3A : vector<16xi32>
    %lt3A_777 = arith.cmpi slt, %get3A_773, %broadcast_in_dim3A_35 : vector<16xi32>
    %add3A_778 = arith.addi %add3A_410, %get3A_773 : vector<16xi32>
    %select_n3A_779 = arith.select %lt3A_777, %add3A_778, %add3A_776 : vector<16xi1>, vector<16xi32>
    %swap3A_780 = arith.constant 3 : i32
    %swap3A_781 = arith.index_cast %swap3A_780 : i32 to index
    %swap3A_782 = arith.constant 0 : index
    %swap3A_783 = tpu.vector_load %arg20[%swap3A_781, %swap3A_782] {strides = array<i32>} : memref<10x128xi32, #tpu.memory_space<vmem>>, vector<1x16xi32>,
    %swap3A_784 = vector.shape_cast %swap3A_783 : vector<1x16xi32> to vector<16xi32>
    %swap3A_785 = vector.shape_cast %select_n3A_779 : vector<16xi32> to vector<1x16xi32>
    tpu.vector_store %arg20[%swap3A_781, %swap3A_782], %swap3A_785 {strides = array<i32>} : memref<10x128xi32, #tpu.memory_space<vmem>>, vector<1x16xi32>,
    %get3A_786 = arith.constant 400 : index
    %get3A_787 = tpu.vector_load %arg19[%get3A_786] {strides = array<i32>} : memref<1280xi32, #tpu.memory_space<vmem>>, vector<16xi32>,
    %get3A_788 = vector.shape_cast %get3A_787 : vector<16xi32> to vector<16xi32>
    %broadcast_in_dim3A_789 = arith.constant 1424 : i32
    %broadcast_in_dim3A_790 = vector.broadcast %broadcast_in_dim3A_789 : i32 to vector<16xi32>
    %add3A_791 = arith.addi %broadcast_in_dim3A_790, %iota3A : vector<16xi32>
    %lt3A_792 = arith.cmpi slt, %get3A_788, %broadcast_in_dim3A_35 : vector<16xi32>
    %add3A_793 = arith.addi %add3A_410, %get3A_788 : vector<16xi32>
    %select_n3A_794 = arith.select %lt3A_792, %add3A_793, %add3A_791 : vector<16xi1>, vector<16xi32>
    %swap3A_795 = arith.constant 3 : i32
    %swap3A_796 = arith.index_cast %swap3A_795 : i32 to index
    %swap3A_797 = arith.constant 16 : index
    %swap3A_798 = tpu.vector_load %arg20[%swap3A_796, %swap3A_797] {strides = array<i32>} : memref<10x128xi32, #tpu.memory_space<vmem>>, vector<1x16xi32>,
    %swap3A_799 = vector.shape_cast %swap3A_798 : vector<1x16xi32> to vector<16xi32>
    %swap3A_800 = vector.shape_cast %select_n3A_794 : vector<16xi32> to vector<1x16xi32>
    tpu.vector_store %arg20[%swap3A_796, %swap3A_797], %swap3A_800 {strides = array<i32>} : memref<10x128xi32, #tpu.memory_space<vmem>>, vector<1x16xi32>,
    %get3A_801 = arith.constant 416 : index
    %get3A_802 = tpu.vector_load %arg19[%get3A_801] {strides = array<i32>} : memref<1280xi32, #tpu.memory_space<vmem>>, vector<16xi32>,
    %get3A_803 = vector.shape_cast %get3A_802 : vector<16xi32> to vector<16xi32>
    %broadcast_in_dim3A_804 = arith.constant 1440 : i32
    %broadcast_in_dim3A_805 = vector.broadcast %broadcast_in_dim3A_804 : i32 to vector<16xi32>
    %add3A_806 = arith.addi %broadcast_in_dim3A_805, %iota3A : vector<16xi32>
    %lt3A_807 = arith.cmpi slt, %get3A_803, %broadcast_in_dim3A_35 : vector<16xi32>
    %add3A_808 = arith.addi %add3A_410, %get3A_803 : vector<16xi32>
    %select_n3A_809 = arith.select %lt3A_807, %add3A_808, %add3A_806 : vector<16xi1>, vector<16xi32>
    %swap3A_810 = arith.constant 3 : i32
    %swap3A_811 = arith.index_cast %swap3A_810 : i32 to index
    %swap3A_812 = arith.constant 32 : index
    %swap3A_813 = tpu.vector_load %arg20[%swap3A_811, %swap3A_812] {strides = array<i32>} : memref<10x128xi32, #tpu.memory_space<vmem>>, vector<1x16xi32>,
    %swap3A_814 = vector.shape_cast %swap3A_813 : vector<1x16xi32> to vector<16xi32>
    %swap3A_815 = vector.shape_cast %select_n3A_809 : vector<16xi32> to vector<1x16xi32>
    tpu.vector_store %arg20[%swap3A_811, %swap3A_812], %swap3A_815 {strides = array<i32>} : memref<10x128xi32, #tpu.memory_space<vmem>>, vector<1x16xi32>,
    %get3A_816 = arith.constant 432 : index
    %get3A_817 = tpu.vector_load %arg19[%get3A_816] {strides = array<i32>} : memref<1280xi32, #tpu.memory_space<vmem>>, vector<16xi32>,
    %get3A_818 = vector.shape_cast %get3A_817 : vector<16xi32> to vector<16xi32>
    %broadcast_in_dim3A_819 = arith.constant 1456 : i32
    %broadcast_in_dim3A_820 = vector.broadcast %broadcast_in_dim3A_819 : i32 to vector<16xi32>
    %add3A_821 = arith.addi %broadcast_in_dim3A_820, %iota3A : vector<16xi32>
    %lt3A_822 = arith.cmpi slt, %get3A_818, %broadcast_in_dim3A_35 : vector<16xi32>
    %add3A_823 = arith.addi %add3A_410, %get3A_818 : vector<16xi32>
    %select_n3A_824 = arith.select %lt3A_822, %add3A_823, %add3A_821 : vector<16xi1>, vector<16xi32>
    %swap3A_825 = arith.constant 3 : i32
    %swap3A_826 = arith.index_cast %swap3A_825 : i32 to index
    %swap3A_827 = arith.constant 48 : index
    %swap3A_828 = tpu.vector_load %arg20[%swap3A_826, %swap3A_827] {strides = array<i32>} : memref<10x128xi32, #tpu.memory_space<vmem>>, vector<1x16xi32>,
    %swap3A_829 = vector.shape_cast %swap3A_828 : vector<1x16xi32> to vector<16xi32>
    %swap3A_830 = vector.shape_cast %select_n3A_824 : vector<16xi32> to vector<1x16xi32>
    tpu.vector_store %arg20[%swap3A_826, %swap3A_827], %swap3A_830 {strides = array<i32>} : memref<10x128xi32, #tpu.memory_space<vmem>>, vector<1x16xi32>,
    %get3A_831 = arith.constant 448 : index
    %get3A_832 = tpu.vector_load %arg19[%get3A_831] {strides = array<i32>} : memref<1280xi32, #tpu.memory_space<vmem>>, vector<16xi32>,
    %get3A_833 = vector.shape_cast %get3A_832 : vector<16xi32> to vector<16xi32>
    %broadcast_in_dim3A_834 = arith.constant 1472 : i32
    %broadcast_in_dim3A_835 = vector.broadcast %broadcast_in_dim3A_834 : i32 to vector<16xi32>
    %add3A_836 = arith.addi %broadcast_in_dim3A_835, %iota3A : vector<16xi32>
    %lt3A_837 = arith.cmpi slt, %get3A_833, %broadcast_in_dim3A_35 : vector<16xi32>
    %add3A_838 = arith.addi %add3A_410, %get3A_833 : vector<16xi32>
    %select_n3A_839 = arith.select %lt3A_837, %add3A_838, %add3A_836 : vector<16xi1>, vector<16xi32>
    %swap3A_840 = arith.constant 3 : i32
    %swap3A_841 = arith.index_cast %swap3A_840 : i32 to index
    %swap3A_842 = arith.constant 64 : index
    %swap3A_843 = tpu.vector_load %arg20[%swap3A_841, %swap3A_842] {strides = array<i32>} : memref<10x128xi32, #tpu.memory_space<vmem>>, vector<1x16xi32>,
    %swap3A_844 = vector.shape_cast %swap3A_843 : vector<1x16xi32> to vector<16xi32>
    %swap3A_845 = vector.shape_cast %select_n3A_839 : vector<16xi32> to vector<1x16xi32>
    tpu.vector_store %arg20[%swap3A_841, %swap3A_842], %swap3A_845 {strides = array<i32>} : memref<10x128xi32, #tpu.memory_space<vmem>>, vector<1x16xi32>,
    %get3A_846 = arith.constant 464 : index
    %get3A_847 = tpu.vector_load %arg19[%get3A_846] {strides = array<i32>} : memref<1280xi32, #tpu.memory_space<vmem>>, vector<16xi32>,
    %get3A_848 = vector.shape_cast %get3A_847 : vector<16xi32> to vector<16xi32>
    %broadcast_in_dim3A_849 = arith.constant 1488 : i32
    %broadcast_in_dim3A_850 = vector.broadcast %broadcast_in_dim3A_849 : i32 to vector<16xi32>
    %add3A_851 = arith.addi %broadcast_in_dim3A_850, %iota3A : vector<16xi32>
    %lt3A_852 = arith.cmpi slt, %get3A_848, %broadcast_in_dim3A_35 : vector<16xi32>
    %add3A_853 = arith.addi %add3A_410, %get3A_848 : vector<16xi32>
    %select_n3A_854 = arith.select %lt3A_852, %add3A_853, %add3A_851 : vector<16xi1>, vector<16xi32>
    %swap3A_855 = arith.constant 3 : i32
    %swap3A_856 = arith.index_cast %swap3A_855 : i32 to index
    %swap3A_857 = arith.constant 80 : index
    %swap3A_858 = tpu.vector_load %arg20[%swap3A_856, %swap3A_857] {strides = array<i32>} : memref<10x128xi32, #tpu.memory_space<vmem>>, vector<1x16xi32>,
    %swap3A_859 = vector.shape_cast %swap3A_858 : vector<1x16xi32> to vector<16xi32>
    %swap3A_860 = vector.shape_cast %select_n3A_854 : vector<16xi32> to vector<1x16xi32>
    tpu.vector_store %arg20[%swap3A_856, %swap3A_857], %swap3A_860 {strides = array<i32>} : memref<10x128xi32, #tpu.memory_space<vmem>>, vector<1x16xi32>,
    %get3A_861 = arith.constant 480 : index
    %get3A_862 = tpu.vector_load %arg19[%get3A_861] {strides = array<i32>} : memref<1280xi32, #tpu.memory_space<vmem>>, vector<16xi32>,
    %get3A_863 = vector.shape_cast %get3A_862 : vector<16xi32> to vector<16xi32>
    %broadcast_in_dim3A_864 = arith.constant 1504 : i32
    %broadcast_in_dim3A_865 = vector.broadcast %broadcast_in_dim3A_864 : i32 to vector<16xi32>
    %add3A_866 = arith.addi %broadcast_in_dim3A_865, %iota3A : vector<16xi32>
    %lt3A_867 = arith.cmpi slt, %get3A_863, %broadcast_in_dim3A_35 : vector<16xi32>
    %add3A_868 = arith.addi %add3A_410, %get3A_863 : vector<16xi32>
    %select_n3A_869 = arith.select %lt3A_867, %add3A_868, %add3A_866 : vector<16xi1>, vector<16xi32>
    %swap3A_870 = arith.constant 3 : i32
    %swap3A_871 = arith.index_cast %swap3A_870 : i32 to index
    %swap3A_872 = arith.constant 96 : index
    %swap3A_873 = tpu.vector_load %arg20[%swap3A_871, %swap3A_872] {strides = array<i32>} : memref<10x128xi32, #tpu.memory_space<vmem>>, vector<1x16xi32>,
    %swap3A_874 = vector.shape_cast %swap3A_873 : vector<1x16xi32> to vector<16xi32>
    %swap3A_875 = vector.shape_cast %select_n3A_869 : vector<16xi32> to vector<1x16xi32>
    tpu.vector_store %arg20[%swap3A_871, %swap3A_872], %swap3A_875 {strides = array<i32>} : memref<10x128xi32, #tpu.memory_space<vmem>>, vector<1x16xi32>,
    %get3A_876 = arith.constant 496 : index
    %get3A_877 = tpu.vector_load %arg19[%get3A_876] {strides = array<i32>} : memref<1280xi32, #tpu.memory_space<vmem>>, vector<16xi32>,
    %get3A_878 = vector.shape_cast %get3A_877 : vector<16xi32> to vector<16xi32>
    %broadcast_in_dim3A_879 = arith.constant 1520 : i32
    %broadcast_in_dim3A_880 = vector.broadcast %broadcast_in_dim3A_879 : i32 to vector<16xi32>
    %add3A_881 = arith.addi %broadcast_in_dim3A_880, %iota3A : vector<16xi32>
    %lt3A_882 = arith.cmpi slt, %get3A_878, %broadcast_in_dim3A_35 : vector<16xi32>
    %add3A_883 = arith.addi %add3A_410, %get3A_878 : vector<16xi32>
    %select_n3A_884 = arith.select %lt3A_882, %add3A_883, %add3A_881 : vector<16xi1>, vector<16xi32>
    %swap3A_885 = arith.constant 3 : i32
    %swap3A_886 = arith.index_cast %swap3A_885 : i32 to index
    %swap3A_887 = arith.constant 112 : index
    %swap3A_888 = tpu.vector_load %arg20[%swap3A_886, %swap3A_887] {strides = array<i32>} : memref<10x128xi32, #tpu.memory_space<vmem>>, vector<1x16xi32>,
    %swap3A_889 = vector.shape_cast %swap3A_888 : vector<1x16xi32> to vector<16xi32>
    %swap3A_890 = vector.shape_cast %select_n3A_884 : vector<16xi32> to vector<1x16xi32>
    tpu.vector_store %arg20[%swap3A_886, %swap3A_887], %swap3A_890 {strides = array<i32>} : memref<10x128xi32, #tpu.memory_space<vmem>>, vector<1x16xi32>,
    %get3A_891 = arith.constant 512 : index
    %get3A_892 = tpu.vector_load %arg19[%get3A_891] {strides = array<i32>} : memref<1280xi32, #tpu.memory_space<vmem>>, vector<16xi32>,
    %get3A_893 = vector.shape_cast %get3A_892 : vector<16xi32> to vector<16xi32>
    %broadcast_in_dim3A_894 = arith.constant 1536 : i32
    %broadcast_in_dim3A_895 = vector.broadcast %broadcast_in_dim3A_894 : i32 to vector<16xi32>
    %add3A_896 = arith.addi %broadcast_in_dim3A_895, %iota3A : vector<16xi32>
    %lt3A_897 = arith.cmpi slt, %get3A_893, %broadcast_in_dim3A_35 : vector<16xi32>
    %add3A_898 = arith.addi %add3A_410, %get3A_893 : vector<16xi32>
    %select_n3A_899 = arith.select %lt3A_897, %add3A_898, %add3A_896 : vector<16xi1>, vector<16xi32>
    %swap3A_900 = arith.constant 4 : i32
    %swap3A_901 = arith.index_cast %swap3A_900 : i32 to index
    %swap3A_902 = arith.constant 0 : index
    %swap3A_903 = tpu.vector_load %arg20[%swap3A_901, %swap3A_902] {strides = array<i32>} : memref<10x128xi32, #tpu.memory_space<vmem>>, vector<1x16xi32>,
    %swap3A_904 = vector.shape_cast %swap3A_903 : vector<1x16xi32> to vector<16xi32>
    %swap3A_905 = vector.shape_cast %select_n3A_899 : vector<16xi32> to vector<1x16xi32>
    tpu.vector_store %arg20[%swap3A_901, %swap3A_902], %swap3A_905 {strides = array<i32>} : memref<10x128xi32, #tpu.memory_space<vmem>>, vector<1x16xi32>,
    %get3A_906 = arith.constant 528 : index
    %get3A_907 = tpu.vector_load %arg19[%get3A_906] {strides = array<i32>} : memref<1280xi32, #tpu.memory_space<vmem>>, vector<16xi32>,
    %get3A_908 = vector.shape_cast %get3A_907 : vector<16xi32> to vector<16xi32>
    %broadcast_in_dim3A_909 = arith.constant 1552 : i32
    %broadcast_in_dim3A_910 = vector.broadcast %broadcast_in_dim3A_909 : i32 to vector<16xi32>
    %add3A_911 = arith.addi %broadcast_in_dim3A_910, %iota3A : vector<16xi32>
    %lt3A_912 = arith.cmpi slt, %get3A_908, %broadcast_in_dim3A_35 : vector<16xi32>
    %add3A_913 = arith.addi %add3A_410, %get3A_908 : vector<16xi32>
    %select_n3A_914 = arith.select %lt3A_912, %add3A_913, %add3A_911 : vector<16xi1>, vector<16xi32>
    %swap3A_915 = arith.constant 4 : i32
    %swap3A_916 = arith.index_cast %swap3A_915 : i32 to index
    %swap3A_917 = arith.constant 16 : index
    %swap3A_918 = tpu.vector_load %arg20[%swap3A_916, %swap3A_917] {strides = array<i32>} : memref<10x128xi32, #tpu.memory_space<vmem>>, vector<1x16xi32>,
    %swap3A_919 = vector.shape_cast %swap3A_918 : vector<1x16xi32> to vector<16xi32>
    %swap3A_920 = vector.shape_cast %select_n3A_914 : vector<16xi32> to vector<1x16xi32>
    tpu.vector_store %arg20[%swap3A_916, %swap3A_917], %swap3A_920 {strides = array<i32>} : memref<10x128xi32, #tpu.memory_space<vmem>>, vector<1x16xi32>,
    %get3A_921 = arith.constant 544 : index
    %get3A_922 = tpu.vector_load %arg19[%get3A_921] {strides = array<i32>} : memref<1280xi32, #tpu.memory_space<vmem>>, vector<16xi32>,
    %get3A_923 = vector.shape_cast %get3A_922 : vector<16xi32> to vector<16xi32>
    %broadcast_in_dim3A_924 = arith.constant 1568 : i32
    %broadcast_in_dim3A_925 = vector.broadcast %broadcast_in_dim3A_924 : i32 to vector<16xi32>
    %add3A_926 = arith.addi %broadcast_in_dim3A_925, %iota3A : vector<16xi32>
    %lt3A_927 = arith.cmpi slt, %get3A_923, %broadcast_in_dim3A_35 : vector<16xi32>
    %add3A_928 = arith.addi %add3A_410, %get3A_923 : vector<16xi32>
    %select_n3A_929 = arith.select %lt3A_927, %add3A_928, %add3A_926 : vector<16xi1>, vector<16xi32>
    %swap3A_930 = arith.constant 4 : i32
    %swap3A_931 = arith.index_cast %swap3A_930 : i32 to index
    %swap3A_932 = arith.constant 32 : index
    %swap3A_933 = tpu.vector_load %arg20[%swap3A_931, %swap3A_932] {strides = array<i32>} : memref<10x128xi32, #tpu.memory_space<vmem>>, vector<1x16xi32>,
    %swap3A_934 = vector.shape_cast %swap3A_933 : vector<1x16xi32> to vector<16xi32>
    %swap3A_935 = vector.shape_cast %select_n3A_929 : vector<16xi32> to vector<1x16xi32>
    tpu.vector_store %arg20[%swap3A_931, %swap3A_932], %swap3A_935 {strides = array<i32>} : memref<10x128xi32, #tpu.memory_space<vmem>>, vector<1x16xi32>,
    %get3A_936 = arith.constant 560 : index
    %get3A_937 = tpu.vector_load %arg19[%get3A_936] {strides = array<i32>} : memref<1280xi32, #tpu.memory_space<vmem>>, vector<16xi32>,
    %get3A_938 = vector.shape_cast %get3A_937 : vector<16xi32> to vector<16xi32>
    %broadcast_in_dim3A_939 = arith.constant 1584 : i32
    %broadcast_in_dim3A_940 = vector.broadcast %broadcast_in_dim3A_939 : i32 to vector<16xi32>
    %add3A_941 = arith.addi %broadcast_in_dim3A_940, %iota3A : vector<16xi32>
    %lt3A_942 = arith.cmpi slt, %get3A_938, %broadcast_in_dim3A_35 : vector<16xi32>
    %add3A_943 = arith.addi %add3A_410, %get3A_938 : vector<16xi32>
    %select_n3A_944 = arith.select %lt3A_942, %add3A_943, %add3A_941 : vector<16xi1>, vector<16xi32>
    %swap3A_945 = arith.constant 4 : i32
    %swap3A_946 = arith.index_cast %swap3A_945 : i32 to index
    %swap3A_947 = arith.constant 48 : index
    %swap3A_948 = tpu.vector_load %arg20[%swap3A_946, %swap3A_947] {strides = array<i32>} : memref<10x128xi32, #tpu.memory_space<vmem>>, vector<1x16xi32>,
    %swap3A_949 = vector.shape_cast %swap3A_948 : vector<1x16xi32> to vector<16xi32>
    %swap3A_950 = vector.shape_cast %select_n3A_944 : vector<16xi32> to vector<1x16xi32>
    tpu.vector_store %arg20[%swap3A_946, %swap3A_947], %swap3A_950 {strides = array<i32>} : memref<10x128xi32, #tpu.memory_space<vmem>>, vector<1x16xi32>,
    %get3A_951 = arith.constant 576 : index
    %get3A_952 = tpu.vector_load %arg19[%get3A_951] {strides = array<i32>} : memref<1280xi32, #tpu.memory_space<vmem>>, vector<16xi32>,
    %get3A_953 = vector.shape_cast %get3A_952 : vector<16xi32> to vector<16xi32>
    %broadcast_in_dim3A_954 = arith.constant 1600 : i32
    %broadcast_in_dim3A_955 = vector.broadcast %broadcast_in_dim3A_954 : i32 to vector<16xi32>
    %add3A_956 = arith.addi %broadcast_in_dim3A_955, %iota3A : vector<16xi32>
    %lt3A_957 = arith.cmpi slt, %get3A_953, %broadcast_in_dim3A_35 : vector<16xi32>
    %add3A_958 = arith.addi %add3A_410, %get3A_953 : vector<16xi32>
    %select_n3A_959 = arith.select %lt3A_957, %add3A_958, %add3A_956 : vector<16xi1>, vector<16xi32>
    %swap3A_960 = arith.constant 4 : i32
    %swap3A_961 = arith.index_cast %swap3A_960 : i32 to index
    %swap3A_962 = arith.constant 64 : index
    %swap3A_963 = tpu.vector_load %arg20[%swap3A_961, %swap3A_962] {strides = array<i32>} : memref<10x128xi32, #tpu.memory_space<vmem>>, vector<1x16xi32>,
    %swap3A_964 = vector.shape_cast %swap3A_963 : vector<1x16xi32> to vector<16xi32>
    %swap3A_965 = vector.shape_cast %select_n3A_959 : vector<16xi32> to vector<1x16xi32>
    tpu.vector_store %arg20[%swap3A_961, %swap3A_962], %swap3A_965 {strides = array<i32>} : memref<10x128xi32, #tpu.memory_space<vmem>>, vector<1x16xi32>,
    %get3A_966 = arith.constant 592 : index
    %get3A_967 = tpu.vector_load %arg19[%get3A_966] {strides = array<i32>} : memref<1280xi32, #tpu.memory_space<vmem>>, vector<16xi32>,
    %get3A_968 = vector.shape_cast %get3A_967 : vector<16xi32> to vector<16xi32>
    %broadcast_in_dim3A_969 = arith.constant 1616 : i32
    %broadcast_in_dim3A_970 = vector.broadcast %broadcast_in_dim3A_969 : i32 to vector<16xi32>
    %add3A_971 = arith.addi %broadcast_in_dim3A_970, %iota3A : vector<16xi32>
    %lt3A_972 = arith.cmpi slt, %get3A_968, %broadcast_in_dim3A_35 : vector<16xi32>
    %add3A_973 = arith.addi %add3A_410, %get3A_968 : vector<16xi32>
    %select_n3A_974 = arith.select %lt3A_972, %add3A_973, %add3A_971 : vector<16xi1>, vector<16xi32>
    %swap3A_975 = arith.constant 4 : i32
    %swap3A_976 = arith.index_cast %swap3A_975 : i32 to index
    %swap3A_977 = arith.constant 80 : index
    %swap3A_978 = tpu.vector_load %arg20[%swap3A_976, %swap3A_977] {strides = array<i32>} : memref<10x128xi32, #tpu.memory_space<vmem>>, vector<1x16xi32>,
    %swap3A_979 = vector.shape_cast %swap3A_978 : vector<1x16xi32> to vector<16xi32>
    %swap3A_980 = vector.shape_cast %select_n3A_974 : vector<16xi32> to vector<1x16xi32>
    tpu.vector_store %arg20[%swap3A_976, %swap3A_977], %swap3A_980 {strides = array<i32>} : memref<10x128xi32, #tpu.memory_space<vmem>>, vector<1x16xi32>,
    %get3A_981 = arith.constant 608 : index
    %get3A_982 = tpu.vector_load %arg19[%get3A_981] {strides = array<i32>} : memref<1280xi32, #tpu.memory_space<vmem>>, vector<16xi32>,
    %get3A_983 = vector.shape_cast %get3A_982 : vector<16xi32> to vector<16xi32>
    %broadcast_in_dim3A_984 = arith.constant 1632 : i32
    %broadcast_in_dim3A_985 = vector.broadcast %broadcast_in_dim3A_984 : i32 to vector<16xi32>
    %add3A_986 = arith.addi %broadcast_in_dim3A_985, %iota3A : vector<16xi32>
    %lt3A_987 = arith.cmpi slt, %get3A_983, %broadcast_in_dim3A_35 : vector<16xi32>
    %add3A_988 = arith.addi %add3A_410, %get3A_983 : vector<16xi32>
    %select_n3A_989 = arith.select %lt3A_987, %add3A_988, %add3A_986 : vector<16xi1>, vector<16xi32>
    %swap3A_990 = arith.constant 4 : i32
    %swap3A_991 = arith.index_cast %swap3A_990 : i32 to index
    %swap3A_992 = arith.constant 96 : index
    %swap3A_993 = tpu.vector_load %arg20[%swap3A_991, %swap3A_992] {strides = array<i32>} : memref<10x128xi32, #tpu.memory_space<vmem>>, vector<1x16xi32>,
    %swap3A_994 = vector.shape_cast %swap3A_993 : vector<1x16xi32> to vector<16xi32>
    %swap3A_995 = vector.shape_cast %select_n3A_989 : vector<16xi32> to vector<1x16xi32>
    tpu.vector_store %arg20[%swap3A_991, %swap3A_992], %swap3A_995 {strides = array<i32>} : memref<10x128xi32, #tpu.memory_space<vmem>>, vector<1x16xi32>,
    %get3A_996 = arith.constant 624 : index
    %get3A_997 = tpu.vector_load %arg19[%get3A_996] {strides = array<i32>} : memref<1280xi32, #tpu.memory_space<vmem>>, vector<16xi32>,
    %get3A_998 = vector.shape_cast %get3A_997 : vector<16xi32> to vector<16xi32>
    %broadcast_in_dim3A_999 = arith.constant 1648 : i32
    %broadcast_in_dim3A_1000 = vector.broadcast %broadcast_in_dim3A_999 : i32 to vector<16xi32>
    %add3A_1001 = arith.addi %broadcast_in_dim3A_1000, %iota3A : vector<16xi32>
    %lt3A_1002 = arith.cmpi slt, %get3A_998, %broadcast_in_dim3A_35 : vector<16xi32>
    %add3A_1003 = arith.addi %add3A_410, %get3A_998 : vector<16xi32>
    %select_n3A_1004 = arith.select %lt3A_1002, %add3A_1003, %add3A_1001 : vector<16xi1>, vector<16xi32>
    %swap3A_1005 = arith.constant 4 : i32
    %swap3A_1006 = arith.index_cast %swap3A_1005 : i32 to index
    %swap3A_1007 = arith.constant 112 : index
    %swap3A_1008 = tpu.vector_load %arg20[%swap3A_1006, %swap3A_1007] {strides = array<i32>} : memref<10x128xi32, #tpu.memory_space<vmem>>, vector<1x16xi32>,
    %swap3A_1009 = vector.shape_cast %swap3A_1008 : vector<1x16xi32> to vector<16xi32>
    %swap3A_1010 = vector.shape_cast %select_n3A_1004 : vector<16xi32> to vector<1x16xi32>
    tpu.vector_store %arg20[%swap3A_1006, %swap3A_1007], %swap3A_1010 {strides = array<i32>} : memref<10x128xi32, #tpu.memory_space<vmem>>, vector<1x16xi32>,
    %get3A_1011 = arith.constant 640 : index
    %get3A_1012 = tpu.vector_load %arg19[%get3A_1011] {strides = array<i32>} : memref<1280xi32, #tpu.memory_space<vmem>>, vector<16xi32>,
    %get3A_1013 = vector.shape_cast %get3A_1012 : vector<16xi32> to vector<16xi32>
    %broadcast_in_dim3A_1014 = arith.constant 1664 : i32
    %broadcast_in_dim3A_1015 = vector.broadcast %broadcast_in_dim3A_1014 : i32 to vector<16xi32>
    %add3A_1016 = arith.addi %broadcast_in_dim3A_1015, %iota3A : vector<16xi32>
    %lt3A_1017 = arith.cmpi slt, %get3A_1013, %broadcast_in_dim3A_35 : vector<16xi32>
    %add3A_1018 = arith.addi %add3A_410, %get3A_1013 : vector<16xi32>
    %select_n3A_1019 = arith.select %lt3A_1017, %add3A_1018, %add3A_1016 : vector<16xi1>, vector<16xi32>
    %swap3A_1020 = arith.constant 5 : i32
    %swap3A_1021 = arith.index_cast %swap3A_1020 : i32 to index
    %swap3A_1022 = arith.constant 0 : index
    %swap3A_1023 = tpu.vector_load %arg20[%swap3A_1021, %swap3A_1022] {strides = array<i32>} : memref<10x128xi32, #tpu.memory_space<vmem>>, vector<1x16xi32>,
    %swap3A_1024 = vector.shape_cast %swap3A_1023 : vector<1x16xi32> to vector<16xi32>
    %swap3A_1025 = vector.shape_cast %select_n3A_1019 : vector<16xi32> to vector<1x16xi32>
    tpu.vector_store %arg20[%swap3A_1021, %swap3A_1022], %swap3A_1025 {strides = array<i32>} : memref<10x128xi32, #tpu.memory_space<vmem>>, vector<1x16xi32>,
    %get3A_1026 = arith.constant 656 : index
    %get3A_1027 = tpu.vector_load %arg19[%get3A_1026] {strides = array<i32>} : memref<1280xi32, #tpu.memory_space<vmem>>, vector<16xi32>,
    %get3A_1028 = vector.shape_cast %get3A_1027 : vector<16xi32> to vector<16xi32>
    %broadcast_in_dim3A_1029 = arith.constant 1680 : i32
    %broadcast_in_dim3A_1030 = vector.broadcast %broadcast_in_dim3A_1029 : i32 to vector<16xi32>
    %add3A_1031 = arith.addi %broadcast_in_dim3A_1030, %iota3A : vector<16xi32>
    %lt3A_1032 = arith.cmpi slt, %get3A_1028, %broadcast_in_dim3A_35 : vector<16xi32>
    %add3A_1033 = arith.addi %add3A_410, %get3A_1028 : vector<16xi32>
    %select_n3A_1034 = arith.select %lt3A_1032, %add3A_1033, %add3A_1031 : vector<16xi1>, vector<16xi32>
    %swap3A_1035 = arith.constant 5 : i32
    %swap3A_1036 = arith.index_cast %swap3A_1035 : i32 to index
    %swap3A_1037 = arith.constant 16 : index
    %swap3A_1038 = tpu.vector_load %arg20[%swap3A_1036, %swap3A_1037] {strides = array<i32>} : memref<10x128xi32, #tpu.memory_space<vmem>>, vector<1x16xi32>,
    %swap3A_1039 = vector.shape_cast %swap3A_1038 : vector<1x16xi32> to vector<16xi32>
    %swap3A_1040 = vector.shape_cast %select_n3A_1034 : vector<16xi32> to vector<1x16xi32>
    tpu.vector_store %arg20[%swap3A_1036, %swap3A_1037], %swap3A_1040 {strides = array<i32>} : memref<10x128xi32, #tpu.memory_space<vmem>>, vector<1x16xi32>,
    %get3A_1041 = arith.constant 672 : index
    %get3A_1042 = tpu.vector_load %arg19[%get3A_1041] {strides = array<i32>} : memref<1280xi32, #tpu.memory_space<vmem>>, vector<16xi32>,
    %get3A_1043 = vector.shape_cast %get3A_1042 : vector<16xi32> to vector<16xi32>
    %broadcast_in_dim3A_1044 = arith.constant 1696 : i32
    %broadcast_in_dim3A_1045 = vector.broadcast %broadcast_in_dim3A_1044 : i32 to vector<16xi32>
    %add3A_1046 = arith.addi %broadcast_in_dim3A_1045, %iota3A : vector<16xi32>
    %lt3A_1047 = arith.cmpi slt, %get3A_1043, %broadcast_in_dim3A_35 : vector<16xi32>
    %add3A_1048 = arith.addi %add3A_410, %get3A_1043 : vector<16xi32>
    %select_n3A_1049 = arith.select %lt3A_1047, %add3A_1048, %add3A_1046 : vector<16xi1>, vector<16xi32>
    %swap3A_1050 = arith.constant 5 : i32
    %swap3A_1051 = arith.index_cast %swap3A_1050 : i32 to index
    %swap3A_1052 = arith.constant 32 : index
    %swap3A_1053 = tpu.vector_load %arg20[%swap3A_1051, %swap3A_1052] {strides = array<i32>} : memref<10x128xi32, #tpu.memory_space<vmem>>, vector<1x16xi32>,
    %swap3A_1054 = vector.shape_cast %swap3A_1053 : vector<1x16xi32> to vector<16xi32>
    %swap3A_1055 = vector.shape_cast %select_n3A_1049 : vector<16xi32> to vector<1x16xi32>
    tpu.vector_store %arg20[%swap3A_1051, %swap3A_1052], %swap3A_1055 {strides = array<i32>} : memref<10x128xi32, #tpu.memory_space<vmem>>, vector<1x16xi32>,
    %get3A_1056 = arith.constant 688 : index
    %get3A_1057 = tpu.vector_load %arg19[%get3A_1056] {strides = array<i32>} : memref<1280xi32, #tpu.memory_space<vmem>>, vector<16xi32>,
    %get3A_1058 = vector.shape_cast %get3A_1057 : vector<16xi32> to vector<16xi32>
    %broadcast_in_dim3A_1059 = arith.constant 1712 : i32
    %broadcast_in_dim3A_1060 = vector.broadcast %broadcast_in_dim3A_1059 : i32 to vector<16xi32>
    %add3A_1061 = arith.addi %broadcast_in_dim3A_1060, %iota3A : vector<16xi32>
    %lt3A_1062 = arith.cmpi slt, %get3A_1058, %broadcast_in_dim3A_35 : vector<16xi32>
    %add3A_1063 = arith.addi %add3A_410, %get3A_1058 : vector<16xi32>
    %select_n3A_1064 = arith.select %lt3A_1062, %add3A_1063, %add3A_1061 : vector<16xi1>, vector<16xi32>
    %swap3A_1065 = arith.constant 5 : i32
    %swap3A_1066 = arith.index_cast %swap3A_1065 : i32 to index
    %swap3A_1067 = arith.constant 48 : index
    %swap3A_1068 = tpu.vector_load %arg20[%swap3A_1066, %swap3A_1067] {strides = array<i32>} : memref<10x128xi32, #tpu.memory_space<vmem>>, vector<1x16xi32>,
    %swap3A_1069 = vector.shape_cast %swap3A_1068 : vector<1x16xi32> to vector<16xi32>
    %swap3A_1070 = vector.shape_cast %select_n3A_1064 : vector<16xi32> to vector<1x16xi32>
    tpu.vector_store %arg20[%swap3A_1066, %swap3A_1067], %swap3A_1070 {strides = array<i32>} : memref<10x128xi32, #tpu.memory_space<vmem>>, vector<1x16xi32>,
    %get3A_1071 = arith.constant 704 : index
    %get3A_1072 = tpu.vector_load %arg19[%get3A_1071] {strides = array<i32>} : memref<1280xi32, #tpu.memory_space<vmem>>, vector<16xi32>,
    %get3A_1073 = vector.shape_cast %get3A_1072 : vector<16xi32> to vector<16xi32>
    %broadcast_in_dim3A_1074 = arith.constant 1728 : i32
    %broadcast_in_dim3A_1075 = vector.broadcast %broadcast_in_dim3A_1074 : i32 to vector<16xi32>
    %add3A_1076 = arith.addi %broadcast_in_dim3A_1075, %iota3A : vector<16xi32>
    %lt3A_1077 = arith.cmpi slt, %get3A_1073, %broadcast_in_dim3A_35 : vector<16xi32>
    %add3A_1078 = arith.addi %add3A_410, %get3A_1073 : vector<16xi32>
    %select_n3A_1079 = arith.select %lt3A_1077, %add3A_1078, %add3A_1076 : vector<16xi1>, vector<16xi32>
    %swap3A_1080 = arith.constant 5 : i32
    %swap3A_1081 = arith.index_cast %swap3A_1080 : i32 to index
    %swap3A_1082 = arith.constant 64 : index
    %swap3A_1083 = tpu.vector_load %arg20[%swap3A_1081, %swap3A_1082] {strides = array<i32>} : memref<10x128xi32, #tpu.memory_space<vmem>>, vector<1x16xi32>,
    %swap3A_1084 = vector.shape_cast %swap3A_1083 : vector<1x16xi32> to vector<16xi32>
    %swap3A_1085 = vector.shape_cast %select_n3A_1079 : vector<16xi32> to vector<1x16xi32>
    tpu.vector_store %arg20[%swap3A_1081, %swap3A_1082], %swap3A_1085 {strides = array<i32>} : memref<10x128xi32, #tpu.memory_space<vmem>>, vector<1x16xi32>,
    %get3A_1086 = arith.constant 720 : index
    %get3A_1087 = tpu.vector_load %arg19[%get3A_1086] {strides = array<i32>} : memref<1280xi32, #tpu.memory_space<vmem>>, vector<16xi32>,
    %get3A_1088 = vector.shape_cast %get3A_1087 : vector<16xi32> to vector<16xi32>
    %broadcast_in_dim3A_1089 = arith.constant 1744 : i32
    %broadcast_in_dim3A_1090 = vector.broadcast %broadcast_in_dim3A_1089 : i32 to vector<16xi32>
    %add3A_1091 = arith.addi %broadcast_in_dim3A_1090, %iota3A : vector<16xi32>
    %lt3A_1092 = arith.cmpi slt, %get3A_1088, %broadcast_in_dim3A_35 : vector<16xi32>
    %add3A_1093 = arith.addi %add3A_410, %get3A_1088 : vector<16xi32>
    %select_n3A_1094 = arith.select %lt3A_1092, %add3A_1093, %add3A_1091 : vector<16xi1>, vector<16xi32>
    %swap3A_1095 = arith.constant 5 : i32
    %swap3A_1096 = arith.index_cast %swap3A_1095 : i32 to index
    %swap3A_1097 = arith.constant 80 : index
    %swap3A_1098 = tpu.vector_load %arg20[%swap3A_1096, %swap3A_1097] {strides = array<i32>} : memref<10x128xi32, #tpu.memory_space<vmem>>, vector<1x16xi32>,
    %swap3A_1099 = vector.shape_cast %swap3A_1098 : vector<1x16xi32> to vector<16xi32>
    %swap3A_1100 = vector.shape_cast %select_n3A_1094 : vector<16xi32> to vector<1x16xi32>
    tpu.vector_store %arg20[%swap3A_1096, %swap3A_1097], %swap3A_1100 {strides = array<i32>} : memref<10x128xi32, #tpu.memory_space<vmem>>, vector<1x16xi32>,
    %get3A_1101 = arith.constant 736 : index
    %get3A_1102 = tpu.vector_load %arg19[%get3A_1101] {strides = array<i32>} : memref<1280xi32, #tpu.memory_space<vmem>>, vector<16xi32>,
    %get3A_1103 = vector.shape_cast %get3A_1102 : vector<16xi32> to vector<16xi32>
    %broadcast_in_dim3A_1104 = arith.constant 1760 : i32
    %broadcast_in_dim3A_1105 = vector.broadcast %broadcast_in_dim3A_1104 : i32 to vector<16xi32>
    %add3A_1106 = arith.addi %broadcast_in_dim3A_1105, %iota3A : vector<16xi32>
    %lt3A_1107 = arith.cmpi slt, %get3A_1103, %broadcast_in_dim3A_35 : vector<16xi32>
    %add3A_1108 = arith.addi %add3A_410, %get3A_1103 : vector<16xi32>
    %select_n3A_1109 = arith.select %lt3A_1107, %add3A_1108, %add3A_1106 : vector<16xi1>, vector<16xi32>
    %swap3A_1110 = arith.constant 5 : i32
    %swap3A_1111 = arith.index_cast %swap3A_1110 : i32 to index
    %swap3A_1112 = arith.constant 96 : index
    %swap3A_1113 = tpu.vector_load %arg20[%swap3A_1111, %swap3A_1112] {strides = array<i32>} : memref<10x128xi32, #tpu.memory_space<vmem>>, vector<1x16xi32>,
    %swap3A_1114 = vector.shape_cast %swap3A_1113 : vector<1x16xi32> to vector<16xi32>
    %swap3A_1115 = vector.shape_cast %select_n3A_1109 : vector<16xi32> to vector<1x16xi32>
    tpu.vector_store %arg20[%swap3A_1111, %swap3A_1112], %swap3A_1115 {strides = array<i32>} : memref<10x128xi32, #tpu.memory_space<vmem>>, vector<1x16xi32>,
    %get3A_1116 = arith.constant 752 : index
    %get3A_1117 = tpu.vector_load %arg19[%get3A_1116] {strides = array<i32>} : memref<1280xi32, #tpu.memory_space<vmem>>, vector<16xi32>,
    %get3A_1118 = vector.shape_cast %get3A_1117 : vector<16xi32> to vector<16xi32>
    %broadcast_in_dim3A_1119 = arith.constant 1776 : i32
    %broadcast_in_dim3A_1120 = vector.broadcast %broadcast_in_dim3A_1119 : i32 to vector<16xi32>
    %add3A_1121 = arith.addi %broadcast_in_dim3A_1120, %iota3A : vector<16xi32>
    %lt3A_1122 = arith.cmpi slt, %get3A_1118, %broadcast_in_dim3A_35 : vector<16xi32>
    %add3A_1123 = arith.addi %add3A_410, %get3A_1118 : vector<16xi32>
    %select_n3A_1124 = arith.select %lt3A_1122, %add3A_1123, %add3A_1121 : vector<16xi1>, vector<16xi32>
    %swap3A_1125 = arith.constant 5 : i32
    %swap3A_1126 = arith.index_cast %swap3A_1125 : i32 to index
    %swap3A_1127 = arith.constant 112 : index
    %swap3A_1128 = tpu.vector_load %arg20[%swap3A_1126, %swap3A_1127] {strides = array<i32>} : memref<10x128xi32, #tpu.memory_space<vmem>>, vector<1x16xi32>,
    %swap3A_1129 = vector.shape_cast %swap3A_1128 : vector<1x16xi32> to vector<16xi32>
    %swap3A_1130 = vector.shape_cast %select_n3A_1124 : vector<16xi32> to vector<1x16xi32>
    tpu.vector_store %arg20[%swap3A_1126, %swap3A_1127], %swap3A_1130 {strides = array<i32>} : memref<10x128xi32, #tpu.memory_space<vmem>>, vector<1x16xi32>,
    %get3A_1131 = arith.constant 768 : index
    %get3A_1132 = tpu.vector_load %arg19[%get3A_1131] {strides = array<i32>} : memref<1280xi32, #tpu.memory_space<vmem>>, vector<16xi32>,
    %get3A_1133 = vector.shape_cast %get3A_1132 : vector<16xi32> to vector<16xi32>
    %broadcast_in_dim3A_1134 = arith.constant 1792 : i32
    %broadcast_in_dim3A_1135 = vector.broadcast %broadcast_in_dim3A_1134 : i32 to vector<16xi32>
    %add3A_1136 = arith.addi %broadcast_in_dim3A_1135, %iota3A : vector<16xi32>
    %lt3A_1137 = arith.cmpi slt, %get3A_1133, %broadcast_in_dim3A_35 : vector<16xi32>
    %add3A_1138 = arith.addi %add3A_410, %get3A_1133 : vector<16xi32>
    %select_n3A_1139 = arith.select %lt3A_1137, %add3A_1138, %add3A_1136 : vector<16xi1>, vector<16xi32>
    %swap3A_1140 = arith.constant 6 : i32
    %swap3A_1141 = arith.index_cast %swap3A_1140 : i32 to index
    %swap3A_1142 = arith.constant 0 : index
    %swap3A_1143 = tpu.vector_load %arg20[%swap3A_1141, %swap3A_1142] {strides = array<i32>} : memref<10x128xi32, #tpu.memory_space<vmem>>, vector<1x16xi32>,
    %swap3A_1144 = vector.shape_cast %swap3A_1143 : vector<1x16xi32> to vector<16xi32>
    %swap3A_1145 = vector.shape_cast %select_n3A_1139 : vector<16xi32> to vector<1x16xi32>
    tpu.vector_store %arg20[%swap3A_1141, %swap3A_1142], %swap3A_1145 {strides = array<i32>} : memref<10x128xi32, #tpu.memory_space<vmem>>, vector<1x16xi32>,
    %get3A_1146 = arith.constant 784 : index
    %get3A_1147 = tpu.vector_load %arg19[%get3A_1146] {strides = array<i32>} : memref<1280xi32, #tpu.memory_space<vmem>>, vector<16xi32>,
    %get3A_1148 = vector.shape_cast %get3A_1147 : vector<16xi32> to vector<16xi32>
    %broadcast_in_dim3A_1149 = arith.constant 1808 : i32
    %broadcast_in_dim3A_1150 = vector.broadcast %broadcast_in_dim3A_1149 : i32 to vector<16xi32>
    %add3A_1151 = arith.addi %broadcast_in_dim3A_1150, %iota3A : vector<16xi32>
    %lt3A_1152 = arith.cmpi slt, %get3A_1148, %broadcast_in_dim3A_35 : vector<16xi32>
    %add3A_1153 = arith.addi %add3A_410, %get3A_1148 : vector<16xi32>
    %select_n3A_1154 = arith.select %lt3A_1152, %add3A_1153, %add3A_1151 : vector<16xi1>, vector<16xi32>
    %swap3A_1155 = arith.constant 6 : i32
    %swap3A_1156 = arith.index_cast %swap3A_1155 : i32 to index
    %swap3A_1157 = arith.constant 16 : index
    %swap3A_1158 = tpu.vector_load %arg20[%swap3A_1156, %swap3A_1157] {strides = array<i32>} : memref<10x128xi32, #tpu.memory_space<vmem>>, vector<1x16xi32>,
    %swap3A_1159 = vector.shape_cast %swap3A_1158 : vector<1x16xi32> to vector<16xi32>
    %swap3A_1160 = vector.shape_cast %select_n3A_1154 : vector<16xi32> to vector<1x16xi32>
    tpu.vector_store %arg20[%swap3A_1156, %swap3A_1157], %swap3A_1160 {strides = array<i32>} : memref<10x128xi32, #tpu.memory_space<vmem>>, vector<1x16xi32>,
    %get3A_1161 = arith.constant 800 : index
    %get3A_1162 = tpu.vector_load %arg19[%get3A_1161] {strides = array<i32>} : memref<1280xi32, #tpu.memory_space<vmem>>, vector<16xi32>,
    %get3A_1163 = vector.shape_cast %get3A_1162 : vector<16xi32> to vector<16xi32>
    %broadcast_in_dim3A_1164 = arith.constant 1824 : i32
    %broadcast_in_dim3A_1165 = vector.broadcast %broadcast_in_dim3A_1164 : i32 to vector<16xi32>
    %add3A_1166 = arith.addi %broadcast_in_dim3A_1165, %iota3A : vector<16xi32>
    %lt3A_1167 = arith.cmpi slt, %get3A_1163, %broadcast_in_dim3A_35 : vector<16xi32>
    %add3A_1168 = arith.addi %add3A_410, %get3A_1163 : vector<16xi32>
    %select_n3A_1169 = arith.select %lt3A_1167, %add3A_1168, %add3A_1166 : vector<16xi1>, vector<16xi32>
    %swap3A_1170 = arith.constant 6 : i32
    %swap3A_1171 = arith.index_cast %swap3A_1170 : i32 to index
    %swap3A_1172 = arith.constant 32 : index
    %swap3A_1173 = tpu.vector_load %arg20[%swap3A_1171, %swap3A_1172] {strides = array<i32>} : memref<10x128xi32, #tpu.memory_space<vmem>>, vector<1x16xi32>,
    %swap3A_1174 = vector.shape_cast %swap3A_1173 : vector<1x16xi32> to vector<16xi32>
    %swap3A_1175 = vector.shape_cast %select_n3A_1169 : vector<16xi32> to vector<1x16xi32>
    tpu.vector_store %arg20[%swap3A_1171, %swap3A_1172], %swap3A_1175 {strides = array<i32>} : memref<10x128xi32, #tpu.memory_space<vmem>>, vector<1x16xi32>,
    %get3A_1176 = arith.constant 816 : index
    %get3A_1177 = tpu.vector_load %arg19[%get3A_1176] {strides = array<i32>} : memref<1280xi32, #tpu.memory_space<vmem>>, vector<16xi32>,
    %get3A_1178 = vector.shape_cast %get3A_1177 : vector<16xi32> to vector<16xi32>
    %broadcast_in_dim3A_1179 = arith.constant 1840 : i32
    %broadcast_in_dim3A_1180 = vector.broadcast %broadcast_in_dim3A_1179 : i32 to vector<16xi32>
    %add3A_1181 = arith.addi %broadcast_in_dim3A_1180, %iota3A : vector<16xi32>
    %lt3A_1182 = arith.cmpi slt, %get3A_1178, %broadcast_in_dim3A_35 : vector<16xi32>
    %add3A_1183 = arith.addi %add3A_410, %get3A_1178 : vector<16xi32>
    %select_n3A_1184 = arith.select %lt3A_1182, %add3A_1183, %add3A_1181 : vector<16xi1>, vector<16xi32>
    %swap3A_1185 = arith.constant 6 : i32
    %swap3A_1186 = arith.index_cast %swap3A_1185 : i32 to index
    %swap3A_1187 = arith.constant 48 : index
    %swap3A_1188 = tpu.vector_load %arg20[%swap3A_1186, %swap3A_1187] {strides = array<i32>} : memref<10x128xi32, #tpu.memory_space<vmem>>, vector<1x16xi32>,
    %swap3A_1189 = vector.shape_cast %swap3A_1188 : vector<1x16xi32> to vector<16xi32>
    %swap3A_1190 = vector.shape_cast %select_n3A_1184 : vector<16xi32> to vector<1x16xi32>
    tpu.vector_store %arg20[%swap3A_1186, %swap3A_1187], %swap3A_1190 {strides = array<i32>} : memref<10x128xi32, #tpu.memory_space<vmem>>, vector<1x16xi32>,
    %get3A_1191 = arith.constant 832 : index
    %get3A_1192 = tpu.vector_load %arg19[%get3A_1191] {strides = array<i32>} : memref<1280xi32, #tpu.memory_space<vmem>>, vector<16xi32>,
    %get3A_1193 = vector.shape_cast %get3A_1192 : vector<16xi32> to vector<16xi32>
    %broadcast_in_dim3A_1194 = arith.constant 1856 : i32
    %broadcast_in_dim3A_1195 = vector.broadcast %broadcast_in_dim3A_1194 : i32 to vector<16xi32>
    %add3A_1196 = arith.addi %broadcast_in_dim3A_1195, %iota3A : vector<16xi32>
    %lt3A_1197 = arith.cmpi slt, %get3A_1193, %broadcast_in_dim3A_35 : vector<16xi32>
    %add3A_1198 = arith.addi %add3A_410, %get3A_1193 : vector<16xi32>
    %select_n3A_1199 = arith.select %lt3A_1197, %add3A_1198, %add3A_1196 : vector<16xi1>, vector<16xi32>
    %swap3A_1200 = arith.constant 6 : i32
    %swap3A_1201 = arith.index_cast %swap3A_1200 : i32 to index
    %swap3A_1202 = arith.constant 64 : index
    %swap3A_1203 = tpu.vector_load %arg20[%swap3A_1201, %swap3A_1202] {strides = array<i32>} : memref<10x128xi32, #tpu.memory_space<vmem>>, vector<1x16xi32>,
    %swap3A_1204 = vector.shape_cast %swap3A_1203 : vector<1x16xi32> to vector<16xi32>
    %swap3A_1205 = vector.shape_cast %select_n3A_1199 : vector<16xi32> to vector<1x16xi32>
    tpu.vector_store %arg20[%swap3A_1201, %swap3A_1202], %swap3A_1205 {strides = array<i32>} : memref<10x128xi32, #tpu.memory_space<vmem>>, vector<1x16xi32>,
    %get3A_1206 = arith.constant 848 : index
    %get3A_1207 = tpu.vector_load %arg19[%get3A_1206] {strides = array<i32>} : memref<1280xi32, #tpu.memory_space<vmem>>, vector<16xi32>,
    %get3A_1208 = vector.shape_cast %get3A_1207 : vector<16xi32> to vector<16xi32>
    %broadcast_in_dim3A_1209 = arith.constant 1872 : i32
    %broadcast_in_dim3A_1210 = vector.broadcast %broadcast_in_dim3A_1209 : i32 to vector<16xi32>
    %add3A_1211 = arith.addi %broadcast_in_dim3A_1210, %iota3A : vector<16xi32>
    %lt3A_1212 = arith.cmpi slt, %get3A_1208, %broadcast_in_dim3A_35 : vector<16xi32>
    %add3A_1213 = arith.addi %add3A_410, %get3A_1208 : vector<16xi32>
    %select_n3A_1214 = arith.select %lt3A_1212, %add3A_1213, %add3A_1211 : vector<16xi1>, vector<16xi32>
    %swap3A_1215 = arith.constant 6 : i32
    %swap3A_1216 = arith.index_cast %swap3A_1215 : i32 to index
    %swap3A_1217 = arith.constant 80 : index
    %swap3A_1218 = tpu.vector_load %arg20[%swap3A_1216, %swap3A_1217] {strides = array<i32>} : memref<10x128xi32, #tpu.memory_space<vmem>>, vector<1x16xi32>,
    %swap3A_1219 = vector.shape_cast %swap3A_1218 : vector<1x16xi32> to vector<16xi32>
    %swap3A_1220 = vector.shape_cast %select_n3A_1214 : vector<16xi32> to vector<1x16xi32>
    tpu.vector_store %arg20[%swap3A_1216, %swap3A_1217], %swap3A_1220 {strides = array<i32>} : memref<10x128xi32, #tpu.memory_space<vmem>>, vector<1x16xi32>,
    %get3A_1221 = arith.constant 864 : index
    %get3A_1222 = tpu.vector_load %arg19[%get3A_1221] {strides = array<i32>} : memref<1280xi32, #tpu.memory_space<vmem>>, vector<16xi32>,
    %get3A_1223 = vector.shape_cast %get3A_1222 : vector<16xi32> to vector<16xi32>
    %broadcast_in_dim3A_1224 = arith.constant 1888 : i32
    %broadcast_in_dim3A_1225 = vector.broadcast %broadcast_in_dim3A_1224 : i32 to vector<16xi32>
    %add3A_1226 = arith.addi %broadcast_in_dim3A_1225, %iota3A : vector<16xi32>
    %lt3A_1227 = arith.cmpi slt, %get3A_1223, %broadcast_in_dim3A_35 : vector<16xi32>
    %add3A_1228 = arith.addi %add3A_410, %get3A_1223 : vector<16xi32>
    %select_n3A_1229 = arith.select %lt3A_1227, %add3A_1228, %add3A_1226 : vector<16xi1>, vector<16xi32>
    %swap3A_1230 = arith.constant 6 : i32
    %swap3A_1231 = arith.index_cast %swap3A_1230 : i32 to index
    %swap3A_1232 = arith.constant 96 : index
    %swap3A_1233 = tpu.vector_load %arg20[%swap3A_1231, %swap3A_1232] {strides = array<i32>} : memref<10x128xi32, #tpu.memory_space<vmem>>, vector<1x16xi32>,
    %swap3A_1234 = vector.shape_cast %swap3A_1233 : vector<1x16xi32> to vector<16xi32>
    %swap3A_1235 = vector.shape_cast %select_n3A_1229 : vector<16xi32> to vector<1x16xi32>
    tpu.vector_store %arg20[%swap3A_1231, %swap3A_1232], %swap3A_1235 {strides = array<i32>} : memref<10x128xi32, #tpu.memory_space<vmem>>, vector<1x16xi32>,
    %get3A_1236 = arith.constant 880 : index
    %get3A_1237 = tpu.vector_load %arg19[%get3A_1236] {strides = array<i32>} : memref<1280xi32, #tpu.memory_space<vmem>>, vector<16xi32>,
    %get3A_1238 = vector.shape_cast %get3A_1237 : vector<16xi32> to vector<16xi32>
    %broadcast_in_dim3A_1239 = arith.constant 1904 : i32
    %broadcast_in_dim3A_1240 = vector.broadcast %broadcast_in_dim3A_1239 : i32 to vector<16xi32>
    %add3A_1241 = arith.addi %broadcast_in_dim3A_1240, %iota3A : vector<16xi32>
    %lt3A_1242 = arith.cmpi slt, %get3A_1238, %broadcast_in_dim3A_35 : vector<16xi32>
    %add3A_1243 = arith.addi %add3A_410, %get3A_1238 : vector<16xi32>
    %select_n3A_1244 = arith.select %lt3A_1242, %add3A_1243, %add3A_1241 : vector<16xi1>, vector<16xi32>
    %swap3A_1245 = arith.constant 6 : i32
    %swap3A_1246 = arith.index_cast %swap3A_1245 : i32 to index
    %swap3A_1247 = arith.constant 112 : index
    %swap3A_1248 = tpu.vector_load %arg20[%swap3A_1246, %swap3A_1247] {strides = array<i32>} : memref<10x128xi32, #tpu.memory_space<vmem>>, vector<1x16xi32>,
    %swap3A_1249 = vector.shape_cast %swap3A_1248 : vector<1x16xi32> to vector<16xi32>
    %swap3A_1250 = vector.shape_cast %select_n3A_1244 : vector<16xi32> to vector<1x16xi32>
    tpu.vector_store %arg20[%swap3A_1246, %swap3A_1247], %swap3A_1250 {strides = array<i32>} : memref<10x128xi32, #tpu.memory_space<vmem>>, vector<1x16xi32>,
    %get3A_1251 = arith.constant 896 : index
    %get3A_1252 = tpu.vector_load %arg19[%get3A_1251] {strides = array<i32>} : memref<1280xi32, #tpu.memory_space<vmem>>, vector<16xi32>,
    %get3A_1253 = vector.shape_cast %get3A_1252 : vector<16xi32> to vector<16xi32>
    %broadcast_in_dim3A_1254 = arith.constant 1920 : i32
    %broadcast_in_dim3A_1255 = vector.broadcast %broadcast_in_dim3A_1254 : i32 to vector<16xi32>
    %add3A_1256 = arith.addi %broadcast_in_dim3A_1255, %iota3A : vector<16xi32>
    %lt3A_1257 = arith.cmpi slt, %get3A_1253, %broadcast_in_dim3A_35 : vector<16xi32>
    %add3A_1258 = arith.addi %add3A_410, %get3A_1253 : vector<16xi32>
    %select_n3A_1259 = arith.select %lt3A_1257, %add3A_1258, %add3A_1256 : vector<16xi1>, vector<16xi32>
    %swap3A_1260 = arith.constant 7 : i32
    %swap3A_1261 = arith.index_cast %swap3A_1260 : i32 to index
    %swap3A_1262 = arith.constant 0 : index
    %swap3A_1263 = tpu.vector_load %arg20[%swap3A_1261, %swap3A_1262] {strides = array<i32>} : memref<10x128xi32, #tpu.memory_space<vmem>>, vector<1x16xi32>,
    %swap3A_1264 = vector.shape_cast %swap3A_1263 : vector<1x16xi32> to vector<16xi32>
    %swap3A_1265 = vector.shape_cast %select_n3A_1259 : vector<16xi32> to vector<1x16xi32>
    tpu.vector_store %arg20[%swap3A_1261, %swap3A_1262], %swap3A_1265 {strides = array<i32>} : memref<10x128xi32, #tpu.memory_space<vmem>>, vector<1x16xi32>,
    %get3A_1266 = arith.constant 912 : index
    %get3A_1267 = tpu.vector_load %arg19[%get3A_1266] {strides = array<i32>} : memref<1280xi32, #tpu.memory_space<vmem>>, vector<16xi32>,
    %get3A_1268 = vector.shape_cast %get3A_1267 : vector<16xi32> to vector<16xi32>
    %broadcast_in_dim3A_1269 = arith.constant 1936 : i32
    %broadcast_in_dim3A_1270 = vector.broadcast %broadcast_in_dim3A_1269 : i32 to vector<16xi32>
    %add3A_1271 = arith.addi %broadcast_in_dim3A_1270, %iota3A : vector<16xi32>
    %lt3A_1272 = arith.cmpi slt, %get3A_1268, %broadcast_in_dim3A_35 : vector<16xi32>
    %add3A_1273 = arith.addi %add3A_410, %get3A_1268 : vector<16xi32>
    %select_n3A_1274 = arith.select %lt3A_1272, %add3A_1273, %add3A_1271 : vector<16xi1>, vector<16xi32>
    %swap3A_1275 = arith.constant 7 : i32
    %swap3A_1276 = arith.index_cast %swap3A_1275 : i32 to index
    %swap3A_1277 = arith.constant 16 : index
    %swap3A_1278 = tpu.vector_load %arg20[%swap3A_1276, %swap3A_1277] {strides = array<i32>} : memref<10x128xi32, #tpu.memory_space<vmem>>, vector<1x16xi32>,
    %swap3A_1279 = vector.shape_cast %swap3A_1278 : vector<1x16xi32> to vector<16xi32>
    %swap3A_1280 = vector.shape_cast %select_n3A_1274 : vector<16xi32> to vector<1x16xi32>
    tpu.vector_store %arg20[%swap3A_1276, %swap3A_1277], %swap3A_1280 {strides = array<i32>} : memref<10x128xi32, #tpu.memory_space<vmem>>, vector<1x16xi32>,
    %get3A_1281 = arith.constant 928 : index
    %get3A_1282 = tpu.vector_load %arg19[%get3A_1281] {strides = array<i32>} : memref<1280xi32, #tpu.memory_space<vmem>>, vector<16xi32>,
    %get3A_1283 = vector.shape_cast %get3A_1282 : vector<16xi32> to vector<16xi32>
    %broadcast_in_dim3A_1284 = arith.constant 1952 : i32
    %broadcast_in_dim3A_1285 = vector.broadcast %broadcast_in_dim3A_1284 : i32 to vector<16xi32>
    %add3A_1286 = arith.addi %broadcast_in_dim3A_1285, %iota3A : vector<16xi32>
    %lt3A_1287 = arith.cmpi slt, %get3A_1283, %broadcast_in_dim3A_35 : vector<16xi32>
    %add3A_1288 = arith.addi %add3A_410, %get3A_1283 : vector<16xi32>
    %select_n3A_1289 = arith.select %lt3A_1287, %add3A_1288, %add3A_1286 : vector<16xi1>, vector<16xi32>
    %swap3A_1290 = arith.constant 7 : i32
    %swap3A_1291 = arith.index_cast %swap3A_1290 : i32 to index
    %swap3A_1292 = arith.constant 32 : index
    %swap3A_1293 = tpu.vector_load %arg20[%swap3A_1291, %swap3A_1292] {strides = array<i32>} : memref<10x128xi32, #tpu.memory_space<vmem>>, vector<1x16xi32>,
    %swap3A_1294 = vector.shape_cast %swap3A_1293 : vector<1x16xi32> to vector<16xi32>
    %swap3A_1295 = vector.shape_cast %select_n3A_1289 : vector<16xi32> to vector<1x16xi32>
    tpu.vector_store %arg20[%swap3A_1291, %swap3A_1292], %swap3A_1295 {strides = array<i32>} : memref<10x128xi32, #tpu.memory_space<vmem>>, vector<1x16xi32>,
    %get3A_1296 = arith.constant 944 : index
    %get3A_1297 = tpu.vector_load %arg19[%get3A_1296] {strides = array<i32>} : memref<1280xi32, #tpu.memory_space<vmem>>, vector<16xi32>,
    %get3A_1298 = vector.shape_cast %get3A_1297 : vector<16xi32> to vector<16xi32>
    %broadcast_in_dim3A_1299 = arith.constant 1968 : i32
    %broadcast_in_dim3A_1300 = vector.broadcast %broadcast_in_dim3A_1299 : i32 to vector<16xi32>
    %add3A_1301 = arith.addi %broadcast_in_dim3A_1300, %iota3A : vector<16xi32>
    %lt3A_1302 = arith.cmpi slt, %get3A_1298, %broadcast_in_dim3A_35 : vector<16xi32>
    %add3A_1303 = arith.addi %add3A_410, %get3A_1298 : vector<16xi32>
    %select_n3A_1304 = arith.select %lt3A_1302, %add3A_1303, %add3A_1301 : vector<16xi1>, vector<16xi32>
    %swap3A_1305 = arith.constant 7 : i32
    %swap3A_1306 = arith.index_cast %swap3A_1305 : i32 to index
    %swap3A_1307 = arith.constant 48 : index
    %swap3A_1308 = tpu.vector_load %arg20[%swap3A_1306, %swap3A_1307] {strides = array<i32>} : memref<10x128xi32, #tpu.memory_space<vmem>>, vector<1x16xi32>,
    %swap3A_1309 = vector.shape_cast %swap3A_1308 : vector<1x16xi32> to vector<16xi32>
    %swap3A_1310 = vector.shape_cast %select_n3A_1304 : vector<16xi32> to vector<1x16xi32>
    tpu.vector_store %arg20[%swap3A_1306, %swap3A_1307], %swap3A_1310 {strides = array<i32>} : memref<10x128xi32, #tpu.memory_space<vmem>>, vector<1x16xi32>,
    %get3A_1311 = arith.constant 960 : index
    %get3A_1312 = tpu.vector_load %arg19[%get3A_1311] {strides = array<i32>} : memref<1280xi32, #tpu.memory_space<vmem>>, vector<16xi32>,
    %get3A_1313 = vector.shape_cast %get3A_1312 : vector<16xi32> to vector<16xi32>
    %broadcast_in_dim3A_1314 = arith.constant 1984 : i32
    %broadcast_in_dim3A_1315 = vector.broadcast %broadcast_in_dim3A_1314 : i32 to vector<16xi32>
    %add3A_1316 = arith.addi %broadcast_in_dim3A_1315, %iota3A : vector<16xi32>
    %lt3A_1317 = arith.cmpi slt, %get3A_1313, %broadcast_in_dim3A_35 : vector<16xi32>
    %add3A_1318 = arith.addi %add3A_410, %get3A_1313 : vector<16xi32>
    %select_n3A_1319 = arith.select %lt3A_1317, %add3A_1318, %add3A_1316 : vector<16xi1>, vector<16xi32>
    %swap3A_1320 = arith.constant 7 : i32
    %swap3A_1321 = arith.index_cast %swap3A_1320 : i32 to index
    %swap3A_1322 = arith.constant 64 : index
    %swap3A_1323 = tpu.vector_load %arg20[%swap3A_1321, %swap3A_1322] {strides = array<i32>} : memref<10x128xi32, #tpu.memory_space<vmem>>, vector<1x16xi32>,
    %swap3A_1324 = vector.shape_cast %swap3A_1323 : vector<1x16xi32> to vector<16xi32>
    %swap3A_1325 = vector.shape_cast %select_n3A_1319 : vector<16xi32> to vector<1x16xi32>
    tpu.vector_store %arg20[%swap3A_1321, %swap3A_1322], %swap3A_1325 {strides = array<i32>} : memref<10x128xi32, #tpu.memory_space<vmem>>, vector<1x16xi32>,
    %get3A_1326 = arith.constant 976 : index
    %get3A_1327 = tpu.vector_load %arg19[%get3A_1326] {strides = array<i32>} : memref<1280xi32, #tpu.memory_space<vmem>>, vector<16xi32>,
    %get3A_1328 = vector.shape_cast %get3A_1327 : vector<16xi32> to vector<16xi32>
    %broadcast_in_dim3A_1329 = arith.constant 2000 : i32
    %broadcast_in_dim3A_1330 = vector.broadcast %broadcast_in_dim3A_1329 : i32 to vector<16xi32>
    %add3A_1331 = arith.addi %broadcast_in_dim3A_1330, %iota3A : vector<16xi32>
    %lt3A_1332 = arith.cmpi slt, %get3A_1328, %broadcast_in_dim3A_35 : vector<16xi32>
    %add3A_1333 = arith.addi %add3A_410, %get3A_1328 : vector<16xi32>
    %select_n3A_1334 = arith.select %lt3A_1332, %add3A_1333, %add3A_1331 : vector<16xi1>, vector<16xi32>
    %swap3A_1335 = arith.constant 7 : i32
    %swap3A_1336 = arith.index_cast %swap3A_1335 : i32 to index
    %swap3A_1337 = arith.constant 80 : index
    %swap3A_1338 = tpu.vector_load %arg20[%swap3A_1336, %swap3A_1337] {strides = array<i32>} : memref<10x128xi32, #tpu.memory_space<vmem>>, vector<1x16xi32>,
    %swap3A_1339 = vector.shape_cast %swap3A_1338 : vector<1x16xi32> to vector<16xi32>
    %swap3A_1340 = vector.shape_cast %select_n3A_1334 : vector<16xi32> to vector<1x16xi32>
    tpu.vector_store %arg20[%swap3A_1336, %swap3A_1337], %swap3A_1340 {strides = array<i32>} : memref<10x128xi32, #tpu.memory_space<vmem>>, vector<1x16xi32>,
    %get3A_1341 = arith.constant 992 : index
    %get3A_1342 = tpu.vector_load %arg19[%get3A_1341] {strides = array<i32>} : memref<1280xi32, #tpu.memory_space<vmem>>, vector<16xi32>,
    %get3A_1343 = vector.shape_cast %get3A_1342 : vector<16xi32> to vector<16xi32>
    %broadcast_in_dim3A_1344 = arith.constant 2016 : i32
    %broadcast_in_dim3A_1345 = vector.broadcast %broadcast_in_dim3A_1344 : i32 to vector<16xi32>
    %add3A_1346 = arith.addi %broadcast_in_dim3A_1345, %iota3A : vector<16xi32>
    %lt3A_1347 = arith.cmpi slt, %get3A_1343, %broadcast_in_dim3A_35 : vector<16xi32>
    %add3A_1348 = arith.addi %add3A_410, %get3A_1343 : vector<16xi32>
    %select_n3A_1349 = arith.select %lt3A_1347, %add3A_1348, %add3A_1346 : vector<16xi1>, vector<16xi32>
    %swap3A_1350 = arith.constant 7 : i32
    %swap3A_1351 = arith.index_cast %swap3A_1350 : i32 to index
    %swap3A_1352 = arith.constant 96 : index
    %swap3A_1353 = tpu.vector_load %arg20[%swap3A_1351, %swap3A_1352] {strides = array<i32>} : memref<10x128xi32, #tpu.memory_space<vmem>>, vector<1x16xi32>,
    %swap3A_1354 = vector.shape_cast %swap3A_1353 : vector<1x16xi32> to vector<16xi32>
    %swap3A_1355 = vector.shape_cast %select_n3A_1349 : vector<16xi32> to vector<1x16xi32>
    tpu.vector_store %arg20[%swap3A_1351, %swap3A_1352], %swap3A_1355 {strides = array<i32>} : memref<10x128xi32, #tpu.memory_space<vmem>>, vector<1x16xi32>,
    %get3A_1356 = arith.constant 1008 : index
    %get3A_1357 = tpu.vector_load %arg19[%get3A_1356] {strides = array<i32>} : memref<1280xi32, #tpu.memory_space<vmem>>, vector<16xi32>,
    %get3A_1358 = vector.shape_cast %get3A_1357 : vector<16xi32> to vector<16xi32>
    %broadcast_in_dim3A_1359 = arith.constant 2032 : i32
    %broadcast_in_dim3A_1360 = vector.broadcast %broadcast_in_dim3A_1359 : i32 to vector<16xi32>
    %add3A_1361 = arith.addi %broadcast_in_dim3A_1360, %iota3A : vector<16xi32>
    %lt3A_1362 = arith.cmpi slt, %get3A_1358, %broadcast_in_dim3A_35 : vector<16xi32>
    %add3A_1363 = arith.addi %add3A_410, %get3A_1358 : vector<16xi32>
    %select_n3A_1364 = arith.select %lt3A_1362, %add3A_1363, %add3A_1361 : vector<16xi1>, vector<16xi32>
    %swap3A_1365 = arith.constant 7 : i32
    %swap3A_1366 = arith.index_cast %swap3A_1365 : i32 to index
    %swap3A_1367 = arith.constant 112 : index
    %swap3A_1368 = tpu.vector_load %arg20[%swap3A_1366, %swap3A_1367] {strides = array<i32>} : memref<10x128xi32, #tpu.memory_space<vmem>>, vector<1x16xi32>,
    %swap3A_1369 = vector.shape_cast %swap3A_1368 : vector<1x16xi32> to vector<16xi32>
    %swap3A_1370 = vector.shape_cast %select_n3A_1364 : vector<16xi32> to vector<1x16xi32>
    tpu.vector_store %arg20[%swap3A_1366, %swap3A_1367], %swap3A_1370 {strides = array<i32>} : memref<10x128xi32, #tpu.memory_space<vmem>>, vector<1x16xi32>,
    %get3A_1371 = arith.constant 1024 : index
    %get3A_1372 = tpu.vector_load %arg19[%get3A_1371] {strides = array<i32>} : memref<1280xi32, #tpu.memory_space<vmem>>, vector<16xi32>,
    %get3A_1373 = vector.shape_cast %get3A_1372 : vector<16xi32> to vector<16xi32>
    %broadcast_in_dim3A_1374 = arith.constant 2048 : i32
    %broadcast_in_dim3A_1375 = vector.broadcast %broadcast_in_dim3A_1374 : i32 to vector<16xi32>
    %add3A_1376 = arith.addi %broadcast_in_dim3A_1375, %iota3A : vector<16xi32>
    %lt3A_1377 = arith.cmpi slt, %get3A_1373, %broadcast_in_dim3A_35 : vector<16xi32>
    %add3A_1378 = arith.addi %add3A_410, %get3A_1373 : vector<16xi32>
    %select_n3A_1379 = arith.select %lt3A_1377, %add3A_1378, %add3A_1376 : vector<16xi1>, vector<16xi32>
    %swap3A_1380 = arith.constant 8 : i32
    %swap3A_1381 = arith.index_cast %swap3A_1380 : i32 to index
    %swap3A_1382 = arith.constant 0 : index
    %swap3A_1383 = tpu.vector_load %arg20[%swap3A_1381, %swap3A_1382] {strides = array<i32>} : memref<10x128xi32, #tpu.memory_space<vmem>>, vector<1x16xi32>,
    %swap3A_1384 = vector.shape_cast %swap3A_1383 : vector<1x16xi32> to vector<16xi32>
    %swap3A_1385 = vector.shape_cast %select_n3A_1379 : vector<16xi32> to vector<1x16xi32>
    tpu.vector_store %arg20[%swap3A_1381, %swap3A_1382], %swap3A_1385 {strides = array<i32>} : memref<10x128xi32, #tpu.memory_space<vmem>>, vector<1x16xi32>,
    %get3A_1386 = arith.constant 1040 : index
    %get3A_1387 = tpu.vector_load %arg19[%get3A_1386] {strides = array<i32>} : memref<1280xi32, #tpu.memory_space<vmem>>, vector<16xi32>,
    %get3A_1388 = vector.shape_cast %get3A_1387 : vector<16xi32> to vector<16xi32>
    %broadcast_in_dim3A_1389 = arith.constant 2064 : i32
    %broadcast_in_dim3A_1390 = vector.broadcast %broadcast_in_dim3A_1389 : i32 to vector<16xi32>
    %add3A_1391 = arith.addi %broadcast_in_dim3A_1390, %iota3A : vector<16xi32>
    %lt3A_1392 = arith.cmpi slt, %get3A_1388, %broadcast_in_dim3A_35 : vector<16xi32>
    %add3A_1393 = arith.addi %add3A_410, %get3A_1388 : vector<16xi32>
    %select_n3A_1394 = arith.select %lt3A_1392, %add3A_1393, %add3A_1391 : vector<16xi1>, vector<16xi32>
    %swap3A_1395 = arith.constant 8 : i32
    %swap3A_1396 = arith.index_cast %swap3A_1395 : i32 to index
    %swap3A_1397 = arith.constant 16 : index
    %swap3A_1398 = tpu.vector_load %arg20[%swap3A_1396, %swap3A_1397] {strides = array<i32>} : memref<10x128xi32, #tpu.memory_space<vmem>>, vector<1x16xi32>,
    %swap3A_1399 = vector.shape_cast %swap3A_1398 : vector<1x16xi32> to vector<16xi32>
    %swap3A_1400 = vector.shape_cast %select_n3A_1394 : vector<16xi32> to vector<1x16xi32>
    tpu.vector_store %arg20[%swap3A_1396, %swap3A_1397], %swap3A_1400 {strides = array<i32>} : memref<10x128xi32, #tpu.memory_space<vmem>>, vector<1x16xi32>,
    %get3A_1401 = arith.constant 1056 : index
    %get3A_1402 = tpu.vector_load %arg19[%get3A_1401] {strides = array<i32>} : memref<1280xi32, #tpu.memory_space<vmem>>, vector<16xi32>,
    %get3A_1403 = vector.shape_cast %get3A_1402 : vector<16xi32> to vector<16xi32>
    %broadcast_in_dim3A_1404 = arith.constant 2080 : i32
    %broadcast_in_dim3A_1405 = vector.broadcast %broadcast_in_dim3A_1404 : i32 to vector<16xi32>
    %add3A_1406 = arith.addi %broadcast_in_dim3A_1405, %iota3A : vector<16xi32>
    %lt3A_1407 = arith.cmpi slt, %get3A_1403, %broadcast_in_dim3A_35 : vector<16xi32>
    %add3A_1408 = arith.addi %add3A_410, %get3A_1403 : vector<16xi32>
    %select_n3A_1409 = arith.select %lt3A_1407, %add3A_1408, %add3A_1406 : vector<16xi1>, vector<16xi32>
    %swap3A_1410 = arith.constant 8 : i32
    %swap3A_1411 = arith.index_cast %swap3A_1410 : i32 to index
    %swap3A_1412 = arith.constant 32 : index
    %swap3A_1413 = tpu.vector_load %arg20[%swap3A_1411, %swap3A_1412] {strides = array<i32>} : memref<10x128xi32, #tpu.memory_space<vmem>>, vector<1x16xi32>,
    %swap3A_1414 = vector.shape_cast %swap3A_1413 : vector<1x16xi32> to vector<16xi32>
    %swap3A_1415 = vector.shape_cast %select_n3A_1409 : vector<16xi32> to vector<1x16xi32>
    tpu.vector_store %arg20[%swap3A_1411, %swap3A_1412], %swap3A_1415 {strides = array<i32>} : memref<10x128xi32, #tpu.memory_space<vmem>>, vector<1x16xi32>,
    %get3A_1416 = arith.constant 1072 : index
    %get3A_1417 = tpu.vector_load %arg19[%get3A_1416] {strides = array<i32>} : memref<1280xi32, #tpu.memory_space<vmem>>, vector<16xi32>,
    %get3A_1418 = vector.shape_cast %get3A_1417 : vector<16xi32> to vector<16xi32>
    %broadcast_in_dim3A_1419 = arith.constant 2096 : i32
    %broadcast_in_dim3A_1420 = vector.broadcast %broadcast_in_dim3A_1419 : i32 to vector<16xi32>
    %add3A_1421 = arith.addi %broadcast_in_dim3A_1420, %iota3A : vector<16xi32>
    %lt3A_1422 = arith.cmpi slt, %get3A_1418, %broadcast_in_dim3A_35 : vector<16xi32>
    %add3A_1423 = arith.addi %add3A_410, %get3A_1418 : vector<16xi32>
    %select_n3A_1424 = arith.select %lt3A_1422, %add3A_1423, %add3A_1421 : vector<16xi1>, vector<16xi32>
    %swap3A_1425 = arith.constant 8 : i32
    %swap3A_1426 = arith.index_cast %swap3A_1425 : i32 to index
    %swap3A_1427 = arith.constant 48 : index
    %swap3A_1428 = tpu.vector_load %arg20[%swap3A_1426, %swap3A_1427] {strides = array<i32>} : memref<10x128xi32, #tpu.memory_space<vmem>>, vector<1x16xi32>,
    %swap3A_1429 = vector.shape_cast %swap3A_1428 : vector<1x16xi32> to vector<16xi32>
    %swap3A_1430 = vector.shape_cast %select_n3A_1424 : vector<16xi32> to vector<1x16xi32>
    tpu.vector_store %arg20[%swap3A_1426, %swap3A_1427], %swap3A_1430 {strides = array<i32>} : memref<10x128xi32, #tpu.memory_space<vmem>>, vector<1x16xi32>,
    %get3A_1431 = arith.constant 1088 : index
    %get3A_1432 = tpu.vector_load %arg19[%get3A_1431] {strides = array<i32>} : memref<1280xi32, #tpu.memory_space<vmem>>, vector<16xi32>,
    %get3A_1433 = vector.shape_cast %get3A_1432 : vector<16xi32> to vector<16xi32>
    %broadcast_in_dim3A_1434 = arith.constant 2112 : i32
    %broadcast_in_dim3A_1435 = vector.broadcast %broadcast_in_dim3A_1434 : i32 to vector<16xi32>
    %add3A_1436 = arith.addi %broadcast_in_dim3A_1435, %iota3A : vector<16xi32>
    %lt3A_1437 = arith.cmpi slt, %get3A_1433, %broadcast_in_dim3A_35 : vector<16xi32>
    %add3A_1438 = arith.addi %add3A_410, %get3A_1433 : vector<16xi32>
    %select_n3A_1439 = arith.select %lt3A_1437, %add3A_1438, %add3A_1436 : vector<16xi1>, vector<16xi32>
    %swap3A_1440 = arith.constant 8 : i32
    %swap3A_1441 = arith.index_cast %swap3A_1440 : i32 to index
    %swap3A_1442 = arith.constant 64 : index
    %swap3A_1443 = tpu.vector_load %arg20[%swap3A_1441, %swap3A_1442] {strides = array<i32>} : memref<10x128xi32, #tpu.memory_space<vmem>>, vector<1x16xi32>,
    %swap3A_1444 = vector.shape_cast %swap3A_1443 : vector<1x16xi32> to vector<16xi32>
    %swap3A_1445 = vector.shape_cast %select_n3A_1439 : vector<16xi32> to vector<1x16xi32>
    tpu.vector_store %arg20[%swap3A_1441, %swap3A_1442], %swap3A_1445 {strides = array<i32>} : memref<10x128xi32, #tpu.memory_space<vmem>>, vector<1x16xi32>,
    %get3A_1446 = arith.constant 1104 : index
    %get3A_1447 = tpu.vector_load %arg19[%get3A_1446] {strides = array<i32>} : memref<1280xi32, #tpu.memory_space<vmem>>, vector<16xi32>,
    %get3A_1448 = vector.shape_cast %get3A_1447 : vector<16xi32> to vector<16xi32>
    %broadcast_in_dim3A_1449 = arith.constant 2128 : i32
    %broadcast_in_dim3A_1450 = vector.broadcast %broadcast_in_dim3A_1449 : i32 to vector<16xi32>
    %add3A_1451 = arith.addi %broadcast_in_dim3A_1450, %iota3A : vector<16xi32>
    %lt3A_1452 = arith.cmpi slt, %get3A_1448, %broadcast_in_dim3A_35 : vector<16xi32>
    %add3A_1453 = arith.addi %add3A_410, %get3A_1448 : vector<16xi32>
    %select_n3A_1454 = arith.select %lt3A_1452, %add3A_1453, %add3A_1451 : vector<16xi1>, vector<16xi32>
    %swap3A_1455 = arith.constant 8 : i32
    %swap3A_1456 = arith.index_cast %swap3A_1455 : i32 to index
    %swap3A_1457 = arith.constant 80 : index
    %swap3A_1458 = tpu.vector_load %arg20[%swap3A_1456, %swap3A_1457] {strides = array<i32>} : memref<10x128xi32, #tpu.memory_space<vmem>>, vector<1x16xi32>,
    %swap3A_1459 = vector.shape_cast %swap3A_1458 : vector<1x16xi32> to vector<16xi32>
    %swap3A_1460 = vector.shape_cast %select_n3A_1454 : vector<16xi32> to vector<1x16xi32>
    tpu.vector_store %arg20[%swap3A_1456, %swap3A_1457], %swap3A_1460 {strides = array<i32>} : memref<10x128xi32, #tpu.memory_space<vmem>>, vector<1x16xi32>,
    %get3A_1461 = arith.constant 1120 : index
    %get3A_1462 = tpu.vector_load %arg19[%get3A_1461] {strides = array<i32>} : memref<1280xi32, #tpu.memory_space<vmem>>, vector<16xi32>,
    %get3A_1463 = vector.shape_cast %get3A_1462 : vector<16xi32> to vector<16xi32>
    %broadcast_in_dim3A_1464 = arith.constant 2144 : i32
    %broadcast_in_dim3A_1465 = vector.broadcast %broadcast_in_dim3A_1464 : i32 to vector<16xi32>
    %add3A_1466 = arith.addi %broadcast_in_dim3A_1465, %iota3A : vector<16xi32>
    %lt3A_1467 = arith.cmpi slt, %get3A_1463, %broadcast_in_dim3A_35 : vector<16xi32>
    %add3A_1468 = arith.addi %add3A_410, %get3A_1463 : vector<16xi32>
    %select_n3A_1469 = arith.select %lt3A_1467, %add3A_1468, %add3A_1466 : vector<16xi1>, vector<16xi32>
    %swap3A_1470 = arith.constant 8 : i32
    %swap3A_1471 = arith.index_cast %swap3A_1470 : i32 to index
    %swap3A_1472 = arith.constant 96 : index
    %swap3A_1473 = tpu.vector_load %arg20[%swap3A_1471, %swap3A_1472] {strides = array<i32>} : memref<10x128xi32, #tpu.memory_space<vmem>>, vector<1x16xi32>,
    %swap3A_1474 = vector.shape_cast %swap3A_1473 : vector<1x16xi32> to vector<16xi32>
    %swap3A_1475 = vector.shape_cast %select_n3A_1469 : vector<16xi32> to vector<1x16xi32>
    tpu.vector_store %arg20[%swap3A_1471, %swap3A_1472], %swap3A_1475 {strides = array<i32>} : memref<10x128xi32, #tpu.memory_space<vmem>>, vector<1x16xi32>,
    %get3A_1476 = arith.constant 1136 : index
    %get3A_1477 = tpu.vector_load %arg19[%get3A_1476] {strides = array<i32>} : memref<1280xi32, #tpu.memory_space<vmem>>, vector<16xi32>,
    %get3A_1478 = vector.shape_cast %get3A_1477 : vector<16xi32> to vector<16xi32>
    %broadcast_in_dim3A_1479 = arith.constant 2160 : i32
    %broadcast_in_dim3A_1480 = vector.broadcast %broadcast_in_dim3A_1479 : i32 to vector<16xi32>
    %add3A_1481 = arith.addi %broadcast_in_dim3A_1480, %iota3A : vector<16xi32>
    %lt3A_1482 = arith.cmpi slt, %get3A_1478, %broadcast_in_dim3A_35 : vector<16xi32>
    %add3A_1483 = arith.addi %add3A_410, %get3A_1478 : vector<16xi32>
    %select_n3A_1484 = arith.select %lt3A_1482, %add3A_1483, %add3A_1481 : vector<16xi1>, vector<16xi32>
    %swap3A_1485 = arith.constant 8 : i32
    %swap3A_1486 = arith.index_cast %swap3A_1485 : i32 to index
    %swap3A_1487 = arith.constant 112 : index
    %swap3A_1488 = tpu.vector_load %arg20[%swap3A_1486, %swap3A_1487] {strides = array<i32>} : memref<10x128xi32, #tpu.memory_space<vmem>>, vector<1x16xi32>,
    %swap3A_1489 = vector.shape_cast %swap3A_1488 : vector<1x16xi32> to vector<16xi32>
    %swap3A_1490 = vector.shape_cast %select_n3A_1484 : vector<16xi32> to vector<1x16xi32>
    tpu.vector_store %arg20[%swap3A_1486, %swap3A_1487], %swap3A_1490 {strides = array<i32>} : memref<10x128xi32, #tpu.memory_space<vmem>>, vector<1x16xi32>,
    %get3A_1491 = arith.constant 1152 : index
    %get3A_1492 = tpu.vector_load %arg19[%get3A_1491] {strides = array<i32>} : memref<1280xi32, #tpu.memory_space<vmem>>, vector<16xi32>,
    %get3A_1493 = vector.shape_cast %get3A_1492 : vector<16xi32> to vector<16xi32>
    %broadcast_in_dim3A_1494 = arith.constant 2176 : i32
    %broadcast_in_dim3A_1495 = vector.broadcast %broadcast_in_dim3A_1494 : i32 to vector<16xi32>
    %add3A_1496 = arith.addi %broadcast_in_dim3A_1495, %iota3A : vector<16xi32>
    %lt3A_1497 = arith.cmpi slt, %get3A_1493, %broadcast_in_dim3A_35 : vector<16xi32>
    %add3A_1498 = arith.addi %add3A_410, %get3A_1493 : vector<16xi32>
    %select_n3A_1499 = arith.select %lt3A_1497, %add3A_1498, %add3A_1496 : vector<16xi1>, vector<16xi32>
    %swap3A_1500 = arith.constant 9 : i32
    %swap3A_1501 = arith.index_cast %swap3A_1500 : i32 to index
    %swap3A_1502 = arith.constant 0 : index
    %swap3A_1503 = tpu.vector_load %arg20[%swap3A_1501, %swap3A_1502] {strides = array<i32>} : memref<10x128xi32, #tpu.memory_space<vmem>>, vector<1x16xi32>,
    %swap3A_1504 = vector.shape_cast %swap3A_1503 : vector<1x16xi32> to vector<16xi32>
    %swap3A_1505 = vector.shape_cast %select_n3A_1499 : vector<16xi32> to vector<1x16xi32>
    tpu.vector_store %arg20[%swap3A_1501, %swap3A_1502], %swap3A_1505 {strides = array<i32>} : memref<10x128xi32, #tpu.memory_space<vmem>>, vector<1x16xi32>,
    %get3A_1506 = arith.constant 1168 : index
    %get3A_1507 = tpu.vector_load %arg19[%get3A_1506] {strides = array<i32>} : memref<1280xi32, #tpu.memory_space<vmem>>, vector<16xi32>,
    %get3A_1508 = vector.shape_cast %get3A_1507 : vector<16xi32> to vector<16xi32>
    %broadcast_in_dim3A_1509 = arith.constant 2192 : i32
    %broadcast_in_dim3A_1510 = vector.broadcast %broadcast_in_dim3A_1509 : i32 to vector<16xi32>
    %add3A_1511 = arith.addi %broadcast_in_dim3A_1510, %iota3A : vector<16xi32>
    %lt3A_1512 = arith.cmpi slt, %get3A_1508, %broadcast_in_dim3A_35 : vector<16xi32>
    %add3A_1513 = arith.addi %add3A_410, %get3A_1508 : vector<16xi32>
    %select_n3A_1514 = arith.select %lt3A_1512, %add3A_1513, %add3A_1511 : vector<16xi1>, vector<16xi32>
    %swap3A_1515 = arith.constant 9 : i32
    %swap3A_1516 = arith.index_cast %swap3A_1515 : i32 to index
    %swap3A_1517 = arith.constant 16 : index
    %swap3A_1518 = tpu.vector_load %arg20[%swap3A_1516, %swap3A_1517] {strides = array<i32>} : memref<10x128xi32, #tpu.memory_space<vmem>>, vector<1x16xi32>,
    %swap3A_1519 = vector.shape_cast %swap3A_1518 : vector<1x16xi32> to vector<16xi32>
    %swap3A_1520 = vector.shape_cast %select_n3A_1514 : vector<16xi32> to vector<1x16xi32>
    tpu.vector_store %arg20[%swap3A_1516, %swap3A_1517], %swap3A_1520 {strides = array<i32>} : memref<10x128xi32, #tpu.memory_space<vmem>>, vector<1x16xi32>,
    %get3A_1521 = arith.constant 1184 : index
    %get3A_1522 = tpu.vector_load %arg19[%get3A_1521] {strides = array<i32>} : memref<1280xi32, #tpu.memory_space<vmem>>, vector<16xi32>,
    %get3A_1523 = vector.shape_cast %get3A_1522 : vector<16xi32> to vector<16xi32>
    %broadcast_in_dim3A_1524 = arith.constant 2208 : i32
    %broadcast_in_dim3A_1525 = vector.broadcast %broadcast_in_dim3A_1524 : i32 to vector<16xi32>
    %add3A_1526 = arith.addi %broadcast_in_dim3A_1525, %iota3A : vector<16xi32>
    %lt3A_1527 = arith.cmpi slt, %get3A_1523, %broadcast_in_dim3A_35 : vector<16xi32>
    %add3A_1528 = arith.addi %add3A_410, %get3A_1523 : vector<16xi32>
    %select_n3A_1529 = arith.select %lt3A_1527, %add3A_1528, %add3A_1526 : vector<16xi1>, vector<16xi32>
    %swap3A_1530 = arith.constant 9 : i32
    %swap3A_1531 = arith.index_cast %swap3A_1530 : i32 to index
    %swap3A_1532 = arith.constant 32 : index
    %swap3A_1533 = tpu.vector_load %arg20[%swap3A_1531, %swap3A_1532] {strides = array<i32>} : memref<10x128xi32, #tpu.memory_space<vmem>>, vector<1x16xi32>,
    %swap3A_1534 = vector.shape_cast %swap3A_1533 : vector<1x16xi32> to vector<16xi32>
    %swap3A_1535 = vector.shape_cast %select_n3A_1529 : vector<16xi32> to vector<1x16xi32>
    tpu.vector_store %arg20[%swap3A_1531, %swap3A_1532], %swap3A_1535 {strides = array<i32>} : memref<10x128xi32, #tpu.memory_space<vmem>>, vector<1x16xi32>,
    %get3A_1536 = arith.constant 1200 : index
    %get3A_1537 = tpu.vector_load %arg19[%get3A_1536] {strides = array<i32>} : memref<1280xi32, #tpu.memory_space<vmem>>, vector<16xi32>,
    %get3A_1538 = vector.shape_cast %get3A_1537 : vector<16xi32> to vector<16xi32>
    %broadcast_in_dim3A_1539 = arith.constant 2224 : i32
    %broadcast_in_dim3A_1540 = vector.broadcast %broadcast_in_dim3A_1539 : i32 to vector<16xi32>
    %add3A_1541 = arith.addi %broadcast_in_dim3A_1540, %iota3A : vector<16xi32>
    %lt3A_1542 = arith.cmpi slt, %get3A_1538, %broadcast_in_dim3A_35 : vector<16xi32>
    %add3A_1543 = arith.addi %add3A_410, %get3A_1538 : vector<16xi32>
    %select_n3A_1544 = arith.select %lt3A_1542, %add3A_1543, %add3A_1541 : vector<16xi1>, vector<16xi32>
    %swap3A_1545 = arith.constant 9 : i32
    %swap3A_1546 = arith.index_cast %swap3A_1545 : i32 to index
    %swap3A_1547 = arith.constant 48 : index
    %swap3A_1548 = tpu.vector_load %arg20[%swap3A_1546, %swap3A_1547] {strides = array<i32>} : memref<10x128xi32, #tpu.memory_space<vmem>>, vector<1x16xi32>,
    %swap3A_1549 = vector.shape_cast %swap3A_1548 : vector<1x16xi32> to vector<16xi32>
    %swap3A_1550 = vector.shape_cast %select_n3A_1544 : vector<16xi32> to vector<1x16xi32>
    tpu.vector_store %arg20[%swap3A_1546, %swap3A_1547], %swap3A_1550 {strides = array<i32>} : memref<10x128xi32, #tpu.memory_space<vmem>>, vector<1x16xi32>,
    %get3A_1551 = arith.constant 1216 : index
    %get3A_1552 = tpu.vector_load %arg19[%get3A_1551] {strides = array<i32>} : memref<1280xi32, #tpu.memory_space<vmem>>, vector<16xi32>,
    %get3A_1553 = vector.shape_cast %get3A_1552 : vector<16xi32> to vector<16xi32>
    %broadcast_in_dim3A_1554 = arith.constant 2240 : i32
    %broadcast_in_dim3A_1555 = vector.broadcast %broadcast_in_dim3A_1554 : i32 to vector<16xi32>
    %add3A_1556 = arith.addi %broadcast_in_dim3A_1555, %iota3A : vector<16xi32>
    %lt3A_1557 = arith.cmpi slt, %get3A_1553, %broadcast_in_dim3A_35 : vector<16xi32>
    %add3A_1558 = arith.addi %add3A_410, %get3A_1553 : vector<16xi32>
    %select_n3A_1559 = arith.select %lt3A_1557, %add3A_1558, %add3A_1556 : vector<16xi1>, vector<16xi32>
    %swap3A_1560 = arith.constant 9 : i32
    %swap3A_1561 = arith.index_cast %swap3A_1560 : i32 to index
    %swap3A_1562 = arith.constant 64 : index
    %swap3A_1563 = tpu.vector_load %arg20[%swap3A_1561, %swap3A_1562] {strides = array<i32>} : memref<10x128xi32, #tpu.memory_space<vmem>>, vector<1x16xi32>,
    %swap3A_1564 = vector.shape_cast %swap3A_1563 : vector<1x16xi32> to vector<16xi32>
    %swap3A_1565 = vector.shape_cast %select_n3A_1559 : vector<16xi32> to vector<1x16xi32>
    tpu.vector_store %arg20[%swap3A_1561, %swap3A_1562], %swap3A_1565 {strides = array<i32>} : memref<10x128xi32, #tpu.memory_space<vmem>>, vector<1x16xi32>,
    %get3A_1566 = arith.constant 1232 : index
    %get3A_1567 = tpu.vector_load %arg19[%get3A_1566] {strides = array<i32>} : memref<1280xi32, #tpu.memory_space<vmem>>, vector<16xi32>,
    %get3A_1568 = vector.shape_cast %get3A_1567 : vector<16xi32> to vector<16xi32>
    %broadcast_in_dim3A_1569 = arith.constant 2256 : i32
    %broadcast_in_dim3A_1570 = vector.broadcast %broadcast_in_dim3A_1569 : i32 to vector<16xi32>
    %add3A_1571 = arith.addi %broadcast_in_dim3A_1570, %iota3A : vector<16xi32>
    %lt3A_1572 = arith.cmpi slt, %get3A_1568, %broadcast_in_dim3A_35 : vector<16xi32>
    %add3A_1573 = arith.addi %add3A_410, %get3A_1568 : vector<16xi32>
    %select_n3A_1574 = arith.select %lt3A_1572, %add3A_1573, %add3A_1571 : vector<16xi1>, vector<16xi32>
    %swap3A_1575 = arith.constant 9 : i32
    %swap3A_1576 = arith.index_cast %swap3A_1575 : i32 to index
    %swap3A_1577 = arith.constant 80 : index
    %swap3A_1578 = tpu.vector_load %arg20[%swap3A_1576, %swap3A_1577] {strides = array<i32>} : memref<10x128xi32, #tpu.memory_space<vmem>>, vector<1x16xi32>,
    %swap3A_1579 = vector.shape_cast %swap3A_1578 : vector<1x16xi32> to vector<16xi32>
    %swap3A_1580 = vector.shape_cast %select_n3A_1574 : vector<16xi32> to vector<1x16xi32>
    tpu.vector_store %arg20[%swap3A_1576, %swap3A_1577], %swap3A_1580 {strides = array<i32>} : memref<10x128xi32, #tpu.memory_space<vmem>>, vector<1x16xi32>,
    %get3A_1581 = arith.constant 1248 : index
    %get3A_1582 = tpu.vector_load %arg19[%get3A_1581] {strides = array<i32>} : memref<1280xi32, #tpu.memory_space<vmem>>, vector<16xi32>,
    %get3A_1583 = vector.shape_cast %get3A_1582 : vector<16xi32> to vector<16xi32>
    %broadcast_in_dim3A_1584 = arith.constant 2272 : i32
    %broadcast_in_dim3A_1585 = vector.broadcast %broadcast_in_dim3A_1584 : i32 to vector<16xi32>
    %add3A_1586 = arith.addi %broadcast_in_dim3A_1585, %iota3A : vector<16xi32>
    %lt3A_1587 = arith.cmpi slt, %get3A_1583, %broadcast_in_dim3A_35 : vector<16xi32>
    %add3A_1588 = arith.addi %add3A_410, %get3A_1583 : vector<16xi32>
    %select_n3A_1589 = arith.select %lt3A_1587, %add3A_1588, %add3A_1586 : vector<16xi1>, vector<16xi32>
    %swap3A_1590 = arith.constant 9 : i32
    %swap3A_1591 = arith.index_cast %swap3A_1590 : i32 to index
    %swap3A_1592 = arith.constant 96 : index
    %swap3A_1593 = tpu.vector_load %arg20[%swap3A_1591, %swap3A_1592] {strides = array<i32>} : memref<10x128xi32, #tpu.memory_space<vmem>>, vector<1x16xi32>,
    %swap3A_1594 = vector.shape_cast %swap3A_1593 : vector<1x16xi32> to vector<16xi32>
    %swap3A_1595 = vector.shape_cast %select_n3A_1589 : vector<16xi32> to vector<1x16xi32>
    tpu.vector_store %arg20[%swap3A_1591, %swap3A_1592], %swap3A_1595 {strides = array<i32>} : memref<10x128xi32, #tpu.memory_space<vmem>>, vector<1x16xi32>,
    %get3A_1596 = arith.constant 1264 : index
    %get3A_1597 = tpu.vector_load %arg19[%get3A_1596] {strides = array<i32>} : memref<1280xi32, #tpu.memory_space<vmem>>, vector<16xi32>,
    %get3A_1598 = vector.shape_cast %get3A_1597 : vector<16xi32> to vector<16xi32>
    %broadcast_in_dim3A_1599 = arith.constant 2288 : i32
    %broadcast_in_dim3A_1600 = vector.broadcast %broadcast_in_dim3A_1599 : i32 to vector<16xi32>
    %add3A_1601 = arith.addi %broadcast_in_dim3A_1600, %iota3A : vector<16xi32>
    %lt3A_1602 = arith.cmpi slt, %get3A_1598, %broadcast_in_dim3A_35 : vector<16xi32>
    %add3A_1603 = arith.addi %add3A_410, %get3A_1598 : vector<16xi32>
    %select_n3A_1604 = arith.select %lt3A_1602, %add3A_1603, %add3A_1601 : vector<16xi1>, vector<16xi32>
    %swap3A_1605 = arith.constant 9 : i32
    %swap3A_1606 = arith.index_cast %swap3A_1605 : i32 to index
    %swap3A_1607 = arith.constant 112 : index
    %swap3A_1608 = tpu.vector_load %arg20[%swap3A_1606, %swap3A_1607] {strides = array<i32>} : memref<10x128xi32, #tpu.memory_space<vmem>>, vector<1x16xi32>,
    %swap3A_1609 = vector.shape_cast %swap3A_1608 : vector<1x16xi32> to vector<16xi32>
    %swap3A_1610 = vector.shape_cast %select_n3A_1604 : vector<16xi32> to vector<1x16xi32>
    tpu.vector_store %arg20[%swap3A_1606, %swap3A_1607], %swap3A_1610 {strides = array<i32>} : memref<10x128xi32, #tpu.memory_space<vmem>>, vector<1x16xi32>,
    %dma_start3A = arith.constant 0 : i32
    %dma_start3A_1611 = arith.constant 0 : i32
    %dma_start3A_1612 = tpu.memref_slice %arg13[%dma_start3A_1611] : memref<1280xf32, #tpu.memory_space<vmem>> -> memref<128xf32, #tpu.memory_space<vmem>>
    %dma_start3A_1613 = arith.constant 0 : i32
    %dma_start3A_1614 = tpu.memref_slice %arg20[%dma_start3A, %dma_start3A_1613] : memref<10x128xi32, #tpu.memory_space<vmem>> -> memref<1x128xi32, #tpu.memory_space<vmem>>
    %dma_start3A_1615 = tpu.memref_squeeze %dma_start3A_1614 : memref<1x128xi32, #tpu.memory_space<vmem>> -> memref<128xi32, #tpu.memory_space<vmem>>
    %dma_start3A_1616 = arith.constant 0 : i32
    %dma_start3A_1617 = tpu.memref_slice %arg24[%dma_start3A_1616] : memref<2304xf32, #tpu.memory_space<vmem_shared>> -> memref<2304xf32, #tpu.memory_space<vmem_shared>>
    tpu.enqueue_indirect_dma source(%dma_start3A_1612 : memref<128xf32, #tpu.memory_space<vmem>>) target(%dma_start3A_1617 : memref<2304xf32, #tpu.memory_space<vmem_shared>>) offsets(%dma_start3A_1615 : memref<128xi32, #tpu.memory_space<vmem>>) semaphore(%arg30 : memref<!tpu.dma_semaphore, #tpu.memory_space<semaphore_mem>>)
    %dma_start3A_1618 = arith.constant 1 : i32
    %dma_start3A_1619 = arith.constant 128 : i32
    %dma_start3A_1620 = tpu.memref_slice %arg13[%dma_start3A_1619] : memref<1280xf32, #tpu.memory_space<vmem>> -> memref<128xf32, #tpu.memory_space<vmem>>
    %dma_start3A_1621 = arith.constant 0 : i32
    %dma_start3A_1622 = tpu.memref_slice %arg20[%dma_start3A_1618, %dma_start3A_1621] : memref<10x128xi32, #tpu.memory_space<vmem>> -> memref<1x128xi32, #tpu.memory_space<vmem>>
    %dma_start3A_1623 = tpu.memref_squeeze %dma_start3A_1622 : memref<1x128xi32, #tpu.memory_space<vmem>> -> memref<128xi32, #tpu.memory_space<vmem>>
    %dma_start3A_1624 = arith.constant 0 : i32
    %dma_start3A_1625 = tpu.memref_slice %arg24[%dma_start3A_1624] : memref<2304xf32, #tpu.memory_space<vmem_shared>> -> memref<2304xf32, #tpu.memory_space<vmem_shared>>
    tpu.enqueue_indirect_dma source(%dma_start3A_1620 : memref<128xf32, #tpu.memory_space<vmem>>) target(%dma_start3A_1625 : memref<2304xf32, #tpu.memory_space<vmem_shared>>) offsets(%dma_start3A_1623 : memref<128xi32, #tpu.memory_space<vmem>>) semaphore(%arg30 : memref<!tpu.dma_semaphore, #tpu.memory_space<semaphore_mem>>)
    %dma_start3A_1626 = arith.constant 2 : i32
    %dma_start3A_1627 = arith.constant 256 : i32
    %dma_start3A_1628 = tpu.memref_slice %arg13[%dma_start3A_1627] : memref<1280xf32, #tpu.memory_space<vmem>> -> memref<128xf32, #tpu.memory_space<vmem>>
    %dma_start3A_1629 = arith.constant 0 : i32
    %dma_start3A_1630 = tpu.memref_slice %arg20[%dma_start3A_1626, %dma_start3A_1629] : memref<10x128xi32, #tpu.memory_space<vmem>> -> memref<1x128xi32, #tpu.memory_space<vmem>>
    %dma_start3A_1631 = tpu.memref_squeeze %dma_start3A_1630 : memref<1x128xi32, #tpu.memory_space<vmem>> -> memref<128xi32, #tpu.memory_space<vmem>>
    %dma_start3A_1632 = arith.constant 0 : i32
    %dma_start3A_1633 = tpu.memref_slice %arg24[%dma_start3A_1632] : memref<2304xf32, #tpu.memory_space<vmem_shared>> -> memref<2304xf32, #tpu.memory_space<vmem_shared>>
    tpu.enqueue_indirect_dma source(%dma_start3A_1628 : memref<128xf32, #tpu.memory_space<vmem>>) target(%dma_start3A_1633 : memref<2304xf32, #tpu.memory_space<vmem_shared>>) offsets(%dma_start3A_1631 : memref<128xi32, #tpu.memory_space<vmem>>) semaphore(%arg30 : memref<!tpu.dma_semaphore, #tpu.memory_space<semaphore_mem>>)
    %dma_start3A_1634 = arith.constant 3 : i32
    %dma_start3A_1635 = arith.constant 384 : i32
    %dma_start3A_1636 = tpu.memref_slice %arg13[%dma_start3A_1635] : memref<1280xf32, #tpu.memory_space<vmem>> -> memref<128xf32, #tpu.memory_space<vmem>>
    %dma_start3A_1637 = arith.constant 0 : i32
    %dma_start3A_1638 = tpu.memref_slice %arg20[%dma_start3A_1634, %dma_start3A_1637] : memref<10x128xi32, #tpu.memory_space<vmem>> -> memref<1x128xi32, #tpu.memory_space<vmem>>
    %dma_start3A_1639 = tpu.memref_squeeze %dma_start3A_1638 : memref<1x128xi32, #tpu.memory_space<vmem>> -> memref<128xi32, #tpu.memory_space<vmem>>
    %dma_start3A_1640 = arith.constant 0 : i32
    %dma_start3A_1641 = tpu.memref_slice %arg24[%dma_start3A_1640] : memref<2304xf32, #tpu.memory_space<vmem_shared>> -> memref<2304xf32, #tpu.memory_space<vmem_shared>>
    tpu.enqueue_indirect_dma source(%dma_start3A_1636 : memref<128xf32, #tpu.memory_space<vmem>>) target(%dma_start3A_1641 : memref<2304xf32, #tpu.memory_space<vmem_shared>>) offsets(%dma_start3A_1639 : memref<128xi32, #tpu.memory_space<vmem>>) semaphore(%arg30 : memref<!tpu.dma_semaphore, #tpu.memory_space<semaphore_mem>>)
    %dma_start3A_1642 = arith.constant 4 : i32
    %dma_start3A_1643 = arith.constant 512 : i32
    %dma_start3A_1644 = tpu.memref_slice %arg13[%dma_start3A_1643] : memref<1280xf32, #tpu.memory_space<vmem>> -> memref<128xf32, #tpu.memory_space<vmem>>
    %dma_start3A_1645 = arith.constant 0 : i32
    %dma_start3A_1646 = tpu.memref_slice %arg20[%dma_start3A_1642, %dma_start3A_1645] : memref<10x128xi32, #tpu.memory_space<vmem>> -> memref<1x128xi32, #tpu.memory_space<vmem>>
    %dma_start3A_1647 = tpu.memref_squeeze %dma_start3A_1646 : memref<1x128xi32, #tpu.memory_space<vmem>> -> memref<128xi32, #tpu.memory_space<vmem>>
    %dma_start3A_1648 = arith.constant 0 : i32
    %dma_start3A_1649 = tpu.memref_slice %arg24[%dma_start3A_1648] : memref<2304xf32, #tpu.memory_space<vmem_shared>> -> memref<2304xf32, #tpu.memory_space<vmem_shared>>
    tpu.enqueue_indirect_dma source(%dma_start3A_1644 : memref<128xf32, #tpu.memory_space<vmem>>) target(%dma_start3A_1649 : memref<2304xf32, #tpu.memory_space<vmem_shared>>) offsets(%dma_start3A_1647 : memref<128xi32, #tpu.memory_space<vmem>>) semaphore(%arg30 : memref<!tpu.dma_semaphore, #tpu.memory_space<semaphore_mem>>)
    %dma_start3A_1650 = arith.constant 5 : i32
    %dma_start3A_1651 = arith.constant 640 : i32
    %dma_start3A_1652 = tpu.memref_slice %arg13[%dma_start3A_1651] : memref<1280xf32, #tpu.memory_space<vmem>> -> memref<128xf32, #tpu.memory_space<vmem>>
    %dma_start3A_1653 = arith.constant 0 : i32
    %dma_start3A_1654 = tpu.memref_slice %arg20[%dma_start3A_1650, %dma_start3A_1653] : memref<10x128xi32, #tpu.memory_space<vmem>> -> memref<1x128xi32, #tpu.memory_space<vmem>>
    %dma_start3A_1655 = tpu.memref_squeeze %dma_start3A_1654 : memref<1x128xi32, #tpu.memory_space<vmem>> -> memref<128xi32, #tpu.memory_space<vmem>>
    %dma_start3A_1656 = arith.constant 0 : i32
    %dma_start3A_1657 = tpu.memref_slice %arg24[%dma_start3A_1656] : memref<2304xf32, #tpu.memory_space<vmem_shared>> -> memref<2304xf32, #tpu.memory_space<vmem_shared>>
    tpu.enqueue_indirect_dma source(%dma_start3A_1652 : memref<128xf32, #tpu.memory_space<vmem>>) target(%dma_start3A_1657 : memref<2304xf32, #tpu.memory_space<vmem_shared>>) offsets(%dma_start3A_1655 : memref<128xi32, #tpu.memory_space<vmem>>) semaphore(%arg30 : memref<!tpu.dma_semaphore, #tpu.memory_space<semaphore_mem>>)
    %dma_start3A_1658 = arith.constant 6 : i32
    %dma_start3A_1659 = arith.constant 768 : i32
    %dma_start3A_1660 = tpu.memref_slice %arg13[%dma_start3A_1659] : memref<1280xf32, #tpu.memory_space<vmem>> -> memref<128xf32, #tpu.memory_space<vmem>>
    %dma_start3A_1661 = arith.constant 0 : i32
    %dma_start3A_1662 = tpu.memref_slice %arg20[%dma_start3A_1658, %dma_start3A_1661] : memref<10x128xi32, #tpu.memory_space<vmem>> -> memref<1x128xi32, #tpu.memory_space<vmem>>
    %dma_start3A_1663 = tpu.memref_squeeze %dma_start3A_1662 : memref<1x128xi32, #tpu.memory_space<vmem>> -> memref<128xi32, #tpu.memory_space<vmem>>
    %dma_start3A_1664 = arith.constant 0 : i32
    %dma_start3A_1665 = tpu.memref_slice %arg24[%dma_start3A_1664] : memref<2304xf32, #tpu.memory_space<vmem_shared>> -> memref<2304xf32, #tpu.memory_space<vmem_shared>>
    tpu.enqueue_indirect_dma source(%dma_start3A_1660 : memref<128xf32, #tpu.memory_space<vmem>>) target(%dma_start3A_1665 : memref<2304xf32, #tpu.memory_space<vmem_shared>>) offsets(%dma_start3A_1663 : memref<128xi32, #tpu.memory_space<vmem>>) semaphore(%arg30 : memref<!tpu.dma_semaphore, #tpu.memory_space<semaphore_mem>>)
    %dma_start3A_1666 = arith.constant 7 : i32
    %dma_start3A_1667 = arith.constant 896 : i32
    %dma_start3A_1668 = tpu.memref_slice %arg13[%dma_start3A_1667] : memref<1280xf32, #tpu.memory_space<vmem>> -> memref<128xf32, #tpu.memory_space<vmem>>
    %dma_start3A_1669 = arith.constant 0 : i32
    %dma_start3A_1670 = tpu.memref_slice %arg20[%dma_start3A_1666, %dma_start3A_1669] : memref<10x128xi32, #tpu.memory_space<vmem>> -> memref<1x128xi32, #tpu.memory_space<vmem>>
    %dma_start3A_1671 = tpu.memref_squeeze %dma_start3A_1670 : memref<1x128xi32, #tpu.memory_space<vmem>> -> memref<128xi32, #tpu.memory_space<vmem>>
    %dma_start3A_1672 = arith.constant 0 : i32
    %dma_start3A_1673 = tpu.memref_slice %arg24[%dma_start3A_1672] : memref<2304xf32, #tpu.memory_space<vmem_shared>> -> memref<2304xf32, #tpu.memory_space<vmem_shared>>
    tpu.enqueue_indirect_dma source(%dma_start3A_1668 : memref<128xf32, #tpu.memory_space<vmem>>) target(%dma_start3A_1673 : memref<2304xf32, #tpu.memory_space<vmem_shared>>) offsets(%dma_start3A_1671 : memref<128xi32, #tpu.memory_space<vmem>>) semaphore(%arg30 : memref<!tpu.dma_semaphore, #tpu.memory_space<semaphore_mem>>)
    %dma_start3A_1674 = arith.constant 8 : i32
    %dma_start3A_1675 = arith.constant 1024 : i32
    %dma_start3A_1676 = tpu.memref_slice %arg13[%dma_start3A_1675] : memref<1280xf32, #tpu.memory_space<vmem>> -> memref<128xf32, #tpu.memory_space<vmem>>
    %dma_start3A_1677 = arith.constant 0 : i32
    %dma_start3A_1678 = tpu.memref_slice %arg20[%dma_start3A_1674, %dma_start3A_1677] : memref<10x128xi32, #tpu.memory_space<vmem>> -> memref<1x128xi32, #tpu.memory_space<vmem>>
    %dma_start3A_1679 = tpu.memref_squeeze %dma_start3A_1678 : memref<1x128xi32, #tpu.memory_space<vmem>> -> memref<128xi32, #tpu.memory_space<vmem>>
    %dma_start3A_1680 = arith.constant 0 : i32
    %dma_start3A_1681 = tpu.memref_slice %arg24[%dma_start3A_1680] : memref<2304xf32, #tpu.memory_space<vmem_shared>> -> memref<2304xf32, #tpu.memory_space<vmem_shared>>
    tpu.enqueue_indirect_dma source(%dma_start3A_1676 : memref<128xf32, #tpu.memory_space<vmem>>) target(%dma_start3A_1681 : memref<2304xf32, #tpu.memory_space<vmem_shared>>) offsets(%dma_start3A_1679 : memref<128xi32, #tpu.memory_space<vmem>>) semaphore(%arg30 : memref<!tpu.dma_semaphore, #tpu.memory_space<semaphore_mem>>)
    %dma_start3A_1682 = arith.constant 9 : i32
    %dma_start3A_1683 = arith.constant 1152 : i32
    %dma_start3A_1684 = tpu.memref_slice %arg13[%dma_start3A_1683] : memref<1280xf32, #tpu.memory_space<vmem>> -> memref<128xf32, #tpu.memory_space<vmem>>
    %dma_start3A_1685 = arith.constant 0 : i32
    %dma_start3A_1686 = tpu.memref_slice %arg20[%dma_start3A_1682, %dma_start3A_1685] : memref<10x128xi32, #tpu.memory_space<vmem>> -> memref<1x128xi32, #tpu.memory_space<vmem>>
    %dma_start3A_1687 = tpu.memref_squeeze %dma_start3A_1686 : memref<1x128xi32, #tpu.memory_space<vmem>> -> memref<128xi32, #tpu.memory_space<vmem>>
    %dma_start3A_1688 = arith.constant 0 : i32
    %dma_start3A_1689 = tpu.memref_slice %arg24[%dma_start3A_1688] : memref<2304xf32, #tpu.memory_space<vmem_shared>> -> memref<2304xf32, #tpu.memory_space<vmem_shared>>
    tpu.enqueue_indirect_dma source(%dma_start3A_1684 : memref<128xf32, #tpu.memory_space<vmem>>) target(%dma_start3A_1689 : memref<2304xf32, #tpu.memory_space<vmem_shared>>) offsets(%dma_start3A_1687 : memref<128xi32, #tpu.memory_space<vmem>>) semaphore(%arg30 : memref<!tpu.dma_semaphore, #tpu.memory_space<semaphore_mem>>)
    %dma_start3A_1690 = arith.constant 0 : i32
    %dma_start3A_1691 = arith.constant 0 : i32
    %dma_start3A_1692 = tpu.memref_slice %arg14[%dma_start3A_1691] : memref<1280xf32, #tpu.memory_space<vmem>> -> memref<128xf32, #tpu.memory_space<vmem>>
    %dma_start3A_1693 = arith.constant 0 : i32
    %dma_start3A_1694 = tpu.memref_slice %arg20[%dma_start3A_1690, %dma_start3A_1693] : memref<10x128xi32, #tpu.memory_space<vmem>> -> memref<1x128xi32, #tpu.memory_space<vmem>>
    %dma_start3A_1695 = tpu.memref_squeeze %dma_start3A_1694 : memref<1x128xi32, #tpu.memory_space<vmem>> -> memref<128xi32, #tpu.memory_space<vmem>>
    %dma_start3A_1696 = arith.constant 0 : i32
    %dma_start3A_1697 = tpu.memref_slice %arg25[%dma_start3A_1696] : memref<2304xf32, #tpu.memory_space<vmem_shared>> -> memref<2304xf32, #tpu.memory_space<vmem_shared>>
    tpu.enqueue_indirect_dma source(%dma_start3A_1692 : memref<128xf32, #tpu.memory_space<vmem>>) target(%dma_start3A_1697 : memref<2304xf32, #tpu.memory_space<vmem_shared>>) offsets(%dma_start3A_1695 : memref<128xi32, #tpu.memory_space<vmem>>) semaphore(%arg30 : memref<!tpu.dma_semaphore, #tpu.memory_space<semaphore_mem>>)
    %dma_start3A_1698 = arith.constant 1 : i32
    %dma_start3A_1699 = arith.constant 128 : i32
    %dma_start3A_1700 = tpu.memref_slice %arg14[%dma_start3A_1699] : memref<1280xf32, #tpu.memory_space<vmem>> -> memref<128xf32, #tpu.memory_space<vmem>>
    %dma_start3A_1701 = arith.constant 0 : i32
    %dma_start3A_1702 = tpu.memref_slice %arg20[%dma_start3A_1698, %dma_start3A_1701] : memref<10x128xi32, #tpu.memory_space<vmem>> -> memref<1x128xi32, #tpu.memory_space<vmem>>
    %dma_start3A_1703 = tpu.memref_squeeze %dma_start3A_1702 : memref<1x128xi32, #tpu.memory_space<vmem>> -> memref<128xi32, #tpu.memory_space<vmem>>
    %dma_start3A_1704 = arith.constant 0 : i32
    %dma_start3A_1705 = tpu.memref_slice %arg25[%dma_start3A_1704] : memref<2304xf32, #tpu.memory_space<vmem_shared>> -> memref<2304xf32, #tpu.memory_space<vmem_shared>>
    tpu.enqueue_indirect_dma source(%dma_start3A_1700 : memref<128xf32, #tpu.memory_space<vmem>>) target(%dma_start3A_1705 : memref<2304xf32, #tpu.memory_space<vmem_shared>>) offsets(%dma_start3A_1703 : memref<128xi32, #tpu.memory_space<vmem>>) semaphore(%arg30 : memref<!tpu.dma_semaphore, #tpu.memory_space<semaphore_mem>>)
    %dma_start3A_1706 = arith.constant 2 : i32
    %dma_start3A_1707 = arith.constant 256 : i32
    %dma_start3A_1708 = tpu.memref_slice %arg14[%dma_start3A_1707] : memref<1280xf32, #tpu.memory_space<vmem>> -> memref<128xf32, #tpu.memory_space<vmem>>
    %dma_start3A_1709 = arith.constant 0 : i32
    %dma_start3A_1710 = tpu.memref_slice %arg20[%dma_start3A_1706, %dma_start3A_1709] : memref<10x128xi32, #tpu.memory_space<vmem>> -> memref<1x128xi32, #tpu.memory_space<vmem>>
    %dma_start3A_1711 = tpu.memref_squeeze %dma_start3A_1710 : memref<1x128xi32, #tpu.memory_space<vmem>> -> memref<128xi32, #tpu.memory_space<vmem>>
    %dma_start3A_1712 = arith.constant 0 : i32
    %dma_start3A_1713 = tpu.memref_slice %arg25[%dma_start3A_1712] : memref<2304xf32, #tpu.memory_space<vmem_shared>> -> memref<2304xf32, #tpu.memory_space<vmem_shared>>
    tpu.enqueue_indirect_dma source(%dma_start3A_1708 : memref<128xf32, #tpu.memory_space<vmem>>) target(%dma_start3A_1713 : memref<2304xf32, #tpu.memory_space<vmem_shared>>) offsets(%dma_start3A_1711 : memref<128xi32, #tpu.memory_space<vmem>>) semaphore(%arg30 : memref<!tpu.dma_semaphore, #tpu.memory_space<semaphore_mem>>)
    %dma_start3A_1714 = arith.constant 3 : i32
    %dma_start3A_1715 = arith.constant 384 : i32
    %dma_start3A_1716 = tpu.memref_slice %arg14[%dma_start3A_1715] : memref<1280xf32, #tpu.memory_space<vmem>> -> memref<128xf32, #tpu.memory_space<vmem>>
    %dma_start3A_1717 = arith.constant 0 : i32
    %dma_start3A_1718 = tpu.memref_slice %arg20[%dma_start3A_1714, %dma_start3A_1717] : memref<10x128xi32, #tpu.memory_space<vmem>> -> memref<1x128xi32, #tpu.memory_space<vmem>>
    %dma_start3A_1719 = tpu.memref_squeeze %dma_start3A_1718 : memref<1x128xi32, #tpu.memory_space<vmem>> -> memref<128xi32, #tpu.memory_space<vmem>>
    %dma_start3A_1720 = arith.constant 0 : i32
    %dma_start3A_1721 = tpu.memref_slice %arg25[%dma_start3A_1720] : memref<2304xf32, #tpu.memory_space<vmem_shared>> -> memref<2304xf32, #tpu.memory_space<vmem_shared>>
    tpu.enqueue_indirect_dma source(%dma_start3A_1716 : memref<128xf32, #tpu.memory_space<vmem>>) target(%dma_start3A_1721 : memref<2304xf32, #tpu.memory_space<vmem_shared>>) offsets(%dma_start3A_1719 : memref<128xi32, #tpu.memory_space<vmem>>) semaphore(%arg30 : memref<!tpu.dma_semaphore, #tpu.memory_space<semaphore_mem>>)
    %dma_start3A_1722 = arith.constant 4 : i32
    %dma_start3A_1723 = arith.constant 512 : i32
    %dma_start3A_1724 = tpu.memref_slice %arg14[%dma_start3A_1723] : memref<1280xf32, #tpu.memory_space<vmem>> -> memref<128xf32, #tpu.memory_space<vmem>>
    %dma_start3A_1725 = arith.constant 0 : i32
    %dma_start3A_1726 = tpu.memref_slice %arg20[%dma_start3A_1722, %dma_start3A_1725] : memref<10x128xi32, #tpu.memory_space<vmem>> -> memref<1x128xi32, #tpu.memory_space<vmem>>
    %dma_start3A_1727 = tpu.memref_squeeze %dma_start3A_1726 : memref<1x128xi32, #tpu.memory_space<vmem>> -> memref<128xi32, #tpu.memory_space<vmem>>
    %dma_start3A_1728 = arith.constant 0 : i32
    %dma_start3A_1729 = tpu.memref_slice %arg25[%dma_start3A_1728] : memref<2304xf32, #tpu.memory_space<vmem_shared>> -> memref<2304xf32, #tpu.memory_space<vmem_shared>>
    tpu.enqueue_indirect_dma source(%dma_start3A_1724 : memref<128xf32, #tpu.memory_space<vmem>>) target(%dma_start3A_1729 : memref<2304xf32, #tpu.memory_space<vmem_shared>>) offsets(%dma_start3A_1727 : memref<128xi32, #tpu.memory_space<vmem>>) semaphore(%arg30 : memref<!tpu.dma_semaphore, #tpu.memory_space<semaphore_mem>>)
    %dma_start3A_1730 = arith.constant 5 : i32
    %dma_start3A_1731 = arith.constant 640 : i32
    %dma_start3A_1732 = tpu.memref_slice %arg14[%dma_start3A_1731] : memref<1280xf32, #tpu.memory_space<vmem>> -> memref<128xf32, #tpu.memory_space<vmem>>
    %dma_start3A_1733 = arith.constant 0 : i32
    %dma_start3A_1734 = tpu.memref_slice %arg20[%dma_start3A_1730, %dma_start3A_1733] : memref<10x128xi32, #tpu.memory_space<vmem>> -> memref<1x128xi32, #tpu.memory_space<vmem>>
    %dma_start3A_1735 = tpu.memref_squeeze %dma_start3A_1734 : memref<1x128xi32, #tpu.memory_space<vmem>> -> memref<128xi32, #tpu.memory_space<vmem>>
    %dma_start3A_1736 = arith.constant 0 : i32
    %dma_start3A_1737 = tpu.memref_slice %arg25[%dma_start3A_1736] : memref<2304xf32, #tpu.memory_space<vmem_shared>> -> memref<2304xf32, #tpu.memory_space<vmem_shared>>
    tpu.enqueue_indirect_dma source(%dma_start3A_1732 : memref<128xf32, #tpu.memory_space<vmem>>) target(%dma_start3A_1737 : memref<2304xf32, #tpu.memory_space<vmem_shared>>) offsets(%dma_start3A_1735 : memref<128xi32, #tpu.memory_space<vmem>>) semaphore(%arg30 : memref<!tpu.dma_semaphore, #tpu.memory_space<semaphore_mem>>)
    %dma_start3A_1738 = arith.constant 6 : i32
    %dma_start3A_1739 = arith.constant 768 : i32
    %dma_start3A_1740 = tpu.memref_slice %arg14[%dma_start3A_1739] : memref<1280xf32, #tpu.memory_space<vmem>> -> memref<128xf32, #tpu.memory_space<vmem>>
    %dma_start3A_1741 = arith.constant 0 : i32
    %dma_start3A_1742 = tpu.memref_slice %arg20[%dma_start3A_1738, %dma_start3A_1741] : memref<10x128xi32, #tpu.memory_space<vmem>> -> memref<1x128xi32, #tpu.memory_space<vmem>>
    %dma_start3A_1743 = tpu.memref_squeeze %dma_start3A_1742 : memref<1x128xi32, #tpu.memory_space<vmem>> -> memref<128xi32, #tpu.memory_space<vmem>>
    %dma_start3A_1744 = arith.constant 0 : i32
    %dma_start3A_1745 = tpu.memref_slice %arg25[%dma_start3A_1744] : memref<2304xf32, #tpu.memory_space<vmem_shared>> -> memref<2304xf32, #tpu.memory_space<vmem_shared>>
    tpu.enqueue_indirect_dma source(%dma_start3A_1740 : memref<128xf32, #tpu.memory_space<vmem>>) target(%dma_start3A_1745 : memref<2304xf32, #tpu.memory_space<vmem_shared>>) offsets(%dma_start3A_1743 : memref<128xi32, #tpu.memory_space<vmem>>) semaphore(%arg30 : memref<!tpu.dma_semaphore, #tpu.memory_space<semaphore_mem>>)
    %dma_start3A_1746 = arith.constant 7 : i32
    %dma_start3A_1747 = arith.constant 896 : i32
    %dma_start3A_1748 = tpu.memref_slice %arg14[%dma_start3A_1747] : memref<1280xf32, #tpu.memory_space<vmem>> -> memref<128xf32, #tpu.memory_space<vmem>>
    %dma_start3A_1749 = arith.constant 0 : i32
    %dma_start3A_1750 = tpu.memref_slice %arg20[%dma_start3A_1746, %dma_start3A_1749] : memref<10x128xi32, #tpu.memory_space<vmem>> -> memref<1x128xi32, #tpu.memory_space<vmem>>
    %dma_start3A_1751 = tpu.memref_squeeze %dma_start3A_1750 : memref<1x128xi32, #tpu.memory_space<vmem>> -> memref<128xi32, #tpu.memory_space<vmem>>
    %dma_start3A_1752 = arith.constant 0 : i32
    %dma_start3A_1753 = tpu.memref_slice %arg25[%dma_start3A_1752] : memref<2304xf32, #tpu.memory_space<vmem_shared>> -> memref<2304xf32, #tpu.memory_space<vmem_shared>>
    tpu.enqueue_indirect_dma source(%dma_start3A_1748 : memref<128xf32, #tpu.memory_space<vmem>>) target(%dma_start3A_1753 : memref<2304xf32, #tpu.memory_space<vmem_shared>>) offsets(%dma_start3A_1751 : memref<128xi32, #tpu.memory_space<vmem>>) semaphore(%arg30 : memref<!tpu.dma_semaphore, #tpu.memory_space<semaphore_mem>>)
    %dma_start3A_1754 = arith.constant 8 : i32
    %dma_start3A_1755 = arith.constant 1024 : i32
    %dma_start3A_1756 = tpu.memref_slice %arg14[%dma_start3A_1755] : memref<1280xf32, #tpu.memory_space<vmem>> -> memref<128xf32, #tpu.memory_space<vmem>>
    %dma_start3A_1757 = arith.constant 0 : i32
    %dma_start3A_1758 = tpu.memref_slice %arg20[%dma_start3A_1754, %dma_start3A_1757] : memref<10x128xi32, #tpu.memory_space<vmem>> -> memref<1x128xi32, #tpu.memory_space<vmem>>
    %dma_start3A_1759 = tpu.memref_squeeze %dma_start3A_1758 : memref<1x128xi32, #tpu.memory_space<vmem>> -> memref<128xi32, #tpu.memory_space<vmem>>
    %dma_start3A_1760 = arith.constant 0 : i32
    %dma_start3A_1761 = tpu.memref_slice %arg25[%dma_start3A_1760] : memref<2304xf32, #tpu.memory_space<vmem_shared>> -> memref<2304xf32, #tpu.memory_space<vmem_shared>>
    tpu.enqueue_indirect_dma source(%dma_start3A_1756 : memref<128xf32, #tpu.memory_space<vmem>>) target(%dma_start3A_1761 : memref<2304xf32, #tpu.memory_space<vmem_shared>>) offsets(%dma_start3A_1759 : memref<128xi32, #tpu.memory_space<vmem>>) semaphore(%arg30 : memref<!tpu.dma_semaphore, #tpu.memory_space<semaphore_mem>>)
    %dma_start3A_1762 = arith.constant 9 : i32
    %dma_start3A_1763 = arith.constant 1152 : i32
    %dma_start3A_1764 = tpu.memref_slice %arg14[%dma_start3A_1763] : memref<1280xf32, #tpu.memory_space<vmem>> -> memref<128xf32, #tpu.memory_space<vmem>>
    %dma_start3A_1765 = arith.constant 0 : i32
    %dma_start3A_1766 = tpu.memref_slice %arg20[%dma_start3A_1762, %dma_start3A_1765] : memref<10x128xi32, #tpu.memory_space<vmem>> -> memref<1x128xi32, #tpu.memory_space<vmem>>
    %dma_start3A_1767 = tpu.memref_squeeze %dma_start3A_1766 : memref<1x128xi32, #tpu.memory_space<vmem>> -> memref<128xi32, #tpu.memory_space<vmem>>
    %dma_start3A_1768 = arith.constant 0 : i32
    %dma_start3A_1769 = tpu.memref_slice %arg25[%dma_start3A_1768] : memref<2304xf32, #tpu.memory_space<vmem_shared>> -> memref<2304xf32, #tpu.memory_space<vmem_shared>>
    tpu.enqueue_indirect_dma source(%dma_start3A_1764 : memref<128xf32, #tpu.memory_space<vmem>>) target(%dma_start3A_1769 : memref<2304xf32, #tpu.memory_space<vmem_shared>>) offsets(%dma_start3A_1767 : memref<128xi32, #tpu.memory_space<vmem>>) semaphore(%arg30 : memref<!tpu.dma_semaphore, #tpu.memory_space<semaphore_mem>>)
    %dma_start3A_1770 = arith.constant 0 : i32
    %dma_start3A_1771 = arith.constant 0 : i32
    %dma_start3A_1772 = tpu.memref_slice %arg15[%dma_start3A_1771] : memref<1280xf32, #tpu.memory_space<vmem>> -> memref<128xf32, #tpu.memory_space<vmem>>
    %dma_start3A_1773 = arith.constant 0 : i32
    %dma_start3A_1774 = tpu.memref_slice %arg20[%dma_start3A_1770, %dma_start3A_1773] : memref<10x128xi32, #tpu.memory_space<vmem>> -> memref<1x128xi32, #tpu.memory_space<vmem>>
    %dma_start3A_1775 = tpu.memref_squeeze %dma_start3A_1774 : memref<1x128xi32, #tpu.memory_space<vmem>> -> memref<128xi32, #tpu.memory_space<vmem>>
    %dma_start3A_1776 = arith.constant 0 : i32
    %dma_start3A_1777 = tpu.memref_slice %arg26[%dma_start3A_1776] : memref<2304xf32, #tpu.memory_space<vmem_shared>> -> memref<2304xf32, #tpu.memory_space<vmem_shared>>
    tpu.enqueue_indirect_dma source(%dma_start3A_1772 : memref<128xf32, #tpu.memory_space<vmem>>) target(%dma_start3A_1777 : memref<2304xf32, #tpu.memory_space<vmem_shared>>) offsets(%dma_start3A_1775 : memref<128xi32, #tpu.memory_space<vmem>>) semaphore(%arg30 : memref<!tpu.dma_semaphore, #tpu.memory_space<semaphore_mem>>)
    %dma_start3A_1778 = arith.constant 1 : i32
    %dma_start3A_1779 = arith.constant 128 : i32
    %dma_start3A_1780 = tpu.memref_slice %arg15[%dma_start3A_1779] : memref<1280xf32, #tpu.memory_space<vmem>> -> memref<128xf32, #tpu.memory_space<vmem>>
    %dma_start3A_1781 = arith.constant 0 : i32
    %dma_start3A_1782 = tpu.memref_slice %arg20[%dma_start3A_1778, %dma_start3A_1781] : memref<10x128xi32, #tpu.memory_space<vmem>> -> memref<1x128xi32, #tpu.memory_space<vmem>>
    %dma_start3A_1783 = tpu.memref_squeeze %dma_start3A_1782 : memref<1x128xi32, #tpu.memory_space<vmem>> -> memref<128xi32, #tpu.memory_space<vmem>>
    %dma_start3A_1784 = arith.constant 0 : i32
    %dma_start3A_1785 = tpu.memref_slice %arg26[%dma_start3A_1784] : memref<2304xf32, #tpu.memory_space<vmem_shared>> -> memref<2304xf32, #tpu.memory_space<vmem_shared>>
    tpu.enqueue_indirect_dma source(%dma_start3A_1780 : memref<128xf32, #tpu.memory_space<vmem>>) target(%dma_start3A_1785 : memref<2304xf32, #tpu.memory_space<vmem_shared>>) offsets(%dma_start3A_1783 : memref<128xi32, #tpu.memory_space<vmem>>) semaphore(%arg30 : memref<!tpu.dma_semaphore, #tpu.memory_space<semaphore_mem>>)
    %dma_start3A_1786 = arith.constant 2 : i32
    %dma_start3A_1787 = arith.constant 256 : i32
    %dma_start3A_1788 = tpu.memref_slice %arg15[%dma_start3A_1787] : memref<1280xf32, #tpu.memory_space<vmem>> -> memref<128xf32, #tpu.memory_space<vmem>>
    %dma_start3A_1789 = arith.constant 0 : i32
    %dma_start3A_1790 = tpu.memref_slice %arg20[%dma_start3A_1786, %dma_start3A_1789] : memref<10x128xi32, #tpu.memory_space<vmem>> -> memref<1x128xi32, #tpu.memory_space<vmem>>
    %dma_start3A_1791 = tpu.memref_squeeze %dma_start3A_1790 : memref<1x128xi32, #tpu.memory_space<vmem>> -> memref<128xi32, #tpu.memory_space<vmem>>
    %dma_start3A_1792 = arith.constant 0 : i32
    %dma_start3A_1793 = tpu.memref_slice %arg26[%dma_start3A_1792] : memref<2304xf32, #tpu.memory_space<vmem_shared>> -> memref<2304xf32, #tpu.memory_space<vmem_shared>>
    tpu.enqueue_indirect_dma source(%dma_start3A_1788 : memref<128xf32, #tpu.memory_space<vmem>>) target(%dma_start3A_1793 : memref<2304xf32, #tpu.memory_space<vmem_shared>>) offsets(%dma_start3A_1791 : memref<128xi32, #tpu.memory_space<vmem>>) semaphore(%arg30 : memref<!tpu.dma_semaphore, #tpu.memory_space<semaphore_mem>>)
    %dma_start3A_1794 = arith.constant 3 : i32
    %dma_start3A_1795 = arith.constant 384 : i32
    %dma_start3A_1796 = tpu.memref_slice %arg15[%dma_start3A_1795] : memref<1280xf32, #tpu.memory_space<vmem>> -> memref<128xf32, #tpu.memory_space<vmem>>
    %dma_start3A_1797 = arith.constant 0 : i32
    %dma_start3A_1798 = tpu.memref_slice %arg20[%dma_start3A_1794, %dma_start3A_1797] : memref<10x128xi32, #tpu.memory_space<vmem>> -> memref<1x128xi32, #tpu.memory_space<vmem>>
    %dma_start3A_1799 = tpu.memref_squeeze %dma_start3A_1798 : memref<1x128xi32, #tpu.memory_space<vmem>> -> memref<128xi32, #tpu.memory_space<vmem>>
    %dma_start3A_1800 = arith.constant 0 : i32
    %dma_start3A_1801 = tpu.memref_slice %arg26[%dma_start3A_1800] : memref<2304xf32, #tpu.memory_space<vmem_shared>> -> memref<2304xf32, #tpu.memory_space<vmem_shared>>
    tpu.enqueue_indirect_dma source(%dma_start3A_1796 : memref<128xf32, #tpu.memory_space<vmem>>) target(%dma_start3A_1801 : memref<2304xf32, #tpu.memory_space<vmem_shared>>) offsets(%dma_start3A_1799 : memref<128xi32, #tpu.memory_space<vmem>>) semaphore(%arg30 : memref<!tpu.dma_semaphore, #tpu.memory_space<semaphore_mem>>)
    %dma_start3A_1802 = arith.constant 4 : i32
    %dma_start3A_1803 = arith.constant 512 : i32
    %dma_start3A_1804 = tpu.memref_slice %arg15[%dma_start3A_1803] : memref<1280xf32, #tpu.memory_space<vmem>> -> memref<128xf32, #tpu.memory_space<vmem>>
    %dma_start3A_1805 = arith.constant 0 : i32
    %dma_start3A_1806 = tpu.memref_slice %arg20[%dma_start3A_1802, %dma_start3A_1805] : memref<10x128xi32, #tpu.memory_space<vmem>> -> memref<1x128xi32, #tpu.memory_space<vmem>>
    %dma_start3A_1807 = tpu.memref_squeeze %dma_start3A_1806 : memref<1x128xi32, #tpu.memory_space<vmem>> -> memref<128xi32, #tpu.memory_space<vmem>>
    %dma_start3A_1808 = arith.constant 0 : i32
    %dma_start3A_1809 = tpu.memref_slice %arg26[%dma_start3A_1808] : memref<2304xf32, #tpu.memory_space<vmem_shared>> -> memref<2304xf32, #tpu.memory_space<vmem_shared>>
    tpu.enqueue_indirect_dma source(%dma_start3A_1804 : memref<128xf32, #tpu.memory_space<vmem>>) target(%dma_start3A_1809 : memref<2304xf32, #tpu.memory_space<vmem_shared>>) offsets(%dma_start3A_1807 : memref<128xi32, #tpu.memory_space<vmem>>) semaphore(%arg30 : memref<!tpu.dma_semaphore, #tpu.memory_space<semaphore_mem>>)
    %dma_start3A_1810 = arith.constant 5 : i32
    %dma_start3A_1811 = arith.constant 640 : i32
    %dma_start3A_1812 = tpu.memref_slice %arg15[%dma_start3A_1811] : memref<1280xf32, #tpu.memory_space<vmem>> -> memref<128xf32, #tpu.memory_space<vmem>>
    %dma_start3A_1813 = arith.constant 0 : i32
    %dma_start3A_1814 = tpu.memref_slice %arg20[%dma_start3A_1810, %dma_start3A_1813] : memref<10x128xi32, #tpu.memory_space<vmem>> -> memref<1x128xi32, #tpu.memory_space<vmem>>
    %dma_start3A_1815 = tpu.memref_squeeze %dma_start3A_1814 : memref<1x128xi32, #tpu.memory_space<vmem>> -> memref<128xi32, #tpu.memory_space<vmem>>
    %dma_start3A_1816 = arith.constant 0 : i32
    %dma_start3A_1817 = tpu.memref_slice %arg26[%dma_start3A_1816] : memref<2304xf32, #tpu.memory_space<vmem_shared>> -> memref<2304xf32, #tpu.memory_space<vmem_shared>>
    tpu.enqueue_indirect_dma source(%dma_start3A_1812 : memref<128xf32, #tpu.memory_space<vmem>>) target(%dma_start3A_1817 : memref<2304xf32, #tpu.memory_space<vmem_shared>>) offsets(%dma_start3A_1815 : memref<128xi32, #tpu.memory_space<vmem>>) semaphore(%arg30 : memref<!tpu.dma_semaphore, #tpu.memory_space<semaphore_mem>>)
    %dma_start3A_1818 = arith.constant 6 : i32
    %dma_start3A_1819 = arith.constant 768 : i32
    %dma_start3A_1820 = tpu.memref_slice %arg15[%dma_start3A_1819] : memref<1280xf32, #tpu.memory_space<vmem>> -> memref<128xf32, #tpu.memory_space<vmem>>
    %dma_start3A_1821 = arith.constant 0 : i32
    %dma_start3A_1822 = tpu.memref_slice %arg20[%dma_start3A_1818, %dma_start3A_1821] : memref<10x128xi32, #tpu.memory_space<vmem>> -> memref<1x128xi32, #tpu.memory_space<vmem>>
    %dma_start3A_1823 = tpu.memref_squeeze %dma_start3A_1822 : memref<1x128xi32, #tpu.memory_space<vmem>> -> memref<128xi32, #tpu.memory_space<vmem>>
    %dma_start3A_1824 = arith.constant 0 : i32
    %dma_start3A_1825 = tpu.memref_slice %arg26[%dma_start3A_1824] : memref<2304xf32, #tpu.memory_space<vmem_shared>> -> memref<2304xf32, #tpu.memory_space<vmem_shared>>
    tpu.enqueue_indirect_dma source(%dma_start3A_1820 : memref<128xf32, #tpu.memory_space<vmem>>) target(%dma_start3A_1825 : memref<2304xf32, #tpu.memory_space<vmem_shared>>) offsets(%dma_start3A_1823 : memref<128xi32, #tpu.memory_space<vmem>>) semaphore(%arg30 : memref<!tpu.dma_semaphore, #tpu.memory_space<semaphore_mem>>)
    %dma_start3A_1826 = arith.constant 7 : i32
    %dma_start3A_1827 = arith.constant 896 : i32
    %dma_start3A_1828 = tpu.memref_slice %arg15[%dma_start3A_1827] : memref<1280xf32, #tpu.memory_space<vmem>> -> memref<128xf32, #tpu.memory_space<vmem>>
    %dma_start3A_1829 = arith.constant 0 : i32
    %dma_start3A_1830 = tpu.memref_slice %arg20[%dma_start3A_1826, %dma_start3A_1829] : memref<10x128xi32, #tpu.memory_space<vmem>> -> memref<1x128xi32, #tpu.memory_space<vmem>>
    %dma_start3A_1831 = tpu.memref_squeeze %dma_start3A_1830 : memref<1x128xi32, #tpu.memory_space<vmem>> -> memref<128xi32, #tpu.memory_space<vmem>>
    %dma_start3A_1832 = arith.constant 0 : i32
    %dma_start3A_1833 = tpu.memref_slice %arg26[%dma_start3A_1832] : memref<2304xf32, #tpu.memory_space<vmem_shared>> -> memref<2304xf32, #tpu.memory_space<vmem_shared>>
    tpu.enqueue_indirect_dma source(%dma_start3A_1828 : memref<128xf32, #tpu.memory_space<vmem>>) target(%dma_start3A_1833 : memref<2304xf32, #tpu.memory_space<vmem_shared>>) offsets(%dma_start3A_1831 : memref<128xi32, #tpu.memory_space<vmem>>) semaphore(%arg30 : memref<!tpu.dma_semaphore, #tpu.memory_space<semaphore_mem>>)
    %dma_start3A_1834 = arith.constant 8 : i32
    %dma_start3A_1835 = arith.constant 1024 : i32
    %dma_start3A_1836 = tpu.memref_slice %arg15[%dma_start3A_1835] : memref<1280xf32, #tpu.memory_space<vmem>> -> memref<128xf32, #tpu.memory_space<vmem>>
    %dma_start3A_1837 = arith.constant 0 : i32
    %dma_start3A_1838 = tpu.memref_slice %arg20[%dma_start3A_1834, %dma_start3A_1837] : memref<10x128xi32, #tpu.memory_space<vmem>> -> memref<1x128xi32, #tpu.memory_space<vmem>>
    %dma_start3A_1839 = tpu.memref_squeeze %dma_start3A_1838 : memref<1x128xi32, #tpu.memory_space<vmem>> -> memref<128xi32, #tpu.memory_space<vmem>>
    %dma_start3A_1840 = arith.constant 0 : i32
    %dma_start3A_1841 = tpu.memref_slice %arg26[%dma_start3A_1840] : memref<2304xf32, #tpu.memory_space<vmem_shared>> -> memref<2304xf32, #tpu.memory_space<vmem_shared>>
    tpu.enqueue_indirect_dma source(%dma_start3A_1836 : memref<128xf32, #tpu.memory_space<vmem>>) target(%dma_start3A_1841 : memref<2304xf32, #tpu.memory_space<vmem_shared>>) offsets(%dma_start3A_1839 : memref<128xi32, #tpu.memory_space<vmem>>) semaphore(%arg30 : memref<!tpu.dma_semaphore, #tpu.memory_space<semaphore_mem>>)
    %dma_start3A_1842 = arith.constant 9 : i32
    %dma_start3A_1843 = arith.constant 1152 : i32
    %dma_start3A_1844 = tpu.memref_slice %arg15[%dma_start3A_1843] : memref<1280xf32, #tpu.memory_space<vmem>> -> memref<128xf32, #tpu.memory_space<vmem>>
    %dma_start3A_1845 = arith.constant 0 : i32
    %dma_start3A_1846 = tpu.memref_slice %arg20[%dma_start3A_1842, %dma_start3A_1845] : memref<10x128xi32, #tpu.memory_space<vmem>> -> memref<1x128xi32, #tpu.memory_space<vmem>>
    %dma_start3A_1847 = tpu.memref_squeeze %dma_start3A_1846 : memref<1x128xi32, #tpu.memory_space<vmem>> -> memref<128xi32, #tpu.memory_space<vmem>>
    %dma_start3A_1848 = arith.constant 0 : i32
    %dma_start3A_1849 = tpu.memref_slice %arg26[%dma_start3A_1848] : memref<2304xf32, #tpu.memory_space<vmem_shared>> -> memref<2304xf32, #tpu.memory_space<vmem_shared>>
    tpu.enqueue_indirect_dma source(%dma_start3A_1844 : memref<128xf32, #tpu.memory_space<vmem>>) target(%dma_start3A_1849 : memref<2304xf32, #tpu.memory_space<vmem_shared>>) offsets(%dma_start3A_1847 : memref<128xi32, #tpu.memory_space<vmem>>) semaphore(%arg30 : memref<!tpu.dma_semaphore, #tpu.memory_space<semaphore_mem>>)
    %dma_start3A_1850 = arith.constant 0 : i32
    %dma_start3A_1851 = arith.constant 0 : i32
    %dma_start3A_1852 = tpu.memref_slice %arg16[%dma_start3A_1851] : memref<1280xf32, #tpu.memory_space<vmem>> -> memref<128xf32, #tpu.memory_space<vmem>>
    %dma_start3A_1853 = arith.constant 0 : i32
    %dma_start3A_1854 = tpu.memref_slice %arg20[%dma_start3A_1850, %dma_start3A_1853] : memref<10x128xi32, #tpu.memory_space<vmem>> -> memref<1x128xi32, #tpu.memory_space<vmem>>
    %dma_start3A_1855 = tpu.memref_squeeze %dma_start3A_1854 : memref<1x128xi32, #tpu.memory_space<vmem>> -> memref<128xi32, #tpu.memory_space<vmem>>
    %dma_start3A_1856 = arith.constant 0 : i32
    %dma_start3A_1857 = tpu.memref_slice %arg27[%dma_start3A_1856] : memref<2304xf32, #tpu.memory_space<vmem_shared>> -> memref<2304xf32, #tpu.memory_space<vmem_shared>>
    tpu.enqueue_indirect_dma source(%dma_start3A_1852 : memref<128xf32, #tpu.memory_space<vmem>>) target(%dma_start3A_1857 : memref<2304xf32, #tpu.memory_space<vmem_shared>>) offsets(%dma_start3A_1855 : memref<128xi32, #tpu.memory_space<vmem>>) semaphore(%arg30 : memref<!tpu.dma_semaphore, #tpu.memory_space<semaphore_mem>>)
    %dma_start3A_1858 = arith.constant 1 : i32
    %dma_start3A_1859 = arith.constant 128 : i32
    %dma_start3A_1860 = tpu.memref_slice %arg16[%dma_start3A_1859] : memref<1280xf32, #tpu.memory_space<vmem>> -> memref<128xf32, #tpu.memory_space<vmem>>
    %dma_start3A_1861 = arith.constant 0 : i32
    %dma_start3A_1862 = tpu.memref_slice %arg20[%dma_start3A_1858, %dma_start3A_1861] : memref<10x128xi32, #tpu.memory_space<vmem>> -> memref<1x128xi32, #tpu.memory_space<vmem>>
    %dma_start3A_1863 = tpu.memref_squeeze %dma_start3A_1862 : memref<1x128xi32, #tpu.memory_space<vmem>> -> memref<128xi32, #tpu.memory_space<vmem>>
    %dma_start3A_1864 = arith.constant 0 : i32
    %dma_start3A_1865 = tpu.memref_slice %arg27[%dma_start3A_1864] : memref<2304xf32, #tpu.memory_space<vmem_shared>> -> memref<2304xf32, #tpu.memory_space<vmem_shared>>
    tpu.enqueue_indirect_dma source(%dma_start3A_1860 : memref<128xf32, #tpu.memory_space<vmem>>) target(%dma_start3A_1865 : memref<2304xf32, #tpu.memory_space<vmem_shared>>) offsets(%dma_start3A_1863 : memref<128xi32, #tpu.memory_space<vmem>>) semaphore(%arg30 : memref<!tpu.dma_semaphore, #tpu.memory_space<semaphore_mem>>)
    %dma_start3A_1866 = arith.constant 2 : i32
    %dma_start3A_1867 = arith.constant 256 : i32
    %dma_start3A_1868 = tpu.memref_slice %arg16[%dma_start3A_1867] : memref<1280xf32, #tpu.memory_space<vmem>> -> memref<128xf32, #tpu.memory_space<vmem>>
    %dma_start3A_1869 = arith.constant 0 : i32
    %dma_start3A_1870 = tpu.memref_slice %arg20[%dma_start3A_1866, %dma_start3A_1869] : memref<10x128xi32, #tpu.memory_space<vmem>> -> memref<1x128xi32, #tpu.memory_space<vmem>>
    %dma_start3A_1871 = tpu.memref_squeeze %dma_start3A_1870 : memref<1x128xi32, #tpu.memory_space<vmem>> -> memref<128xi32, #tpu.memory_space<vmem>>
    %dma_start3A_1872 = arith.constant 0 : i32
    %dma_start3A_1873 = tpu.memref_slice %arg27[%dma_start3A_1872] : memref<2304xf32, #tpu.memory_space<vmem_shared>> -> memref<2304xf32, #tpu.memory_space<vmem_shared>>
    tpu.enqueue_indirect_dma source(%dma_start3A_1868 : memref<128xf32, #tpu.memory_space<vmem>>) target(%dma_start3A_1873 : memref<2304xf32, #tpu.memory_space<vmem_shared>>) offsets(%dma_start3A_1871 : memref<128xi32, #tpu.memory_space<vmem>>) semaphore(%arg30 : memref<!tpu.dma_semaphore, #tpu.memory_space<semaphore_mem>>)
    %dma_start3A_1874 = arith.constant 3 : i32
    %dma_start3A_1875 = arith.constant 384 : i32
    %dma_start3A_1876 = tpu.memref_slice %arg16[%dma_start3A_1875] : memref<1280xf32, #tpu.memory_space<vmem>> -> memref<128xf32, #tpu.memory_space<vmem>>
    %dma_start3A_1877 = arith.constant 0 : i32
    %dma_start3A_1878 = tpu.memref_slice %arg20[%dma_start3A_1874, %dma_start3A_1877] : memref<10x128xi32, #tpu.memory_space<vmem>> -> memref<1x128xi32, #tpu.memory_space<vmem>>
    %dma_start3A_1879 = tpu.memref_squeeze %dma_start3A_1878 : memref<1x128xi32, #tpu.memory_space<vmem>> -> memref<128xi32, #tpu.memory_space<vmem>>
    %dma_start3A_1880 = arith.constant 0 : i32
    %dma_start3A_1881 = tpu.memref_slice %arg27[%dma_start3A_1880] : memref<2304xf32, #tpu.memory_space<vmem_shared>> -> memref<2304xf32, #tpu.memory_space<vmem_shared>>
    tpu.enqueue_indirect_dma source(%dma_start3A_1876 : memref<128xf32, #tpu.memory_space<vmem>>) target(%dma_start3A_1881 : memref<2304xf32, #tpu.memory_space<vmem_shared>>) offsets(%dma_start3A_1879 : memref<128xi32, #tpu.memory_space<vmem>>) semaphore(%arg30 : memref<!tpu.dma_semaphore, #tpu.memory_space<semaphore_mem>>)
    %dma_start3A_1882 = arith.constant 4 : i32
    %dma_start3A_1883 = arith.constant 512 : i32
    %dma_start3A_1884 = tpu.memref_slice %arg16[%dma_start3A_1883] : memref<1280xf32, #tpu.memory_space<vmem>> -> memref<128xf32, #tpu.memory_space<vmem>>
    %dma_start3A_1885 = arith.constant 0 : i32
    %dma_start3A_1886 = tpu.memref_slice %arg20[%dma_start3A_1882, %dma_start3A_1885] : memref<10x128xi32, #tpu.memory_space<vmem>> -> memref<1x128xi32, #tpu.memory_space<vmem>>
    %dma_start3A_1887 = tpu.memref_squeeze %dma_start3A_1886 : memref<1x128xi32, #tpu.memory_space<vmem>> -> memref<128xi32, #tpu.memory_space<vmem>>
    %dma_start3A_1888 = arith.constant 0 : i32
    %dma_start3A_1889 = tpu.memref_slice %arg27[%dma_start3A_1888] : memref<2304xf32, #tpu.memory_space<vmem_shared>> -> memref<2304xf32, #tpu.memory_space<vmem_shared>>
    tpu.enqueue_indirect_dma source(%dma_start3A_1884 : memref<128xf32, #tpu.memory_space<vmem>>) target(%dma_start3A_1889 : memref<2304xf32, #tpu.memory_space<vmem_shared>>) offsets(%dma_start3A_1887 : memref<128xi32, #tpu.memory_space<vmem>>) semaphore(%arg30 : memref<!tpu.dma_semaphore, #tpu.memory_space<semaphore_mem>>)
    %dma_start3A_1890 = arith.constant 5 : i32
    %dma_start3A_1891 = arith.constant 640 : i32
    %dma_start3A_1892 = tpu.memref_slice %arg16[%dma_start3A_1891] : memref<1280xf32, #tpu.memory_space<vmem>> -> memref<128xf32, #tpu.memory_space<vmem>>
    %dma_start3A_1893 = arith.constant 0 : i32
    %dma_start3A_1894 = tpu.memref_slice %arg20[%dma_start3A_1890, %dma_start3A_1893] : memref<10x128xi32, #tpu.memory_space<vmem>> -> memref<1x128xi32, #tpu.memory_space<vmem>>
    %dma_start3A_1895 = tpu.memref_squeeze %dma_start3A_1894 : memref<1x128xi32, #tpu.memory_space<vmem>> -> memref<128xi32, #tpu.memory_space<vmem>>
    %dma_start3A_1896 = arith.constant 0 : i32
    %dma_start3A_1897 = tpu.memref_slice %arg27[%dma_start3A_1896] : memref<2304xf32, #tpu.memory_space<vmem_shared>> -> memref<2304xf32, #tpu.memory_space<vmem_shared>>
    tpu.enqueue_indirect_dma source(%dma_start3A_1892 : memref<128xf32, #tpu.memory_space<vmem>>) target(%dma_start3A_1897 : memref<2304xf32, #tpu.memory_space<vmem_shared>>) offsets(%dma_start3A_1895 : memref<128xi32, #tpu.memory_space<vmem>>) semaphore(%arg30 : memref<!tpu.dma_semaphore, #tpu.memory_space<semaphore_mem>>)
    %dma_start3A_1898 = arith.constant 6 : i32
    %dma_start3A_1899 = arith.constant 768 : i32
    %dma_start3A_1900 = tpu.memref_slice %arg16[%dma_start3A_1899] : memref<1280xf32, #tpu.memory_space<vmem>> -> memref<128xf32, #tpu.memory_space<vmem>>
    %dma_start3A_1901 = arith.constant 0 : i32
    %dma_start3A_1902 = tpu.memref_slice %arg20[%dma_start3A_1898, %dma_start3A_1901] : memref<10x128xi32, #tpu.memory_space<vmem>> -> memref<1x128xi32, #tpu.memory_space<vmem>>
    %dma_start3A_1903 = tpu.memref_squeeze %dma_start3A_1902 : memref<1x128xi32, #tpu.memory_space<vmem>> -> memref<128xi32, #tpu.memory_space<vmem>>
    %dma_start3A_1904 = arith.constant 0 : i32
    %dma_start3A_1905 = tpu.memref_slice %arg27[%dma_start3A_1904] : memref<2304xf32, #tpu.memory_space<vmem_shared>> -> memref<2304xf32, #tpu.memory_space<vmem_shared>>
    tpu.enqueue_indirect_dma source(%dma_start3A_1900 : memref<128xf32, #tpu.memory_space<vmem>>) target(%dma_start3A_1905 : memref<2304xf32, #tpu.memory_space<vmem_shared>>) offsets(%dma_start3A_1903 : memref<128xi32, #tpu.memory_space<vmem>>) semaphore(%arg30 : memref<!tpu.dma_semaphore, #tpu.memory_space<semaphore_mem>>)
    %dma_start3A_1906 = arith.constant 7 : i32
    %dma_start3A_1907 = arith.constant 896 : i32
    %dma_start3A_1908 = tpu.memref_slice %arg16[%dma_start3A_1907] : memref<1280xf32, #tpu.memory_space<vmem>> -> memref<128xf32, #tpu.memory_space<vmem>>
    %dma_start3A_1909 = arith.constant 0 : i32
    %dma_start3A_1910 = tpu.memref_slice %arg20[%dma_start3A_1906, %dma_start3A_1909] : memref<10x128xi32, #tpu.memory_space<vmem>> -> memref<1x128xi32, #tpu.memory_space<vmem>>
    %dma_start3A_1911 = tpu.memref_squeeze %dma_start3A_1910 : memref<1x128xi32, #tpu.memory_space<vmem>> -> memref<128xi32, #tpu.memory_space<vmem>>
    %dma_start3A_1912 = arith.constant 0 : i32
    %dma_start3A_1913 = tpu.memref_slice %arg27[%dma_start3A_1912] : memref<2304xf32, #tpu.memory_space<vmem_shared>> -> memref<2304xf32, #tpu.memory_space<vmem_shared>>
    tpu.enqueue_indirect_dma source(%dma_start3A_1908 : memref<128xf32, #tpu.memory_space<vmem>>) target(%dma_start3A_1913 : memref<2304xf32, #tpu.memory_space<vmem_shared>>) offsets(%dma_start3A_1911 : memref<128xi32, #tpu.memory_space<vmem>>) semaphore(%arg30 : memref<!tpu.dma_semaphore, #tpu.memory_space<semaphore_mem>>)
    %dma_start3A_1914 = arith.constant 8 : i32
    %dma_start3A_1915 = arith.constant 1024 : i32
    %dma_start3A_1916 = tpu.memref_slice %arg16[%dma_start3A_1915] : memref<1280xf32, #tpu.memory_space<vmem>> -> memref<128xf32, #tpu.memory_space<vmem>>
    %dma_start3A_1917 = arith.constant 0 : i32
    %dma_start3A_1918 = tpu.memref_slice %arg20[%dma_start3A_1914, %dma_start3A_1917] : memref<10x128xi32, #tpu.memory_space<vmem>> -> memref<1x128xi32, #tpu.memory_space<vmem>>
    %dma_start3A_1919 = tpu.memref_squeeze %dma_start3A_1918 : memref<1x128xi32, #tpu.memory_space<vmem>> -> memref<128xi32, #tpu.memory_space<vmem>>
    %dma_start3A_1920 = arith.constant 0 : i32
    %dma_start3A_1921 = tpu.memref_slice %arg27[%dma_start3A_1920] : memref<2304xf32, #tpu.memory_space<vmem_shared>> -> memref<2304xf32, #tpu.memory_space<vmem_shared>>
    tpu.enqueue_indirect_dma source(%dma_start3A_1916 : memref<128xf32, #tpu.memory_space<vmem>>) target(%dma_start3A_1921 : memref<2304xf32, #tpu.memory_space<vmem_shared>>) offsets(%dma_start3A_1919 : memref<128xi32, #tpu.memory_space<vmem>>) semaphore(%arg30 : memref<!tpu.dma_semaphore, #tpu.memory_space<semaphore_mem>>)
    %dma_start3A_1922 = arith.constant 9 : i32
    %dma_start3A_1923 = arith.constant 1152 : i32
    %dma_start3A_1924 = tpu.memref_slice %arg16[%dma_start3A_1923] : memref<1280xf32, #tpu.memory_space<vmem>> -> memref<128xf32, #tpu.memory_space<vmem>>
    %dma_start3A_1925 = arith.constant 0 : i32
    %dma_start3A_1926 = tpu.memref_slice %arg20[%dma_start3A_1922, %dma_start3A_1925] : memref<10x128xi32, #tpu.memory_space<vmem>> -> memref<1x128xi32, #tpu.memory_space<vmem>>
    %dma_start3A_1927 = tpu.memref_squeeze %dma_start3A_1926 : memref<1x128xi32, #tpu.memory_space<vmem>> -> memref<128xi32, #tpu.memory_space<vmem>>
    %dma_start3A_1928 = arith.constant 0 : i32
    %dma_start3A_1929 = tpu.memref_slice %arg27[%dma_start3A_1928] : memref<2304xf32, #tpu.memory_space<vmem_shared>> -> memref<2304xf32, #tpu.memory_space<vmem_shared>>
    tpu.enqueue_indirect_dma source(%dma_start3A_1924 : memref<128xf32, #tpu.memory_space<vmem>>) target(%dma_start3A_1929 : memref<2304xf32, #tpu.memory_space<vmem_shared>>) offsets(%dma_start3A_1927 : memref<128xi32, #tpu.memory_space<vmem>>) semaphore(%arg30 : memref<!tpu.dma_semaphore, #tpu.memory_space<semaphore_mem>>)
    %dma_start3A_1930 = arith.constant 0 : i32
    %dma_start3A_1931 = arith.constant 0 : i32
    %dma_start3A_1932 = tpu.memref_slice %arg17[%dma_start3A_1931] : memref<1280xf32, #tpu.memory_space<vmem>> -> memref<128xf32, #tpu.memory_space<vmem>>
    %dma_start3A_1933 = arith.constant 0 : i32
    %dma_start3A_1934 = tpu.memref_slice %arg20[%dma_start3A_1930, %dma_start3A_1933] : memref<10x128xi32, #tpu.memory_space<vmem>> -> memref<1x128xi32, #tpu.memory_space<vmem>>
    %dma_start3A_1935 = tpu.memref_squeeze %dma_start3A_1934 : memref<1x128xi32, #tpu.memory_space<vmem>> -> memref<128xi32, #tpu.memory_space<vmem>>
    %dma_start3A_1936 = arith.constant 0 : i32
    %dma_start3A_1937 = tpu.memref_slice %arg28[%dma_start3A_1936] : memref<2304xf32, #tpu.memory_space<vmem_shared>> -> memref<2304xf32, #tpu.memory_space<vmem_shared>>
    tpu.enqueue_indirect_dma source(%dma_start3A_1932 : memref<128xf32, #tpu.memory_space<vmem>>) target(%dma_start3A_1937 : memref<2304xf32, #tpu.memory_space<vmem_shared>>) offsets(%dma_start3A_1935 : memref<128xi32, #tpu.memory_space<vmem>>) semaphore(%arg30 : memref<!tpu.dma_semaphore, #tpu.memory_space<semaphore_mem>>)
    %dma_start3A_1938 = arith.constant 1 : i32
    %dma_start3A_1939 = arith.constant 128 : i32
    %dma_start3A_1940 = tpu.memref_slice %arg17[%dma_start3A_1939] : memref<1280xf32, #tpu.memory_space<vmem>> -> memref<128xf32, #tpu.memory_space<vmem>>
    %dma_start3A_1941 = arith.constant 0 : i32
    %dma_start3A_1942 = tpu.memref_slice %arg20[%dma_start3A_1938, %dma_start3A_1941] : memref<10x128xi32, #tpu.memory_space<vmem>> -> memref<1x128xi32, #tpu.memory_space<vmem>>
    %dma_start3A_1943 = tpu.memref_squeeze %dma_start3A_1942 : memref<1x128xi32, #tpu.memory_space<vmem>> -> memref<128xi32, #tpu.memory_space<vmem>>
    %dma_start3A_1944 = arith.constant 0 : i32
    %dma_start3A_1945 = tpu.memref_slice %arg28[%dma_start3A_1944] : memref<2304xf32, #tpu.memory_space<vmem_shared>> -> memref<2304xf32, #tpu.memory_space<vmem_shared>>
    tpu.enqueue_indirect_dma source(%dma_start3A_1940 : memref<128xf32, #tpu.memory_space<vmem>>) target(%dma_start3A_1945 : memref<2304xf32, #tpu.memory_space<vmem_shared>>) offsets(%dma_start3A_1943 : memref<128xi32, #tpu.memory_space<vmem>>) semaphore(%arg30 : memref<!tpu.dma_semaphore, #tpu.memory_space<semaphore_mem>>)
    %dma_start3A_1946 = arith.constant 2 : i32
    %dma_start3A_1947 = arith.constant 256 : i32
    %dma_start3A_1948 = tpu.memref_slice %arg17[%dma_start3A_1947] : memref<1280xf32, #tpu.memory_space<vmem>> -> memref<128xf32, #tpu.memory_space<vmem>>
    %dma_start3A_1949 = arith.constant 0 : i32
    %dma_start3A_1950 = tpu.memref_slice %arg20[%dma_start3A_1946, %dma_start3A_1949] : memref<10x128xi32, #tpu.memory_space<vmem>> -> memref<1x128xi32, #tpu.memory_space<vmem>>
    %dma_start3A_1951 = tpu.memref_squeeze %dma_start3A_1950 : memref<1x128xi32, #tpu.memory_space<vmem>> -> memref<128xi32, #tpu.memory_space<vmem>>
    %dma_start3A_1952 = arith.constant 0 : i32
    %dma_start3A_1953 = tpu.memref_slice %arg28[%dma_start3A_1952] : memref<2304xf32, #tpu.memory_space<vmem_shared>> -> memref<2304xf32, #tpu.memory_space<vmem_shared>>
    tpu.enqueue_indirect_dma source(%dma_start3A_1948 : memref<128xf32, #tpu.memory_space<vmem>>) target(%dma_start3A_1953 : memref<2304xf32, #tpu.memory_space<vmem_shared>>) offsets(%dma_start3A_1951 : memref<128xi32, #tpu.memory_space<vmem>>) semaphore(%arg30 : memref<!tpu.dma_semaphore, #tpu.memory_space<semaphore_mem>>)
    %dma_start3A_1954 = arith.constant 3 : i32
    %dma_start3A_1955 = arith.constant 384 : i32
    %dma_start3A_1956 = tpu.memref_slice %arg17[%dma_start3A_1955] : memref<1280xf32, #tpu.memory_space<vmem>> -> memref<128xf32, #tpu.memory_space<vmem>>
    %dma_start3A_1957 = arith.constant 0 : i32
    %dma_start3A_1958 = tpu.memref_slice %arg20[%dma_start3A_1954, %dma_start3A_1957] : memref<10x128xi32, #tpu.memory_space<vmem>> -> memref<1x128xi32, #tpu.memory_space<vmem>>
    %dma_start3A_1959 = tpu.memref_squeeze %dma_start3A_1958 : memref<1x128xi32, #tpu.memory_space<vmem>> -> memref<128xi32, #tpu.memory_space<vmem>>
    %dma_start3A_1960 = arith.constant 0 : i32
    %dma_start3A_1961 = tpu.memref_slice %arg28[%dma_start3A_1960] : memref<2304xf32, #tpu.memory_space<vmem_shared>> -> memref<2304xf32, #tpu.memory_space<vmem_shared>>
    tpu.enqueue_indirect_dma source(%dma_start3A_1956 : memref<128xf32, #tpu.memory_space<vmem>>) target(%dma_start3A_1961 : memref<2304xf32, #tpu.memory_space<vmem_shared>>) offsets(%dma_start3A_1959 : memref<128xi32, #tpu.memory_space<vmem>>) semaphore(%arg30 : memref<!tpu.dma_semaphore, #tpu.memory_space<semaphore_mem>>)
    %dma_start3A_1962 = arith.constant 4 : i32
    %dma_start3A_1963 = arith.constant 512 : i32
    %dma_start3A_1964 = tpu.memref_slice %arg17[%dma_start3A_1963] : memref<1280xf32, #tpu.memory_space<vmem>> -> memref<128xf32, #tpu.memory_space<vmem>>
    %dma_start3A_1965 = arith.constant 0 : i32
    %dma_start3A_1966 = tpu.memref_slice %arg20[%dma_start3A_1962, %dma_start3A_1965] : memref<10x128xi32, #tpu.memory_space<vmem>> -> memref<1x128xi32, #tpu.memory_space<vmem>>
    %dma_start3A_1967 = tpu.memref_squeeze %dma_start3A_1966 : memref<1x128xi32, #tpu.memory_space<vmem>> -> memref<128xi32, #tpu.memory_space<vmem>>
    %dma_start3A_1968 = arith.constant 0 : i32
    %dma_start3A_1969 = tpu.memref_slice %arg28[%dma_start3A_1968] : memref<2304xf32, #tpu.memory_space<vmem_shared>> -> memref<2304xf32, #tpu.memory_space<vmem_shared>>
    tpu.enqueue_indirect_dma source(%dma_start3A_1964 : memref<128xf32, #tpu.memory_space<vmem>>) target(%dma_start3A_1969 : memref<2304xf32, #tpu.memory_space<vmem_shared>>) offsets(%dma_start3A_1967 : memref<128xi32, #tpu.memory_space<vmem>>) semaphore(%arg30 : memref<!tpu.dma_semaphore, #tpu.memory_space<semaphore_mem>>)
    %dma_start3A_1970 = arith.constant 5 : i32
    %dma_start3A_1971 = arith.constant 640 : i32
    %dma_start3A_1972 = tpu.memref_slice %arg17[%dma_start3A_1971] : memref<1280xf32, #tpu.memory_space<vmem>> -> memref<128xf32, #tpu.memory_space<vmem>>
    %dma_start3A_1973 = arith.constant 0 : i32
    %dma_start3A_1974 = tpu.memref_slice %arg20[%dma_start3A_1970, %dma_start3A_1973] : memref<10x128xi32, #tpu.memory_space<vmem>> -> memref<1x128xi32, #tpu.memory_space<vmem>>
    %dma_start3A_1975 = tpu.memref_squeeze %dma_start3A_1974 : memref<1x128xi32, #tpu.memory_space<vmem>> -> memref<128xi32, #tpu.memory_space<vmem>>
    %dma_start3A_1976 = arith.constant 0 : i32
    %dma_start3A_1977 = tpu.memref_slice %arg28[%dma_start3A_1976] : memref<2304xf32, #tpu.memory_space<vmem_shared>> -> memref<2304xf32, #tpu.memory_space<vmem_shared>>
    tpu.enqueue_indirect_dma source(%dma_start3A_1972 : memref<128xf32, #tpu.memory_space<vmem>>) target(%dma_start3A_1977 : memref<2304xf32, #tpu.memory_space<vmem_shared>>) offsets(%dma_start3A_1975 : memref<128xi32, #tpu.memory_space<vmem>>) semaphore(%arg30 : memref<!tpu.dma_semaphore, #tpu.memory_space<semaphore_mem>>)
    %dma_start3A_1978 = arith.constant 6 : i32
    %dma_start3A_1979 = arith.constant 768 : i32
    %dma_start3A_1980 = tpu.memref_slice %arg17[%dma_start3A_1979] : memref<1280xf32, #tpu.memory_space<vmem>> -> memref<128xf32, #tpu.memory_space<vmem>>
    %dma_start3A_1981 = arith.constant 0 : i32
    %dma_start3A_1982 = tpu.memref_slice %arg20[%dma_start3A_1978, %dma_start3A_1981] : memref<10x128xi32, #tpu.memory_space<vmem>> -> memref<1x128xi32, #tpu.memory_space<vmem>>
    %dma_start3A_1983 = tpu.memref_squeeze %dma_start3A_1982 : memref<1x128xi32, #tpu.memory_space<vmem>> -> memref<128xi32, #tpu.memory_space<vmem>>
    %dma_start3A_1984 = arith.constant 0 : i32
    %dma_start3A_1985 = tpu.memref_slice %arg28[%dma_start3A_1984] : memref<2304xf32, #tpu.memory_space<vmem_shared>> -> memref<2304xf32, #tpu.memory_space<vmem_shared>>
    tpu.enqueue_indirect_dma source(%dma_start3A_1980 : memref<128xf32, #tpu.memory_space<vmem>>) target(%dma_start3A_1985 : memref<2304xf32, #tpu.memory_space<vmem_shared>>) offsets(%dma_start3A_1983 : memref<128xi32, #tpu.memory_space<vmem>>) semaphore(%arg30 : memref<!tpu.dma_semaphore, #tpu.memory_space<semaphore_mem>>)
    %dma_start3A_1986 = arith.constant 7 : i32
    %dma_start3A_1987 = arith.constant 896 : i32
    %dma_start3A_1988 = tpu.memref_slice %arg17[%dma_start3A_1987] : memref<1280xf32, #tpu.memory_space<vmem>> -> memref<128xf32, #tpu.memory_space<vmem>>
    %dma_start3A_1989 = arith.constant 0 : i32
    %dma_start3A_1990 = tpu.memref_slice %arg20[%dma_start3A_1986, %dma_start3A_1989] : memref<10x128xi32, #tpu.memory_space<vmem>> -> memref<1x128xi32, #tpu.memory_space<vmem>>
    %dma_start3A_1991 = tpu.memref_squeeze %dma_start3A_1990 : memref<1x128xi32, #tpu.memory_space<vmem>> -> memref<128xi32, #tpu.memory_space<vmem>>
    %dma_start3A_1992 = arith.constant 0 : i32
    %dma_start3A_1993 = tpu.memref_slice %arg28[%dma_start3A_1992] : memref<2304xf32, #tpu.memory_space<vmem_shared>> -> memref<2304xf32, #tpu.memory_space<vmem_shared>>
    tpu.enqueue_indirect_dma source(%dma_start3A_1988 : memref<128xf32, #tpu.memory_space<vmem>>) target(%dma_start3A_1993 : memref<2304xf32, #tpu.memory_space<vmem_shared>>) offsets(%dma_start3A_1991 : memref<128xi32, #tpu.memory_space<vmem>>) semaphore(%arg30 : memref<!tpu.dma_semaphore, #tpu.memory_space<semaphore_mem>>)
    %dma_start3A_1994 = arith.constant 8 : i32
    %dma_start3A_1995 = arith.constant 1024 : i32
    %dma_start3A_1996 = tpu.memref_slice %arg17[%dma_start3A_1995] : memref<1280xf32, #tpu.memory_space<vmem>> -> memref<128xf32, #tpu.memory_space<vmem>>
    %dma_start3A_1997 = arith.constant 0 : i32
    %dma_start3A_1998 = tpu.memref_slice %arg20[%dma_start3A_1994, %dma_start3A_1997] : memref<10x128xi32, #tpu.memory_space<vmem>> -> memref<1x128xi32, #tpu.memory_space<vmem>>
    %dma_start3A_1999 = tpu.memref_squeeze %dma_start3A_1998 : memref<1x128xi32, #tpu.memory_space<vmem>> -> memref<128xi32, #tpu.memory_space<vmem>>
    %dma_start3A_2000 = arith.constant 0 : i32
    %dma_start3A_2001 = tpu.memref_slice %arg28[%dma_start3A_2000] : memref<2304xf32, #tpu.memory_space<vmem_shared>> -> memref<2304xf32, #tpu.memory_space<vmem_shared>>
    tpu.enqueue_indirect_dma source(%dma_start3A_1996 : memref<128xf32, #tpu.memory_space<vmem>>) target(%dma_start3A_2001 : memref<2304xf32, #tpu.memory_space<vmem_shared>>) offsets(%dma_start3A_1999 : memref<128xi32, #tpu.memory_space<vmem>>) semaphore(%arg30 : memref<!tpu.dma_semaphore, #tpu.memory_space<semaphore_mem>>)
    %dma_start3A_2002 = arith.constant 9 : i32
    %dma_start3A_2003 = arith.constant 1152 : i32
    %dma_start3A_2004 = tpu.memref_slice %arg17[%dma_start3A_2003] : memref<1280xf32, #tpu.memory_space<vmem>> -> memref<128xf32, #tpu.memory_space<vmem>>
    %dma_start3A_2005 = arith.constant 0 : i32
    %dma_start3A_2006 = tpu.memref_slice %arg20[%dma_start3A_2002, %dma_start3A_2005] : memref<10x128xi32, #tpu.memory_space<vmem>> -> memref<1x128xi32, #tpu.memory_space<vmem>>
    %dma_start3A_2007 = tpu.memref_squeeze %dma_start3A_2006 : memref<1x128xi32, #tpu.memory_space<vmem>> -> memref<128xi32, #tpu.memory_space<vmem>>
    %dma_start3A_2008 = arith.constant 0 : i32
    %dma_start3A_2009 = tpu.memref_slice %arg28[%dma_start3A_2008] : memref<2304xf32, #tpu.memory_space<vmem_shared>> -> memref<2304xf32, #tpu.memory_space<vmem_shared>>
    tpu.enqueue_indirect_dma source(%dma_start3A_2004 : memref<128xf32, #tpu.memory_space<vmem>>) target(%dma_start3A_2009 : memref<2304xf32, #tpu.memory_space<vmem_shared>>) offsets(%dma_start3A_2007 : memref<128xi32, #tpu.memory_space<vmem>>) semaphore(%arg30 : memref<!tpu.dma_semaphore, #tpu.memory_space<semaphore_mem>>)
    %dma_wait3A = arith.constant 0 : i32
    %dma_wait3A_2010 = arith.constant 0 : i32
    %dma_wait3A_2011 = tpu.memref_slice %arg13[%dma_wait3A_2010] : memref<1280xf32, #tpu.memory_space<vmem>> -> memref<128xf32, #tpu.memory_space<vmem>>
    %dma_wait3A_2012 = arith.constant 0 : i32
    %dma_wait3A_2013 = tpu.memref_slice %arg20[%dma_wait3A, %dma_wait3A_2012] : memref<10x128xi32, #tpu.memory_space<vmem>> -> memref<1x128xi32, #tpu.memory_space<vmem>>
    %dma_wait3A_2014 = tpu.memref_squeeze %dma_wait3A_2013 : memref<1x128xi32, #tpu.memory_space<vmem>> -> memref<128xi32, #tpu.memory_space<vmem>>
    %dma_wait3A_2015 = arith.constant 0 : i32
    %dma_wait3A_2016 = tpu.memref_slice %arg24[%dma_wait3A_2015] : memref<2304xf32, #tpu.memory_space<vmem_shared>> -> memref<2304xf32, #tpu.memory_space<vmem_shared>>
    tpu.wait_indirect_dma semaphore(%arg30 : memref<!tpu.dma_semaphore, #tpu.memory_space<semaphore_mem>>) src(%dma_wait3A_2011 : memref<128xf32, #tpu.memory_space<vmem>>) dst(%dma_wait3A_2016 : memref<2304xf32, #tpu.memory_space<vmem_shared>>)
    %dma_wait3A_2017 = arith.constant 1 : i32
    %dma_wait3A_2018 = arith.constant 128 : i32
    %dma_wait3A_2019 = tpu.memref_slice %arg13[%dma_wait3A_2018] : memref<1280xf32, #tpu.memory_space<vmem>> -> memref<128xf32, #tpu.memory_space<vmem>>
    %dma_wait3A_2020 = arith.constant 0 : i32
    %dma_wait3A_2021 = tpu.memref_slice %arg20[%dma_wait3A_2017, %dma_wait3A_2020] : memref<10x128xi32, #tpu.memory_space<vmem>> -> memref<1x128xi32, #tpu.memory_space<vmem>>
    %dma_wait3A_2022 = tpu.memref_squeeze %dma_wait3A_2021 : memref<1x128xi32, #tpu.memory_space<vmem>> -> memref<128xi32, #tpu.memory_space<vmem>>
    %dma_wait3A_2023 = arith.constant 0 : i32
    %dma_wait3A_2024 = tpu.memref_slice %arg24[%dma_wait3A_2023] : memref<2304xf32, #tpu.memory_space<vmem_shared>> -> memref<2304xf32, #tpu.memory_space<vmem_shared>>
    tpu.wait_indirect_dma semaphore(%arg30 : memref<!tpu.dma_semaphore, #tpu.memory_space<semaphore_mem>>) src(%dma_wait3A_2019 : memref<128xf32, #tpu.memory_space<vmem>>) dst(%dma_wait3A_2024 : memref<2304xf32, #tpu.memory_space<vmem_shared>>)
    %dma_wait3A_2025 = arith.constant 2 : i32
    %dma_wait3A_2026 = arith.constant 256 : i32
    %dma_wait3A_2027 = tpu.memref_slice %arg13[%dma_wait3A_2026] : memref<1280xf32, #tpu.memory_space<vmem>> -> memref<128xf32, #tpu.memory_space<vmem>>
    %dma_wait3A_2028 = arith.constant 0 : i32
    %dma_wait3A_2029 = tpu.memref_slice %arg20[%dma_wait3A_2025, %dma_wait3A_2028] : memref<10x128xi32, #tpu.memory_space<vmem>> -> memref<1x128xi32, #tpu.memory_space<vmem>>
    %dma_wait3A_2030 = tpu.memref_squeeze %dma_wait3A_2029 : memref<1x128xi32, #tpu.memory_space<vmem>> -> memref<128xi32, #tpu.memory_space<vmem>>
    %dma_wait3A_2031 = arith.constant 0 : i32
    %dma_wait3A_2032 = tpu.memref_slice %arg24[%dma_wait3A_2031] : memref<2304xf32, #tpu.memory_space<vmem_shared>> -> memref<2304xf32, #tpu.memory_space<vmem_shared>>
    tpu.wait_indirect_dma semaphore(%arg30 : memref<!tpu.dma_semaphore, #tpu.memory_space<semaphore_mem>>) src(%dma_wait3A_2027 : memref<128xf32, #tpu.memory_space<vmem>>) dst(%dma_wait3A_2032 : memref<2304xf32, #tpu.memory_space<vmem_shared>>)
    %dma_wait3A_2033 = arith.constant 3 : i32
    %dma_wait3A_2034 = arith.constant 384 : i32
    %dma_wait3A_2035 = tpu.memref_slice %arg13[%dma_wait3A_2034] : memref<1280xf32, #tpu.memory_space<vmem>> -> memref<128xf32, #tpu.memory_space<vmem>>
    %dma_wait3A_2036 = arith.constant 0 : i32
    %dma_wait3A_2037 = tpu.memref_slice %arg20[%dma_wait3A_2033, %dma_wait3A_2036] : memref<10x128xi32, #tpu.memory_space<vmem>> -> memref<1x128xi32, #tpu.memory_space<vmem>>
    %dma_wait3A_2038 = tpu.memref_squeeze %dma_wait3A_2037 : memref<1x128xi32, #tpu.memory_space<vmem>> -> memref<128xi32, #tpu.memory_space<vmem>>
    %dma_wait3A_2039 = arith.constant 0 : i32
    %dma_wait3A_2040 = tpu.memref_slice %arg24[%dma_wait3A_2039] : memref<2304xf32, #tpu.memory_space<vmem_shared>> -> memref<2304xf32, #tpu.memory_space<vmem_shared>>
    tpu.wait_indirect_dma semaphore(%arg30 : memref<!tpu.dma_semaphore, #tpu.memory_space<semaphore_mem>>) src(%dma_wait3A_2035 : memref<128xf32, #tpu.memory_space<vmem>>) dst(%dma_wait3A_2040 : memref<2304xf32, #tpu.memory_space<vmem_shared>>)
    %dma_wait3A_2041 = arith.constant 4 : i32
    %dma_wait3A_2042 = arith.constant 512 : i32
    %dma_wait3A_2043 = tpu.memref_slice %arg13[%dma_wait3A_2042] : memref<1280xf32, #tpu.memory_space<vmem>> -> memref<128xf32, #tpu.memory_space<vmem>>
    %dma_wait3A_2044 = arith.constant 0 : i32
    %dma_wait3A_2045 = tpu.memref_slice %arg20[%dma_wait3A_2041, %dma_wait3A_2044] : memref<10x128xi32, #tpu.memory_space<vmem>> -> memref<1x128xi32, #tpu.memory_space<vmem>>
    %dma_wait3A_2046 = tpu.memref_squeeze %dma_wait3A_2045 : memref<1x128xi32, #tpu.memory_space<vmem>> -> memref<128xi32, #tpu.memory_space<vmem>>
    %dma_wait3A_2047 = arith.constant 0 : i32
    %dma_wait3A_2048 = tpu.memref_slice %arg24[%dma_wait3A_2047] : memref<2304xf32, #tpu.memory_space<vmem_shared>> -> memref<2304xf32, #tpu.memory_space<vmem_shared>>
    tpu.wait_indirect_dma semaphore(%arg30 : memref<!tpu.dma_semaphore, #tpu.memory_space<semaphore_mem>>) src(%dma_wait3A_2043 : memref<128xf32, #tpu.memory_space<vmem>>) dst(%dma_wait3A_2048 : memref<2304xf32, #tpu.memory_space<vmem_shared>>)
    %dma_wait3A_2049 = arith.constant 5 : i32
    %dma_wait3A_2050 = arith.constant 640 : i32
    %dma_wait3A_2051 = tpu.memref_slice %arg13[%dma_wait3A_2050] : memref<1280xf32, #tpu.memory_space<vmem>> -> memref<128xf32, #tpu.memory_space<vmem>>
    %dma_wait3A_2052 = arith.constant 0 : i32
    %dma_wait3A_2053 = tpu.memref_slice %arg20[%dma_wait3A_2049, %dma_wait3A_2052] : memref<10x128xi32, #tpu.memory_space<vmem>> -> memref<1x128xi32, #tpu.memory_space<vmem>>
    %dma_wait3A_2054 = tpu.memref_squeeze %dma_wait3A_2053 : memref<1x128xi32, #tpu.memory_space<vmem>> -> memref<128xi32, #tpu.memory_space<vmem>>
    %dma_wait3A_2055 = arith.constant 0 : i32
    %dma_wait3A_2056 = tpu.memref_slice %arg24[%dma_wait3A_2055] : memref<2304xf32, #tpu.memory_space<vmem_shared>> -> memref<2304xf32, #tpu.memory_space<vmem_shared>>
    tpu.wait_indirect_dma semaphore(%arg30 : memref<!tpu.dma_semaphore, #tpu.memory_space<semaphore_mem>>) src(%dma_wait3A_2051 : memref<128xf32, #tpu.memory_space<vmem>>) dst(%dma_wait3A_2056 : memref<2304xf32, #tpu.memory_space<vmem_shared>>)
    %dma_wait3A_2057 = arith.constant 6 : i32
    %dma_wait3A_2058 = arith.constant 768 : i32
    %dma_wait3A_2059 = tpu.memref_slice %arg13[%dma_wait3A_2058] : memref<1280xf32, #tpu.memory_space<vmem>> -> memref<128xf32, #tpu.memory_space<vmem>>
    %dma_wait3A_2060 = arith.constant 0 : i32
    %dma_wait3A_2061 = tpu.memref_slice %arg20[%dma_wait3A_2057, %dma_wait3A_2060] : memref<10x128xi32, #tpu.memory_space<vmem>> -> memref<1x128xi32, #tpu.memory_space<vmem>>
    %dma_wait3A_2062 = tpu.memref_squeeze %dma_wait3A_2061 : memref<1x128xi32, #tpu.memory_space<vmem>> -> memref<128xi32, #tpu.memory_space<vmem>>
    %dma_wait3A_2063 = arith.constant 0 : i32
    %dma_wait3A_2064 = tpu.memref_slice %arg24[%dma_wait3A_2063] : memref<2304xf32, #tpu.memory_space<vmem_shared>> -> memref<2304xf32, #tpu.memory_space<vmem_shared>>
    tpu.wait_indirect_dma semaphore(%arg30 : memref<!tpu.dma_semaphore, #tpu.memory_space<semaphore_mem>>) src(%dma_wait3A_2059 : memref<128xf32, #tpu.memory_space<vmem>>) dst(%dma_wait3A_2064 : memref<2304xf32, #tpu.memory_space<vmem_shared>>)
    %dma_wait3A_2065 = arith.constant 7 : i32
    %dma_wait3A_2066 = arith.constant 896 : i32
    %dma_wait3A_2067 = tpu.memref_slice %arg13[%dma_wait3A_2066] : memref<1280xf32, #tpu.memory_space<vmem>> -> memref<128xf32, #tpu.memory_space<vmem>>
    %dma_wait3A_2068 = arith.constant 0 : i32
    %dma_wait3A_2069 = tpu.memref_slice %arg20[%dma_wait3A_2065, %dma_wait3A_2068] : memref<10x128xi32, #tpu.memory_space<vmem>> -> memref<1x128xi32, #tpu.memory_space<vmem>>
    %dma_wait3A_2070 = tpu.memref_squeeze %dma_wait3A_2069 : memref<1x128xi32, #tpu.memory_space<vmem>> -> memref<128xi32, #tpu.memory_space<vmem>>
    %dma_wait3A_2071 = arith.constant 0 : i32
    %dma_wait3A_2072 = tpu.memref_slice %arg24[%dma_wait3A_2071] : memref<2304xf32, #tpu.memory_space<vmem_shared>> -> memref<2304xf32, #tpu.memory_space<vmem_shared>>
    tpu.wait_indirect_dma semaphore(%arg30 : memref<!tpu.dma_semaphore, #tpu.memory_space<semaphore_mem>>) src(%dma_wait3A_2067 : memref<128xf32, #tpu.memory_space<vmem>>) dst(%dma_wait3A_2072 : memref<2304xf32, #tpu.memory_space<vmem_shared>>)
    %dma_wait3A_2073 = arith.constant 8 : i32
    %dma_wait3A_2074 = arith.constant 1024 : i32
    %dma_wait3A_2075 = tpu.memref_slice %arg13[%dma_wait3A_2074] : memref<1280xf32, #tpu.memory_space<vmem>> -> memref<128xf32, #tpu.memory_space<vmem>>
    %dma_wait3A_2076 = arith.constant 0 : i32
    %dma_wait3A_2077 = tpu.memref_slice %arg20[%dma_wait3A_2073, %dma_wait3A_2076] : memref<10x128xi32, #tpu.memory_space<vmem>> -> memref<1x128xi32, #tpu.memory_space<vmem>>
    %dma_wait3A_2078 = tpu.memref_squeeze %dma_wait3A_2077 : memref<1x128xi32, #tpu.memory_space<vmem>> -> memref<128xi32, #tpu.memory_space<vmem>>
    %dma_wait3A_2079 = arith.constant 0 : i32
    %dma_wait3A_2080 = tpu.memref_slice %arg24[%dma_wait3A_2079] : memref<2304xf32, #tpu.memory_space<vmem_shared>> -> memref<2304xf32, #tpu.memory_space<vmem_shared>>
    tpu.wait_indirect_dma semaphore(%arg30 : memref<!tpu.dma_semaphore, #tpu.memory_space<semaphore_mem>>) src(%dma_wait3A_2075 : memref<128xf32, #tpu.memory_space<vmem>>) dst(%dma_wait3A_2080 : memref<2304xf32, #tpu.memory_space<vmem_shared>>)
    %dma_wait3A_2081 = arith.constant 9 : i32
    %dma_wait3A_2082 = arith.constant 1152 : i32
    %dma_wait3A_2083 = tpu.memref_slice %arg13[%dma_wait3A_2082] : memref<1280xf32, #tpu.memory_space<vmem>> -> memref<128xf32, #tpu.memory_space<vmem>>
    %dma_wait3A_2084 = arith.constant 0 : i32
    %dma_wait3A_2085 = tpu.memref_slice %arg20[%dma_wait3A_2081, %dma_wait3A_2084] : memref<10x128xi32, #tpu.memory_space<vmem>> -> memref<1x128xi32, #tpu.memory_space<vmem>>
    %dma_wait3A_2086 = tpu.memref_squeeze %dma_wait3A_2085 : memref<1x128xi32, #tpu.memory_space<vmem>> -> memref<128xi32, #tpu.memory_space<vmem>>
    %dma_wait3A_2087 = arith.constant 0 : i32
    %dma_wait3A_2088 = tpu.memref_slice %arg24[%dma_wait3A_2087] : memref<2304xf32, #tpu.memory_space<vmem_shared>> -> memref<2304xf32, #tpu.memory_space<vmem_shared>>
    tpu.wait_indirect_dma semaphore(%arg30 : memref<!tpu.dma_semaphore, #tpu.memory_space<semaphore_mem>>) src(%dma_wait3A_2083 : memref<128xf32, #tpu.memory_space<vmem>>) dst(%dma_wait3A_2088 : memref<2304xf32, #tpu.memory_space<vmem_shared>>)
    %dma_wait3A_2089 = arith.constant 0 : i32
    %dma_wait3A_2090 = arith.constant 0 : i32
    %dma_wait3A_2091 = tpu.memref_slice %arg14[%dma_wait3A_2090] : memref<1280xf32, #tpu.memory_space<vmem>> -> memref<128xf32, #tpu.memory_space<vmem>>
    %dma_wait3A_2092 = arith.constant 0 : i32
    %dma_wait3A_2093 = tpu.memref_slice %arg20[%dma_wait3A_2089, %dma_wait3A_2092] : memref<10x128xi32, #tpu.memory_space<vmem>> -> memref<1x128xi32, #tpu.memory_space<vmem>>
    %dma_wait3A_2094 = tpu.memref_squeeze %dma_wait3A_2093 : memref<1x128xi32, #tpu.memory_space<vmem>> -> memref<128xi32, #tpu.memory_space<vmem>>
    %dma_wait3A_2095 = arith.constant 0 : i32
    %dma_wait3A_2096 = tpu.memref_slice %arg25[%dma_wait3A_2095] : memref<2304xf32, #tpu.memory_space<vmem_shared>> -> memref<2304xf32, #tpu.memory_space<vmem_shared>>
    tpu.wait_indirect_dma semaphore(%arg30 : memref<!tpu.dma_semaphore, #tpu.memory_space<semaphore_mem>>) src(%dma_wait3A_2091 : memref<128xf32, #tpu.memory_space<vmem>>) dst(%dma_wait3A_2096 : memref<2304xf32, #tpu.memory_space<vmem_shared>>)
    %dma_wait3A_2097 = arith.constant 1 : i32
    %dma_wait3A_2098 = arith.constant 128 : i32
    %dma_wait3A_2099 = tpu.memref_slice %arg14[%dma_wait3A_2098] : memref<1280xf32, #tpu.memory_space<vmem>> -> memref<128xf32, #tpu.memory_space<vmem>>
    %dma_wait3A_2100 = arith.constant 0 : i32
    %dma_wait3A_2101 = tpu.memref_slice %arg20[%dma_wait3A_2097, %dma_wait3A_2100] : memref<10x128xi32, #tpu.memory_space<vmem>> -> memref<1x128xi32, #tpu.memory_space<vmem>>
    %dma_wait3A_2102 = tpu.memref_squeeze %dma_wait3A_2101 : memref<1x128xi32, #tpu.memory_space<vmem>> -> memref<128xi32, #tpu.memory_space<vmem>>
    %dma_wait3A_2103 = arith.constant 0 : i32
    %dma_wait3A_2104 = tpu.memref_slice %arg25[%dma_wait3A_2103] : memref<2304xf32, #tpu.memory_space<vmem_shared>> -> memref<2304xf32, #tpu.memory_space<vmem_shared>>
    tpu.wait_indirect_dma semaphore(%arg30 : memref<!tpu.dma_semaphore, #tpu.memory_space<semaphore_mem>>) src(%dma_wait3A_2099 : memref<128xf32, #tpu.memory_space<vmem>>) dst(%dma_wait3A_2104 : memref<2304xf32, #tpu.memory_space<vmem_shared>>)
    %dma_wait3A_2105 = arith.constant 2 : i32
    %dma_wait3A_2106 = arith.constant 256 : i32
    %dma_wait3A_2107 = tpu.memref_slice %arg14[%dma_wait3A_2106] : memref<1280xf32, #tpu.memory_space<vmem>> -> memref<128xf32, #tpu.memory_space<vmem>>
    %dma_wait3A_2108 = arith.constant 0 : i32
    %dma_wait3A_2109 = tpu.memref_slice %arg20[%dma_wait3A_2105, %dma_wait3A_2108] : memref<10x128xi32, #tpu.memory_space<vmem>> -> memref<1x128xi32, #tpu.memory_space<vmem>>
    %dma_wait3A_2110 = tpu.memref_squeeze %dma_wait3A_2109 : memref<1x128xi32, #tpu.memory_space<vmem>> -> memref<128xi32, #tpu.memory_space<vmem>>
    %dma_wait3A_2111 = arith.constant 0 : i32
    %dma_wait3A_2112 = tpu.memref_slice %arg25[%dma_wait3A_2111] : memref<2304xf32, #tpu.memory_space<vmem_shared>> -> memref<2304xf32, #tpu.memory_space<vmem_shared>>
    tpu.wait_indirect_dma semaphore(%arg30 : memref<!tpu.dma_semaphore, #tpu.memory_space<semaphore_mem>>) src(%dma_wait3A_2107 : memref<128xf32, #tpu.memory_space<vmem>>) dst(%dma_wait3A_2112 : memref<2304xf32, #tpu.memory_space<vmem_shared>>)
    %dma_wait3A_2113 = arith.constant 3 : i32
    %dma_wait3A_2114 = arith.constant 384 : i32
    %dma_wait3A_2115 = tpu.memref_slice %arg14[%dma_wait3A_2114] : memref<1280xf32, #tpu.memory_space<vmem>> -> memref<128xf32, #tpu.memory_space<vmem>>
    %dma_wait3A_2116 = arith.constant 0 : i32
    %dma_wait3A_2117 = tpu.memref_slice %arg20[%dma_wait3A_2113, %dma_wait3A_2116] : memref<10x128xi32, #tpu.memory_space<vmem>> -> memref<1x128xi32, #tpu.memory_space<vmem>>
    %dma_wait3A_2118 = tpu.memref_squeeze %dma_wait3A_2117 : memref<1x128xi32, #tpu.memory_space<vmem>> -> memref<128xi32, #tpu.memory_space<vmem>>
    %dma_wait3A_2119 = arith.constant 0 : i32
    %dma_wait3A_2120 = tpu.memref_slice %arg25[%dma_wait3A_2119] : memref<2304xf32, #tpu.memory_space<vmem_shared>> -> memref<2304xf32, #tpu.memory_space<vmem_shared>>
    tpu.wait_indirect_dma semaphore(%arg30 : memref<!tpu.dma_semaphore, #tpu.memory_space<semaphore_mem>>) src(%dma_wait3A_2115 : memref<128xf32, #tpu.memory_space<vmem>>) dst(%dma_wait3A_2120 : memref<2304xf32, #tpu.memory_space<vmem_shared>>)
    %dma_wait3A_2121 = arith.constant 4 : i32
    %dma_wait3A_2122 = arith.constant 512 : i32
    %dma_wait3A_2123 = tpu.memref_slice %arg14[%dma_wait3A_2122] : memref<1280xf32, #tpu.memory_space<vmem>> -> memref<128xf32, #tpu.memory_space<vmem>>
    %dma_wait3A_2124 = arith.constant 0 : i32
    %dma_wait3A_2125 = tpu.memref_slice %arg20[%dma_wait3A_2121, %dma_wait3A_2124] : memref<10x128xi32, #tpu.memory_space<vmem>> -> memref<1x128xi32, #tpu.memory_space<vmem>>
    %dma_wait3A_2126 = tpu.memref_squeeze %dma_wait3A_2125 : memref<1x128xi32, #tpu.memory_space<vmem>> -> memref<128xi32, #tpu.memory_space<vmem>>
    %dma_wait3A_2127 = arith.constant 0 : i32
    %dma_wait3A_2128 = tpu.memref_slice %arg25[%dma_wait3A_2127] : memref<2304xf32, #tpu.memory_space<vmem_shared>> -> memref<2304xf32, #tpu.memory_space<vmem_shared>>
    tpu.wait_indirect_dma semaphore(%arg30 : memref<!tpu.dma_semaphore, #tpu.memory_space<semaphore_mem>>) src(%dma_wait3A_2123 : memref<128xf32, #tpu.memory_space<vmem>>) dst(%dma_wait3A_2128 : memref<2304xf32, #tpu.memory_space<vmem_shared>>)
    %dma_wait3A_2129 = arith.constant 5 : i32
    %dma_wait3A_2130 = arith.constant 640 : i32
    %dma_wait3A_2131 = tpu.memref_slice %arg14[%dma_wait3A_2130] : memref<1280xf32, #tpu.memory_space<vmem>> -> memref<128xf32, #tpu.memory_space<vmem>>
    %dma_wait3A_2132 = arith.constant 0 : i32
    %dma_wait3A_2133 = tpu.memref_slice %arg20[%dma_wait3A_2129, %dma_wait3A_2132] : memref<10x128xi32, #tpu.memory_space<vmem>> -> memref<1x128xi32, #tpu.memory_space<vmem>>
    %dma_wait3A_2134 = tpu.memref_squeeze %dma_wait3A_2133 : memref<1x128xi32, #tpu.memory_space<vmem>> -> memref<128xi32, #tpu.memory_space<vmem>>
    %dma_wait3A_2135 = arith.constant 0 : i32
    %dma_wait3A_2136 = tpu.memref_slice %arg25[%dma_wait3A_2135] : memref<2304xf32, #tpu.memory_space<vmem_shared>> -> memref<2304xf32, #tpu.memory_space<vmem_shared>>
    tpu.wait_indirect_dma semaphore(%arg30 : memref<!tpu.dma_semaphore, #tpu.memory_space<semaphore_mem>>) src(%dma_wait3A_2131 : memref<128xf32, #tpu.memory_space<vmem>>) dst(%dma_wait3A_2136 : memref<2304xf32, #tpu.memory_space<vmem_shared>>)
    %dma_wait3A_2137 = arith.constant 6 : i32
    %dma_wait3A_2138 = arith.constant 768 : i32
    %dma_wait3A_2139 = tpu.memref_slice %arg14[%dma_wait3A_2138] : memref<1280xf32, #tpu.memory_space<vmem>> -> memref<128xf32, #tpu.memory_space<vmem>>
    %dma_wait3A_2140 = arith.constant 0 : i32
    %dma_wait3A_2141 = tpu.memref_slice %arg20[%dma_wait3A_2137, %dma_wait3A_2140] : memref<10x128xi32, #tpu.memory_space<vmem>> -> memref<1x128xi32, #tpu.memory_space<vmem>>
    %dma_wait3A_2142 = tpu.memref_squeeze %dma_wait3A_2141 : memref<1x128xi32, #tpu.memory_space<vmem>> -> memref<128xi32, #tpu.memory_space<vmem>>
    %dma_wait3A_2143 = arith.constant 0 : i32
    %dma_wait3A_2144 = tpu.memref_slice %arg25[%dma_wait3A_2143] : memref<2304xf32, #tpu.memory_space<vmem_shared>> -> memref<2304xf32, #tpu.memory_space<vmem_shared>>
    tpu.wait_indirect_dma semaphore(%arg30 : memref<!tpu.dma_semaphore, #tpu.memory_space<semaphore_mem>>) src(%dma_wait3A_2139 : memref<128xf32, #tpu.memory_space<vmem>>) dst(%dma_wait3A_2144 : memref<2304xf32, #tpu.memory_space<vmem_shared>>)
    %dma_wait3A_2145 = arith.constant 7 : i32
    %dma_wait3A_2146 = arith.constant 896 : i32
    %dma_wait3A_2147 = tpu.memref_slice %arg14[%dma_wait3A_2146] : memref<1280xf32, #tpu.memory_space<vmem>> -> memref<128xf32, #tpu.memory_space<vmem>>
    %dma_wait3A_2148 = arith.constant 0 : i32
    %dma_wait3A_2149 = tpu.memref_slice %arg20[%dma_wait3A_2145, %dma_wait3A_2148] : memref<10x128xi32, #tpu.memory_space<vmem>> -> memref<1x128xi32, #tpu.memory_space<vmem>>
    %dma_wait3A_2150 = tpu.memref_squeeze %dma_wait3A_2149 : memref<1x128xi32, #tpu.memory_space<vmem>> -> memref<128xi32, #tpu.memory_space<vmem>>
    %dma_wait3A_2151 = arith.constant 0 : i32
    %dma_wait3A_2152 = tpu.memref_slice %arg25[%dma_wait3A_2151] : memref<2304xf32, #tpu.memory_space<vmem_shared>> -> memref<2304xf32, #tpu.memory_space<vmem_shared>>
    tpu.wait_indirect_dma semaphore(%arg30 : memref<!tpu.dma_semaphore, #tpu.memory_space<semaphore_mem>>) src(%dma_wait3A_2147 : memref<128xf32, #tpu.memory_space<vmem>>) dst(%dma_wait3A_2152 : memref<2304xf32, #tpu.memory_space<vmem_shared>>)
    %dma_wait3A_2153 = arith.constant 8 : i32
    %dma_wait3A_2154 = arith.constant 1024 : i32
    %dma_wait3A_2155 = tpu.memref_slice %arg14[%dma_wait3A_2154] : memref<1280xf32, #tpu.memory_space<vmem>> -> memref<128xf32, #tpu.memory_space<vmem>>
    %dma_wait3A_2156 = arith.constant 0 : i32
    %dma_wait3A_2157 = tpu.memref_slice %arg20[%dma_wait3A_2153, %dma_wait3A_2156] : memref<10x128xi32, #tpu.memory_space<vmem>> -> memref<1x128xi32, #tpu.memory_space<vmem>>
    %dma_wait3A_2158 = tpu.memref_squeeze %dma_wait3A_2157 : memref<1x128xi32, #tpu.memory_space<vmem>> -> memref<128xi32, #tpu.memory_space<vmem>>
    %dma_wait3A_2159 = arith.constant 0 : i32
    %dma_wait3A_2160 = tpu.memref_slice %arg25[%dma_wait3A_2159] : memref<2304xf32, #tpu.memory_space<vmem_shared>> -> memref<2304xf32, #tpu.memory_space<vmem_shared>>
    tpu.wait_indirect_dma semaphore(%arg30 : memref<!tpu.dma_semaphore, #tpu.memory_space<semaphore_mem>>) src(%dma_wait3A_2155 : memref<128xf32, #tpu.memory_space<vmem>>) dst(%dma_wait3A_2160 : memref<2304xf32, #tpu.memory_space<vmem_shared>>)
    %dma_wait3A_2161 = arith.constant 9 : i32
    %dma_wait3A_2162 = arith.constant 1152 : i32
    %dma_wait3A_2163 = tpu.memref_slice %arg14[%dma_wait3A_2162] : memref<1280xf32, #tpu.memory_space<vmem>> -> memref<128xf32, #tpu.memory_space<vmem>>
    %dma_wait3A_2164 = arith.constant 0 : i32
    %dma_wait3A_2165 = tpu.memref_slice %arg20[%dma_wait3A_2161, %dma_wait3A_2164] : memref<10x128xi32, #tpu.memory_space<vmem>> -> memref<1x128xi32, #tpu.memory_space<vmem>>
    %dma_wait3A_2166 = tpu.memref_squeeze %dma_wait3A_2165 : memref<1x128xi32, #tpu.memory_space<vmem>> -> memref<128xi32, #tpu.memory_space<vmem>>
    %dma_wait3A_2167 = arith.constant 0 : i32
    %dma_wait3A_2168 = tpu.memref_slice %arg25[%dma_wait3A_2167] : memref<2304xf32, #tpu.memory_space<vmem_shared>> -> memref<2304xf32, #tpu.memory_space<vmem_shared>>
    tpu.wait_indirect_dma semaphore(%arg30 : memref<!tpu.dma_semaphore, #tpu.memory_space<semaphore_mem>>) src(%dma_wait3A_2163 : memref<128xf32, #tpu.memory_space<vmem>>) dst(%dma_wait3A_2168 : memref<2304xf32, #tpu.memory_space<vmem_shared>>)
    %dma_wait3A_2169 = arith.constant 0 : i32
    %dma_wait3A_2170 = arith.constant 0 : i32
    %dma_wait3A_2171 = tpu.memref_slice %arg15[%dma_wait3A_2170] : memref<1280xf32, #tpu.memory_space<vmem>> -> memref<128xf32, #tpu.memory_space<vmem>>
    %dma_wait3A_2172 = arith.constant 0 : i32
    %dma_wait3A_2173 = tpu.memref_slice %arg20[%dma_wait3A_2169, %dma_wait3A_2172] : memref<10x128xi32, #tpu.memory_space<vmem>> -> memref<1x128xi32, #tpu.memory_space<vmem>>
    %dma_wait3A_2174 = tpu.memref_squeeze %dma_wait3A_2173 : memref<1x128xi32, #tpu.memory_space<vmem>> -> memref<128xi32, #tpu.memory_space<vmem>>
    %dma_wait3A_2175 = arith.constant 0 : i32
    %dma_wait3A_2176 = tpu.memref_slice %arg26[%dma_wait3A_2175] : memref<2304xf32, #tpu.memory_space<vmem_shared>> -> memref<2304xf32, #tpu.memory_space<vmem_shared>>
    tpu.wait_indirect_dma semaphore(%arg30 : memref<!tpu.dma_semaphore, #tpu.memory_space<semaphore_mem>>) src(%dma_wait3A_2171 : memref<128xf32, #tpu.memory_space<vmem>>) dst(%dma_wait3A_2176 : memref<2304xf32, #tpu.memory_space<vmem_shared>>)
    %dma_wait3A_2177 = arith.constant 1 : i32
    %dma_wait3A_2178 = arith.constant 128 : i32
    %dma_wait3A_2179 = tpu.memref_slice %arg15[%dma_wait3A_2178] : memref<1280xf32, #tpu.memory_space<vmem>> -> memref<128xf32, #tpu.memory_space<vmem>>
    %dma_wait3A_2180 = arith.constant 0 : i32
    %dma_wait3A_2181 = tpu.memref_slice %arg20[%dma_wait3A_2177, %dma_wait3A_2180] : memref<10x128xi32, #tpu.memory_space<vmem>> -> memref<1x128xi32, #tpu.memory_space<vmem>>
    %dma_wait3A_2182 = tpu.memref_squeeze %dma_wait3A_2181 : memref<1x128xi32, #tpu.memory_space<vmem>> -> memref<128xi32, #tpu.memory_space<vmem>>
    %dma_wait3A_2183 = arith.constant 0 : i32
    %dma_wait3A_2184 = tpu.memref_slice %arg26[%dma_wait3A_2183] : memref<2304xf32, #tpu.memory_space<vmem_shared>> -> memref<2304xf32, #tpu.memory_space<vmem_shared>>
    tpu.wait_indirect_dma semaphore(%arg30 : memref<!tpu.dma_semaphore, #tpu.memory_space<semaphore_mem>>) src(%dma_wait3A_2179 : memref<128xf32, #tpu.memory_space<vmem>>) dst(%dma_wait3A_2184 : memref<2304xf32, #tpu.memory_space<vmem_shared>>)
    %dma_wait3A_2185 = arith.constant 2 : i32
    %dma_wait3A_2186 = arith.constant 256 : i32
    %dma_wait3A_2187 = tpu.memref_slice %arg15[%dma_wait3A_2186] : memref<1280xf32, #tpu.memory_space<vmem>> -> memref<128xf32, #tpu.memory_space<vmem>>
    %dma_wait3A_2188 = arith.constant 0 : i32
    %dma_wait3A_2189 = tpu.memref_slice %arg20[%dma_wait3A_2185, %dma_wait3A_2188] : memref<10x128xi32, #tpu.memory_space<vmem>> -> memref<1x128xi32, #tpu.memory_space<vmem>>
    %dma_wait3A_2190 = tpu.memref_squeeze %dma_wait3A_2189 : memref<1x128xi32, #tpu.memory_space<vmem>> -> memref<128xi32, #tpu.memory_space<vmem>>
    %dma_wait3A_2191 = arith.constant 0 : i32
    %dma_wait3A_2192 = tpu.memref_slice %arg26[%dma_wait3A_2191] : memref<2304xf32, #tpu.memory_space<vmem_shared>> -> memref<2304xf32, #tpu.memory_space<vmem_shared>>
    tpu.wait_indirect_dma semaphore(%arg30 : memref<!tpu.dma_semaphore, #tpu.memory_space<semaphore_mem>>) src(%dma_wait3A_2187 : memref<128xf32, #tpu.memory_space<vmem>>) dst(%dma_wait3A_2192 : memref<2304xf32, #tpu.memory_space<vmem_shared>>)
    %dma_wait3A_2193 = arith.constant 3 : i32
    %dma_wait3A_2194 = arith.constant 384 : i32
    %dma_wait3A_2195 = tpu.memref_slice %arg15[%dma_wait3A_2194] : memref<1280xf32, #tpu.memory_space<vmem>> -> memref<128xf32, #tpu.memory_space<vmem>>
    %dma_wait3A_2196 = arith.constant 0 : i32
    %dma_wait3A_2197 = tpu.memref_slice %arg20[%dma_wait3A_2193, %dma_wait3A_2196] : memref<10x128xi32, #tpu.memory_space<vmem>> -> memref<1x128xi32, #tpu.memory_space<vmem>>
    %dma_wait3A_2198 = tpu.memref_squeeze %dma_wait3A_2197 : memref<1x128xi32, #tpu.memory_space<vmem>> -> memref<128xi32, #tpu.memory_space<vmem>>
    %dma_wait3A_2199 = arith.constant 0 : i32
    %dma_wait3A_2200 = tpu.memref_slice %arg26[%dma_wait3A_2199] : memref<2304xf32, #tpu.memory_space<vmem_shared>> -> memref<2304xf32, #tpu.memory_space<vmem_shared>>
    tpu.wait_indirect_dma semaphore(%arg30 : memref<!tpu.dma_semaphore, #tpu.memory_space<semaphore_mem>>) src(%dma_wait3A_2195 : memref<128xf32, #tpu.memory_space<vmem>>) dst(%dma_wait3A_2200 : memref<2304xf32, #tpu.memory_space<vmem_shared>>)
    %dma_wait3A_2201 = arith.constant 4 : i32
    %dma_wait3A_2202 = arith.constant 512 : i32
    %dma_wait3A_2203 = tpu.memref_slice %arg15[%dma_wait3A_2202] : memref<1280xf32, #tpu.memory_space<vmem>> -> memref<128xf32, #tpu.memory_space<vmem>>
    %dma_wait3A_2204 = arith.constant 0 : i32
    %dma_wait3A_2205 = tpu.memref_slice %arg20[%dma_wait3A_2201, %dma_wait3A_2204] : memref<10x128xi32, #tpu.memory_space<vmem>> -> memref<1x128xi32, #tpu.memory_space<vmem>>
    %dma_wait3A_2206 = tpu.memref_squeeze %dma_wait3A_2205 : memref<1x128xi32, #tpu.memory_space<vmem>> -> memref<128xi32, #tpu.memory_space<vmem>>
    %dma_wait3A_2207 = arith.constant 0 : i32
    %dma_wait3A_2208 = tpu.memref_slice %arg26[%dma_wait3A_2207] : memref<2304xf32, #tpu.memory_space<vmem_shared>> -> memref<2304xf32, #tpu.memory_space<vmem_shared>>
    tpu.wait_indirect_dma semaphore(%arg30 : memref<!tpu.dma_semaphore, #tpu.memory_space<semaphore_mem>>) src(%dma_wait3A_2203 : memref<128xf32, #tpu.memory_space<vmem>>) dst(%dma_wait3A_2208 : memref<2304xf32, #tpu.memory_space<vmem_shared>>)
    %dma_wait3A_2209 = arith.constant 5 : i32
    %dma_wait3A_2210 = arith.constant 640 : i32
    %dma_wait3A_2211 = tpu.memref_slice %arg15[%dma_wait3A_2210] : memref<1280xf32, #tpu.memory_space<vmem>> -> memref<128xf32, #tpu.memory_space<vmem>>
    %dma_wait3A_2212 = arith.constant 0 : i32
    %dma_wait3A_2213 = tpu.memref_slice %arg20[%dma_wait3A_2209, %dma_wait3A_2212] : memref<10x128xi32, #tpu.memory_space<vmem>> -> memref<1x128xi32, #tpu.memory_space<vmem>>
    %dma_wait3A_2214 = tpu.memref_squeeze %dma_wait3A_2213 : memref<1x128xi32, #tpu.memory_space<vmem>> -> memref<128xi32, #tpu.memory_space<vmem>>
    %dma_wait3A_2215 = arith.constant 0 : i32
    %dma_wait3A_2216 = tpu.memref_slice %arg26[%dma_wait3A_2215] : memref<2304xf32, #tpu.memory_space<vmem_shared>> -> memref<2304xf32, #tpu.memory_space<vmem_shared>>
    tpu.wait_indirect_dma semaphore(%arg30 : memref<!tpu.dma_semaphore, #tpu.memory_space<semaphore_mem>>) src(%dma_wait3A_2211 : memref<128xf32, #tpu.memory_space<vmem>>) dst(%dma_wait3A_2216 : memref<2304xf32, #tpu.memory_space<vmem_shared>>)
    %dma_wait3A_2217 = arith.constant 6 : i32
    %dma_wait3A_2218 = arith.constant 768 : i32
    %dma_wait3A_2219 = tpu.memref_slice %arg15[%dma_wait3A_2218] : memref<1280xf32, #tpu.memory_space<vmem>> -> memref<128xf32, #tpu.memory_space<vmem>>
    %dma_wait3A_2220 = arith.constant 0 : i32
    %dma_wait3A_2221 = tpu.memref_slice %arg20[%dma_wait3A_2217, %dma_wait3A_2220] : memref<10x128xi32, #tpu.memory_space<vmem>> -> memref<1x128xi32, #tpu.memory_space<vmem>>
    %dma_wait3A_2222 = tpu.memref_squeeze %dma_wait3A_2221 : memref<1x128xi32, #tpu.memory_space<vmem>> -> memref<128xi32, #tpu.memory_space<vmem>>
    %dma_wait3A_2223 = arith.constant 0 : i32
    %dma_wait3A_2224 = tpu.memref_slice %arg26[%dma_wait3A_2223] : memref<2304xf32, #tpu.memory_space<vmem_shared>> -> memref<2304xf32, #tpu.memory_space<vmem_shared>>
    tpu.wait_indirect_dma semaphore(%arg30 : memref<!tpu.dma_semaphore, #tpu.memory_space<semaphore_mem>>) src(%dma_wait3A_2219 : memref<128xf32, #tpu.memory_space<vmem>>) dst(%dma_wait3A_2224 : memref<2304xf32, #tpu.memory_space<vmem_shared>>)
    %dma_wait3A_2225 = arith.constant 7 : i32
    %dma_wait3A_2226 = arith.constant 896 : i32
    %dma_wait3A_2227 = tpu.memref_slice %arg15[%dma_wait3A_2226] : memref<1280xf32, #tpu.memory_space<vmem>> -> memref<128xf32, #tpu.memory_space<vmem>>
    %dma_wait3A_2228 = arith.constant 0 : i32
    %dma_wait3A_2229 = tpu.memref_slice %arg20[%dma_wait3A_2225, %dma_wait3A_2228] : memref<10x128xi32, #tpu.memory_space<vmem>> -> memref<1x128xi32, #tpu.memory_space<vmem>>
    %dma_wait3A_2230 = tpu.memref_squeeze %dma_wait3A_2229 : memref<1x128xi32, #tpu.memory_space<vmem>> -> memref<128xi32, #tpu.memory_space<vmem>>
    %dma_wait3A_2231 = arith.constant 0 : i32
    %dma_wait3A_2232 = tpu.memref_slice %arg26[%dma_wait3A_2231] : memref<2304xf32, #tpu.memory_space<vmem_shared>> -> memref<2304xf32, #tpu.memory_space<vmem_shared>>
    tpu.wait_indirect_dma semaphore(%arg30 : memref<!tpu.dma_semaphore, #tpu.memory_space<semaphore_mem>>) src(%dma_wait3A_2227 : memref<128xf32, #tpu.memory_space<vmem>>) dst(%dma_wait3A_2232 : memref<2304xf32, #tpu.memory_space<vmem_shared>>)
    %dma_wait3A_2233 = arith.constant 8 : i32
    %dma_wait3A_2234 = arith.constant 1024 : i32
    %dma_wait3A_2235 = tpu.memref_slice %arg15[%dma_wait3A_2234] : memref<1280xf32, #tpu.memory_space<vmem>> -> memref<128xf32, #tpu.memory_space<vmem>>
    %dma_wait3A_2236 = arith.constant 0 : i32
    %dma_wait3A_2237 = tpu.memref_slice %arg20[%dma_wait3A_2233, %dma_wait3A_2236] : memref<10x128xi32, #tpu.memory_space<vmem>> -> memref<1x128xi32, #tpu.memory_space<vmem>>
    %dma_wait3A_2238 = tpu.memref_squeeze %dma_wait3A_2237 : memref<1x128xi32, #tpu.memory_space<vmem>> -> memref<128xi32, #tpu.memory_space<vmem>>
    %dma_wait3A_2239 = arith.constant 0 : i32
    %dma_wait3A_2240 = tpu.memref_slice %arg26[%dma_wait3A_2239] : memref<2304xf32, #tpu.memory_space<vmem_shared>> -> memref<2304xf32, #tpu.memory_space<vmem_shared>>
    tpu.wait_indirect_dma semaphore(%arg30 : memref<!tpu.dma_semaphore, #tpu.memory_space<semaphore_mem>>) src(%dma_wait3A_2235 : memref<128xf32, #tpu.memory_space<vmem>>) dst(%dma_wait3A_2240 : memref<2304xf32, #tpu.memory_space<vmem_shared>>)
    %dma_wait3A_2241 = arith.constant 9 : i32
    %dma_wait3A_2242 = arith.constant 1152 : i32
    %dma_wait3A_2243 = tpu.memref_slice %arg15[%dma_wait3A_2242] : memref<1280xf32, #tpu.memory_space<vmem>> -> memref<128xf32, #tpu.memory_space<vmem>>
    %dma_wait3A_2244 = arith.constant 0 : i32
    %dma_wait3A_2245 = tpu.memref_slice %arg20[%dma_wait3A_2241, %dma_wait3A_2244] : memref<10x128xi32, #tpu.memory_space<vmem>> -> memref<1x128xi32, #tpu.memory_space<vmem>>
    %dma_wait3A_2246 = tpu.memref_squeeze %dma_wait3A_2245 : memref<1x128xi32, #tpu.memory_space<vmem>> -> memref<128xi32, #tpu.memory_space<vmem>>
    %dma_wait3A_2247 = arith.constant 0 : i32
    %dma_wait3A_2248 = tpu.memref_slice %arg26[%dma_wait3A_2247] : memref<2304xf32, #tpu.memory_space<vmem_shared>> -> memref<2304xf32, #tpu.memory_space<vmem_shared>>
    tpu.wait_indirect_dma semaphore(%arg30 : memref<!tpu.dma_semaphore, #tpu.memory_space<semaphore_mem>>) src(%dma_wait3A_2243 : memref<128xf32, #tpu.memory_space<vmem>>) dst(%dma_wait3A_2248 : memref<2304xf32, #tpu.memory_space<vmem_shared>>)
    %dma_wait3A_2249 = arith.constant 0 : i32
    %dma_wait3A_2250 = arith.constant 0 : i32
    %dma_wait3A_2251 = tpu.memref_slice %arg16[%dma_wait3A_2250] : memref<1280xf32, #tpu.memory_space<vmem>> -> memref<128xf32, #tpu.memory_space<vmem>>
    %dma_wait3A_2252 = arith.constant 0 : i32
    %dma_wait3A_2253 = tpu.memref_slice %arg20[%dma_wait3A_2249, %dma_wait3A_2252] : memref<10x128xi32, #tpu.memory_space<vmem>> -> memref<1x128xi32, #tpu.memory_space<vmem>>
    %dma_wait3A_2254 = tpu.memref_squeeze %dma_wait3A_2253 : memref<1x128xi32, #tpu.memory_space<vmem>> -> memref<128xi32, #tpu.memory_space<vmem>>
    %dma_wait3A_2255 = arith.constant 0 : i32
    %dma_wait3A_2256 = tpu.memref_slice %arg27[%dma_wait3A_2255] : memref<2304xf32, #tpu.memory_space<vmem_shared>> -> memref<2304xf32, #tpu.memory_space<vmem_shared>>
    tpu.wait_indirect_dma semaphore(%arg30 : memref<!tpu.dma_semaphore, #tpu.memory_space<semaphore_mem>>) src(%dma_wait3A_2251 : memref<128xf32, #tpu.memory_space<vmem>>) dst(%dma_wait3A_2256 : memref<2304xf32, #tpu.memory_space<vmem_shared>>)
    %dma_wait3A_2257 = arith.constant 1 : i32
    %dma_wait3A_2258 = arith.constant 128 : i32
    %dma_wait3A_2259 = tpu.memref_slice %arg16[%dma_wait3A_2258] : memref<1280xf32, #tpu.memory_space<vmem>> -> memref<128xf32, #tpu.memory_space<vmem>>
    %dma_wait3A_2260 = arith.constant 0 : i32
    %dma_wait3A_2261 = tpu.memref_slice %arg20[%dma_wait3A_2257, %dma_wait3A_2260] : memref<10x128xi32, #tpu.memory_space<vmem>> -> memref<1x128xi32, #tpu.memory_space<vmem>>
    %dma_wait3A_2262 = tpu.memref_squeeze %dma_wait3A_2261 : memref<1x128xi32, #tpu.memory_space<vmem>> -> memref<128xi32, #tpu.memory_space<vmem>>
    %dma_wait3A_2263 = arith.constant 0 : i32
    %dma_wait3A_2264 = tpu.memref_slice %arg27[%dma_wait3A_2263] : memref<2304xf32, #tpu.memory_space<vmem_shared>> -> memref<2304xf32, #tpu.memory_space<vmem_shared>>
    tpu.wait_indirect_dma semaphore(%arg30 : memref<!tpu.dma_semaphore, #tpu.memory_space<semaphore_mem>>) src(%dma_wait3A_2259 : memref<128xf32, #tpu.memory_space<vmem>>) dst(%dma_wait3A_2264 : memref<2304xf32, #tpu.memory_space<vmem_shared>>)
    %dma_wait3A_2265 = arith.constant 2 : i32
    %dma_wait3A_2266 = arith.constant 256 : i32
    %dma_wait3A_2267 = tpu.memref_slice %arg16[%dma_wait3A_2266] : memref<1280xf32, #tpu.memory_space<vmem>> -> memref<128xf32, #tpu.memory_space<vmem>>
    %dma_wait3A_2268 = arith.constant 0 : i32
    %dma_wait3A_2269 = tpu.memref_slice %arg20[%dma_wait3A_2265, %dma_wait3A_2268] : memref<10x128xi32, #tpu.memory_space<vmem>> -> memref<1x128xi32, #tpu.memory_space<vmem>>
    %dma_wait3A_2270 = tpu.memref_squeeze %dma_wait3A_2269 : memref<1x128xi32, #tpu.memory_space<vmem>> -> memref<128xi32, #tpu.memory_space<vmem>>
    %dma_wait3A_2271 = arith.constant 0 : i32
    %dma_wait3A_2272 = tpu.memref_slice %arg27[%dma_wait3A_2271] : memref<2304xf32, #tpu.memory_space<vmem_shared>> -> memref<2304xf32, #tpu.memory_space<vmem_shared>>
    tpu.wait_indirect_dma semaphore(%arg30 : memref<!tpu.dma_semaphore, #tpu.memory_space<semaphore_mem>>) src(%dma_wait3A_2267 : memref<128xf32, #tpu.memory_space<vmem>>) dst(%dma_wait3A_2272 : memref<2304xf32, #tpu.memory_space<vmem_shared>>)
    %dma_wait3A_2273 = arith.constant 3 : i32
    %dma_wait3A_2274 = arith.constant 384 : i32
    %dma_wait3A_2275 = tpu.memref_slice %arg16[%dma_wait3A_2274] : memref<1280xf32, #tpu.memory_space<vmem>> -> memref<128xf32, #tpu.memory_space<vmem>>
    %dma_wait3A_2276 = arith.constant 0 : i32
    %dma_wait3A_2277 = tpu.memref_slice %arg20[%dma_wait3A_2273, %dma_wait3A_2276] : memref<10x128xi32, #tpu.memory_space<vmem>> -> memref<1x128xi32, #tpu.memory_space<vmem>>
    %dma_wait3A_2278 = tpu.memref_squeeze %dma_wait3A_2277 : memref<1x128xi32, #tpu.memory_space<vmem>> -> memref<128xi32, #tpu.memory_space<vmem>>
    %dma_wait3A_2279 = arith.constant 0 : i32
    %dma_wait3A_2280 = tpu.memref_slice %arg27[%dma_wait3A_2279] : memref<2304xf32, #tpu.memory_space<vmem_shared>> -> memref<2304xf32, #tpu.memory_space<vmem_shared>>
    tpu.wait_indirect_dma semaphore(%arg30 : memref<!tpu.dma_semaphore, #tpu.memory_space<semaphore_mem>>) src(%dma_wait3A_2275 : memref<128xf32, #tpu.memory_space<vmem>>) dst(%dma_wait3A_2280 : memref<2304xf32, #tpu.memory_space<vmem_shared>>)
    %dma_wait3A_2281 = arith.constant 4 : i32
    %dma_wait3A_2282 = arith.constant 512 : i32
    %dma_wait3A_2283 = tpu.memref_slice %arg16[%dma_wait3A_2282] : memref<1280xf32, #tpu.memory_space<vmem>> -> memref<128xf32, #tpu.memory_space<vmem>>
    %dma_wait3A_2284 = arith.constant 0 : i32
    %dma_wait3A_2285 = tpu.memref_slice %arg20[%dma_wait3A_2281, %dma_wait3A_2284] : memref<10x128xi32, #tpu.memory_space<vmem>> -> memref<1x128xi32, #tpu.memory_space<vmem>>
    %dma_wait3A_2286 = tpu.memref_squeeze %dma_wait3A_2285 : memref<1x128xi32, #tpu.memory_space<vmem>> -> memref<128xi32, #tpu.memory_space<vmem>>
    %dma_wait3A_2287 = arith.constant 0 : i32
    %dma_wait3A_2288 = tpu.memref_slice %arg27[%dma_wait3A_2287] : memref<2304xf32, #tpu.memory_space<vmem_shared>> -> memref<2304xf32, #tpu.memory_space<vmem_shared>>
    tpu.wait_indirect_dma semaphore(%arg30 : memref<!tpu.dma_semaphore, #tpu.memory_space<semaphore_mem>>) src(%dma_wait3A_2283 : memref<128xf32, #tpu.memory_space<vmem>>) dst(%dma_wait3A_2288 : memref<2304xf32, #tpu.memory_space<vmem_shared>>)
    %dma_wait3A_2289 = arith.constant 5 : i32
    %dma_wait3A_2290 = arith.constant 640 : i32
    %dma_wait3A_2291 = tpu.memref_slice %arg16[%dma_wait3A_2290] : memref<1280xf32, #tpu.memory_space<vmem>> -> memref<128xf32, #tpu.memory_space<vmem>>
    %dma_wait3A_2292 = arith.constant 0 : i32
    %dma_wait3A_2293 = tpu.memref_slice %arg20[%dma_wait3A_2289, %dma_wait3A_2292] : memref<10x128xi32, #tpu.memory_space<vmem>> -> memref<1x128xi32, #tpu.memory_space<vmem>>
    %dma_wait3A_2294 = tpu.memref_squeeze %dma_wait3A_2293 : memref<1x128xi32, #tpu.memory_space<vmem>> -> memref<128xi32, #tpu.memory_space<vmem>>
    %dma_wait3A_2295 = arith.constant 0 : i32
    %dma_wait3A_2296 = tpu.memref_slice %arg27[%dma_wait3A_2295] : memref<2304xf32, #tpu.memory_space<vmem_shared>> -> memref<2304xf32, #tpu.memory_space<vmem_shared>>
    tpu.wait_indirect_dma semaphore(%arg30 : memref<!tpu.dma_semaphore, #tpu.memory_space<semaphore_mem>>) src(%dma_wait3A_2291 : memref<128xf32, #tpu.memory_space<vmem>>) dst(%dma_wait3A_2296 : memref<2304xf32, #tpu.memory_space<vmem_shared>>)
    %dma_wait3A_2297 = arith.constant 6 : i32
    %dma_wait3A_2298 = arith.constant 768 : i32
    %dma_wait3A_2299 = tpu.memref_slice %arg16[%dma_wait3A_2298] : memref<1280xf32, #tpu.memory_space<vmem>> -> memref<128xf32, #tpu.memory_space<vmem>>
    %dma_wait3A_2300 = arith.constant 0 : i32
    %dma_wait3A_2301 = tpu.memref_slice %arg20[%dma_wait3A_2297, %dma_wait3A_2300] : memref<10x128xi32, #tpu.memory_space<vmem>> -> memref<1x128xi32, #tpu.memory_space<vmem>>
    %dma_wait3A_2302 = tpu.memref_squeeze %dma_wait3A_2301 : memref<1x128xi32, #tpu.memory_space<vmem>> -> memref<128xi32, #tpu.memory_space<vmem>>
    %dma_wait3A_2303 = arith.constant 0 : i32
    %dma_wait3A_2304 = tpu.memref_slice %arg27[%dma_wait3A_2303] : memref<2304xf32, #tpu.memory_space<vmem_shared>> -> memref<2304xf32, #tpu.memory_space<vmem_shared>>
    tpu.wait_indirect_dma semaphore(%arg30 : memref<!tpu.dma_semaphore, #tpu.memory_space<semaphore_mem>>) src(%dma_wait3A_2299 : memref<128xf32, #tpu.memory_space<vmem>>) dst(%dma_wait3A_2304 : memref<2304xf32, #tpu.memory_space<vmem_shared>>)
    %dma_wait3A_2305 = arith.constant 7 : i32
    %dma_wait3A_2306 = arith.constant 896 : i32
    %dma_wait3A_2307 = tpu.memref_slice %arg16[%dma_wait3A_2306] : memref<1280xf32, #tpu.memory_space<vmem>> -> memref<128xf32, #tpu.memory_space<vmem>>
    %dma_wait3A_2308 = arith.constant 0 : i32
    %dma_wait3A_2309 = tpu.memref_slice %arg20[%dma_wait3A_2305, %dma_wait3A_2308] : memref<10x128xi32, #tpu.memory_space<vmem>> -> memref<1x128xi32, #tpu.memory_space<vmem>>
    %dma_wait3A_2310 = tpu.memref_squeeze %dma_wait3A_2309 : memref<1x128xi32, #tpu.memory_space<vmem>> -> memref<128xi32, #tpu.memory_space<vmem>>
    %dma_wait3A_2311 = arith.constant 0 : i32
    %dma_wait3A_2312 = tpu.memref_slice %arg27[%dma_wait3A_2311] : memref<2304xf32, #tpu.memory_space<vmem_shared>> -> memref<2304xf32, #tpu.memory_space<vmem_shared>>
    tpu.wait_indirect_dma semaphore(%arg30 : memref<!tpu.dma_semaphore, #tpu.memory_space<semaphore_mem>>) src(%dma_wait3A_2307 : memref<128xf32, #tpu.memory_space<vmem>>) dst(%dma_wait3A_2312 : memref<2304xf32, #tpu.memory_space<vmem_shared>>)
    %dma_wait3A_2313 = arith.constant 8 : i32
    %dma_wait3A_2314 = arith.constant 1024 : i32
    %dma_wait3A_2315 = tpu.memref_slice %arg16[%dma_wait3A_2314] : memref<1280xf32, #tpu.memory_space<vmem>> -> memref<128xf32, #tpu.memory_space<vmem>>
    %dma_wait3A_2316 = arith.constant 0 : i32
    %dma_wait3A_2317 = tpu.memref_slice %arg20[%dma_wait3A_2313, %dma_wait3A_2316] : memref<10x128xi32, #tpu.memory_space<vmem>> -> memref<1x128xi32, #tpu.memory_space<vmem>>
    %dma_wait3A_2318 = tpu.memref_squeeze %dma_wait3A_2317 : memref<1x128xi32, #tpu.memory_space<vmem>> -> memref<128xi32, #tpu.memory_space<vmem>>
    %dma_wait3A_2319 = arith.constant 0 : i32
    %dma_wait3A_2320 = tpu.memref_slice %arg27[%dma_wait3A_2319] : memref<2304xf32, #tpu.memory_space<vmem_shared>> -> memref<2304xf32, #tpu.memory_space<vmem_shared>>
    tpu.wait_indirect_dma semaphore(%arg30 : memref<!tpu.dma_semaphore, #tpu.memory_space<semaphore_mem>>) src(%dma_wait3A_2315 : memref<128xf32, #tpu.memory_space<vmem>>) dst(%dma_wait3A_2320 : memref<2304xf32, #tpu.memory_space<vmem_shared>>)
    %dma_wait3A_2321 = arith.constant 9 : i32
    %dma_wait3A_2322 = arith.constant 1152 : i32
    %dma_wait3A_2323 = tpu.memref_slice %arg16[%dma_wait3A_2322] : memref<1280xf32, #tpu.memory_space<vmem>> -> memref<128xf32, #tpu.memory_space<vmem>>
    %dma_wait3A_2324 = arith.constant 0 : i32
    %dma_wait3A_2325 = tpu.memref_slice %arg20[%dma_wait3A_2321, %dma_wait3A_2324] : memref<10x128xi32, #tpu.memory_space<vmem>> -> memref<1x128xi32, #tpu.memory_space<vmem>>
    %dma_wait3A_2326 = tpu.memref_squeeze %dma_wait3A_2325 : memref<1x128xi32, #tpu.memory_space<vmem>> -> memref<128xi32, #tpu.memory_space<vmem>>
    %dma_wait3A_2327 = arith.constant 0 : i32
    %dma_wait3A_2328 = tpu.memref_slice %arg27[%dma_wait3A_2327] : memref<2304xf32, #tpu.memory_space<vmem_shared>> -> memref<2304xf32, #tpu.memory_space<vmem_shared>>
    tpu.wait_indirect_dma semaphore(%arg30 : memref<!tpu.dma_semaphore, #tpu.memory_space<semaphore_mem>>) src(%dma_wait3A_2323 : memref<128xf32, #tpu.memory_space<vmem>>) dst(%dma_wait3A_2328 : memref<2304xf32, #tpu.memory_space<vmem_shared>>)
    %dma_wait3A_2329 = arith.constant 0 : i32
    %dma_wait3A_2330 = arith.constant 0 : i32
    %dma_wait3A_2331 = tpu.memref_slice %arg17[%dma_wait3A_2330] : memref<1280xf32, #tpu.memory_space<vmem>> -> memref<128xf32, #tpu.memory_space<vmem>>
    %dma_wait3A_2332 = arith.constant 0 : i32
    %dma_wait3A_2333 = tpu.memref_slice %arg20[%dma_wait3A_2329, %dma_wait3A_2332] : memref<10x128xi32, #tpu.memory_space<vmem>> -> memref<1x128xi32, #tpu.memory_space<vmem>>
    %dma_wait3A_2334 = tpu.memref_squeeze %dma_wait3A_2333 : memref<1x128xi32, #tpu.memory_space<vmem>> -> memref<128xi32, #tpu.memory_space<vmem>>
    %dma_wait3A_2335 = arith.constant 0 : i32
    %dma_wait3A_2336 = tpu.memref_slice %arg28[%dma_wait3A_2335] : memref<2304xf32, #tpu.memory_space<vmem_shared>> -> memref<2304xf32, #tpu.memory_space<vmem_shared>>
    tpu.wait_indirect_dma semaphore(%arg30 : memref<!tpu.dma_semaphore, #tpu.memory_space<semaphore_mem>>) src(%dma_wait3A_2331 : memref<128xf32, #tpu.memory_space<vmem>>) dst(%dma_wait3A_2336 : memref<2304xf32, #tpu.memory_space<vmem_shared>>)
    %dma_wait3A_2337 = arith.constant 1 : i32
    %dma_wait3A_2338 = arith.constant 128 : i32
    %dma_wait3A_2339 = tpu.memref_slice %arg17[%dma_wait3A_2338] : memref<1280xf32, #tpu.memory_space<vmem>> -> memref<128xf32, #tpu.memory_space<vmem>>
    %dma_wait3A_2340 = arith.constant 0 : i32
    %dma_wait3A_2341 = tpu.memref_slice %arg20[%dma_wait3A_2337, %dma_wait3A_2340] : memref<10x128xi32, #tpu.memory_space<vmem>> -> memref<1x128xi32, #tpu.memory_space<vmem>>
    %dma_wait3A_2342 = tpu.memref_squeeze %dma_wait3A_2341 : memref<1x128xi32, #tpu.memory_space<vmem>> -> memref<128xi32, #tpu.memory_space<vmem>>
    %dma_wait3A_2343 = arith.constant 0 : i32
    %dma_wait3A_2344 = tpu.memref_slice %arg28[%dma_wait3A_2343] : memref<2304xf32, #tpu.memory_space<vmem_shared>> -> memref<2304xf32, #tpu.memory_space<vmem_shared>>
    tpu.wait_indirect_dma semaphore(%arg30 : memref<!tpu.dma_semaphore, #tpu.memory_space<semaphore_mem>>) src(%dma_wait3A_2339 : memref<128xf32, #tpu.memory_space<vmem>>) dst(%dma_wait3A_2344 : memref<2304xf32, #tpu.memory_space<vmem_shared>>)
    %dma_wait3A_2345 = arith.constant 2 : i32
    %dma_wait3A_2346 = arith.constant 256 : i32
    %dma_wait3A_2347 = tpu.memref_slice %arg17[%dma_wait3A_2346] : memref<1280xf32, #tpu.memory_space<vmem>> -> memref<128xf32, #tpu.memory_space<vmem>>
    %dma_wait3A_2348 = arith.constant 0 : i32
    %dma_wait3A_2349 = tpu.memref_slice %arg20[%dma_wait3A_2345, %dma_wait3A_2348] : memref<10x128xi32, #tpu.memory_space<vmem>> -> memref<1x128xi32, #tpu.memory_space<vmem>>
    %dma_wait3A_2350 = tpu.memref_squeeze %dma_wait3A_2349 : memref<1x128xi32, #tpu.memory_space<vmem>> -> memref<128xi32, #tpu.memory_space<vmem>>
    %dma_wait3A_2351 = arith.constant 0 : i32
    %dma_wait3A_2352 = tpu.memref_slice %arg28[%dma_wait3A_2351] : memref<2304xf32, #tpu.memory_space<vmem_shared>> -> memref<2304xf32, #tpu.memory_space<vmem_shared>>
    tpu.wait_indirect_dma semaphore(%arg30 : memref<!tpu.dma_semaphore, #tpu.memory_space<semaphore_mem>>) src(%dma_wait3A_2347 : memref<128xf32, #tpu.memory_space<vmem>>) dst(%dma_wait3A_2352 : memref<2304xf32, #tpu.memory_space<vmem_shared>>)
    %dma_wait3A_2353 = arith.constant 3 : i32
    %dma_wait3A_2354 = arith.constant 384 : i32
    %dma_wait3A_2355 = tpu.memref_slice %arg17[%dma_wait3A_2354] : memref<1280xf32, #tpu.memory_space<vmem>> -> memref<128xf32, #tpu.memory_space<vmem>>
    %dma_wait3A_2356 = arith.constant 0 : i32
    %dma_wait3A_2357 = tpu.memref_slice %arg20[%dma_wait3A_2353, %dma_wait3A_2356] : memref<10x128xi32, #tpu.memory_space<vmem>> -> memref<1x128xi32, #tpu.memory_space<vmem>>
    %dma_wait3A_2358 = tpu.memref_squeeze %dma_wait3A_2357 : memref<1x128xi32, #tpu.memory_space<vmem>> -> memref<128xi32, #tpu.memory_space<vmem>>
    %dma_wait3A_2359 = arith.constant 0 : i32
    %dma_wait3A_2360 = tpu.memref_slice %arg28[%dma_wait3A_2359] : memref<2304xf32, #tpu.memory_space<vmem_shared>> -> memref<2304xf32, #tpu.memory_space<vmem_shared>>
    tpu.wait_indirect_dma semaphore(%arg30 : memref<!tpu.dma_semaphore, #tpu.memory_space<semaphore_mem>>) src(%dma_wait3A_2355 : memref<128xf32, #tpu.memory_space<vmem>>) dst(%dma_wait3A_2360 : memref<2304xf32, #tpu.memory_space<vmem_shared>>)
    %dma_wait3A_2361 = arith.constant 4 : i32
    %dma_wait3A_2362 = arith.constant 512 : i32
    %dma_wait3A_2363 = tpu.memref_slice %arg17[%dma_wait3A_2362] : memref<1280xf32, #tpu.memory_space<vmem>> -> memref<128xf32, #tpu.memory_space<vmem>>
    %dma_wait3A_2364 = arith.constant 0 : i32
    %dma_wait3A_2365 = tpu.memref_slice %arg20[%dma_wait3A_2361, %dma_wait3A_2364] : memref<10x128xi32, #tpu.memory_space<vmem>> -> memref<1x128xi32, #tpu.memory_space<vmem>>
    %dma_wait3A_2366 = tpu.memref_squeeze %dma_wait3A_2365 : memref<1x128xi32, #tpu.memory_space<vmem>> -> memref<128xi32, #tpu.memory_space<vmem>>
    %dma_wait3A_2367 = arith.constant 0 : i32
    %dma_wait3A_2368 = tpu.memref_slice %arg28[%dma_wait3A_2367] : memref<2304xf32, #tpu.memory_space<vmem_shared>> -> memref<2304xf32, #tpu.memory_space<vmem_shared>>
    tpu.wait_indirect_dma semaphore(%arg30 : memref<!tpu.dma_semaphore, #tpu.memory_space<semaphore_mem>>) src(%dma_wait3A_2363 : memref<128xf32, #tpu.memory_space<vmem>>) dst(%dma_wait3A_2368 : memref<2304xf32, #tpu.memory_space<vmem_shared>>)
    %dma_wait3A_2369 = arith.constant 5 : i32
    %dma_wait3A_2370 = arith.constant 640 : i32
    %dma_wait3A_2371 = tpu.memref_slice %arg17[%dma_wait3A_2370] : memref<1280xf32, #tpu.memory_space<vmem>> -> memref<128xf32, #tpu.memory_space<vmem>>
    %dma_wait3A_2372 = arith.constant 0 : i32
    %dma_wait3A_2373 = tpu.memref_slice %arg20[%dma_wait3A_2369, %dma_wait3A_2372] : memref<10x128xi32, #tpu.memory_space<vmem>> -> memref<1x128xi32, #tpu.memory_space<vmem>>
    %dma_wait3A_2374 = tpu.memref_squeeze %dma_wait3A_2373 : memref<1x128xi32, #tpu.memory_space<vmem>> -> memref<128xi32, #tpu.memory_space<vmem>>
    %dma_wait3A_2375 = arith.constant 0 : i32
    %dma_wait3A_2376 = tpu.memref_slice %arg28[%dma_wait3A_2375] : memref<2304xf32, #tpu.memory_space<vmem_shared>> -> memref<2304xf32, #tpu.memory_space<vmem_shared>>
    tpu.wait_indirect_dma semaphore(%arg30 : memref<!tpu.dma_semaphore, #tpu.memory_space<semaphore_mem>>) src(%dma_wait3A_2371 : memref<128xf32, #tpu.memory_space<vmem>>) dst(%dma_wait3A_2376 : memref<2304xf32, #tpu.memory_space<vmem_shared>>)
    %dma_wait3A_2377 = arith.constant 6 : i32
    %dma_wait3A_2378 = arith.constant 768 : i32
    %dma_wait3A_2379 = tpu.memref_slice %arg17[%dma_wait3A_2378] : memref<1280xf32, #tpu.memory_space<vmem>> -> memref<128xf32, #tpu.memory_space<vmem>>
    %dma_wait3A_2380 = arith.constant 0 : i32
    %dma_wait3A_2381 = tpu.memref_slice %arg20[%dma_wait3A_2377, %dma_wait3A_2380] : memref<10x128xi32, #tpu.memory_space<vmem>> -> memref<1x128xi32, #tpu.memory_space<vmem>>
    %dma_wait3A_2382 = tpu.memref_squeeze %dma_wait3A_2381 : memref<1x128xi32, #tpu.memory_space<vmem>> -> memref<128xi32, #tpu.memory_space<vmem>>
    %dma_wait3A_2383 = arith.constant 0 : i32
    %dma_wait3A_2384 = tpu.memref_slice %arg28[%dma_wait3A_2383] : memref<2304xf32, #tpu.memory_space<vmem_shared>> -> memref<2304xf32, #tpu.memory_space<vmem_shared>>
    tpu.wait_indirect_dma semaphore(%arg30 : memref<!tpu.dma_semaphore, #tpu.memory_space<semaphore_mem>>) src(%dma_wait3A_2379 : memref<128xf32, #tpu.memory_space<vmem>>) dst(%dma_wait3A_2384 : memref<2304xf32, #tpu.memory_space<vmem_shared>>)
    %dma_wait3A_2385 = arith.constant 7 : i32
    %dma_wait3A_2386 = arith.constant 896 : i32
    %dma_wait3A_2387 = tpu.memref_slice %arg17[%dma_wait3A_2386] : memref<1280xf32, #tpu.memory_space<vmem>> -> memref<128xf32, #tpu.memory_space<vmem>>
    %dma_wait3A_2388 = arith.constant 0 : i32
    %dma_wait3A_2389 = tpu.memref_slice %arg20[%dma_wait3A_2385, %dma_wait3A_2388] : memref<10x128xi32, #tpu.memory_space<vmem>> -> memref<1x128xi32, #tpu.memory_space<vmem>>
    %dma_wait3A_2390 = tpu.memref_squeeze %dma_wait3A_2389 : memref<1x128xi32, #tpu.memory_space<vmem>> -> memref<128xi32, #tpu.memory_space<vmem>>
    %dma_wait3A_2391 = arith.constant 0 : i32
    %dma_wait3A_2392 = tpu.memref_slice %arg28[%dma_wait3A_2391] : memref<2304xf32, #tpu.memory_space<vmem_shared>> -> memref<2304xf32, #tpu.memory_space<vmem_shared>>
    tpu.wait_indirect_dma semaphore(%arg30 : memref<!tpu.dma_semaphore, #tpu.memory_space<semaphore_mem>>) src(%dma_wait3A_2387 : memref<128xf32, #tpu.memory_space<vmem>>) dst(%dma_wait3A_2392 : memref<2304xf32, #tpu.memory_space<vmem_shared>>)
    %dma_wait3A_2393 = arith.constant 8 : i32
    %dma_wait3A_2394 = arith.constant 1024 : i32
    %dma_wait3A_2395 = tpu.memref_slice %arg17[%dma_wait3A_2394] : memref<1280xf32, #tpu.memory_space<vmem>> -> memref<128xf32, #tpu.memory_space<vmem>>
    %dma_wait3A_2396 = arith.constant 0 : i32
    %dma_wait3A_2397 = tpu.memref_slice %arg20[%dma_wait3A_2393, %dma_wait3A_2396] : memref<10x128xi32, #tpu.memory_space<vmem>> -> memref<1x128xi32, #tpu.memory_space<vmem>>
    %dma_wait3A_2398 = tpu.memref_squeeze %dma_wait3A_2397 : memref<1x128xi32, #tpu.memory_space<vmem>> -> memref<128xi32, #tpu.memory_space<vmem>>
    %dma_wait3A_2399 = arith.constant 0 : i32
    %dma_wait3A_2400 = tpu.memref_slice %arg28[%dma_wait3A_2399] : memref<2304xf32, #tpu.memory_space<vmem_shared>> -> memref<2304xf32, #tpu.memory_space<vmem_shared>>
    tpu.wait_indirect_dma semaphore(%arg30 : memref<!tpu.dma_semaphore, #tpu.memory_space<semaphore_mem>>) src(%dma_wait3A_2395 : memref<128xf32, #tpu.memory_space<vmem>>) dst(%dma_wait3A_2400 : memref<2304xf32, #tpu.memory_space<vmem_shared>>)
    %dma_wait3A_2401 = arith.constant 9 : i32
    %dma_wait3A_2402 = arith.constant 1152 : i32
    %dma_wait3A_2403 = tpu.memref_slice %arg17[%dma_wait3A_2402] : memref<1280xf32, #tpu.memory_space<vmem>> -> memref<128xf32, #tpu.memory_space<vmem>>
    %dma_wait3A_2404 = arith.constant 0 : i32
    %dma_wait3A_2405 = tpu.memref_slice %arg20[%dma_wait3A_2401, %dma_wait3A_2404] : memref<10x128xi32, #tpu.memory_space<vmem>> -> memref<1x128xi32, #tpu.memory_space<vmem>>
    %dma_wait3A_2406 = tpu.memref_squeeze %dma_wait3A_2405 : memref<1x128xi32, #tpu.memory_space<vmem>> -> memref<128xi32, #tpu.memory_space<vmem>>
    %dma_wait3A_2407 = arith.constant 0 : i32
    %dma_wait3A_2408 = tpu.memref_slice %arg28[%dma_wait3A_2407] : memref<2304xf32, #tpu.memory_space<vmem_shared>> -> memref<2304xf32, #tpu.memory_space<vmem_shared>>
    tpu.wait_indirect_dma semaphore(%arg30 : memref<!tpu.dma_semaphore, #tpu.memory_space<semaphore_mem>>) src(%dma_wait3A_2403 : memref<128xf32, #tpu.memory_space<vmem>>) dst(%dma_wait3A_2408 : memref<2304xf32, #tpu.memory_space<vmem_shared>>)
    %barrier3A_2409 = arith.constant 0 : index
    tpu.barrier barrier_id(%barrier3A_2409)
    %eq3A_2410 = arith.constant 0 : i32
    %eq3A_2411 = arith.cmpi eq, %arg1, %eq3A_2410 : i32
    %convert_element_type3A_2412 = arith.extui %eq3A_2411 : i1 to i32
    %cond3A_2413 = arith.constant 0 : i32
    %cond3A_2414 = arith.cmpi ne, %convert_element_type3A_2412, %cond3A_2413 : i32
    scf.if %cond3A_2414 {
      "tpu.region"() ({
        %run_scoped3A = tpu.sem_alloc : memref<!tpu.dma_semaphore, #tpu.memory_space<semaphore_mem>>
        %dma_start3A_2435 = arith.constant 0 : i32
        %dma_start3A_2436 = tpu.memref_slice %arg8[%dma_start3A_2435] : memref<2304xf32, #tpu.memory_space<hbm>> -> memref<1024xf32, #tpu.memory_space<hbm>>
        %dma_start3A_2437 = arith.constant 0 : i32
        %dma_start3A_2438 = tpu.memref_slice %arg24[%dma_start3A_2437] : memref<2304xf32, #tpu.memory_space<vmem_shared>> -> memref<1024xf32, #tpu.memory_space<vmem_shared>>
        tpu.enqueue_dma source(%dma_start3A_2438 : memref<1024xf32, #tpu.memory_space<vmem_shared>>) target(%dma_start3A_2436 : memref<1024xf32, #tpu.memory_space<hbm>>) target_semaphore(%run_scoped3A : memref<!tpu.dma_semaphore, #tpu.memory_space<semaphore_mem>>)
        %dma_wait3A_2439 = arith.constant 0 : i32
        %dma_wait3A_2440 = tpu.memref_slice %arg8[%dma_wait3A_2439] : memref<2304xf32, #tpu.memory_space<hbm>> -> memref<1024xf32, #tpu.memory_space<hbm>>
        %dma_wait3A_2441 = arith.constant 0 : i32
        %dma_wait3A_2442 = tpu.memref_slice %arg24[%dma_wait3A_2441] : memref<2304xf32, #tpu.memory_space<vmem_shared>> -> memref<1024xf32, #tpu.memory_space<vmem_shared>>
        tpu.wait_dma2 semaphore(%run_scoped3A : memref<!tpu.dma_semaphore, #tpu.memory_space<semaphore_mem>>) src(%dma_wait3A_2442 : memref<1024xf32, #tpu.memory_space<vmem_shared>>) dst(%dma_wait3A_2440 : memref<1024xf32, #tpu.memory_space<hbm>>)
        tpu.yield
      }) : () -> ()
    } else {
    }
    %eq3A_2415 = arith.constant 1 : i32
    %eq3A_2416 = arith.cmpi eq, %arg1, %eq3A_2415 : i32
    %convert_element_type3A_2417 = arith.extui %eq3A_2416 : i1 to i32
    %cond3A_2418 = arith.constant 0 : i32
    %cond3A_2419 = arith.cmpi ne, %convert_element_type3A_2417, %cond3A_2418 : i32
    scf.if %cond3A_2419 {
      "tpu.region"() ({
        %run_scoped3A = tpu.sem_alloc : memref<!tpu.dma_semaphore, #tpu.memory_space<semaphore_mem>>
        %dma_start3A_2435 = arith.constant 0 : i32
        %dma_start3A_2436 = tpu.memref_slice %arg9[%dma_start3A_2435] : memref<2304xf32, #tpu.memory_space<hbm>> -> memref<1024xf32, #tpu.memory_space<hbm>>
        %dma_start3A_2437 = arith.constant 0 : i32
        %dma_start3A_2438 = tpu.memref_slice %arg25[%dma_start3A_2437] : memref<2304xf32, #tpu.memory_space<vmem_shared>> -> memref<1024xf32, #tpu.memory_space<vmem_shared>>
        tpu.enqueue_dma source(%dma_start3A_2438 : memref<1024xf32, #tpu.memory_space<vmem_shared>>) target(%dma_start3A_2436 : memref<1024xf32, #tpu.memory_space<hbm>>) target_semaphore(%run_scoped3A : memref<!tpu.dma_semaphore, #tpu.memory_space<semaphore_mem>>)
        %dma_wait3A_2439 = arith.constant 0 : i32
        %dma_wait3A_2440 = tpu.memref_slice %arg9[%dma_wait3A_2439] : memref<2304xf32, #tpu.memory_space<hbm>> -> memref<1024xf32, #tpu.memory_space<hbm>>
        %dma_wait3A_2441 = arith.constant 0 : i32
        %dma_wait3A_2442 = tpu.memref_slice %arg25[%dma_wait3A_2441] : memref<2304xf32, #tpu.memory_space<vmem_shared>> -> memref<1024xf32, #tpu.memory_space<vmem_shared>>
        tpu.wait_dma2 semaphore(%run_scoped3A : memref<!tpu.dma_semaphore, #tpu.memory_space<semaphore_mem>>) src(%dma_wait3A_2442 : memref<1024xf32, #tpu.memory_space<vmem_shared>>) dst(%dma_wait3A_2440 : memref<1024xf32, #tpu.memory_space<hbm>>)
        tpu.yield
      }) : () -> ()
    } else {
    }
    %eq3A_2420 = arith.constant 2 : i32
    %eq3A_2421 = arith.cmpi eq, %arg1, %eq3A_2420 : i32
    %convert_element_type3A_2422 = arith.extui %eq3A_2421 : i1 to i32
    %cond3A_2423 = arith.constant 0 : i32
    %cond3A_2424 = arith.cmpi ne, %convert_element_type3A_2422, %cond3A_2423 : i32
    scf.if %cond3A_2424 {
      "tpu.region"() ({
        %run_scoped3A = tpu.sem_alloc : memref<!tpu.dma_semaphore, #tpu.memory_space<semaphore_mem>>
        %dma_start3A_2435 = arith.constant 0 : i32
        %dma_start3A_2436 = tpu.memref_slice %arg10[%dma_start3A_2435] : memref<2304xf32, #tpu.memory_space<hbm>> -> memref<1024xf32, #tpu.memory_space<hbm>>
        %dma_start3A_2437 = arith.constant 0 : i32
        %dma_start3A_2438 = tpu.memref_slice %arg26[%dma_start3A_2437] : memref<2304xf32, #tpu.memory_space<vmem_shared>> -> memref<1024xf32, #tpu.memory_space<vmem_shared>>
        tpu.enqueue_dma source(%dma_start3A_2438 : memref<1024xf32, #tpu.memory_space<vmem_shared>>) target(%dma_start3A_2436 : memref<1024xf32, #tpu.memory_space<hbm>>) target_semaphore(%run_scoped3A : memref<!tpu.dma_semaphore, #tpu.memory_space<semaphore_mem>>)
        %dma_wait3A_2439 = arith.constant 0 : i32
        %dma_wait3A_2440 = tpu.memref_slice %arg10[%dma_wait3A_2439] : memref<2304xf32, #tpu.memory_space<hbm>> -> memref<1024xf32, #tpu.memory_space<hbm>>
        %dma_wait3A_2441 = arith.constant 0 : i32
        %dma_wait3A_2442 = tpu.memref_slice %arg26[%dma_wait3A_2441] : memref<2304xf32, #tpu.memory_space<vmem_shared>> -> memref<1024xf32, #tpu.memory_space<vmem_shared>>
        tpu.wait_dma2 semaphore(%run_scoped3A : memref<!tpu.dma_semaphore, #tpu.memory_space<semaphore_mem>>) src(%dma_wait3A_2442 : memref<1024xf32, #tpu.memory_space<vmem_shared>>) dst(%dma_wait3A_2440 : memref<1024xf32, #tpu.memory_space<hbm>>)
        tpu.yield
      }) : () -> ()
    } else {
    }
    %eq3A_2425 = arith.constant 3 : i32
    %eq3A_2426 = arith.cmpi eq, %arg1, %eq3A_2425 : i32
    %convert_element_type3A_2427 = arith.extui %eq3A_2426 : i1 to i32
    %cond3A_2428 = arith.constant 0 : i32
    %cond3A_2429 = arith.cmpi ne, %convert_element_type3A_2427, %cond3A_2428 : i32
    scf.if %cond3A_2429 {
      "tpu.region"() ({
        %run_scoped3A = tpu.sem_alloc : memref<!tpu.dma_semaphore, #tpu.memory_space<semaphore_mem>>
        %dma_start3A_2435 = arith.constant 0 : i32
        %dma_start3A_2436 = tpu.memref_slice %arg11[%dma_start3A_2435] : memref<2304xf32, #tpu.memory_space<hbm>> -> memref<1024xf32, #tpu.memory_space<hbm>>
        %dma_start3A_2437 = arith.constant 0 : i32
        %dma_start3A_2438 = tpu.memref_slice %arg27[%dma_start3A_2437] : memref<2304xf32, #tpu.memory_space<vmem_shared>> -> memref<1024xf32, #tpu.memory_space<vmem_shared>>
        tpu.enqueue_dma source(%dma_start3A_2438 : memref<1024xf32, #tpu.memory_space<vmem_shared>>) target(%dma_start3A_2436 : memref<1024xf32, #tpu.memory_space<hbm>>) target_semaphore(%run_scoped3A : memref<!tpu.dma_semaphore, #tpu.memory_space<semaphore_mem>>)
        %dma_wait3A_2439 = arith.constant 0 : i32
        %dma_wait3A_2440 = tpu.memref_slice %arg11[%dma_wait3A_2439] : memref<2304xf32, #tpu.memory_space<hbm>> -> memref<1024xf32, #tpu.memory_space<hbm>>
        %dma_wait3A_2441 = arith.constant 0 : i32
        %dma_wait3A_2442 = tpu.memref_slice %arg27[%dma_wait3A_2441] : memref<2304xf32, #tpu.memory_space<vmem_shared>> -> memref<1024xf32, #tpu.memory_space<vmem_shared>>
        tpu.wait_dma2 semaphore(%run_scoped3A : memref<!tpu.dma_semaphore, #tpu.memory_space<semaphore_mem>>) src(%dma_wait3A_2442 : memref<1024xf32, #tpu.memory_space<vmem_shared>>) dst(%dma_wait3A_2440 : memref<1024xf32, #tpu.memory_space<hbm>>)
        tpu.yield
      }) : () -> ()
    } else {
    }
    %eq3A_2430 = arith.constant 4 : i32
    %eq3A_2431 = arith.cmpi eq, %arg1, %eq3A_2430 : i32
    %convert_element_type3A_2432 = arith.extui %eq3A_2431 : i1 to i32
    %cond3A_2433 = arith.constant 0 : i32
    %cond3A_2434 = arith.cmpi ne, %convert_element_type3A_2432, %cond3A_2433 : i32
    scf.if %cond3A_2434 {
      "tpu.region"() ({
        %run_scoped3A = tpu.sem_alloc : memref<!tpu.dma_semaphore, #tpu.memory_space<semaphore_mem>>
        %dma_start3A_2435 = arith.constant 0 : i32
        %dma_start3A_2436 = tpu.memref_slice %arg12[%dma_start3A_2435] : memref<2304xf32, #tpu.memory_space<hbm>> -> memref<1024xf32, #tpu.memory_space<hbm>>
        %dma_start3A_2437 = arith.constant 0 : i32
        %dma_start3A_2438 = tpu.memref_slice %arg28[%dma_start3A_2437] : memref<2304xf32, #tpu.memory_space<vmem_shared>> -> memref<1024xf32, #tpu.memory_space<vmem_shared>>
        tpu.enqueue_dma source(%dma_start3A_2438 : memref<1024xf32, #tpu.memory_space<vmem_shared>>) target(%dma_start3A_2436 : memref<1024xf32, #tpu.memory_space<hbm>>) target_semaphore(%run_scoped3A : memref<!tpu.dma_semaphore, #tpu.memory_space<semaphore_mem>>)
        %dma_wait3A_2439 = arith.constant 0 : i32
        %dma_wait3A_2440 = tpu.memref_slice %arg12[%dma_wait3A_2439] : memref<2304xf32, #tpu.memory_space<hbm>> -> memref<1024xf32, #tpu.memory_space<hbm>>
        %dma_wait3A_2441 = arith.constant 0 : i32
        %dma_wait3A_2442 = tpu.memref_slice %arg28[%dma_wait3A_2441] : memref<2304xf32, #tpu.memory_space<vmem_shared>> -> memref<1024xf32, #tpu.memory_space<vmem_shared>>
        tpu.wait_dma2 semaphore(%run_scoped3A : memref<!tpu.dma_semaphore, #tpu.memory_space<semaphore_mem>>) src(%dma_wait3A_2442 : memref<1024xf32, #tpu.memory_space<vmem_shared>>) dst(%dma_wait3A_2440 : memref<1024xf32, #tpu.memory_space<hbm>>)
        tpu.yield
      }) : () -> ()
    } else {
    }
    return
  }
}

module attributes {stable_mosaic.version = 14 : i64} {
  func.func @_thresh_kernel(%arg0: memref<160x128xf32, #tpu.memory_space<vmem>>, %arg1: memref<8x128xi32, #tpu.memory_space<vmem>>) attributes {dimension_semantics = [], scalar_prefetch = 0 : i64, scratch_operands = 0 : i64, tpu.core_type = #tpu.core_type<tc>} {
    %get3A = arith.constant 0 : index
    %get3A_0 = arith.constant 0 : index
    %get3A_1 = vector.load %arg0[%get3A, %get3A_0] : memref<160x128xf32, #tpu.memory_space<vmem>>, vector<160x128xf32>
    %bitcast_convert_type3A = tpu.bitcast %get3A_1 : vector<160x128xf32> -> vector<160x128xi32>
    %scan3A = arith.constant 0 : i32
    %scan3A_2 = arith.constant 2139095040 : i32
    %scan3A_3 = arith.constant 0 : i32
    %scan3A_4 = arith.constant 31 : i32
    %scan3A_5 = arith.addi %scan3A_3, %scan3A_4 : i32
    %scan3A_6 = arith.constant 1 : i32
    %scan3A_7:2 = scf.for %scan3A_10 = %scan3A_3 to %scan3A_5 step %scan3A_6 iter_args(%scan3A_11 = %scan3A, %scan3A_12 = %scan3A_2) -> (i32, i32)  : i32 {
      %sub3A = arith.subi %scan3A_12, %scan3A_11 : i32
      %shift_right_arithmetic3A = arith.constant 1 : i32
      %shift_right_arithmetic3A_13 = arith.shrsi %sub3A, %shift_right_arithmetic3A : i32
      %add3A = arith.addi %scan3A_11, %shift_right_arithmetic3A_13 : i32
      %ge3A = vector.broadcast %add3A : i32 to vector<160x128xi32>
      %ge3A_14 = arith.cmpi sge, %bitcast_convert_type3A, %ge3A : vector<160x128xi32>
      %convert_element_type3A = arith.extui %ge3A_14 : vector<160x128xi1> to vector<160x128xi32>
      %reduce_sum3A = vector.shape_cast %convert_element_type3A : vector<160x128xi32> to vector<1x160x128xi32>
      %reduce_sum3A_15 = arith.constant dense<0> : vector<1xi32>
      %reduce_sum3A_16 = vector.multi_reduction <add>, %reduce_sum3A, %reduce_sum3A_15 [1, 2] : vector<1x160x128xi32> to vector<1xi32>
      %reduce_sum3A_17 = vector.shape_cast %reduce_sum3A_16 : vector<1xi32> to vector<1x1x1xi32>
      %reduce_sum3A_18 = vector.extract %reduce_sum3A_17[0, 0, 0] : i32 from vector<1x1x1xi32>
      %ge3A_19 = arith.constant 1000 : i32
      %ge3A_20 = arith.cmpi sge, %reduce_sum3A_18, %ge3A_19 : i32
      %select_n3A = arith.select %ge3A_20, %add3A, %scan3A_11 : i32
      %select_n3A_21 = arith.select %ge3A_20, %scan3A_12, %add3A : i32
      scf.yield %select_n3A, %select_n3A_21 : i32, i32
    }
    %broadcast_in_dim3A = vector.broadcast %scan3A_7#0 : i32 to vector<8x128xi32>
    %swap3A = arith.constant 0 : index
    %swap3A_8 = arith.constant 0 : index
    %swap3A_9 = vector.load %arg1[%swap3A, %swap3A_8] : memref<8x128xi32, #tpu.memory_space<vmem>>, vector<8x128xi32>
    tpu.vector_store %arg1[%swap3A, %swap3A_8], %broadcast_in_dim3A {strides = array<i32>} : memref<8x128xi32, #tpu.memory_space<vmem>>, vector<8x128xi32>,
    return
  }
}

module attributes {stable_mosaic.version = 14 : i64} {
  func.func @_nms_kernel(%arg0: memref<8x128xf32, #tpu.memory_space<vmem>>, %arg1: memref<8x128xf32, #tpu.memory_space<vmem>>, %arg2: memref<8x128xf32, #tpu.memory_space<vmem>>, %arg3: memref<8x128xf32, #tpu.memory_space<vmem>>, %arg4: memref<8x128xf32, #tpu.memory_space<vmem>>, %arg5: memref<1024xf32, #tpu.memory_space<smem>>, %arg6: memref<1024xf32, #tpu.memory_space<smem>>, %arg7: memref<1024xf32, #tpu.memory_space<smem>>, %arg8: memref<1024xf32, #tpu.memory_space<smem>>, %arg9: memref<1024xf32, #tpu.memory_space<smem>>, %arg10: memref<304x8xf32, #tpu.memory_space<vmem>>) attributes {dimension_semantics = [], scalar_prefetch = 0 : i64, scratch_operands = 0 : i64, tpu.core_type = #tpu.core_type<tc>} {
    %get3A = arith.constant 0 : index
    %get3A_0 = arith.constant 0 : index
    %get3A_1 = vector.load %arg0[%get3A, %get3A_0] : memref<8x128xf32, #tpu.memory_space<vmem>>, vector<8x128xf32>
    %get3A_2 = arith.constant 0 : index
    %get3A_3 = arith.constant 0 : index
    %get3A_4 = vector.load %arg1[%get3A_2, %get3A_3] : memref<8x128xf32, #tpu.memory_space<vmem>>, vector<8x128xf32>
    %get3A_5 = arith.constant 0 : index
    %get3A_6 = arith.constant 0 : index
    %get3A_7 = vector.load %arg2[%get3A_5, %get3A_6] : memref<8x128xf32, #tpu.memory_space<vmem>>, vector<8x128xf32>
    %get3A_8 = arith.constant 0 : index
    %get3A_9 = arith.constant 0 : index
    %get3A_10 = vector.load %arg3[%get3A_8, %get3A_9] : memref<8x128xf32, #tpu.memory_space<vmem>>, vector<8x128xf32>
    %get3A_11 = arith.constant 0 : index
    %get3A_12 = arith.constant 0 : index
    %get3A_13 = vector.load %arg4[%get3A_11, %get3A_12] : memref<8x128xf32, #tpu.memory_space<vmem>>, vector<8x128xf32>
    %gt3A = arith.constant 5.000000e-02 : f32
    %gt3A_14 = vector.broadcast %gt3A : f32 to vector<8x128xf32>
    %gt3A_15 = arith.cmpf ogt, %get3A_13, %gt3A_14 : vector<8x128xf32>
    %jit3A = arith.constant -1.000000e+00 : f32
    %broadcast_in_dim3A = vector.broadcast %jit3A : f32 to vector<8x128xf32>
    %select_n3A = arith.select %gt3A_15, %get3A_13, %broadcast_in_dim3A : vector<8x128xi1>, vector<8x128xf32>
    %sub3A = arith.subf %get3A_7, %get3A_1 : vector<8x128xf32>
    %sub3A_16 = arith.subf %get3A_10, %get3A_4 : vector<8x128xf32>
    %mul3A = arith.mulf %sub3A, %sub3A_16 : vector<8x128xf32>
    %iota3A = tpu.iota {dimensions = array<i32: 0>} : vector<8x128xi32>
    %iota3A_17 = tpu.iota {dimensions = array<i32: 1>} : vector<8x128xi32>
    %mul3A_18 = arith.constant 128 : i32
    %mul3A_19 = vector.broadcast %mul3A_18 : i32 to vector<8x128xi32>
    %mul3A_20 = arith.muli %iota3A, %mul3A_19 : vector<8x128xi32>
    %add3A = arith.addi %mul3A_20, %iota3A_17 : vector<8x128xi32>
    %convert_element_type3A = arith.sitofp %add3A : vector<8x128xi32> to vector<8x128xf32>
    %iota3A_21 = tpu.iota {dimensions = array<i32: 1>} : vector<1x8xi32>
    %scan3A = arith.constant 1.023000e+03 : f32
    %scan3A_22 = arith.constant 0 : i32
    %scan3A_23 = arith.constant 300 : i32
    %scan3A_24 = arith.addi %scan3A_22, %scan3A_23 : i32
    %scan3A_25 = arith.constant 1 : i32
    %scan3A_26 = scf.for %scan3A_28 = %scan3A_22 to %scan3A_24 step %scan3A_25 iter_args(%scan3A_29 = %select_n3A) -> (vector<8x128xf32>)  : i32 {
      %reduce_max3A = arith.constant dense<0xFF800000> : vector<8xf32>
      %reduce_max3A_30 = vector.multi_reduction <maximumf>, %scan3A_29, %reduce_max3A [1] : vector<8x128xf32> to vector<8xf32>
      %broadcast_in_dim3A_31 = vector.shape_cast %reduce_max3A_30 : vector<8xf32> to vector<8x1xf32>
      %reduce_max3A_32 = arith.constant dense<0xFF800000> : vector<1xf32>
      %reduce_max3A_33 = vector.multi_reduction <maximumf>, %broadcast_in_dim3A_31, %reduce_max3A_32 [0] : vector<8x1xf32> to vector<1xf32>
      %broadcast_in_dim3A_34 = vector.shape_cast %reduce_max3A_33 : vector<1xf32> to vector<1x1xf32>
      %eq3A = vector.broadcast %broadcast_in_dim3A_34 : vector<1x1xf32> to vector<8x128xf32>
      %eq3A_35 = arith.cmpf oeq, %scan3A_29, %eq3A : vector<8x128xf32>
      %gt3A_36 = arith.constant 0.000000e+00 : f32
      %gt3A_37 = vector.broadcast %gt3A_36 : f32 to vector<1x1xf32>
      %gt3A_38 = arith.cmpf ogt, %broadcast_in_dim3A_34, %gt3A_37 : vector<1x1xf32>
      %and3A = vector.broadcast %gt3A_38 : vector<1x1xi1> to vector<8x128xi1>
      %and3A_39 = arith.andi %eq3A_35, %and3A : vector<8x128xi1>
      %broadcast_in_dim3A_40 = vector.broadcast %scan3A : f32 to vector<8x128xf32>
      %select_n3A_41 = arith.select %and3A_39, %convert_element_type3A, %broadcast_in_dim3A_40 : vector<8x128xi1>, vector<8x128xf32>
      %reduce_min3A = arith.constant dense<0x7F800000> : vector<8xf32>
      %reduce_min3A_42 = vector.multi_reduction <minimumf>, %select_n3A_41, %reduce_min3A [1] : vector<8x128xf32> to vector<8xf32>
      %broadcast_in_dim3A_43 = vector.shape_cast %reduce_min3A_42 : vector<8xf32> to vector<8x1xf32>
      %reduce_min3A_44 = arith.constant dense<0x7F800000> : vector<1xf32>
      %reduce_min3A_45 = vector.multi_reduction <minimumf>, %broadcast_in_dim3A_43, %reduce_min3A_44 [0] : vector<8x1xf32> to vector<1xf32>
      %broadcast_in_dim3A_46 = vector.shape_cast %reduce_min3A_45 : vector<1xf32> to vector<1x1xf32>
      %squeeze3A = vector.extract %broadcast_in_dim3A_46[0, 0] : f32 from vector<1x1xf32>
      %convert_element_type3A_47 = arith.fptosi %squeeze3A : f32 to i32
      %get3A_48 = arith.index_cast %convert_element_type3A_47 : i32 to index
      %get3A_49 = memref.load %arg5[%get3A_48] : memref<1024xf32, #tpu.memory_space<smem>>
      %get3A_50 = arith.index_cast %convert_element_type3A_47 : i32 to index
      %get3A_51 = memref.load %arg6[%get3A_50] : memref<1024xf32, #tpu.memory_space<smem>>
      %get3A_52 = arith.index_cast %convert_element_type3A_47 : i32 to index
      %get3A_53 = memref.load %arg7[%get3A_52] : memref<1024xf32, #tpu.memory_space<smem>>
      %get3A_54 = arith.index_cast %convert_element_type3A_47 : i32 to index
      %get3A_55 = memref.load %arg8[%get3A_54] : memref<1024xf32, #tpu.memory_space<smem>>
      %get3A_56 = arith.index_cast %convert_element_type3A_47 : i32 to index
      %get3A_57 = memref.load %arg9[%get3A_56] : memref<1024xf32, #tpu.memory_space<smem>>
      %max3A = vector.broadcast %get3A_49 : f32 to vector<8x128xf32>
      %max3A_58 = arith.maximumf %max3A, %get3A_1 : vector<8x128xf32>
      %max3A_59 = vector.broadcast %get3A_51 : f32 to vector<8x128xf32>
      %max3A_60 = arith.maximumf %max3A_59, %get3A_4 : vector<8x128xf32>
      %min3A = vector.broadcast %get3A_53 : f32 to vector<8x128xf32>
      %min3A_61 = arith.minimumf %min3A, %get3A_7 : vector<8x128xf32>
      %min3A_62 = vector.broadcast %get3A_55 : f32 to vector<8x128xf32>
      %min3A_63 = arith.minimumf %min3A_62, %get3A_10 : vector<8x128xf32>
      %sub3A_64 = arith.subf %min3A_61, %max3A_58 : vector<8x128xf32>
      %max3A_65 = arith.constant 0.000000e+00 : f32
      %max3A_66 = vector.broadcast %max3A_65 : f32 to vector<8x128xf32>
      %max3A_67 = arith.maximumf %sub3A_64, %max3A_66 : vector<8x128xf32>
      %sub3A_68 = arith.subf %min3A_63, %max3A_60 : vector<8x128xf32>
      %max3A_69 = arith.constant 0.000000e+00 : f32
      %max3A_70 = vector.broadcast %max3A_69 : f32 to vector<8x128xf32>
      %max3A_71 = arith.maximumf %sub3A_68, %max3A_70 : vector<8x128xf32>
      %mul3A_72 = arith.mulf %max3A_67, %max3A_71 : vector<8x128xf32>
      %sub3A_73 = arith.subf %get3A_53, %get3A_49 : f32
      %sub3A_74 = arith.subf %get3A_55, %get3A_51 : f32
      %mul3A_75 = arith.mulf %sub3A_73, %sub3A_74 : f32
      %add3A_76 = vector.broadcast %mul3A_75 : f32 to vector<8x128xf32>
      %add3A_77 = arith.addf %add3A_76, %mul3A : vector<8x128xf32>
      %sub3A_78 = arith.subf %add3A_77, %mul3A_72 : vector<8x128xf32>
      %add3A_79 = arith.constant 9.99999971E-10 : f32
      %add3A_80 = vector.broadcast %add3A_79 : f32 to vector<8x128xf32>
      %add3A_81 = arith.addf %sub3A_78, %add3A_80 : vector<8x128xf32>
      %mul3A_82 = arith.constant 2.000000e+00 : f32
      %mul3A_83 = vector.broadcast %mul3A_82 : f32 to vector<8x128xf32>
      %mul3A_84 = arith.mulf %mul3A_83, %mul3A_72 : vector<8x128xf32>
      %lt3A = arith.cmpf olt, %mul3A_84, %add3A_81 : vector<8x128xf32>
      %jit3A_85 = arith.constant -1.000000e+00 : f32
      %broadcast_in_dim3A_86 = vector.broadcast %jit3A_85 : f32 to vector<8x128xf32>
      %select_n3A_87 = arith.select %lt3A, %scan3A_29, %broadcast_in_dim3A_86 : vector<8x128xi1>, vector<8x128xf32>
      %eq3A_88 = arith.constant 0 : i32
      %eq3A_89 = vector.broadcast %eq3A_88 : i32 to vector<1x8xi32>
      %eq3A_90 = arith.cmpi eq, %iota3A_21, %eq3A_89 : vector<1x8xi32>
      %jit3A_91 = arith.constant 0.000000e+00 : f32
      %broadcast_in_dim3A_92 = vector.broadcast %get3A_49 : f32 to vector<1x8xf32>
      %broadcast_in_dim3A_93 = vector.broadcast %jit3A_91 : f32 to vector<1x8xf32>
      %select_n3A_94 = arith.select %eq3A_90, %broadcast_in_dim3A_92, %broadcast_in_dim3A_93 : vector<1x8xi1>, vector<1x8xf32>
      %eq3A_95 = arith.constant 1 : i32
      %eq3A_96 = vector.broadcast %eq3A_95 : i32 to vector<1x8xi32>
      %eq3A_97 = arith.cmpi eq, %iota3A_21, %eq3A_96 : vector<1x8xi32>
      %broadcast_in_dim3A_98 = vector.broadcast %get3A_51 : f32 to vector<1x8xf32>
      %select_n3A_99 = arith.select %eq3A_97, %broadcast_in_dim3A_98, %select_n3A_94 : vector<1x8xi1>, vector<1x8xf32>
      %eq3A_100 = arith.constant 2 : i32
      %eq3A_101 = vector.broadcast %eq3A_100 : i32 to vector<1x8xi32>
      %eq3A_102 = arith.cmpi eq, %iota3A_21, %eq3A_101 : vector<1x8xi32>
      %broadcast_in_dim3A_103 = vector.broadcast %get3A_53 : f32 to vector<1x8xf32>
      %select_n3A_104 = arith.select %eq3A_102, %broadcast_in_dim3A_103, %select_n3A_99 : vector<1x8xi1>, vector<1x8xf32>
      %eq3A_105 = arith.constant 3 : i32
      %eq3A_106 = vector.broadcast %eq3A_105 : i32 to vector<1x8xi32>
      %eq3A_107 = arith.cmpi eq, %iota3A_21, %eq3A_106 : vector<1x8xi32>
      %broadcast_in_dim3A_108 = vector.broadcast %get3A_55 : f32 to vector<1x8xf32>
      %select_n3A_109 = arith.select %eq3A_107, %broadcast_in_dim3A_108, %select_n3A_104 : vector<1x8xi1>, vector<1x8xf32>
      %eq3A_110 = arith.constant 4 : i32
      %eq3A_111 = vector.broadcast %eq3A_110 : i32 to vector<1x8xi32>
      %eq3A_112 = arith.cmpi eq, %iota3A_21, %eq3A_111 : vector<1x8xi32>
      %broadcast_in_dim3A_113 = vector.broadcast %get3A_57 : f32 to vector<1x8xf32>
      %select_n3A_114 = arith.select %eq3A_112, %broadcast_in_dim3A_113, %select_n3A_109 : vector<1x8xi1>, vector<1x8xf32>
      %swap3A = arith.index_cast %scan3A_28 : i32 to index
      %swap3A_115 = arith.constant 0 : index
      %swap3A_116 = vector.load %arg10[%swap3A, %swap3A_115] : memref<304x8xf32, #tpu.memory_space<vmem>>, vector<1x8xf32>
      tpu.vector_store %arg10[%swap3A, %swap3A_115], %select_n3A_114 {strides = array<i32>} : memref<304x8xf32, #tpu.memory_space<vmem>>, vector<1x8xf32>,
      scf.yield %select_n3A_87 : vector<8x128xf32>
    }
    %scan3A_27 = arith.constant 300 : i32
    return
  }
}

</mosaic_0001>

<sc_bundles>
// kernel: kernel.5.cloned.1.call-start
scs
__scs_entry_jumppad:
0x0: {  	(pc) =	sbr.rel $0x88, $3  }
0x1: {  	(tag) =	ssettag $0x0;
	lr =	simm.s32 $0x1  }
0x2: {  	[smem:$0x3F9F] =	sst lr;
	_ =	strace $0xD0000000  }
0x3: {  	_ = 	snop  }
0x4: {  	_ = 	snop  }
0x5: {  	_ = 	snop  }
0x6: {  	_ = 	snop  }
0x7: {  	_ = 	snop  }
__scs_overlays_trampoline_lowered:
0x8: {  	[smem:$0x3FAE] =	sst s0  }
0x9: {  	[smem:$0x3FAF] =	sst s1  }
0xa: {  	[smem:$0x3FB0] =	sst s2  }
0xb: {  	[smem:$0x3FB1] =	sst s3  }
0xc: {  	[smem:$0x3FB2] =	sst s4  }
0xd: {  	[smem:$0x3FB3] =	sst s5  }
0xe: {  	[smem:$0x3FB4] =	sst s6  }
0xf: {  	[smem:$0x3FB5] =	sst s7  }
0x10: {  	[smem:$0x3FB6] =	sst s8  }
0x11: {  	[smem:$0x3FB7] =	sst s9;
	s0 =	simm.s32 @!p0 $0x0  }
0x12: {  	s1 =	sld [smem:$0x3F9D];
	s0 =	simm.s32 @p0 $0x1  }
0x13: {  	[smem:$0x3FB8] =	sst s0;
	s0 =	simm.s32 @!p1 $0x0  }
0x14: {  	s2 =	sld [smem:$0x3F9C];
	s0 =	simm.s32 @p1 $0x1  }
0x15: {  	[smem:$0x3FB9] =	sst s0;
	s0 =	simm.s32 @!p2 $0x0  }
0x16: {  	s3 =	sld [smem:$0x3FDB];
	s0 =	simm.s32 @p2 $0x1  }
0x17: {  	s4 =	simm.s32 $0x1BF5;
	[smem:$0x3FBB] =	sst s0  }
0x18: {  	s0 =	sld [smem:$0x3F9E];
	_ =	swait.ge [sflag:s4], $0x0  }
0x19: {  	s7 =	sld [smem:$0x3F9F]  }
0x1a: {  	s8 =	sadd.s32 $0xFFFFE003, lr  }
0x1b: {  	s9 =	sadd.s32 $0xFFFFFEF7, lr;
	s5 =	simm.s32 $0xFFFFFFFF;
	p2 =	slt.u32 s8, $0xFFFFF086  }
0x1c: {  	p1 =	slt.u32 s9, $0xF7A;
	s5 =	simm.s32 @!p2 $0x0  }
0x1d: {  	s5 =	simm.s32 @p1 $0x1;
	p0 =	seq.s32 s7, s2  }
0x1e: {  	s7 =	smul.u32 @!p0 $0xF7A, s2;
	p2 =	seq.s32 @!p0 s5, $0x0  }
0x1f: {  	s9 =	smul.u32 $0xF7A, s1;
	s8 =	simm.s32 @!p0 $0x1BF5;
	p2 =	por !p2, p0  }
0x20: {  	[sflag:s8] =	ssyncset.s32 @!p0 $0xFFFFF086;
	s6 =	sadd.s32 @!p0 s3, s7;
	s7 =	simm.s32 @!p0 $0x108  }
0x21: {  	s3 =	sadd.s32 s3, s9;
	s6 =	sadd.s32 @!p0 $0x88, s6;
	s7 =	simm.s32 @p2 $0x1082  }
0x22: {  	[simem:s7], [sflag:s8] =	dma.local @!p0 [hbm:s6], $0xF7A  }
0x23: {  	s9 =	sor.u32 $0xD0000000, s2;
	s6 =	simm.s32 $0x108;
	_ =	swait.ge @!p0 [sflag:s8], $0x0  }
0x24: {  	s3 =	sadd.s32 $0x88, s3;
	s6 =	simm.s32 @!p1 $0x1082;
	[sflag:s4] =	ssyncset.s32 $0xFFFFF086  }
0x25: {  	[simem:s6], [sflag:s4] =	dma.local [hbm:s3], $0xF7A  }
0x26: {  	[smem:$0x3F9F] =	sst s1;
	(tag) =	ssettag s2;
	_ =	strace s9  }
0x27: {  	s1 =	sld [smem:$0x3FAF]  }
0x28: {  	s2 =	sld [smem:$0x3FB0]  }
0x29: {  	s4 =	sld [smem:$0x3FB2]  }
0x2a: {  	p0 =	seq.s32 s5, $0x0;
	s5 =	sld [smem:$0x3FB3]  }
0x2b: {  	s6 =	sld [smem:$0x3FB4]  }
0x2c: {  	s7 =	sld [smem:$0x3FB5]  }
0x2d: {  	s3 =	simm.s32 $0x108;
	s8 =	sld [smem:$0x3FB6]  }
0x2e: {  	s3 =	simm.s32 @!p0 $0x1082;
	s9 =	sld [smem:$0x3FB7]  }
0x2f: {  	lr =	sadd.s32 s0, s3;
	s0 =	sld [smem:$0x3FAE]  }
0x30: {  	s3 =	sld [smem:$0x3FB1]  }
0x31: {  	[smem:$0x3FBA] =	sst s10  }
0x32: {  	s10 =	sld [smem:$0x3FB8];
	_ =	sdelay $0x3  }
0x33: {  	p0 =	seq.s32 s10, $0x1;
	s10 =	sld [smem:$0x3FBA];
	_ =	sdelay $0x3  }
0x34: {  	[smem:$0x3FBA] =	sst s10  }
0x35: {  	s10 =	sld [smem:$0x3FB9];
	_ =	sdelay $0x3  }
0x36: {  	p1 =	seq.s32 s10, $0x1;
	s10 =	sld [smem:$0x3FBA];
	_ =	sdelay $0x3  }
0x37: {  	[smem:$0x3FBA] =	sst s10  }
0x38: {  	s10 =	sld [smem:$0x3FBB]  }
0x39: {  	_ = 	snop;
	(pc) =	sbr.ind lr, $3  }
0x3a: {  	_ = 	snop  }
0x3b: {  	_ = 	snop  }
0x3c: {  	p2 =	seq.s32 s10, $0x1;
	s10 =	sld [smem:$0x3FBA]  }
0x3d: {  	_ =	shalt  }
0x3e: {  	_ =	shalt  }
0x3f: {  	_ =	shalt  }
0x40: {  	_ =	shalt  }
0x41: {  	_ =	shalt  }
0x42: {  	_ =	shalt  }
0x43: {  	_ =	shalt  }
0x44: {  	_ =	shalt  }
0x45: {  	_ =	shalt  }
0x46: {  	_ =	shalt  }
0x47: {  	_ =	shalt  }
0x48: {  	_ =	shalt  }
0x49: {  	_ =	shalt  }
0x4a: {  	_ =	shalt  }
0x4b: {  	_ =	shalt  }
0x4c: {  	_ =	shalt  }
0x4d: {  	_ =	shalt  }
0x4e: {  	_ =	shalt  }
0x4f: {  	_ =	shalt  }
0x50: {  	_ =	shalt  }
0x51: {  	_ =	shalt  }
0x52: {  	_ =	shalt  }
0x53: {  	_ =	shalt  }
0x54: {  	_ =	shalt  }
0x55: {  	_ =	shalt  }
0x56: {  	_ =	shalt  }
0x57: {  	_ =	shalt  }
0x58: {  	_ =	shalt  }
0x59: {  	_ =	shalt  }
0x5a: {  	_ =	shalt  }
0x5b: {  	_ =	shalt  }
0x5c: {  	_ =	shalt  }
0x5d: {  	_ =	shalt  }
0x5e: {  	_ =	shalt  }
0x5f: {  	_ =	shalt  }
0x60: {  	_ =	shalt  }
0x61: {  	_ =	shalt  }
0x62: {  	_ =	shalt  }
0x63: {  	_ =	shalt  }
0x64: {  	_ =	shalt  }
0x65: {  	_ =	shalt  }
0x66: {  	_ =	shalt  }
0x67: {  	_ =	shalt  }
0x68: {  	_ =	shalt  }
0x69: {  	_ =	shalt  }
0x6a: {  	_ =	shalt  }
0x6b: {  	_ =	shalt  }
0x6c: {  	_ =	shalt  }
0x6d: {  	_ =	shalt  }
0x6e: {  	_ =	shalt  }
0x6f: {  	_ =	shalt  }
0x70: {  	_ =	shalt  }
0x71: {  	_ =	shalt  }
0x72: {  	_ =	shalt  }
0x73: {  	_ =	shalt  }
0x74: {  	_ =	shalt  }
0x75: {  	_ =	shalt  }
0x76: {  	_ =	shalt  }
0x77: {  	_ =	shalt  }
0x78: {  	_ =	shalt  }
0x79: {  	_ =	shalt  }
0x7a: {  	_ =	shalt  }
0x7b: {  	_ =	shalt  }
0x7c: {  	_ =	shalt  }
0x7d: {  	_ =	shalt  }
0x7e: {  	_ =	shalt  }
0x7f: {  	_ =	shalt  }
0x80: {  	_ =	shalt  }
0x81: {  	_ =	shalt  }
0x82: {  	_ =	shalt  }
0x83: {  	_ =	shalt  }
0x84: {  	_ =	shalt  }
0x85: {  	_ =	shalt  }
0x86: {  	_ =	shalt  }
0x87: {  	_ =	shalt  }
.Lfunc_end0:
.L_simem_size_0:
called_computation_lowered:
.L_overlay_start_0:
0x88: {  	s0 =	sld [smem:$0x3FD9]  }
0x89: {  	s1 =	sld [smem:$0x3FFE];
	_ =	sdelay $0x3  }
0x8a: {  	s0 =	sadd.s32 s1, s0  }
0x8b: {  	[smem:$0x3FC6] =	sst s0  }
0x8c: {  	_ = 	snop  }
0x8d: {  	s0 =	sld [smem:$0x3FD0];
	(tm) =	ssettm $0x1  }
0x8e: {  	s16 =	sld [smem:$0x3FFB];
	_ =	sdelay $0x3  }
0x8f: {  	_ =	strace s16  }
0x90: {  	s1 =	sld [smem:$0x3FFC];
	_ =	sdelay $0x3  }
0x91: {  	_ =	strace s1  }
0x92: {  	s1 =	sld [smem:$0x3FFD];
	_ =	sdelay $0x3  }
0x93: {  	_ =	strace s1  }
0x94: {  	_ =	strace $0x8FFFFFFF  }
0x95: {  	s17 =	sld [smem:$0x3FDB];
	_ =	sdelay $0x1  }
0x96: {  	s2 =	simm.s32 $_scs_section_size  }
0x97: {  	s3 =	simm.s32 $_size__tile_overlayer_lowered;
	s4 =	simm.s32 $_tile_overlayer_lowered  }
0x98: {  	s20 =	simm.s32 $0x1BFF;
	s19 =	sshll.u32 s4, $0x1;
	s1 =	sadd.s32 s2, s17  }
0x99: {  	s5 =	simm.s32 $0x0;
	s18 =	sshll.u32 s3, $0x1;
	s3 =	sadd.s32 s19, s1  }
0x9a: {  	[timem:s5], [sflag:s20] =	dma.local [hbm:s3], s18  }
0x9b: {  	_ =	swait.ge [sflag:s20], s18  }
0x9c: {  	s2 =	ssub.s32 $0x0, s18;
	[sflag:s20] =	ssyncset.done $0x0  }
0x9d: {  	[sflag:s20] =	ssyncadd.s32 s2;
	_ =	sdelay $0x1  }
0x9e: {  	s21 =	simm.s32 $0x1B8B  }
0x9f: {  	_ =	swait.ge [sflag:s21], $0x1  }
0xa0: {  	[sflag:s21] =	ssyncset.done $0x0  }
0xa1: {  	s23 =	simm.s32 $0x1B8E;
	s22 =	sld [smem:$0x3FFE];
	[sflag:s21] =	ssyncadd.s32 $0xFFFFFFFF  }
0xa2: {  	s24 =	simm.s32 $execute0_lowered;
	[smem:$0x3FD2] =	sst s23  }
0xa3: {  	s3 =	sshll.u32 s24, $0x1;
	_ =	strace $0x80000046;
	[dreg:$0x1] =	wrdreg $0xFFFFFFFF  }
0xa4: {  	s25 =	simm.s32 $_size_execute0_lowered;
	s1 =	sadd.s32 s1, s3;
	[dreg:$0x0] =	wrdreg $0x0  }
0xa5: {  	s3 =	sshll.u32 s25, $0x1;
	[dreg:$0x2] =	wrdreg s1  }
0xa6: {  	[dreg:$0x3] =	wrdreg s3  }
0xa7: {  	[dreg:$0x4] =	wrdreg $0xC0  }
0xa8: {  	_ =	task [dreg:s5], $0x5FFFF  }
0xa9: {  	[dreg:$0x1] =	wrdreg $0xFFFFFFFF  }
0xaa: {  	[dreg:$0x0] =	wrdreg $0x60  }
0xab: {  	[dreg:$0x2] =	wrdreg s22  }
0xac: {  	[dreg:$0x3] =	wrdreg s0  }
0xad: {  	[dreg:$0x4] =	wrdreg $0x2C000  }
0xae: {  	[dreg:$0x5] =	wrdreg $0x2C900  }
0xaf: {  	[dreg:$0x6] =	wrdreg $0x2D200  }
0xb0: {  	[dreg:$0x7] =	wrdreg $0x2DB00  }
0xb1: {  	[dreg:$0x8] =	wrdreg $0x2E400  }
0xb2: {  	[dreg:$0x9] =	wrdreg $0x2ED00  }
0xb3: {  	[dreg:$0xa] =	wrdreg $0x9  }
0xb4: {  	_ =	task.clear_ibuf [dreg:s5], $0xBFFFF;
	_ =	strace $0x90000046  }
0xb5: {  	s26 =	simm.s32 $0x9;
	_ =	strace $0x80000048  }
0xb6: {  	_ =	swait.ge [sflag:s26], $0x1  }
0xb7: {  	[sflag:s26] =	ssyncadd.s32 $0xFFFFFFFF  }
0xb8: {  	_ =	strace $0x90000048  }
0xb9: {  	_ =	sfence  }
0xba: {  	s28 =	sld [smem:$0x0];
	_ =	sdelay $0x1  }
0xbb: {  	s29 =	srdreg.scid  }
0xbc: {  	s30 =	sshll.u32 s29, $0xD;
	s31 =	sshrl.u32 s29, $0x2  }
0xbd: {  	s2 =	sand.u32 $0x4000, s30;
	s1 =	sand.u32 $0x1, s29;
	s0 =	sadd.s32 s31, s28  }
0xbe: {  	s1 =	sor.u32 s2, s1;
	s0 =	sshll.u32 s0, $0x11  }
0xbf: {  	s0 =	sor.u32 s0, s1  }
0xc0: {  	s0 =	sadd.s32 $0x8F2B, s0  }
0xc1: {  	[sflag:s0] =	ssyncadd.remote.s32 $0x1  }
0xc2: {  	_ =	sfence.sel $0xFFFF  }
0xc3: {  	[dreg:$0x0] =	wrdreg $0xFFFFFFFF;
	(pc) =	sbr.abs _section_cstart, $3  }
0xc4: {  	[dreg:$0x1] =	wrdreg $0xFFFFFFFF  }
0xc5: {  	_ =	task.clear_ibuf [dreg:s5], $0x2FFFF;
	_ =	strace $0x9FFFFFFF  }
0xc6: {  	(tm) =	ssettm $0x7FFFFFFF  }
0xc7: {  	_ =	shalt  }
tec
execute0_lowered:
.L_overlay_start_1:
0x0: {  	(tag) =	ssettag $0x1  }
0x1: {  	s8 =	rddreg [dreg:$0x0]  }
0x2: {  	s6 =	rddreg [dreg:$0x1]  }
0x3: {  	s7 =	rddreg [dreg:$0x2]  }
0x4: {  	s5 =	rddreg [dreg:$0x3]  }
0x5: {  	s4 =	rddreg [dreg:$0x4]  }
0x6: {  	s3 =	rddreg [dreg:$0x5]  }
0x7: {  	s2 =	rddreg [dreg:$0x6];
	s0 =	stileid.u32  }
0x8: {  	s12 =	rddreg [dreg:$0x7];
	s9 =	smul.u32 $0xA0, s0  }
0x9: {  	s1 =	rddreg [dreg:$0x8];
	s10 =	simm.s32 $0x0  }
0xa: {  	[smem:$0x7FF] =	sst s10;
	s9 =	sadd.s32 s8, s9  }
0xb: {  	s24 =	simm.s32 $0x2;
	_ =	strace $0x80000047;
	s11 =	sadd.s32 $0x2800, s9  }
0xc: {  	[tilespmem:s10], [sflag:$0x2] =	stream.linear.gather [hbm4b:s11+s10], $0x500, $0x38;
	[tilespmem:$0x2EE0] =	vst v63  }
0xd: {  	_ =	swait.ge [sflag:s24], $0x500  }
0xe: {  	[sflag:s24] =	ssyncset.done $0x0  }
0xf: {  	s13 =	simm.s32 $0x500;
	[sflag:s24] =	ssyncadd.s32 $0xFFFFFB00  }
0x10: {  	[tilespmem:s13], [sflag:$0x2] =	stream.linear.gather [hbm4b:s9+s10], $0x500, $0x38;
	[tilespmem:$0x2EE0] =	vst v63  }
0x11: {  	_ =	swait.ge [sflag:s24], $0x500  }
0x12: {  	[sflag:s24] =	ssyncset.done $0x0  }
0x13: {  	s14 =	simm.s32 $0xA00;
	s25 =	sadd.s32 $0xA00, s9;
	[sflag:s24] =	ssyncadd.s32 $0xFFFFFB00  }
0x14: {  	[tilespmem:s14], [sflag:$0x2] =	stream.linear.gather [hbm4b:s25+s10], $0x500, $0x38;
	[tilespmem:$0x2EE0] =	vst v63  }
0x15: {  	_ =	swait.ge [sflag:s24], $0x500  }
0x16: {  	[sflag:s24] =	ssyncset.done $0x0  }
0x17: {  	s28 =	simm.s32 $0xF00;
	s26 =	sadd.s32 $0x1400, s9;
	[sflag:s24] =	ssyncadd.s32 $0xFFFFFB00  }
0x18: {  	[tilespmem:s28], [sflag:$0x2] =	stream.linear.gather [hbm4b:s26+s10], $0x500, $0x38;
	[tilespmem:$0x2EE0] =	vst v63  }
0x19: {  	_ =	swait.ge [sflag:s24], $0x500  }
0x1a: {  	[sflag:s24] =	ssyncset.done $0x0  }
0x1b: {  	s29 =	simm.s32 $0x1400;
	s9 =	sadd.s32 $0x1E00, s9;
	[sflag:s24] =	ssyncadd.s32 $0xFFFFFB00  }
0x1c: {  	[tilespmem:s29], [sflag:$0x2] =	stream.linear.gather [hbm4b:s9+s10], $0x500, $0x38;
	[tilespmem:$0x2EE0] =	vst v63  }
0x1d: {  	_ =	swait.ge [sflag:s24], $0x500  }
0x1e: {  	s31 =	simm.s32 $0x1900;
	[sflag:s24] =	ssyncset.done $0x0  }
0x1f: {  	s30 =	sadd.s32 $0x3400, s8;
	p0 =	sgt.u32 s0, $0x4;
	[sflag:s24] =	ssyncadd.s32 $0xFFFFFB00  }
0x20: {  	[tilespmem:s31], [sflag:$0x2] =	stream.linear.gather [hbm4b:s30+s10], $0x80, $0x38;
	[tilespmem:$0x2EE0] =	vst v63  }
.Ltmp0:
0x21: {  	_ = 	snop;
	(pc) =	sbr.rel @p0 .LBB2_1-.Ltmp0, $4  }
0x22: {  	_ =	swait.ge [sflag:s24], $0x80  }
0x23: {  	[sflag:s24] =	ssyncset.done $0x0  }
0x24: {  	[sflag:s24] =	ssyncadd.s32 $0xFFFFFF80  }
0x25: {  	v1 =	vld [tilespmem:$0x1900]  }
0x26: {  	v0 =	vimm.f32 $0.0e+00;
	s10 =	simm.s32 $0x40;
	s9 =	simm.s32 $0x0  }
.LBB2_3:
0x27: {  	p0 =	sne.s32 s10, $0xFC0;
	[tilespmem:s9+$0x2800] =	vst v0;
	s9 =	smov.u32 s10;
	s10 =	sadd.s32 $0x40, s10  }
.Ltmp1:
0x28: {  	(pc) =	sbr.rel @p0 .LBB2_3-.Ltmp1, $2  }
0x29: {  	_ =	sdelay $0x2  }
0x2a: {  	s9 =	sshra.s32 s9, $0x2  }
0x2b: {  	p5 =	sgt.s32 s0, $0x1  }
0x2c: {  	p1 =	seq.s32 @p5 s0, $0x2  }
0x2d: {  	p0 =	por p1, !p5  }
0x2e: {  	p0 =	seq.s32 @!p0 s0, $0x3  }
0x2f: {  	p3 =	por @p5 !p0, p1  }
0x30: {  	p2 =	por p3, !p5  }
0x31: {  	s10 =	simm.s32 @!p2 $0x0  }
0x32: {  	s10 =	simm.s32 @p2 $0x1  }
0x33: {  	p0 =	por @p5 p0, p1;
	[smem:$0x7FA] =	sst s10  }
0x34: {  	p4 =	por p0, !p5;
	p6 =	por @!p2 $0x0, $0x0;
	s10 =	sld [smem:$0x7FA]  }
0x35: {  	p3 =	por !p3, !p5;
	p2 =	por @!p4 $0x1, $0x1;
	p0 =	por p6, p6  }
0x36: {  	p0 =	por @!p3 p2, p2  }
0x37: {  	p2 =	por @!p4 $0x0, $0x0;
	p4 =	por !p1, !p5;
	p1 =	seq.s32 s10, $0x1  }
0x38: {  	p1 =	por @!p1 $0x1, $0x1  }
0x39: {  	p1 =	por @!p3 p2, p2  }
0x3a: {  	p6 =	por @!p3 p2, p2;
	s11 =	simm.s32 @!p1 $0x0  }
0x3b: {  	p2 =	por p6, p6;
	s11 =	simm.s32 @p1 $0x1;
	p1 =	por @!p4 $0x1, $0x1  }
0x3c: {  	s30 =	simm.s32 $0x2800;
	s10 =	smov.u32 s2;
	p2 =	por @!p4 p1, p1  }
0x3d: {  	s10 =	smov.u32 @p3 s3;
	[smem:$0x7FB] =	sst s11;
	s11 =	simm.s32 @!p2 $0x0  }
0x3e: {  	p3 =	seq.s32 @!p5 s0, $0x0;
	s11 =	simm.s32 @p2 $0x1;
	p2 =	por @!p4 $0x0, $0x0  }
0x3f: {  	p1 =	por p3, p5;
	s25 =	sld [smem:$0x7FB];
	p0 =	por @!p4 p2, p2  }
0x40: {  	[smem:$0x7FC] =	sst s11;
	s11 =	smov.u32 s4;
	s13 =	simm.s32 @!p0 $0x0  }
0x41: {  	p6 =	por @!p4 p2, p2;
	s11 =	smov.u32 @p4 s10;
	s13 =	simm.s32 @p0 $0x1  }
0x42: {  	s10 =	smov.u32 s7;
	p0 =	seq.s32 s25, $0x1;
	[smem:$0x7FD] =	sst s13  }
0x43: {  	p0 =	por @!p4 p2, p2;
	p2 =	por @!p1 $0x0, $0x0;
	p4 =	por !p3, p5  }
0x44: {  	p3 =	por $0x1, $0x1;
	s13 =	simm.s32 @!p0 $0x0;
	s26 =	sld [smem:$0x7FD]  }
0x45: {  	s10 =	smov.u32 @p4 s5;
	s13 =	simm.s32 @p0 $0x1;
	p0 =	por p2, p2  }
0x46: {  	p2 =	por @!p4 p3, p3;
	p3 =	por @!p1 $0x1, $0x1;
	p1 =	por $0x0, $0x0  }
0x47: {  	[tilespmem:s9+$0x2800] =	vst v0;
	s10 =	smov.u32 @p5 s11;
	p0 =	por @!p4 p1, p1;
	p1 =	por $0x0, $0x0  }
0x48: {  	[spmem:s10] =	stream.linear.scatter [tilespmem:s30], [sflag:$0x2], $0x400, $0x38;
	[tilespmem:$0x2EE0] =	vst v63  }
0x49: {  	p3 =	por @!p4 p1, p1;
	p1 =	seq.s32 s26, $0x1  }
0x4a: {  	s29 =	sld [smem:$0x7FC];
	p1 =	por @!p5 p0, p0  }
0x4b: {  	s31 =	simm.s32 $0x2;
	[smem:$0x7FB] =	sst s13;
	s13 =	simm.s32 @!p1 $0x0  }
.Ltmp2:
0x4c: {  	s28 =	sld [smem:$0x7FB];
	s13 =	simm.s32 @p1 $0x1;
	(pc) =	sbr.rel .LBB2_5-.Ltmp2, $4  }
0x4d: {  	p4 =	por p6, p6;
	p6 =	por @!p5 p3, p3;
	[smem:$0x7FD] =	sst s13  }
0x4e: {  	p4 =	por @!p5 p2, p2;
	p3 =	por p6, p6;
	_ =	swait.ge [sflag:s31], $0x400  }
0x4f: {  	p2 =	seq.s32 s28, $0x1;
	p1 =	seq.s32 s29, $0x1;
	[sflag:s31] =	ssyncset.done $0x0  }
0x50: {  	p1 =	por @!p5 p0, p0;
	p2 =	por @!p5 p0, p0;
	[sflag:s31] =	ssyncadd.s32 $0xFFFFFC00  }
.LBB2_1:
0x51: {  	p0 =	por $0x0, $0x0  }
0x52: {  	s9 =	simm.s32 @!p0 $0x0  }
0x53: {  	p1 =	por $0x0, $0x0;
	p4 =	por $0x0, $0x0;
	s9 =	simm.s32 @p0 $0x1  }
0x54: {  	p3 =	por $0x0, $0x0;
	p2 =	por $0x0, $0x0;
	[smem:$0x7FD] =	sst s9  }
.LBB2_5:
0x55: {  	s11 =	sadd.s32 $0x3600, s8;
	s10 =	sadd.s32 $0x3A00, s8;
	s9 =	sadd.s32 $0x3C00, s8  }
0x56: {  	s8 =	sadd.s32 $0x3800, s8;
	s28 =	sadd.s32 $0x10, s12;
	s26 =	sadd.s32 $0x20, s12  }
0x57: {  	s25 =	sadd.s32 $0x30, s12;
	s13 =	sadd.s32 $0xF0, s12;
	s15 =	sadd.s32 $0xE0, s12  }
0x58: {  	s17 =	sadd.s32 $0xD0, s12;
	s14 =	sadd.s32 $0xC0, s12;
	s16 =	sadd.s32 $0xB0, s12  }
0x59: {  	s19 =	sadd.s32 $0xA0, s12;
	s18 =	sadd.s32 $0x90, s12;
	s20 =	sadd.s32 $0x80, s12  }
0x5a: {  	s21 =	sadd.s32 $0x70, s12;
	s22 =	sadd.s32 $0x60, s12;
	s29 =	simm.s32 $0x0  }
0x5b: {  	s23 =	sadd.s32 $0x50, s12;
	s24 =	sadd.s32 $0x40, s12;
	v0 =	vmov s0;
	v3 =	vimm.s32 $0x0;
	s30 =	simm.s32 $0x40;
	v2 =	vimm.s32 $0x0;
	v4 =	vld [tilespmem:s29+$0x0]  }
.LBB2_6:
0x5c: {  	_ =	sdelay $0x1  }
0x5d: {  	p0 =	sne.s32 s30, $0x13C0  }
.Ltmp3:
0x5e: {  	_ = 	snop;
	(pc) =	sbr.rel @p0 .LBB2_6-.Ltmp3, $4  }
0x5f: {  	vm0 =	vge.f32 v4, v1;
	vm1 =	vgt.f32 v4, $5.000000070e-02  }
0x60: {  	vm0 =	vmand vm0, vm1  }
0x61: {  	s31 =	sshra.s32 s30, $0x2;
	v5 =	vsel vm0, $0x1, v3;
	v6 =	vnsel vm0, $0x100000, v2  }
0x62: {  	s30 =	sadd.s32 $0x40, s30;
	v4 =	vld [tilespmem:s31+$0x0];
	[tilespmem:s29+$0x1980] =	vst v6;
	v2 =	vadd.s32 v5, v2;
	s29 =	smov.u32 s31  }
0x63: {  	_ =	sdelay $0x3  }
0x64: {  	vm0 =	vge.f32 v4, v1;
	vm1 =	vgt.f32 v4, $5.000000070e-02  }
0x65: {  	vm0 =	vmand vm0, vm1  }
0x66: {  	v1 =	vsel vm0, $0x1, v3  }
0x67: {  	v13 =	vadd.s32 v1, v2  }
0x68: {  	(v2sf) =	vpush v13, $0x0  }
0x69: {  	(v2sf) =	vpush v13, $0x1  }
0x6a: {  	(v2sf) =	vpush v13, $0x2  }
0x6b: {  	(v2sf) =	vpush v13, $0x3  }
0x6c: {  	(v2sf) =	vpush v13, $0x4  }
0x6d: {  	(v2sf) =	vpush v13, $0x5  }
0x6e: {  	(v2sf) =	vpush v13, $0x6  }
0x6f: {  	(v2sf) =	vpush v13, $0x7  }
0x70: {  	(v2sf) =	vpush v13, $0x8  }
0x71: {  	(v2sf) =	vpush v13, $0x9  }
0x72: {  	(v2sf) =	vpush v13, $0xA  }
0x73: {  	(v2sf) =	vpush v13, $0xB  }
0x74: {  	(v2sf) =	vpush v13, $0xC  }
0x75: {  	(v2sf) =	vpush v13, $0xD  }
0x76: {  	(v2sf) =	vpush v13, $0xE  }
0x77: {  	s30 =	spop (v2sf);
	(v2sf) =	vpush v13, $0xF  }
0x78: {  	s31 =	spop (v2sf)  }
0x79: {  	s30 =	sadd.s32 s31, s30;
	s31 =	spop (v2sf)  }
0x7a: {  	s30 =	sadd.s32 s31, s30;
	s31 =	spop (v2sf)  }
0x7b: {  	s30 =	sadd.s32 s31, s30;
	s31 =	spop (v2sf)  }
0x7c: {  	s30 =	sadd.s32 s31, s30;
	s31 =	spop (v2sf)  }
0x7d: {  	s30 =	sadd.s32 s31, s30;
	s31 =	spop (v2sf)  }
0x7e: {  	s30 =	sadd.s32 s31, s30;
	s31 =	spop (v2sf)  }
0x7f: {  	s30 =	sadd.s32 s31, s30;
	s31 =	spop (v2sf)  }
0x80: {  	s30 =	sadd.s32 s31, s30;
	s31 =	spop (v2sf)  }
0x81: {  	s30 =	sadd.s32 s31, s30;
	s31 =	spop (v2sf)  }
0x82: {  	s30 =	sadd.s32 s31, s30;
	s31 =	spop (v2sf)  }
0x83: {  	s30 =	sadd.s32 s31, s30;
	s31 =	spop (v2sf)  }
0x84: {  	s30 =	sadd.s32 s31, s30;
	s31 =	spop (v2sf)  }
0x85: {  	s30 =	sadd.s32 s31, s30;
	s31 =	spop (v2sf)  }
0x86: {  	s30 =	sadd.s32 s31, s30;
	s31 =	spop (v2sf)  }
0x87: {  	v1 =	vnsel vm0, $0x100000, v2;
	s30 =	sadd.s32 s31, s30  }
0x88: {  	[tilespmem:s29+$0x1980] =	vst v1;
	v1 =	vmov s30  }
0x89: {  	s29 =	simm.s32 @p4 $0x2680;
	[tilespmem:$0x2680] =	vst v1  }
0x8a: {  	[spmem:s12] =	stream.linear.scatter @p4 [tilespmem:s29], [sflag:$0x2], $0x10, $0x38;
	[tilespmem:$0x2EE0] =	vst v63  }
0x8b: {  	s29 =	simm.s32 @p4 $0x2  }
0x8c: {  	_ =	swait.ge @p4 [sflag:s29], $0x10  }
0x8d: {  	[sflag:s29] =	ssyncset.done @p4 $0x0  }
0x8e: {  	[sflag:s29] =	ssyncadd.s32 @p4 $0xFFFFFFF0;
	s29 =	simm.s32 @p3 $0x2680  }
0x8f: {  	[spmem:s28] =	stream.linear.scatter @p3 [tilespmem:s29], [sflag:$0x2], $0x10, $0x38;
	[tilespmem:$0x2EE0] =	vst v63  }
0x90: {  	s28 =	simm.s32 @p3 $0x2  }
0x91: {  	_ =	swait.ge @p3 [sflag:s28], $0x10  }
0x92: {  	[sflag:s28] =	ssyncset.done @p3 $0x0  }
0x93: {  	[sflag:s28] =	ssyncadd.s32 @p3 $0xFFFFFFF0;
	s28 =	simm.s32 @p1 $0x2680  }
0x94: {  	[spmem:s26] =	stream.linear.scatter @p1 [tilespmem:s28], [sflag:$0x2], $0x10, $0x38;
	[tilespmem:$0x2EE0] =	vst v63  }
0x95: {  	vm15 =	vcmask $0x3F08;
	s26 =	simm.s32 @p1 $0x2  }
0x96: {  	vm4 =	vcmask $0x3F0C;
	vm5 =	vcmask $0x3F10;
	vm6 =	vcmask $0x3F14;
	_ =	swait.ge @p1 [sflag:s26], $0x10  }
0x97: {  	vm7 =	vcmask $0x3F18;
	vm8 =	vcmask $0x3F1C;
	v2 =	vlaneseq.u32;
	[sflag:s26] =	ssyncset.done @p1 $0x0  }
0x98: {  	vm9 =	vcmask $0x3F20;
	vm14 =	veq.s32 v2, $0x0;
	v2 =	vbroadcast v13, $0x1;
	[sflag:s26] =	ssyncadd.s32 @p1 $0xFFFFFFF0;
	s26 =	simm.s32 @p2 $0x2680  }
0x99: {  	vm10 =	vcmask $0x3F24;
	v3 =	vbroadcast v13, $0x2;
	v4 =	vbroadcast v13, $0x3;
	[spmem:s25] =	stream.linear.scatter @p2 [tilespmem:s26], [sflag:$0x2], $0x10, $0x38;
	[tilespmem:$0x2EE0] =	vst v63  }
0x9a: {  	vm11 =	vcmask $0x3F28;
	v5 =	vbroadcast v13, $0x4;
	v6 =	vbroadcast v13, $0x5;
	s25 =	simm.s32 @p2 $0x2  }
0x9b: {  	vm12 =	vcmask $0x3F2C;
	v7 =	vbroadcast v13, $0x6;
	v8 =	vbroadcast v13, $0x7;
	_ =	swait.ge @p2 [sflag:s25], $0x10  }
0x9c: {  	vm13 =	vcmask $0x3F30;
	v9 =	vbroadcast v13, $0x8;
	v10 =	vbroadcast v13, $0x9;
	s31 =	sld [smem:$0x7FD]  }
0x9d: {  	vm2 =	vcmask $0x3F3C;
	v11 =	vbroadcast v13, $0xA;
	v12 =	vbroadcast v13, $0xB  }
0x9e: {  	v14 =	vbroadcast v13, $0xC;
	v16 =	vbroadcast v13, $0xD;
	v2 =	vnsel vm15, $0x0, v2  }
0x9f: {  	v3 =	vnsel vm4, $0x0, v3;
	v4 =	vnsel vm5, $0x0, v4;
	v5 =	vnsel vm6, $0x0, v5;
	p0 =	seq.s32 s31, $0x1  }
.Ltmp4:
0xa0: {  	v6 =	vnsel vm7, $0x0, v6;
	v7 =	vnsel vm8, $0x0, v7;
	v8 =	vnsel vm9, $0x0, v8;
	(pc) =	sbr.rel @!p0 .LBB2_8-.Ltmp4, $4  }
0xa1: {  	v9 =	vnsel vm10, $0x0, v9;
	v10 =	vnsel vm11, $0x0, v10;
	v1 =	vbroadcast v13, $0x0  }
0xa2: {  	v11 =	vnsel vm12, $0x0, v11;
	v12 =	vnsel vm13, $0x0, v12;
	v13 =	vbroadcast v13, $0xE  }
0xa3: {  	vm15 =	vcmask $0x3F38;
	v1 =	vsel vm14, $0x0, v1;
	vm14 =	vcmask $0x3F34;
	[sflag:s25] =	ssyncset.done @p2 $0x0  }
0xa4: {  	v13 =	vnsel vm2, $0x0, v13;
	v15 =	vnsel vm14, $0x0, v14;
	v14 =	vnsel vm15, $0x0, v16;
	[sflag:s25] =	ssyncadd.s32 @p2 $0xFFFFFFF0  }
.LBB2_21:
0xa5: {  	s13 =	simm.s32 $0x2680;
	s31 =	simm.s32 $0x2  }
0xa6: {  	[spmem:s24] =	stream.linear.scatter [tilespmem:s13], [sflag:$0x2], $0x10, $0x38;
	[tilespmem:$0x2EE0] =	vst v63  }
0xa7: {  	_ =	swait.ge [sflag:s31], $0x10  }
0xa8: {  	[sflag:s31] =	ssyncset.done $0x0  }
0xa9: {  	[sflag:s31] =	ssyncadd.s32 $0xFFFFFFF0  }
.LBB2_22:
0xaa: {  	[bflag:$0x0] =	sbarrier.arrive $0xFFFF;
	s13 =	simm.s32 $0x2700;
	s26 =	simm.s32 $0x2  }
0xab: {  	[tilespmem:s13], [sflag:$0x2] =	stream.linear.gather [spmem:s12], $0x100, $0x38;
	[tilespmem:$0x2EE0] =	vst v63  }
0xac: {  	_ =	swait.ge [sflag:s26], $0x100  }
0xad: {  	[sflag:s26] =	ssyncset.done $0x0  }
0xae: {  	[sflag:s26] =	ssyncadd.s32 $0xFFFFFF00  }
0xaf: {  	v45 =	vld [tilespmem:$0x2700]  }
0xb0: {  	v46 =	vld [tilespmem:$0x2710]  }
0xb1: {  	v47 =	vld [tilespmem:$0x2720]  }
0xb2: {  	v48 =	vld [tilespmem:$0x2730]  }
0xb3: {  	v1 =	vadd.s32 v2, v1;
	v49 =	vld [tilespmem:$0x2740]  }
0xb4: {  	v1 =	vadd.s32 v3, v1;
	v50 =	vld [tilespmem:$0x2750]  }
0xb5: {  	v1 =	vadd.s32 v4, v1;
	v51 =	vld [tilespmem:$0x2760]  }
0xb6: {  	v1 =	vadd.s32 v5, v1;
	v53 =	vld [tilespmem:$0x2770]  }
0xb7: {  	v1 =	vadd.s32 v6, v1;
	v55 =	vld [tilespmem:$0x2780]  }
0xb8: {  	v1 =	vadd.s32 v7, v1;
	v57 =	vld [tilespmem:$0x2790]  }
0xb9: {  	v59 =	vld [tilespmem:$0x27A0];
	v1 =	vadd.s32 v8, v1  }
0xba: {  	vm0 =	veq.s32 v0, $0x0;
	vm1 =	vgt.u32 v0, $0x1;
	v61 =	vld [tilespmem:$0x27B0];
	v1 =	vadd.s32 v9, v1  }
0xbb: {  	vm8 =	vgt.u32 v0, $0x2;
	vm9 =	vgt.u32 v0, $0x3;
	v63 =	vld [tilespmem:$0x27C0];
	v1 =	vadd.s32 v10, v1  }
0xbc: {  	vm10 =	vgt.u32 v0, $0x4;
	vm11 =	vgt.u32 v0, $0x5;
	v16 =	vld [tilespmem:$0x1990];
	v1 =	vadd.s32 v11, v1  }
0xbd: {  	vm12 =	vgt.u32 v0, $0x6;
	vm13 =	vgt.u32 v0, $0x7;
	v19 =	vld [tilespmem:$0x19A0];
	v1 =	vadd.s32 v12, v1  }
0xbe: {  	vm14 =	vgt.u32 v0, $0x8;
	vm15 =	vgt.u32 v0, $0x9;
	v20 =	vld [tilespmem:$0x19B0];
	v1 =	vadd.s32 v15, v1  }
0xbf: {  	vm4 =	vgt.u32 v0, $0xA;
	vm5 =	vgt.u32 v0, $0xB;
	v22 =	vld [tilespmem:$0x19C0];
	v1 =	vadd.s32 v14, v1  }
0xc0: {  	vm6 =	vgt.u32 v0, $0xC;
	v24 =	vld [tilespmem:$0x19D0];
	v2 =	vsel vm0, $0x0, v45;
	v1 =	vadd.s32 v13, v1  }
0xc1: {  	vm7 =	vgt.u32 v0, $0xD;
	v26 =	vld [tilespmem:$0x19E0];
	v3 =	vnsel vm1, $0x0, v46;
	v1 =	vadd.s32 v2, v1  }
0xc2: {  	v28 =	vld [tilespmem:$0x19F0];
	v52 =	vnsel vm8, $0x0, v47;
	v54 =	vnsel vm9, $0x0, v48;
	v1 =	vadd.s32 v3, v1  }
0xc3: {  	v30 =	vld [tilespmem:$0x1A00];
	v56 =	vnsel vm10, $0x0, v49;
	v58 =	vnsel vm11, $0x0, v50;
	v1 =	vadd.s32 v52, v1  }
0xc4: {  	v32 =	vld [tilespmem:$0x1A10];
	v60 =	vnsel vm12, $0x0, v51;
	v62 =	vnsel vm13, $0x0, v53;
	v1 =	vadd.s32 v54, v1  }
0xc5: {  	v34 =	vld [tilespmem:$0x1A20];
	v9 =	vnsel vm14, $0x0, v55;
	v11 =	vnsel vm15, $0x0, v57;
	v1 =	vadd.s32 v56, v1  }
0xc6: {  	v37 =	vld [tilespmem:$0x1A30];
	v4 =	vnsel vm6, $0x0, v63;
	vm8 =	veq.s32 v0, $0xF;
	v1 =	vadd.s32 v58, v1  }
0xc7: {  	v10 =	vld [tilespmem:$0x27D0];
	vm10 =	vlt.s32 v16, $0x100000;
	vm11 =	vlt.s32 v19, $0x100000;
	v1 =	vadd.s32 v60, v1  }
0xc8: {  	v39 =	vld [tilespmem:$0x1A40];
	vm12 =	vlt.s32 v20, $0x100000;
	vm2 =	vlt.s32 v22, $0x100000;
	v1 =	vadd.s32 v62, v1  }
0xc9: {  	v12 =	vld [tilespmem:$0x27E0];
	vm13 =	vlt.s32 v24, $0x100000;
	vm14 =	vlt.s32 v26, $0x100000;
	v1 =	vadd.s32 v9, v1  }
0xca: {  	vm15 =	vlt.s32 v28, $0x100000;
	v15 =	vld [tilespmem:$0x1980];
	v13 =	vnsel vm4, $0x0, v59;
	v1 =	vadd.s32 v11, v1  }
0xcb: {  	vm6 =	vlt.s32 v34, $0x100000;
	v14 =	vnsel vm5, $0x0, v61;
	v1 =	vadd.s32 v13, v1  }
0xcc: {  	vm5 =	vlt.s32 v32, $0x100000;
	v17 =	vnsel vm7, $0x0, v10;
	v1 =	vadd.s32 v14, v1  }
0xcd: {  	vm4 =	vlt.s32 v30, $0x100000;
	vm7 =	vlt.s32 v37, $0x100000;
	v1 =	vadd.s32 v4, v1  }
0xce: {  	v18 =	vnsel vm8, $0x0, v12;
	vm8 =	vlt.s32 v39, $0x100000;
	v0 =	vadd.s32 v17, v1  }
0xcf: {  	vm9 =	vlt.s32 v15, $0x100000;
	v1 =	vlaneseq.u32;
	v0 =	vadd.s32 v18, v0  }
0xd0: {  	v21 =	vor.u32 $0x400, v1;
	v23 =	vor.u32 $0x410, v1;
	v25 =	vor.u32 $0x420, v1  }
0xd1: {  	v27 =	vor.u32 $0x430, v1;
	v29 =	vor.u32 $0x440, v1;
	v31 =	vor.u32 $0x450, v1  }
0xd2: {  	v33 =	vor.u32 $0x460, v1;
	v35 =	vor.u32 $0x470, v1;
	v38 =	vor.u32 $0x480, v1  }
0xd3: {  	v18 =	vor.u32 $0x4A0, v1;
	v42 =	vor.u32 $0x4B0, v1;
	v45 =	vor.u32 $0x4E0, v1  }
0xd4: {  	v48 =	vor.u32 $0x510, v1;
	v51 =	vor.u32 $0x540, v1;
	v54 =	vor.u32 $0x560, v1  }
0xd5: {  	v50 =	vld [tilespmem:$0x1AF0];
	v57 =	vor.u32 $0x570, v1;
	v60 =	vor.u32 $0x580, v1;
	v63 =	vor.u32 $0x590, v1  }
0xd6: {  	v52 =	vld [tilespmem:$0x1B00];
	v2 =	vadd.s32 v15, v0;
	v3 =	vadd.s32 v0, v16;
	v5 =	vadd.s32 v0, v19  }
0xd7: {  	v58 =	vld [tilespmem:$0x1B30];
	v4 =	vadd.s32 v0, v20;
	v7 =	vadd.s32 v0, v22;
	v6 =	vadd.s32 v0, v24  }
0xd8: {  	v9 =	vadd.s32 v0, v26;
	v11 =	vadd.s32 v0, v28;
	v8 =	vadd.s32 v0, v30  }
0xd9: {  	v12 =	vadd.s32 v0, v32;
	v16 =	vor.u32 $0x490, v1;
	v14 =	vadd.s32 v0, v34  }
0xda: {  	v41 =	vld [tilespmem:$0x1A60];
	v15 =	vadd.s32 v0, v39;
	v19 =	vor.u32 $0x4C0, v1;
	v22 =	vor.u32 $0x4F0, v1  }
0xdb: {  	v43 =	vld [tilespmem:$0x1A70];
	v24 =	vor.u32 $0x500, v1;
	v28 =	vor.u32 $0x550, v1;
	v56 =	vadd.s32 v0, v50  }
0xdc: {  	v44 =	vld [tilespmem:$0x1A90];
	v59 =	vadd.s32 v0, v52;
	v32 =	vor.u32 $0x5A0, v1;
	v34 =	vadd.s32 v0, v58  }
0xdd: {  	v46 =	vld [tilespmem:$0x1AA0];
	v2 =	vsel vm9, v2, v21;
	v3 =	vsel vm10, v3, v23;
	v5 =	vsel vm11, v5, v25  }
0xde: {  	v47 =	vld [tilespmem:$0x1AC0];
	v4 =	vsel vm12, v4, v27;
	v7 =	vsel vm2, v7, v29;
	v6 =	vsel vm13, v6, v31  }
0xdf: {  	v49 =	vld [tilespmem:$0x1AD0];
	v9 =	vsel vm14, v9, v33;
	v36 =	vsel vm15, v11, v35;
	v8 =	vsel vm4, v8, v38  }
0xe0: {  	v55 =	vld [tilespmem:$0x1B20];
	v12 =	vsel vm5, v12, v16;
	v40 =	vsel vm6, v14, v18;
	v11 =	vadd.s32 v0, v37  }
0xe1: {  	v61 =	vld [tilespmem:$0x1B40];
	v21 =	vor.u32 $0x4D0, v1;
	v15 =	vsel vm8, v15, v19;
	vm10 =	vlt.s32 v41, $0x100000  }
0xe2: {  	v14 =	vadd.s32 v0, v41;
	vm11 =	vlt.s32 v43, $0x100000;
	v18 =	vadd.s32 v0, v43  }
0xe3: {  	vm13 =	vlt.s32 v44, $0x100000;
	vm14 =	vlt.s32 v46, $0x100000;
	v25 =	vor.u32 $0x520, v1  }
0xe4: {  	v27 =	vor.u32 $0x530, v1;
	vm4 =	vlt.s32 v47, $0x100000;
	vm5 =	vlt.s32 v49, $0x100000  }
0xe5: {  	v17 =	vld [tilespmem:$0x1A50];
	vm8 =	vlt.s32 v52, $0x100000;
	v31 =	vadd.s32 v0, v55;
	v35 =	vor.u32 $0x5B0, v1  }
0xe6: {  	v37 =	vadd.s32 v0, v61;
	v38 =	vor.u32 $0x5C0, v1;
	v43 =	vor.u32 $0x5E0, v1  }
0xe7: {  	v11 =	vsel vm7, v11, v42;
	v14 =	vsel vm10, v14, v45;
	v18 =	vsel vm11, v18, v22  }
0xe8: {  	vm7 =	vlt.s32 v50, $0x100000;
	[tilespmem:$0x1EB0] =	vst v4;
	v4 =	vsel vm8, v59, v60;
	vm10 =	vlt.s32 v55, $0x100000  }
0xe9: {  	v20 =	vld [tilespmem:$0x1A80];
	vm11 =	vlt.s32 v58, $0x100000;
	[tilespmem:$0x1F20] =	vst v40;
	v40 =	vor.u32 $0x5D0, v1;
	v58 =	vor.u32 $0x630, v1  }
0xea: {  	v26 =	vld [tilespmem:$0x1AE0];
	[tilespmem:$0x1EA0] =	vst v5;
	v60 =	vor.u32 $0x640, v1;
	vm9 =	vlt.s32 v17, $0x100000;
	v17 =	vadd.s32 v0, v17  }
0xeb: {  	v30 =	vld [tilespmem:$0x1B50];
	[tilespmem:$0x1EE0] =	vst v9;
	v5 =	vsel vm7, v56, v57;
	v9 =	vsel vm10, v31, v32;
	v10 =	vsel vm11, v34, v35  }
0xec: {  	v39 =	vld [tilespmem:$0x1B80];
	[tilespmem:$0x1F70] =	vst v18;
	v32 =	vor.u32 $0x680, v1;
	v35 =	vor.u32 $0x690, v1;
	v18 =	vor.u32 $0x800, v1  }
0xed: {  	v23 =	vld [tilespmem:$0x1AB0];
	[tilespmem:$0x1E80] =	vst v2;
	v16 =	vsel vm9, v17, v21;
	v17 =	vadd.s32 v0, v44;
	v21 =	vadd.s32 v0, v46  }
0xee: {  	[tilespmem:$0x1E90] =	vst v3;
	v46 =	vor.u32 $0x5F0, v1;
	vm12 =	vlt.s32 v20, $0x100000;
	v20 =	vadd.s32 v0, v20  }
0xef: {  	v29 =	vld [tilespmem:$0x1B10];
	[tilespmem:$0x1EC0] =	vst v7;
	v17 =	vsel vm13, v17, v48;
	v21 =	vsel vm14, v21, v25;
	vm6 =	vlt.s32 v26, $0x100000  }
0xf0: {  	v33 =	vld [tilespmem:$0x1B60];
	[tilespmem:$0x1ED0] =	vst v6;
	v53 =	vadd.s32 v0, v26;
	vm13 =	vlt.s32 v30, $0x100000;
	v7 =	vadd.s32 v0, v30  }
0xf1: {  	v41 =	vld [tilespmem:$0x1B90];
	[tilespmem:$0x1F10] =	vst v12;
	v12 =	vadd.s32 v0, v39;
	v48 =	vor.u32 $0x600, v1;
	v26 =	vor.u32 $0x660, v1  }
0xf2: {  	[tilespmem:$0x1EF0] =	vst v36;
	v19 =	vsel vm12, v20, v24;
	vm15 =	vlt.s32 v23, $0x100000;
	v23 =	vadd.s32 v0, v23  }
0xf3: {  	v36 =	vld [tilespmem:$0x1B70];
	[tilespmem:$0x1F00] =	vst v8;
	v20 =	vadd.s32 v0, v47;
	v24 =	vadd.s32 v0, v49;
	v2 =	vsel vm6, v53, v54  }
0xf4: {  	[tilespmem:$0x1F40] =	vst v15;
	vm9 =	vlt.s32 v29, $0x100000;
	v62 =	vadd.s32 v0, v29;
	vm12 =	vlt.s32 v61, $0x100000  }
0xf5: {  	v52 =	vld [tilespmem:$0x1BD0];
	[tilespmem:$0x1F30] =	vst v11;
	vm14 =	vlt.s32 v33, $0x100000;
	v42 =	vadd.s32 v0, v33;
	v7 =	vsel vm13, v7, v40  }
0xf6: {  	v59 =	vld [tilespmem:$0x1BF0];
	[tilespmem:$0x1F60] =	vst v14;
	v50 =	vadd.s32 v0, v41;
	v54 =	vor.u32 $0x620, v1;
	v29 =	vor.u32 $0x670, v1  }
0xf7: {  	[tilespmem:$0x2000] =	vst v4;
	v22 =	vsel vm15, v23, v27;
	v3 =	vsel vm4, v20, v51;
	v20 =	vsel vm5, v24, v28  }
0xf8: {  	[tilespmem:$0x1FF0] =	vst v5;
	v6 =	vsel vm9, v62, v63;
	v8 =	vsel vm12, v37, v38;
	vm15 =	vlt.s32 v36, $0x100000  }
0xf9: {  	v57 =	vld [tilespmem:$0x1BE0];
	[tilespmem:$0x2020] =	vst v9;
	v45 =	vadd.s32 v0, v36;
	v11 =	vsel vm14, v42, v43;
	vm4 =	vlt.s32 v39, $0x100000  }
0xfa: {  	[tilespmem:$0x2030] =	vst v10;
	vm5 =	vlt.s32 v41, $0x100000;
	v51 =	vor.u32 $0x610, v1;
	vm9 =	vlt.s32 v52, $0x100000  }
0xfb: {  	[tilespmem:$0x1F50] =	vst v16;
	v62 =	vadd.s32 v0, v52;
	v63 =	vor.u32 $0x650, v1;
	vm11 =	vlt.s32 v59, $0x100000  }
0xfc: {  	v44 =	vld [tilespmem:$0x1BA0];
	[tilespmem:$0x1F90] =	vst v17;
	v28 =	vadd.s32 v0, v59;
	v38 =	vor.u32 $0x6A0, v1;
	v41 =	vor.u32 $0x6B0, v1  }
0xfd: {  	v30 =	vld [tilespmem:$0x1C30];
	[tilespmem:$0x1FA0] =	vst v21;
	v23 =	vor.u32 $0x720, v1;
	v13 =	vsel vm15, v45, v46;
	v12 =	vsel vm4, v12, v48  }
0xfe: {  	v47 =	vld [tilespmem:$0x1BB0];
	v55 =	vsel vm5, v50, v51;
	[tilespmem:$0x1FC0] =	vst v3;
	v3 =	vsel vm9, v62, v63;
	vm10 =	vlt.s32 v57, $0x100000  }
0xff: {  	v49 =	vld [tilespmem:$0x1BC0];
	[tilespmem:$0x1F80] =	vst v19;
	v25 =	vadd.s32 v0, v57;
	v5 =	vsel vm11, v28, v29;
	v45 =	vor.u32 $0x6C0, v1  }
0x100: {  	v61 =	vld [tilespmem:$0x1C00];
	[tilespmem:$0x1FE0] =	vst v2;
	v48 =	vor.u32 $0x6D0, v1;
	v51 =	vor.u32 $0x6E0, v1;
	v57 =	vor.u32 $0x700, v1  }
0x101: {  	v33 =	vld [tilespmem:$0x1C40];
	[tilespmem:$0x2050] =	vst v7;
	v29 =	vor.u32 $0x740, v1;
	vm6 =	vlt.s32 v44, $0x100000;
	v53 =	vadd.s32 v0, v44  }
0x102: {  	v24 =	vld [tilespmem:$0x1C10];
	[tilespmem:$0x1FB0] =	vst v22;
	v2 =	vsel vm10, v25, v26;
	v26 =	vor.u32 $0x730, v1;
	v56 =	vsel vm6, v53, v54  }
0x103: {  	v27 =	vld [tilespmem:$0x1C20];
	[tilespmem:$0x1FD0] =	vst v20;
	vm15 =	vlt.s32 v30, $0x100000;
	v40 =	vadd.s32 v0, v30;
	v54 =	vor.u32 $0x6F0, v1  }
0x104: {  	v36 =	vld [tilespmem:$0x1C50];
	[tilespmem:$0x2010] =	vst v6;
	vm7 =	vlt.s32 v47, $0x100000;
	v15 =	vadd.s32 v0, v47;
	vm8 =	vlt.s32 v49, $0x100000  }
0x105: {  	v39 =	vld [tilespmem:$0x1C60];
	[tilespmem:$0x2040] =	vst v8;
	v16 =	vadd.s32 v0, v49;
	vm12 =	vlt.s32 v61, $0x100000;
	v31 =	vadd.s32 v0, v61  }
0x106: {  	v21 =	vld [tilespmem:$0x1CD0];
	[tilespmem:$0x2060] =	vst v11;
	v8 =	vsel vm15, v40, v41;
	vm4 =	vlt.s32 v33, $0x100000;
	v6 =	vadd.s32 v0, v33  }
0x107: {  	[tilespmem:$0x2070] =	vst v13;
	v40 =	vor.u32 $0x780, v1;
	v15 =	vsel vm7, v15, v58;
	v16 =	vsel vm8, v16, v60  }
0x108: {  	v46 =	vld [tilespmem:$0x1C80];
	[tilespmem:$0x2080] =	vst v12;
	v4 =	vsel vm12, v31, v32;
	vm13 =	vlt.s32 v24, $0x100000;
	v34 =	vadd.s32 v0, v24  }
0x109: {  	[tilespmem:$0x2090] =	vst v55;
	vm14 =	vlt.s32 v27, $0x100000;
	v37 =	vadd.s32 v0, v27;
	vm5 =	vlt.s32 v36, $0x100000  }
0x10a: {  	[tilespmem:$0x20D0] =	vst v3;
	v47 =	vadd.s32 v0, v36;
	vm6 =	vlt.s32 v39, $0x100000;
	v50 =	vadd.s32 v0, v39  }
0x10b: {  	v44 =	vld [tilespmem:$0x1C70];
	[tilespmem:$0x20F0] =	vst v5;
	v6 =	vsel vm4, v6, v45;
	v60 =	vor.u32 $0x710, v1;
	v31 =	vadd.s32 v0, v21  }
0x10c: {  	v55 =	vld [tilespmem:$0x1CB0];
	[tilespmem:$0x20E0] =	vst v2;
	v32 =	vor.u32 $0x750, v1;
	v42 =	vsel vm13, v34, v35;
	v43 =	vsel vm14, v37, v38  }
0x10d: {  	v20 =	vld [tilespmem:$0x1DC0];
	[tilespmem:$0x20A0] =	vst v56;
	v52 =	vsel vm5, v47, v48;
	v12 =	vsel vm6, v50, v51;
	vm8 =	vlt.s32 v46, $0x100000  }
0x10e: {  	v53 =	vld [tilespmem:$0x1CA0];
	[tilespmem:$0x2130] =	vst v8;
	v56 =	vadd.s32 v0, v46;
	vm13 =	vlt.s32 v21, $0x100000;
	v35 =	vor.u32 $0x760, v1  }
0x10f: {  	v30 =	vld [tilespmem:$0x1D00];
	[tilespmem:$0x20B0] =	vst v15;
	v38 =	vor.u32 $0x770, v1;
	v46 =	vor.u32 $0x7A0, v1;
	v21 =	vor.u32 $0x810, v1  }
0x110: {  	v49 =	vld [tilespmem:$0x1C90];
	[tilespmem:$0x20C0] =	vst v16;
	vm7 =	vlt.s32 v44, $0x100000;
	v10 =	vadd.s32 v0, v44;
	v62 =	vsel vm8, v56, v57  }
0x111: {  	v33 =	vld [tilespmem:$0x1D10];
	vm11 =	vlt.s32 v55, $0x100000;
	v25 =	vadd.s32 v0, v55;
	[tilespmem:$0x2120] =	vst v43;
	v9 =	vsel vm13, v31, v32  }
0x112: {  	v41 =	vld [tilespmem:$0x1D40];
	[tilespmem:$0x2150] =	vst v52;
	v43 =	vor.u32 $0x790, v1;
	v52 =	vor.u32 $0x7C0, v1;
	v55 =	vor.u32 $0x7D0, v1  }
0x113: {  	v58 =	vld [tilespmem:$0x1CC0];
	[tilespmem:$0x2100] =	vst v4;
	v31 =	vor.u32 $0x840, v1;
	v61 =	vsel vm7, v10, v54;
	vm10 =	vlt.s32 v53, $0x100000  }
0x114: {  	v24 =	vld [tilespmem:$0x1CE0];
	[tilespmem:$0x2140] =	vst v6;
	v22 =	vadd.s32 v0, v53;
	v5 =	vsel vm11, v25, v26;
	vm4 =	vlt.s32 v30, $0x100000  }
0x115: {  	v27 =	vld [tilespmem:$0x1CF0];
	[tilespmem:$0x2110] =	vst v42;
	v7 =	vadd.s32 v0, v30;
	v30 =	vadd.s32 v0, v20;
	vm9 =	vlt.s32 v49, $0x100000  }
0x116: {  	v36 =	vld [tilespmem:$0x1D20];
	[tilespmem:$0x2160] =	vst v12;
	v59 =	vadd.s32 v0, v49;
	v2 =	vsel vm10, v22, v23;
	vm5 =	vlt.s32 v33, $0x100000  }
0x117: {  	v39 =	vld [tilespmem:$0x1D30];
	[tilespmem:$0x2180] =	vst v62;
	v42 =	vadd.s32 v0, v33;
	v7 =	vsel vm4, v7, v40;
	v49 =	vor.u32 $0x7B0, v1  }
0x118: {  	[tilespmem:$0x2170] =	vst v61;
	vm8 =	vlt.s32 v41, $0x100000;
	v51 =	vadd.s32 v0, v41;
	v61 =	vor.u32 $0x7F0, v1  }
0x119: {  	[tilespmem:$0x21D0] =	vst v9;
	vm4 =	vlt.s32 v20, $0x100000;
	v63 =	vsel vm9, v59, v60;
	vm12 =	vlt.s32 v58, $0x100000  }
0x11a: {  	[tilespmem:$0x21B0] =	vst v5;
	v28 =	vadd.s32 v0, v58;
	vm14 =	vlt.s32 v24, $0x100000;
	v34 =	vadd.s32 v0, v24  }
0x11b: {  	v47 =	vld [tilespmem:$0x1D60];
	vm15 =	vlt.s32 v27, $0x100000;
	v37 =	vadd.s32 v0, v27;
	vm6 =	vlt.s32 v36, $0x100000;
	[tilespmem:$0x21A0] =	vst v2  }
0x11c: {  	v50 =	vld [tilespmem:$0x1D70];
	v45 =	vadd.s32 v0, v36;
	v3 =	vsel vm5, v42, v43;
	vm7 =	vlt.s32 v39, $0x100000;
	[tilespmem:$0x2200] =	vst v7  }
0x11d: {  	v48 =	vadd.s32 v0, v39;
	v5 =	vsel vm8, v51, v52;
	v58 =	vor.u32 $0x7E0, v1;
	[tilespmem:$0x2190] =	vst v63  }
0x11e: {  	v24 =	vor.u32 $0x820, v1;
	v27 =	vor.u32 $0x830, v1;
	v42 =	vor.u32 $0x870, v1;
	[tilespmem:$0x2210] =	vst v3  }
0x11f: {  	v44 =	vld [tilespmem:$0x1D50];
	v52 =	vor.u32 $0x8A0, v1;
	v4 =	vsel vm12, v28, v29;
	v8 =	vsel vm14, v34, v35;
	[tilespmem:$0x2240] =	vst v5  }
0x120: {  	v56 =	vld [tilespmem:$0x1D90];
	v6 =	vsel vm15, v37, v38;
	v10 =	vsel vm6, v45, v46;
	v2 =	vsel vm7, v48, v49;
	[tilespmem:$0x21C0] =	vst v4  }
0x121: {  	v32 =	vld [tilespmem:$0x1E00];
	vm10 =	vlt.s32 v47, $0x100000;
	v57 =	vadd.s32 v0, v47;
	vm11 =	vlt.s32 v50, $0x100000;
	[tilespmem:$0x21E0] =	vst v8  }
0x122: {  	v53 =	vld [tilespmem:$0x1D80];
	v60 =	vadd.s32 v0, v50;
	v34 =	vor.u32 $0x850, v1;
	v37 =	vor.u32 $0x860, v1;
	[tilespmem:$0x21F0] =	vst v6  }
0x123: {  	v62 =	vld [tilespmem:$0x1DB0];
	v3 =	vsel vm4, v30, v31;
	v45 =	vor.u32 $0x880, v1;
	v48 =	vor.u32 $0x890, v1;
	[tilespmem:$0x2220] =	vst v10  }
0x124: {  	v25 =	vld [tilespmem:$0x1DE0];
	vm9 =	vlt.s32 v44, $0x100000;
	v54 =	vadd.s32 v0, v44;
	v19 =	vsel vm10, v57, v58;
	[tilespmem:$0x2230] =	vst v2  }
0x125: {  	v6 =	vsel vm11, v60, v61;
	vm13 =	vlt.s32 v56, $0x100000;
	v9 =	vadd.s32 v0, v56;
	[tilespmem:$0x22C0] =	vst v3  }
0x126: {  	v22 =	vld [tilespmem:$0x1DD0];
	vm8 =	vlt.s32 v32, $0x100000;
	v44 =	vadd.s32 v0, v32;
	v57 =	vor.u32 $0x8C0, v1;
	[tilespmem:$0x2260] =	vst v19  }
0x127: {  	v40 =	vld [tilespmem:$0x1E20];
	v61 =	vor.u32 $0x8D0, v1;
	v4 =	vsel vm9, v54, v55;
	vm12 =	vlt.s32 v53, $0x100000;
	[tilespmem:$0x2270] =	vst v6  }
0x128: {  	v63 =	vadd.s32 v0, v53;
	vm15 =	vlt.s32 v62, $0x100000;
	v28 =	vsel vm13, v9, v21;
	[tilespmem:$0x2250] =	vst v4  }
0x129: {  	v59 =	vld [tilespmem:$0x1DA0];
	v26 =	vadd.s32 v0, v62;
	vm6 =	vlt.s32 v25, $0x100000;
	v49 =	vsel vm8, v44, v45;
	[tilespmem:$0x2290] =	vst v28  }
0x12a: {  	v29 =	vld [tilespmem:$0x1DF0];
	v36 =	vadd.s32 v0, v25;
	v55 =	vor.u32 $0x8B0, v1;
	v7 =	vsel vm12, v63, v18;
	[tilespmem:$0x2300] =	vst v49  }
0x12b: {  	v35 =	vld [tilespmem:$0x1E10];
	v5 =	vsel vm15, v26, v27;
	vm5 =	vlt.s32 v22, $0x100000;
	v33 =	vadd.s32 v0, v22;
	[tilespmem:$0x2280] =	vst v7  }
0x12c: {  	v46 =	vld [tilespmem:$0x1E40];
	v39 =	vsel vm6, v36, v37;
	vm10 =	vlt.s32 v40, $0x100000;
	v51 =	vadd.s32 v0, v40;
	[tilespmem:$0x22B0] =	vst v5  }
0x12d: {  	v43 =	vld [tilespmem:$0x1E30];
	v63 =	vor.u32 $0x8E0, v1;
	v1 =	vor.u32 $0x8F0, v1;
	v38 =	vsel vm5, v33, v34;
	[tilespmem:$0x22E0] =	vst v39  }
0x12e: {  	v50 =	vld [tilespmem:$0x1E50];
	vm14 =	vlt.s32 v59, $0x100000;
	v23 =	vadd.s32 v0, v59;
	v59 =	vsel vm10, v51, v52;
	[tilespmem:$0x22D0] =	vst v38  }
0x12f: {  	v53 =	vld [tilespmem:$0x1E60];
	v2 =	vsel vm14, v23, v24;
	vm7 =	vlt.s32 v29, $0x100000;
	v41 =	vadd.s32 v0, v29;
	[tilespmem:$0x2320] =	vst v59  }
0x130: {  	v58 =	vld [tilespmem:$0x1E70];
	vm9 =	vlt.s32 v35, $0x100000;
	v47 =	vadd.s32 v0, v35;
	[tilespmem:$0x22A0] =	vst v2;
	v2 =	vsel vm7, v41, v42  }
0x131: {  	vm12 =	vlt.s32 v46, $0x100000;
	v56 =	vadd.s32 v0, v46;
	v3 =	vsel vm9, v47, v48;
	[tilespmem:$0x22F0] =	vst v2  }
0x132: {  	vm11 =	vlt.s32 v43, $0x100000;
	v54 =	vadd.s32 v0, v43;
	v4 =	vsel vm12, v56, v57;
	[tilespmem:$0x2310] =	vst v3  }
0x133: {  	vm13 =	vlt.s32 v50, $0x100000;
	v60 =	vadd.s32 v0, v50;
	v2 =	vsel vm11, v54, v55;
	[tilespmem:$0x2340] =	vst v4  }
0x134: {  	vm14 =	vlt.s32 v53, $0x100000;
	v62 =	vadd.s32 v0, v53;
	v3 =	vsel vm13, v60, v61;
	[tilespmem:$0x2330] =	vst v2  }
0x135: {  	vm15 =	vlt.s32 v58, $0x100000;
	v0 =	vadd.s32 v0, v58;
	v2 =	vsel vm14, v62, v63;
	[tilespmem:$0x2350] =	vst v3  }
0x136: {  	v0 =	vsel vm15, v0, v1;
	[tilespmem:$0x2360] =	vst v2  }
0x137: {  	s14 =	simm.s32 $0x0;
	s12 =	simm.s32 $0x80;
	s13 =	simm.s32 $0x1E80;
	[tilespmem:$0x2370] =	vst v0  }
0x138: {  	[spmem:s7] =	stream.indirect.scatter [tilespmem:s14], [sflag:$0x1], $0x1, s13, s12, $0xb8;
	[tilespmem:$0x2EE0] =	vst v63  }
0x139: {  	s14 =	simm.s32 $0x1F00  }
0x13a: {  	[spmem:s7] =	stream.indirect.scatter [tilespmem:s12], [sflag:$0x1], $0x1, s14, s12, $0xb8;
	[tilespmem:$0x2EE0] =	vst v63  }
0x13b: {  	s15 =	simm.s32 $0x1F80;
	s16 =	simm.s32 $0x100  }
0x13c: {  	[spmem:s7] =	stream.indirect.scatter [tilespmem:s16], [sflag:$0x1], $0x1, s15, s12, $0xb8;
	[tilespmem:$0x2EE0] =	vst v63  }
0x13d: {  	s17 =	simm.s32 $0x180;
	s16 =	simm.s32 $0x2000  }
0x13e: {  	[spmem:s7] =	stream.indirect.scatter [tilespmem:s17], [sflag:$0x1], $0x1, s16, s12, $0xb8;
	[tilespmem:$0x2EE0] =	vst v63  }
0x13f: {  	s18 =	simm.s32 $0x200;
	s17 =	simm.s32 $0x2080  }
0x140: {  	[spmem:s7] =	stream.indirect.scatter [tilespmem:s18], [sflag:$0x1], $0x1, s17, s12, $0xb8;
	[tilespmem:$0x2EE0] =	vst v63  }
0x141: {  	s19 =	simm.s32 $0x280;
	s18 =	simm.s32 $0x2100  }
0x142: {  	[spmem:s7] =	stream.indirect.scatter [tilespmem:s19], [sflag:$0x1], $0x1, s18, s12, $0xb8;
	[tilespmem:$0x2EE0] =	vst v63  }
0x143: {  	s20 =	simm.s32 $0x300;
	s19 =	simm.s32 $0x2180  }
0x144: {  	[spmem:s7] =	stream.indirect.scatter [tilespmem:s20], [sflag:$0x1], $0x1, s19, s12, $0xb8;
	[tilespmem:$0x2EE0] =	vst v63  }
0x145: {  	s21 =	simm.s32 $0x380;
	s20 =	simm.s32 $0x2200  }
0x146: {  	[spmem:s7] =	stream.indirect.scatter [tilespmem:s21], [sflag:$0x1], $0x1, s20, s12, $0xb8;
	[tilespmem:$0x2EE0] =	vst v63  }
0x147: {  	s22 =	simm.s32 $0x400;
	s21 =	simm.s32 $0x2280  }
0x148: {  	[spmem:s7] =	stream.indirect.scatter [tilespmem:s22], [sflag:$0x1], $0x1, s21, s12, $0xb8;
	[tilespmem:$0x2EE0] =	vst v63  }
0x149: {  	s23 =	simm.s32 $0x480;
	s22 =	simm.s32 $0x2300  }
0x14a: {  	[spmem:s7] =	stream.indirect.scatter [tilespmem:s23], [sflag:$0x1], $0x1, s22, s12, $0xb8;
	[tilespmem:$0x2EE0] =	vst v63  }
0x14b: {  	s28 =	simm.s32 $0x500  }
0x14c: {  	[spmem:s5] =	stream.indirect.scatter [tilespmem:s28], [sflag:$0x1], $0x1, s13, s12, $0xb8;
	[tilespmem:$0x2EE0] =	vst v63  }
0x14d: {  	s29 =	simm.s32 $0x580  }
0x14e: {  	[spmem:s5] =	stream.indirect.scatter [tilespmem:s29], [sflag:$0x1], $0x1, s14, s12, $0xb8;
	[tilespmem:$0x2EE0] =	vst v63  }
0x14f: {  	s30 =	simm.s32 $0x600  }
0x150: {  	[spmem:s5] =	stream.indirect.scatter [tilespmem:s30], [sflag:$0x1], $0x1, s15, s12, $0xb8;
	[tilespmem:$0x2EE0] =	vst v63  }
0x151: {  	s31 =	simm.s32 $0x680  }
0x152: {  	[spmem:s5] =	stream.indirect.scatter [tilespmem:s31], [sflag:$0x1], $0x1, s16, s12, $0xb8;
	[tilespmem:$0x2EE0] =	vst v63  }
0x153: {  	s24 =	simm.s32 $0x700  }
0x154: {  	[spmem:s5] =	stream.indirect.scatter [tilespmem:s24], [sflag:$0x1], $0x1, s17, s12, $0xb8;
	[tilespmem:$0x2EE0] =	vst v63  }
0x155: {  	s25 =	simm.s32 $0x780  }
0x156: {  	[spmem:s5] =	stream.indirect.scatter [tilespmem:s25], [sflag:$0x1], $0x1, s18, s12, $0xb8;
	[tilespmem:$0x2EE0] =	vst v63  }
0x157: {  	s26 =	simm.s32 $0x800  }
0x158: {  	[spmem:s5] =	stream.indirect.scatter [tilespmem:s26], [sflag:$0x1], $0x1, s19, s12, $0xb8;
	[tilespmem:$0x2EE0] =	vst v63  }
0x159: {  	s28 =	simm.s32 $0x880  }
0x15a: {  	[spmem:s5] =	stream.indirect.scatter [tilespmem:s28], [sflag:$0x1], $0x1, s20, s12, $0xb8;
	[tilespmem:$0x2EE0] =	vst v63  }
0x15b: {  	s29 =	simm.s32 $0x900  }
0x15c: {  	[spmem:s5] =	stream.indirect.scatter [tilespmem:s29], [sflag:$0x1], $0x1, s21, s12, $0xb8;
	[tilespmem:$0x2EE0] =	vst v63  }
0x15d: {  	s30 =	simm.s32 $0x980  }
0x15e: {  	[spmem:s5] =	stream.indirect.scatter [tilespmem:s30], [sflag:$0x1], $0x1, s22, s12, $0xb8;
	[tilespmem:$0x2EE0] =	vst v63  }
0x15f: {  	s31 =	simm.s32 $0xA00  }
0x160: {  	[spmem:s4] =	stream.indirect.scatter [tilespmem:s31], [sflag:$0x1], $0x1, s13, s12, $0xb8;
	[tilespmem:$0x2EE0] =	vst v63  }
0x161: {  	s24 =	simm.s32 $0xA80  }
0x162: {  	[spmem:s4] =	stream.indirect.scatter [tilespmem:s24], [sflag:$0x1], $0x1, s14, s12, $0xb8;
	[tilespmem:$0x2EE0] =	vst v63  }
0x163: {  	s25 =	simm.s32 $0xB00  }
0x164: {  	[spmem:s4] =	stream.indirect.scatter [tilespmem:s25], [sflag:$0x1], $0x1, s15, s12, $0xb8;
	[tilespmem:$0x2EE0] =	vst v63  }
0x165: {  	s26 =	simm.s32 $0xB80  }
0x166: {  	[spmem:s4] =	stream.indirect.scatter [tilespmem:s26], [sflag:$0x1], $0x1, s16, s12, $0xb8;
	[tilespmem:$0x2EE0] =	vst v63  }
0x167: {  	s28 =	simm.s32 $0xC00  }
0x168: {  	[spmem:s4] =	stream.indirect.scatter [tilespmem:s28], [sflag:$0x1], $0x1, s17, s12, $0xb8;
	[tilespmem:$0x2EE0] =	vst v63  }
0x169: {  	s29 =	simm.s32 $0xC80  }
0x16a: {  	[spmem:s4] =	stream.indirect.scatter [tilespmem:s29], [sflag:$0x1], $0x1, s18, s12, $0xb8;
	[tilespmem:$0x2EE0] =	vst v63  }
0x16b: {  	s30 =	simm.s32 $0xD00  }
0x16c: {  	[spmem:s4] =	stream.indirect.scatter [tilespmem:s30], [sflag:$0x1], $0x1, s19, s12, $0xb8;
	[tilespmem:$0x2EE0] =	vst v63  }
0x16d: {  	s31 =	simm.s32 $0xD80  }
0x16e: {  	[spmem:s4] =	stream.indirect.scatter [tilespmem:s31], [sflag:$0x1], $0x1, s20, s12, $0xb8;
	[tilespmem:$0x2EE0] =	vst v63  }
0x16f: {  	s24 =	simm.s32 $0xE00  }
0x170: {  	[spmem:s4] =	stream.indirect.scatter [tilespmem:s24], [sflag:$0x1], $0x1, s21, s12, $0xb8;
	[tilespmem:$0x2EE0] =	vst v63  }
0x171: {  	s25 =	simm.s32 $0xE80  }
0x172: {  	[spmem:s4] =	stream.indirect.scatter [tilespmem:s25], [sflag:$0x1], $0x1, s22, s12, $0xb8;
	[tilespmem:$0x2EE0] =	vst v63  }
0x173: {  	s26 =	simm.s32 $0xF00  }
0x174: {  	[spmem:s3] =	stream.indirect.scatter [tilespmem:s26], [sflag:$0x1], $0x1, s13, s12, $0xb8;
	[tilespmem:$0x2EE0] =	vst v63  }
0x175: {  	s28 =	simm.s32 $0xF80  }
0x176: {  	[spmem:s3] =	stream.indirect.scatter [tilespmem:s28], [sflag:$0x1], $0x1, s14, s12, $0xb8;
	[tilespmem:$0x2EE0] =	vst v63  }
0x177: {  	s29 =	simm.s32 $0x1000  }
0x178: {  	[spmem:s3] =	stream.indirect.scatter [tilespmem:s29], [sflag:$0x1], $0x1, s15, s12, $0xb8;
	[tilespmem:$0x2EE0] =	vst v63  }
0x179: {  	s30 =	simm.s32 $0x1080  }
0x17a: {  	[spmem:s3] =	stream.indirect.scatter [tilespmem:s30], [sflag:$0x1], $0x1, s16, s12, $0xb8;
	[tilespmem:$0x2EE0] =	vst v63  }
0x17b: {  	s31 =	simm.s32 $0x1100  }
0x17c: {  	[spmem:s3] =	stream.indirect.scatter [tilespmem:s31], [sflag:$0x1], $0x1, s17, s12, $0xb8;
	[tilespmem:$0x2EE0] =	vst v63  }
0x17d: {  	s24 =	simm.s32 $0x1180  }
0x17e: {  	[spmem:s3] =	stream.indirect.scatter [tilespmem:s24], [sflag:$0x1], $0x1, s18, s12, $0xb8;
	[tilespmem:$0x2EE0] =	vst v63  }
0x17f: {  	s25 =	simm.s32 $0x1200  }
0x180: {  	[spmem:s3] =	stream.indirect.scatter [tilespmem:s25], [sflag:$0x1], $0x1, s19, s12, $0xb8;
	[tilespmem:$0x2EE0] =	vst v63  }
0x181: {  	s26 =	simm.s32 $0x1280  }
0x182: {  	[spmem:s3] =	stream.indirect.scatter [tilespmem:s26], [sflag:$0x1], $0x1, s20, s12, $0xb8;
	[tilespmem:$0x2EE0] =	vst v63  }
0x183: {  	s28 =	simm.s32 $0x1300  }
0x184: {  	[spmem:s3] =	stream.indirect.scatter [tilespmem:s28], [sflag:$0x1], $0x1, s21, s12, $0xb8;
	[tilespmem:$0x2EE0] =	vst v63  }
0x185: {  	s29 =	simm.s32 $0x1380  }
0x186: {  	[spmem:s3] =	stream.indirect.scatter [tilespmem:s29], [sflag:$0x1], $0x1, s22, s12, $0xb8;
	[tilespmem:$0x2EE0] =	vst v63  }
0x187: {  	s30 =	simm.s32 $0x1400  }
0x188: {  	[spmem:s2] =	stream.indirect.scatter [tilespmem:s30], [sflag:$0x1], $0x1, s13, s12, $0xb8;
	[tilespmem:$0x2EE0] =	vst v63  }
0x189: {  	s31 =	simm.s32 $0x1480  }
0x18a: {  	[spmem:s2] =	stream.indirect.scatter [tilespmem:s31], [sflag:$0x1], $0x1, s14, s12, $0xb8;
	[tilespmem:$0x2EE0] =	vst v63  }
0x18b: {  	s14 =	simm.s32 $0x1500  }
0x18c: {  	[spmem:s2] =	stream.indirect.scatter [tilespmem:s14], [sflag:$0x1], $0x1, s15, s12, $0xb8;
	[tilespmem:$0x2EE0] =	vst v63  }
0x18d: {  	s15 =	simm.s32 $0x1580  }
0x18e: {  	[spmem:s2] =	stream.indirect.scatter [tilespmem:s15], [sflag:$0x1], $0x1, s16, s12, $0xb8;
	[tilespmem:$0x2EE0] =	vst v63  }
0x18f: {  	s23 =	simm.s32 $0x1600  }
0x190: {  	[spmem:s2] =	stream.indirect.scatter [tilespmem:s23], [sflag:$0x1], $0x1, s17, s12, $0xb8;
	[tilespmem:$0x2EE0] =	vst v63  }
0x191: {  	s24 =	simm.s32 $0x1680  }
0x192: {  	[spmem:s2] =	stream.indirect.scatter [tilespmem:s24], [sflag:$0x1], $0x1, s18, s12, $0xb8;
	[tilespmem:$0x2EE0] =	vst v63  }
0x193: {  	s25 =	simm.s32 $0x1700  }
0x194: {  	[spmem:s2] =	stream.indirect.scatter [tilespmem:s25], [sflag:$0x1], $0x1, s19, s12, $0xb8;
	[tilespmem:$0x2EE0] =	vst v63  }
0x195: {  	s26 =	simm.s32 $0x1780  }
0x196: {  	[spmem:s2] =	stream.indirect.scatter [tilespmem:s26], [sflag:$0x1], $0x1, s20, s12, $0xb8;
	[tilespmem:$0x2EE0] =	vst v63  }
0x197: {  	s28 =	simm.s32 $0x1800  }
0x198: {  	[spmem:s2] =	stream.indirect.scatter [tilespmem:s28], [sflag:$0x1], $0x1, s21, s12, $0xb8;
	[tilespmem:$0x2EE0] =	vst v63  }
0x199: {  	s29 =	simm.s32 $0x1880;
	s30 =	simm.s32 $0x1  }
0x19a: {  	[spmem:s2] =	stream.indirect.scatter [tilespmem:s29], [sflag:$0x1], $0x1, s22, s12, $0xb8;
	[tilespmem:$0x2EE0] =	vst v63  }
0x19b: {  	_ =	swait.ge [sflag:s30], $0x80  }
0x19c: {  	[sflag:s30] =	ssyncset.done $0x0  }
0x19d: {  	[sflag:s30] =	ssyncadd.s32 $0xFFFFFF80  }
0x19e: {  	_ =	swait.ge [sflag:s30], $0x80  }
0x19f: {  	[sflag:s30] =	ssyncset.done $0x0  }
0x1a0: {  	[sflag:s30] =	ssyncadd.s32 $0xFFFFFF80  }
0x1a1: {  	_ =	swait.ge [sflag:s30], $0x80  }
0x1a2: {  	[sflag:s30] =	ssyncset.done $0x0  }
0x1a3: {  	[sflag:s30] =	ssyncadd.s32 $0xFFFFFF80  }
0x1a4: {  	_ =	swait.ge [sflag:s30], $0x80  }
0x1a5: {  	[sflag:s30] =	ssyncset.done $0x0  }
0x1a6: {  	[sflag:s30] =	ssyncadd.s32 $0xFFFFFF80  }
0x1a7: {  	_ =	swait.ge [sflag:s30], $0x80  }
0x1a8: {  	[sflag:s30] =	ssyncset.done $0x0  }
0x1a9: {  	[sflag:s30] =	ssyncadd.s32 $0xFFFFFF80  }
0x1aa: {  	_ =	swait.ge [sflag:s30], $0x80  }
0x1ab: {  	[sflag:s30] =	ssyncset.done $0x0  }
0x1ac: {  	[sflag:s30] =	ssyncadd.s32 $0xFFFFFF80  }
0x1ad: {  	_ =	swait.ge [sflag:s30], $0x80  }
0x1ae: {  	[sflag:s30] =	ssyncset.done $0x0  }
0x1af: {  	[sflag:s30] =	ssyncadd.s32 $0xFFFFFF80  }
0x1b0: {  	_ =	swait.ge [sflag:s30], $0x80  }
0x1b1: {  	[sflag:s30] =	ssyncset.done $0x0  }
0x1b2: {  	[sflag:s30] =	ssyncadd.s32 $0xFFFFFF80  }
0x1b3: {  	_ =	swait.ge [sflag:s30], $0x80  }
0x1b4: {  	[sflag:s30] =	ssyncset.done $0x0  }
0x1b5: {  	[sflag:s30] =	ssyncadd.s32 $0xFFFFFF80  }
0x1b6: {  	_ =	swait.ge [sflag:s30], $0x80  }
0x1b7: {  	[sflag:s30] =	ssyncset.done $0x0  }
0x1b8: {  	[sflag:s30] =	ssyncadd.s32 $0xFFFFFF80  }
0x1b9: {  	_ =	swait.ge [sflag:s30], $0x80  }
0x1ba: {  	[sflag:s30] =	ssyncset.done $0x0  }
0x1bb: {  	[sflag:s30] =	ssyncadd.s32 $0xFFFFFF80  }
0x1bc: {  	_ =	swait.ge [sflag:s30], $0x80  }
0x1bd: {  	[sflag:s30] =	ssyncset.done $0x0  }
0x1be: {  	[sflag:s30] =	ssyncadd.s32 $0xFFFFFF80  }
0x1bf: {  	_ =	swait.ge [sflag:s30], $0x80  }
0x1c0: {  	[sflag:s30] =	ssyncset.done $0x0  }
0x1c1: {  	[sflag:s30] =	ssyncadd.s32 $0xFFFFFF80  }
0x1c2: {  	_ =	swait.ge [sflag:s30], $0x80  }
0x1c3: {  	[sflag:s30] =	ssyncset.done $0x0  }
0x1c4: {  	[sflag:s30] =	ssyncadd.s32 $0xFFFFFF80  }
0x1c5: {  	_ =	swait.ge [sflag:s30], $0x80  }
0x1c6: {  	[sflag:s30] =	ssyncset.done $0x0  }
0x1c7: {  	[sflag:s30] =	ssyncadd.s32 $0xFFFFFF80  }
0x1c8: {  	_ =	swait.ge [sflag:s30], $0x80  }
0x1c9: {  	[sflag:s30] =	ssyncset.done $0x0  }
0x1ca: {  	[sflag:s30] =	ssyncadd.s32 $0xFFFFFF80  }
0x1cb: {  	_ =	swait.ge [sflag:s30], $0x80  }
0x1cc: {  	[sflag:s30] =	ssyncset.done $0x0  }
0x1cd: {  	[sflag:s30] =	ssyncadd.s32 $0xFFFFFF80  }
0x1ce: {  	_ =	swait.ge [sflag:s30], $0x80  }
0x1cf: {  	[sflag:s30] =	ssyncset.done $0x0  }
0x1d0: {  	[sflag:s30] =	ssyncadd.s32 $0xFFFFFF80  }
0x1d1: {  	_ =	swait.ge [sflag:s30], $0x80  }
0x1d2: {  	[sflag:s30] =	ssyncset.done $0x0  }
0x1d3: {  	[sflag:s30] =	ssyncadd.s32 $0xFFFFFF80  }
0x1d4: {  	_ =	swait.ge [sflag:s30], $0x80  }
0x1d5: {  	[sflag:s30] =	ssyncset.done $0x0  }
0x1d6: {  	[sflag:s30] =	ssyncadd.s32 $0xFFFFFF80  }
0x1d7: {  	_ =	swait.ge [sflag:s30], $0x80  }
0x1d8: {  	[sflag:s30] =	ssyncset.done $0x0  }
0x1d9: {  	[sflag:s30] =	ssyncadd.s32 $0xFFFFFF80  }
0x1da: {  	_ =	swait.ge [sflag:s30], $0x80  }
0x1db: {  	[sflag:s30] =	ssyncset.done $0x0  }
0x1dc: {  	[sflag:s30] =	ssyncadd.s32 $0xFFFFFF80  }
0x1dd: {  	_ =	swait.ge [sflag:s30], $0x80  }
0x1de: {  	[sflag:s30] =	ssyncset.done $0x0  }
0x1df: {  	[sflag:s30] =	ssyncadd.s32 $0xFFFFFF80  }
0x1e0: {  	_ =	swait.ge [sflag:s30], $0x80  }
0x1e1: {  	[sflag:s30] =	ssyncset.done $0x0  }
0x1e2: {  	[sflag:s30] =	ssyncadd.s32 $0xFFFFFF80  }
0x1e3: {  	_ =	swait.ge [sflag:s30], $0x80  }
0x1e4: {  	[sflag:s30] =	ssyncset.done $0x0  }
0x1e5: {  	[sflag:s30] =	ssyncadd.s32 $0xFFFFFF80  }
0x1e6: {  	_ =	swait.ge [sflag:s30], $0x80  }
0x1e7: {  	[sflag:s30] =	ssyncset.done $0x0  }
0x1e8: {  	[sflag:s30] =	ssyncadd.s32 $0xFFFFFF80  }
0x1e9: {  	_ =	swait.ge [sflag:s30], $0x80  }
0x1ea: {  	[sflag:s30] =	ssyncset.done $0x0  }
0x1eb: {  	[sflag:s30] =	ssyncadd.s32 $0xFFFFFF80  }
0x1ec: {  	_ =	swait.ge [sflag:s30], $0x80  }
0x1ed: {  	[sflag:s30] =	ssyncset.done $0x0  }
0x1ee: {  	[sflag:s30] =	ssyncadd.s32 $0xFFFFFF80  }
0x1ef: {  	_ =	swait.ge [sflag:s30], $0x80  }
0x1f0: {  	[sflag:s30] =	ssyncset.done $0x0  }
0x1f1: {  	[sflag:s30] =	ssyncadd.s32 $0xFFFFFF80  }
0x1f2: {  	_ =	swait.ge [sflag:s30], $0x80  }
0x1f3: {  	[sflag:s30] =	ssyncset.done $0x0  }
0x1f4: {  	[sflag:s30] =	ssyncadd.s32 $0xFFFFFF80  }
0x1f5: {  	_ =	swait.ge [sflag:s30], $0x80  }
0x1f6: {  	[sflag:s30] =	ssyncset.done $0x0  }
0x1f7: {  	[sflag:s30] =	ssyncadd.s32 $0xFFFFFF80  }
0x1f8: {  	_ =	swait.ge [sflag:s30], $0x80  }
0x1f9: {  	[sflag:s30] =	ssyncset.done $0x0  }
0x1fa: {  	[sflag:s30] =	ssyncadd.s32 $0xFFFFFF80  }
0x1fb: {  	_ =	swait.ge [sflag:s30], $0x80  }
0x1fc: {  	[sflag:s30] =	ssyncset.done $0x0  }
0x1fd: {  	[sflag:s30] =	ssyncadd.s32 $0xFFFFFF80  }
0x1fe: {  	_ =	swait.ge [sflag:s30], $0x80  }
0x1ff: {  	[sflag:s30] =	ssyncset.done $0x0  }
0x200: {  	[sflag:s30] =	ssyncadd.s32 $0xFFFFFF80  }
0x201: {  	_ =	swait.ge [sflag:s30], $0x80  }
0x202: {  	[sflag:s30] =	ssyncset.done $0x0  }
0x203: {  	[sflag:s30] =	ssyncadd.s32 $0xFFFFFF80  }
0x204: {  	_ =	swait.ge [sflag:s30], $0x80  }
0x205: {  	[sflag:s30] =	ssyncset.done $0x0  }
0x206: {  	[sflag:s30] =	ssyncadd.s32 $0xFFFFFF80  }
0x207: {  	_ =	swait.ge [sflag:s30], $0x80  }
0x208: {  	[sflag:s30] =	ssyncset.done $0x0  }
0x209: {  	[sflag:s30] =	ssyncadd.s32 $0xFFFFFF80  }
0x20a: {  	_ =	swait.ge [sflag:s30], $0x80  }
0x20b: {  	[sflag:s30] =	ssyncset.done $0x0  }
0x20c: {  	[sflag:s30] =	ssyncadd.s32 $0xFFFFFF80  }
0x20d: {  	_ =	swait.ge [sflag:s30], $0x80  }
0x20e: {  	[sflag:s30] =	ssyncset.done $0x0  }
0x20f: {  	[sflag:s30] =	ssyncadd.s32 $0xFFFFFF80  }
0x210: {  	_ =	swait.ge [sflag:s30], $0x80  }
0x211: {  	[sflag:s30] =	ssyncset.done $0x0  }
0x212: {  	[sflag:s30] =	ssyncadd.s32 $0xFFFFFF80  }
0x213: {  	_ =	swait.ge [sflag:s30], $0x80  }
0x214: {  	[sflag:s30] =	ssyncset.done $0x0  }
0x215: {  	[sflag:s30] =	ssyncadd.s32 $0xFFFFFF80  }
0x216: {  	_ =	swait.ge [sflag:s30], $0x80  }
0x217: {  	[sflag:s30] =	ssyncset.done $0x0  }
0x218: {  	[sflag:s30] =	ssyncadd.s32 $0xFFFFFF80  }
0x219: {  	_ =	swait.ge [sflag:s30], $0x80  }
0x21a: {  	[sflag:s30] =	ssyncset.done $0x0  }
0x21b: {  	[sflag:s30] =	ssyncadd.s32 $0xFFFFFF80  }
0x21c: {  	_ =	swait.ge [sflag:s30], $0x80  }
0x21d: {  	[sflag:s30] =	ssyncset.done $0x0  }
0x21e: {  	[sflag:s30] =	ssyncadd.s32 $0xFFFFFF80  }
0x21f: {  	_ =	swait.ge [sflag:s30], $0x80  }
0x220: {  	[sflag:s30] =	ssyncset.done $0x0  }
0x221: {  	[sflag:s30] =	ssyncadd.s32 $0xFFFFFF80  }
0x222: {  	_ =	swait.ge [sflag:s30], $0x80  }
0x223: {  	[sflag:s30] =	ssyncset.done $0x0  }
0x224: {  	[sflag:s30] =	ssyncadd.s32 $0xFFFFFF80  }
0x225: {  	_ =	swait.ge [sflag:s30], $0x80  }
0x226: {  	[sflag:s30] =	ssyncset.done $0x0  }
0x227: {  	[sflag:s30] =	ssyncadd.s32 $0xFFFFFF80  }
0x228: {  	_ =	swait.ge [sflag:s30], $0x80  }
0x229: {  	[sflag:s30] =	ssyncset.done $0x0  }
0x22a: {  	[sflag:s30] =	ssyncadd.s32 $0xFFFFFF80  }
0x22b: {  	_ =	swait.ge [sflag:s30], $0x80  }
0x22c: {  	[sflag:s30] =	ssyncset.done $0x0  }
0x22d: {  	[sflag:s30] =	ssyncadd.s32 $0xFFFFFF80  }
0x22e: {  	_ =	swait.ge [sflag:s30], $0x80  }
0x22f: {  	[sflag:s30] =	ssyncset.done $0x0  }
0x230: {  	s12 =	sshll.u32 @p4 s0, $0x6;
	[sflag:s30] =	ssyncadd.s32 $0xFFFFFF80  }
0x231: {  	s7 =	sshrl.u32 @p4 s7, $0x3;
	s12 =	sor.u32 @p4 $0x1C02, s12;
	[bflag:$0x0] =	sbarrier.arrive $0xFFFF  }
0x232: {  	[hbm:s6], [sflag:s12] =	dma.local @p4 [spmem:s7], $0x80  }
0x233: {  	s6 =	simm.s32 @p4 $0x2  }
0x234: {  	_ =	swait.ge @p4 [sflag:s6], $0x80  }
0x235: {  	s7 =	sshll.u32 @p3 s0, $0x6;
	[sflag:s6] =	ssyncset.done @p4 $0x0  }
0x236: {  	s5 =	sshrl.u32 @p3 s5, $0x3;
	[sflag:s6] =	ssyncadd.s32 @p4 $0xFFFFFF80;
	s6 =	sor.u32 @p3 $0x1C02, s7  }
0x237: {  	[hbm:s11], [sflag:s6] =	dma.local @p3 [spmem:s5], $0x80  }
0x238: {  	s5 =	simm.s32 @p3 $0x2  }
0x239: {  	_ =	swait.ge @p3 [sflag:s5], $0x80  }
0x23a: {  	s6 =	sshll.u32 @p1 s0, $0x6;
	[sflag:s5] =	ssyncset.done @p3 $0x0  }
0x23b: {  	s4 =	sshrl.u32 @p1 s4, $0x3;
	[sflag:s5] =	ssyncadd.s32 @p3 $0xFFFFFF80;
	s5 =	sor.u32 @p1 $0x1C02, s6  }
0x23c: {  	[hbm:s10], [sflag:s5] =	dma.local @p1 [spmem:s4], $0x80  }
0x23d: {  	s4 =	simm.s32 @p1 $0x2  }
0x23e: {  	_ =	swait.ge @p1 [sflag:s4], $0x80  }
0x23f: {  	s5 =	sshll.u32 @p2 s0, $0x6;
	[sflag:s4] =	ssyncset.done @p1 $0x0  }
0x240: {  	s3 =	sshrl.u32 @p2 s3, $0x3;
	[sflag:s4] =	ssyncadd.s32 @p1 $0xFFFFFF80;
	s4 =	sor.u32 @p2 $0x1C02, s5  }
0x241: {  	[hbm:s9], [sflag:s4] =	dma.local @p2 [spmem:s3], $0x80  }
0x242: {  	s3 =	simm.s32 @p2 $0x2  }
0x243: {  	_ =	swait.ge @p2 [sflag:s3], $0x80  }
0x244: {  	s31 =	sld [smem:$0x7FD];
	_ =	sdelay $0x2  }
0x245: {  	p1 =	seq.s32 s31, $0x1  }
0x246: {  	[sflag:s3] =	ssyncset.done @p2 $0x0;
	s4 =	sshll.u32 @p1 s0, $0x6  }
0x247: {  	[sflag:s3] =	ssyncadd.s32 @p2 $0xFFFFFF80;
	s2 =	sshrl.u32 @p1 s2, $0x3;
	s3 =	sor.u32 @p1 $0x1C02, s4  }
0x248: {  	[hbm:s8], [sflag:s3] =	dma.local @p1 [spmem:s2], $0x80  }
0x249: {  	s2 =	simm.s32 @p1 $0x2  }
0x24a: {  	_ =	swait.ge @p1 [sflag:s2], $0x80  }
0x24b: {  	[sflag:s2] =	ssyncset.done @p1 $0x0  }
0x24c: {  	[sflag:s2] =	ssyncadd.s32 @p1 $0xFFFFFF80  }
0x24d: {  	_ =	sfence.sel $0x180000  }
0x24e: {  	[bflag:$0x0] =	sbarrier.arrive $0xFFFF  }
0x24f: {  	p0 =	sne.s32 s0, $0x0;
	_ =	strace $0x90000047  }
0x250: {  	s0 =	sadd.s32 @!p0 $0x100000, s1;
	[bflag:$0x2] =	sbarrier.arrive $0xFFFF  }
0x251: {  	[sflag:s0] =	ssyncadd.tile.s32 @!p0 $0x1;
	_ =	shalt  }
.LBB2_8:
0x252: {  	p0 =	sgt.s32 s0, $0x9  }
.Ltmp5:
0x253: {  	_ = 	snop;
	(pc) =	sbr.rel @!p0 .LBB2_9-.Ltmp5, $1  }
0x254: {  	_ =	sdelay $0x3  }
0x255: {  	p0 =	sgt.s32 s0, $0xC  }
.Ltmp6:
0x256: {  	_ = 	snop;
	(pc) =	sbr.rel @p0 .LBB2_17-.Ltmp6, $1  }
0x257: {  	_ =	sdelay $0x3  }
0x258: {  	p5 =	seq.s32 s0, $0xA  }
0x259: {  	p0 =	seq.s32 @!p5 s0, $0xB  }
0x25a: {  	p6 =	por p5, p0  }
0x25b: {  	p0 =	seq.s32 @!p6 s0, $0xC  }
0x25c: {  	p0 =	por p6, p0  }
.Ltmp7:
0x25d: {  	_ = 	snop;
	(pc) =	sbr.rel @!p0 .LBB2_22-.Ltmp7, $1  }
0x25e: {  	_ =	sdelay $0x3  }
.Ltmp8:
0x25f: {  	(pc) =	sbr.rel .LBB2_21-.Ltmp8, $4  }
0x260: {  	_ = 	snop  }
0x261: {  	s16 =	smov.u32 @p5 s19  }
0x262: {  	s14 =	smov.u32 @p6 s16  }
0x263: {  	s24 =	smov.u32 s14  }
.LBB2_9:
0x264: {  	p0 =	sgt.s32 s0, $0x6  }
.Ltmp9:
0x265: {  	_ = 	snop;
	(pc) =	sbr.rel @!p0 .LBB2_10-.Ltmp9, $1  }
0x266: {  	_ =	sdelay $0x3  }
0x267: {  	p5 =	seq.s32 s0, $0x7  }
0x268: {  	p0 =	seq.s32 @!p5 s0, $0x8  }
0x269: {  	p6 =	por p5, p0  }
0x26a: {  	p0 =	seq.s32 @!p6 s0, $0x9  }
0x26b: {  	p0 =	por p6, p0  }
.Ltmp10:
0x26c: {  	_ = 	snop;
	(pc) =	sbr.rel @!p0 .LBB2_22-.Ltmp10, $1  }
0x26d: {  	_ =	sdelay $0x3  }
.Ltmp11:
0x26e: {  	(pc) =	sbr.rel .LBB2_21-.Ltmp11, $4  }
0x26f: {  	_ = 	snop  }
0x270: {  	s20 =	smov.u32 @p5 s21  }
0x271: {  	s18 =	smov.u32 @p6 s20  }
0x272: {  	s24 =	smov.u32 s18  }
.LBB2_17:
0x273: {  	p5 =	seq.s32 s0, $0xD  }
0x274: {  	p0 =	seq.s32 @!p5 s0, $0xE  }
0x275: {  	p0 =	por p5, p0  }
.Ltmp12:
0x276: {  	_ = 	snop;
	(pc) =	sbr.rel @p0 .LBB2_18-.Ltmp12, $1  }
0x277: {  	_ =	sdelay $0x3  }
0x278: {  	p0 =	seq.s32 s0, $0xF  }
.Ltmp13:
0x279: {  	_ = 	snop;
	(pc) =	sbr.rel @!p0 .LBB2_22-.Ltmp13, $1  }
0x27a: {  	_ =	sdelay $0x3  }
.Ltmp14:
0x27b: {  	(pc) =	sbr.rel .LBB2_21-.Ltmp14, $2  }
0x27c: {  	_ =	sdelay $0x2  }
0x27d: {  	s24 =	smov.u32 s13  }
.LBB2_10:
0x27e: {  	p5 =	seq.s32 s0, $0x5  }
0x27f: {  	p0 =	seq.s32 @!p5 s0, $0x6  }
0x280: {  	p0 =	por p5, p0  }
.Ltmp15:
0x281: {  	_ = 	snop;
	(pc) =	sbr.rel @!p0 .LBB2_22-.Ltmp15, $1  }
0x282: {  	_ =	sdelay $0x3  }
.Ltmp16:
0x283: {  	(pc) =	sbr.rel .LBB2_21-.Ltmp16, $3  }
0x284: {  	_ =	sdelay $0x1  }
0x285: {  	s22 =	smov.u32 @p5 s23  }
0x286: {  	s24 =	smov.u32 s22  }
.LBB2_18:
.Ltmp17:
0x287: {  	(pc) =	sbr.rel .LBB2_21-.Ltmp17, $3  }
0x288: {  	_ =	sdelay $0x1  }
0x289: {  	s15 =	smov.u32 @p5 s17  }
0x28a: {  	s24 =	smov.u32 s15  }
.Lfunc_end2:
_tile_overlayer_lowered:
.L_overlay_start_2:
0x28b: {  	(tag) =	ssettag $0x2  }
0x28c: {  	s0 =	rddreg [dreg:$0x0];
	s2 =	stileid.u32  }
0x28d: {  	s1 =	rddreg [dreg:$0x1];
	p0 =	sne.s32 s2, $0x0  }
0x28e: {  	s3 =	rddreg [dreg:$0x2];
	[bflag:$0x3] =	sbarrier.arrive $0xFFFF;
	s2 =	simm.s32 @!p0 $0x1C02  }
0x28f: {  	[timem:s3], [sflag:s2] =	dma.local @!p0 [hbm:s0], s1  }
0x290: {  	s0 =	simm.s32 @!p0 $0x2  }
0x291: {  	_ =	swait.ge @!p0 [sflag:s0], s1  }
0x292: {  	s1 =	ssub.s32 @!p0 $0x0, s1;
	[sflag:s0] =	ssyncset.done @!p0 $0x0  }
0x293: {  	[sflag:s0] =	ssyncadd.s32 @!p0 s1  }
0x294: {  	[bflag:$0x3] =	sbarrier.arrive $0xFFFF  }
0x295: {  	_ =	shalt  }

</sc_bundles>
